<compile_context>
chip_gen: v7x
topology: tpu7x:2x2x1
jax: 0.10.2.dev20260603
libtpu: 0.0.44.dev20260713+nightly
codegen_flags: <defaults>
</compile_context>

<pallas_src>
import functools

import jax
import jax.numpy as jnp
from jax import lax
from jax.experimental import pallas as pl
from jax.experimental.pallas import tpu as pltpu
from jax.experimental.pallas import tpu_sc as plsc

B = 16384
K = 128
NF = 2

NC = 2
NS = 16
NW = NC * NS
CH = B // NW // 128
ROWS = NW * CH


@functools.cache
def _make_sc_gather(tn, an):
    mesh = plsc.VectorSubcoreMesh(core_axis_name="c", subcore_axis_name="s")

    @functools.partial(
        pl.kernel,
        out_type=(
            jax.ShapeDtypeStruct((ROWS, 128), jnp.float32),
            jax.ShapeDtypeStruct((ROWS, 128), jnp.float32),
            jax.ShapeDtypeStruct((ROWS, 128), jnp.float32),
        ),
        mesh=mesh,
        compiler_params=pltpu.CompilerParams(
            use_tc_tiling_on_sc=False, needs_layout_passes=False),
        scratch_types=[
            pltpu.VMEM((CH, 128), jnp.int32),
            pltpu.VMEM((CH, 128), jnp.int32),
            pltpu.VMEM((CH, 128), jnp.int32),
            pltpu.VMEM((CH, 128), jnp.int32),
            pltpu.VMEM((CH, 128, 8), jnp.float32),
            pltpu.VMEM((CH, 128, 8), jnp.float32),
            pltpu.VMEM((CH, 128, 8), jnp.float32),
            pltpu.VMEM((CH, 128), jnp.float32),
            pltpu.VMEM((CH, 128), jnp.float32),
            pltpu.VMEM((CH, 128), jnp.float32),
            pltpu.SemaphoreType.DMA,
        ],
    )
    def _sc_gather(uid_hbm, iid_hbm, t8_hbm, a8_hbm, b8_hbm,
                   tu_hbm, al_hbm, be_hbm,
                   idx_u, idx_i, row_u, row_i,
                   rows_t, rows_a, rows_b,
                   ext_t, ext_a, ext_b, sem):
        wid = lax.axis_index("s") * NC + lax.axis_index("c")
        r0 = wid * CH
        pltpu.sync_copy(uid_hbm.at[pl.ds(r0, CH)], idx_u)
        pltpu.sync_copy(iid_hbm.at[pl.ds(r0, CH)], idx_i)
        for j in range(CH):
            for g in range(8):
                s16 = pl.ds(g * 16, 16)
                row_u[j, s16] = idx_u[j, s16] >> 3
                row_i[j, s16] = idx_i[j, s16] >> 3
        copies = []
        for j in range(CH):
            copies.append(pltpu.async_copy(t8_hbm.at[row_u.at[j]], rows_t.at[j], sem))
            copies.append(pltpu.async_copy(a8_hbm.at[row_i.at[j]], rows_a.at[j], sem))
            copies.append(pltpu.async_copy(b8_hbm.at[row_i.at[j]], rows_b.at[j], sem))
        for c in copies:
            c.wait()
        iota16 = lax.iota(jnp.int32, 16)
        for j in range(CH):
            for g in range(8):
                s16 = pl.ds(g * 16, 16)
                rid = iota16 + (g * 16)
                lu = idx_u[j, s16] & 7
                li = idx_i[j, s16] & 7
                ext_t[j, s16] = plsc.load_gather(rows_t.at[j], [rid, lu])
                ext_a[j, s16] = plsc.load_gather(rows_a.at[j], [rid, li])
                ext_b[j, s16] = plsc.load_gather(rows_b.at[j], [rid, li])
        pltpu.sync_copy(ext_t, tu_hbm.at[pl.ds(r0, CH)])
        pltpu.sync_copy(ext_a, al_hbm.at[pl.ds(r0, CH)])
        pltpu.sync_copy(ext_b, be_hbm.at[pl.ds(r0, CH)])

    return _sc_gather


def _tc_body(tu_ref, al_ref, be_ref, sc_ref,
             w1_ref, w2t_ref, w3_ref, b3_ref,
             pred_ref, thetas_ref, loss_ref):
    tu = tu_ref[...]
    xp = jnp.maximum(tu, 0.0)
    xn = jnp.minimum(tu, 0.0)
    ts = []
    for f in range(NF):
        w1col = w1_ref[:, f:f + 1]
        u = jnp.maximum(w1col, 0.0)
        v = jnp.minimum(w1col, 0.0)
        p = jnp.dot(w2t_ref[f], u, preferred_element_type=jnp.float32)
        q = jnp.dot(w2t_ref[f], v, preferred_element_type=jnp.float32)
        w3col = w3_ref[:, f:f + 1]
        c1 = jnp.sum(jnp.maximum(p, 0.0) * w3col).reshape(1, 1)
        c2 = jnp.sum(jnp.maximum(-q, 0.0) * w3col).reshape(1, 1)
        t_f = xp * c1 - xn * c2 + b3_ref[0:1, f:f + 1]
        thetas_ref[f] = t_f
        ts.append(t_f)
    theta = (ts[0] + ts[1]) * 0.5
    z = al_ref[...] * (theta - be_ref[...])
    pred = jax.nn.sigmoid(z)
    pred_ref[...] = pred
    eps = 1e-7
    p_ = jnp.clip(pred, eps, 1.0 - eps)
    s = sc_ref[...]
    term = -(s * jnp.log(p_) + (1.0 - s) * jnp.log(1.0 - p_))
    loss_ref[...] = jnp.sum(term).reshape(1, 1) / B


def kernel(user_id, item_id, score, theta_w, a_w, b_w, filters):
    uid = user_id.reshape(ROWS, 128)
    iid = item_id.reshape(ROWS, 128)
    t8 = jnp.pad(theta_w, ((0, 448), (0, 0))).reshape(-1, 8)
    a8 = jnp.pad(a_w, ((0, 352), (0, 0))).reshape(-1, 8)
    b8 = jnp.pad(b_w, ((0, 352), (0, 0))).reshape(-1, 8)

    tu2, al2, be2 = _make_sc_gather(t8.shape[0], a8.shape[0])(uid, iid, t8, a8, b8)

    w1c = jnp.concatenate([f["W1"].T for f in filters], axis=1)
    w2t = jnp.stack([f["W2"].T for f in filters])
    w3c = jnp.concatenate([f["W3"] for f in filters], axis=1)
    b3c = jnp.stack([f["b3"] for f in filters], axis=1)

    pred2, thetas3, loss2 = pl.pallas_call(
        _tc_body,
        out_shape=[
            jax.ShapeDtypeStruct((ROWS, 128), jnp.float32),
            jax.ShapeDtypeStruct((NF, ROWS, 128), jnp.float32),
            jax.ShapeDtypeStruct((1, 1), jnp.float32),
        ],
    )(tu2, al2, be2, score.reshape(ROWS, 128), w1c, w2t, w3c, b3c)

    return pred2.reshape(B), thetas3.reshape(NF, B, 1), loss2.reshape(())

# --- scband reference (transcript-rebuilt; emitter-appended) ---
"""Pipeline reference for scband-irt-66228395705106 (READ-ONLY COPY).

The authoritative reference and input builder live on the scoring server;
editing this copy changes nothing except your own understanding.
"""

import jax, jax.numpy as jnp
import numpy as np

B = 16384
USER_NUM = 1000000
ITEM_NUM = 100000
K = 128  # KNOWLEDGE_NUM
NF = 2   # len(FEATURES), filter_mode='combine'


def _xavier(key, shape):
    fan_in, fan_out = shape[0], shape[1]
    limit = np.sqrt(6.0 / (fan_in + fan_out))
    return jax.random.uniform(key, shape, minval=-limit, maxval=limit, dtype=jnp.float32)


def setup_inputs(seed: int = 0) -> dict:
    key = jax.random.key(seed)
    ks = jax.random.split(key, 16)
    user_id = jax.random.randint(ks[0], (B,), 0, USER_NUM, dtype=jnp.int64 if jax.config.jax_enable_x64 else jnp.int32).astype(jnp.int32)
    item_id = jax.random.randint(ks[1], (B,), 0, ITEM_NUM).astype(jnp.int32)
    score = jax.random.uniform(ks[2], (B,), dtype=jnp.float32)
    theta_w = _xavier(ks[3], (USER_NUM, 1))
    a_w = _xavier(ks[4], (ITEM_NUM, 1))
    b_w = _xavier(ks[5], (ITEM_NUM, 1))
    filters = []
    for i in range(NF):
        fk = jax.random.split(ks[6 + i], 3)
        filters.append({
            'W1': _xavier(fk[0], (1, K)),
            'b1': jnp.zeros((K,), jnp.float32),
            'W2': _xavier(fk[1], (K, K)),
            'b2': jnp.zeros((K,), jnp.float32),
            'W3': _xavier(fk[2], (K, 1)),
            'b3': jnp.zeros((1,), jnp.float32),
        })
    return {'user_id': user_id, 'item_id': item_id, 'score': score,
            'theta_w': theta_w, 'a_w': a_w, 'b_w': b_w, 'filters': filters}


def _apply_filter(p, x):
    h = jax.nn.relu(x @ p['W1'] + p['b1'])
    h = jax.nn.relu(h @ p['W2'] + p['b2'])
    return h @ p['W3'] + p['b3']


def reference(user_id, item_id, score, theta_w, a_w, b_w, filters):
    # embedding lookups (gather) from large tables
    tu = jnp.take(theta_w, user_id, axis=0)       # [B, 1]
    alpha = jnp.take(a_w, item_id, axis=0)        # [B, 1]
    beta = jnp.take(b_w, item_id, axis=0)         # [B, 1]
    # apply_filter, filter_mode='combine', mask=None -> one filter per feature
    thetas = jnp.stack([_apply_filter(filters[i], tu) for i in range(NF)], axis=0)  # [NF, B, 1]
    theta = jnp.mean(thetas, axis=0)              # [B, 1]
    pred = jnp.squeeze(jax.nn.sigmoid(alpha * (theta - beta)), axis=1)  # [B]
    eps = 1e-7
    p = jnp.clip(pred, eps, 1.0 - eps)
    loss = jnp.mean(-(score * jnp.log(p) + (1.0 - score) * jnp.log(1.0 - p)))
    return pred, thetas, loss

if __name__ == "__main__":
    import jax
    _d = setup_inputs()
    print(jax.jit(kernel)(*tuple(_d.values())))

</pallas_src>

<mosaic_0001>
#map = affine_map<(d0, d1) -> (0, 0)>
module attributes {stable_mosaic.version = 14 : i64} {
  func.func @_sc_gather(%arg0: i32, %arg1: i32, %arg2: memref<128x128xi32, #tpu.memory_space<hbm>>, %arg3: memref<128x128xi32, #tpu.memory_space<hbm>>, %arg4: memref<125056x8xf32, #tpu.memory_space<hbm>>, %arg5: memref<12544x8xf32, #tpu.memory_space<hbm>>, %arg6: memref<12544x8xf32, #tpu.memory_space<hbm>>, %arg7: memref<128x128xf32, #tpu.memory_space<hbm>>, %arg8: memref<128x128xf32, #tpu.memory_space<hbm>>, %arg9: memref<128x128xf32, #tpu.memory_space<hbm>>, %arg10: memref<4x128xi32, #tpu.memory_space<vmem>>, %arg11: memref<4x128xi32, #tpu.memory_space<vmem>>, %arg12: memref<4x128xi32, #tpu.memory_space<vmem>>, %arg13: memref<4x128xi32, #tpu.memory_space<vmem>>, %arg14: memref<4x128x8xf32, #tpu.memory_space<vmem>>, %arg15: memref<4x128x8xf32, #tpu.memory_space<vmem>>, %arg16: memref<4x128x8xf32, #tpu.memory_space<vmem>>, %arg17: memref<4x128xf32, #tpu.memory_space<vmem>>, %arg18: memref<4x128xf32, #tpu.memory_space<vmem>>, %arg19: memref<4x128xf32, #tpu.memory_space<vmem>>, %arg20: memref<!tpu.dma_semaphore, #tpu.memory_space<semaphore_mem>>) attributes {dimension_semantics = [#tpu.dimension_semantics<core_parallel>, #tpu.dimension_semantics<subcore_parallel>], iteration_bounds = array<i64: 2, 16>, scalar_prefetch = 0 : i64, scratch_operands = 11 : i64, tpu.core_type = #tpu.core_type<sc_vector_subcore>, window_params = [{transform_indices = #map}, {transform_indices = #map}, {transform_indices = #map}, {transform_indices = #map}, {transform_indices = #map}, {transform_indices = #map}, {transform_indices = #map}, {transform_indices = #map}]} {
    %mul3A = arith.constant 2 : i32
    %mul3A_0 = arith.muli %arg1, %mul3A : i32
    %add3A = arith.addi %mul3A_0, %arg0 : i32
    %mul3A_1 = arith.constant 4 : i32
    %mul3A_2 = arith.muli %add3A, %mul3A_1 : i32
    "tpu.region"() ({
      %run_scoped3A = tpu.sem_alloc : memref<!tpu.dma_semaphore, #tpu.memory_space<semaphore_mem>>
      %dma_start3A_2492 = arith.constant 0 : i32
      %dma_start3A_2493 = tpu.memref_slice %arg2[%mul3A_2, %dma_start3A_2492] : memref<128x128xi32, #tpu.memory_space<hbm>> -> memref<4x128xi32, #tpu.memory_space<hbm>>
      %dma_start3A_2494 = arith.constant 0 : i32
      %dma_start3A_2495 = tpu.memref_slice %arg2[%mul3A_2, %dma_start3A_2494] : memref<128x128xi32, #tpu.memory_space<hbm>> -> memref<4x128xi32, #tpu.memory_space<hbm>>
      tpu.enqueue_dma source(%dma_start3A_2495 : memref<4x128xi32, #tpu.memory_space<hbm>>) target(%arg10 : memref<4x128xi32, #tpu.memory_space<vmem>>) target_semaphore(%run_scoped3A : memref<!tpu.dma_semaphore, #tpu.memory_space<semaphore_mem>>)
      %dma_wait3A_2496 = arith.constant 0 : i32
      %dma_wait3A_2497 = tpu.memref_slice %arg2[%mul3A_2, %dma_wait3A_2496] : memref<128x128xi32, #tpu.memory_space<hbm>> -> memref<4x128xi32, #tpu.memory_space<hbm>>
      %dma_wait3A_2498 = arith.constant 0 : i32
      %dma_wait3A_2499 = tpu.memref_slice %arg2[%mul3A_2, %dma_wait3A_2498] : memref<128x128xi32, #tpu.memory_space<hbm>> -> memref<4x128xi32, #tpu.memory_space<hbm>>
      tpu.wait_dma2 semaphore(%run_scoped3A : memref<!tpu.dma_semaphore, #tpu.memory_space<semaphore_mem>>) src(%dma_wait3A_2499 : memref<4x128xi32, #tpu.memory_space<hbm>>) dst(%arg10 : memref<4x128xi32, #tpu.memory_space<vmem>>)
      tpu.yield
    }) : () -> ()
    "tpu.region"() ({
      %run_scoped3A = tpu.sem_alloc : memref<!tpu.dma_semaphore, #tpu.memory_space<semaphore_mem>>
      %dma_start3A_2492 = arith.constant 0 : i32
      %dma_start3A_2493 = tpu.memref_slice %arg3[%mul3A_2, %dma_start3A_2492] : memref<128x128xi32, #tpu.memory_space<hbm>> -> memref<4x128xi32, #tpu.memory_space<hbm>>
      %dma_start3A_2494 = arith.constant 0 : i32
      %dma_start3A_2495 = tpu.memref_slice %arg3[%mul3A_2, %dma_start3A_2494] : memref<128x128xi32, #tpu.memory_space<hbm>> -> memref<4x128xi32, #tpu.memory_space<hbm>>
      tpu.enqueue_dma source(%dma_start3A_2495 : memref<4x128xi32, #tpu.memory_space<hbm>>) target(%arg11 : memref<4x128xi32, #tpu.memory_space<vmem>>) target_semaphore(%run_scoped3A : memref<!tpu.dma_semaphore, #tpu.memory_space<semaphore_mem>>)
      %dma_wait3A_2496 = arith.constant 0 : i32
      %dma_wait3A_2497 = tpu.memref_slice %arg3[%mul3A_2, %dma_wait3A_2496] : memref<128x128xi32, #tpu.memory_space<hbm>> -> memref<4x128xi32, #tpu.memory_space<hbm>>
      %dma_wait3A_2498 = arith.constant 0 : i32
      %dma_wait3A_2499 = tpu.memref_slice %arg3[%mul3A_2, %dma_wait3A_2498] : memref<128x128xi32, #tpu.memory_space<hbm>> -> memref<4x128xi32, #tpu.memory_space<hbm>>
      tpu.wait_dma2 semaphore(%run_scoped3A : memref<!tpu.dma_semaphore, #tpu.memory_space<semaphore_mem>>) src(%dma_wait3A_2499 : memref<4x128xi32, #tpu.memory_space<hbm>>) dst(%arg11 : memref<4x128xi32, #tpu.memory_space<vmem>>)
      tpu.yield
    }) : () -> ()
    %get3A = arith.constant 0 : i32
    %get3A_3 = arith.index_cast %get3A : i32 to index
    %get3A_4 = arith.constant 0 : index
    %get3A_5 = tpu.vector_load %arg10[%get3A_3, %get3A_4] {strides = array<i32>} : memref<4x128xi32, #tpu.memory_space<vmem>>, vector<16xi32>,
    %shift_right_arithmetic3A = arith.constant 3 : i32
    %shift_right_arithmetic3A_6 = vector.broadcast %shift_right_arithmetic3A : i32 to vector<16xi32>
    %shift_right_arithmetic3A_7 = arith.shrsi %get3A_5, %shift_right_arithmetic3A_6 : vector<16xi32>
    %swap3A = arith.constant 0 : i32
    %swap3A_8 = arith.index_cast %swap3A : i32 to index
    %swap3A_9 = arith.constant 0 : index
    %swap3A_10 = tpu.vector_load %arg12[%swap3A_8, %swap3A_9] {strides = array<i32>} : memref<4x128xi32, #tpu.memory_space<vmem>>, vector<16xi32>,
    tpu.vector_store %arg12[%swap3A_8, %swap3A_9], %shift_right_arithmetic3A_7 {strides = array<i32>} : memref<4x128xi32, #tpu.memory_space<vmem>>, vector<16xi32>,
    %get3A_11 = arith.constant 0 : i32
    %get3A_12 = arith.index_cast %get3A_11 : i32 to index
    %get3A_13 = arith.constant 0 : index
    %get3A_14 = tpu.vector_load %arg11[%get3A_12, %get3A_13] {strides = array<i32>} : memref<4x128xi32, #tpu.memory_space<vmem>>, vector<16xi32>,
    %shift_right_arithmetic3A_15 = arith.constant 3 : i32
    %shift_right_arithmetic3A_16 = vector.broadcast %shift_right_arithmetic3A_15 : i32 to vector<16xi32>
    %shift_right_arithmetic3A_17 = arith.shrsi %get3A_14, %shift_right_arithmetic3A_16 : vector<16xi32>
    %swap3A_18 = arith.constant 0 : i32
    %swap3A_19 = arith.index_cast %swap3A_18 : i32 to index
    %swap3A_20 = arith.constant 0 : index
    %swap3A_21 = tpu.vector_load %arg13[%swap3A_19, %swap3A_20] {strides = array<i32>} : memref<4x128xi32, #tpu.memory_space<vmem>>, vector<16xi32>,
    tpu.vector_store %arg13[%swap3A_19, %swap3A_20], %shift_right_arithmetic3A_17 {strides = array<i32>} : memref<4x128xi32, #tpu.memory_space<vmem>>, vector<16xi32>,
    %get3A_22 = arith.constant 0 : i32
    %get3A_23 = arith.index_cast %get3A_22 : i32 to index
    %get3A_24 = arith.constant 16 : index
    %get3A_25 = tpu.vector_load %arg10[%get3A_23, %get3A_24] {strides = array<i32>} : memref<4x128xi32, #tpu.memory_space<vmem>>, vector<16xi32>,
    %shift_right_arithmetic3A_26 = arith.constant 3 : i32
    %shift_right_arithmetic3A_27 = vector.broadcast %shift_right_arithmetic3A_26 : i32 to vector<16xi32>
    %shift_right_arithmetic3A_28 = arith.shrsi %get3A_25, %shift_right_arithmetic3A_27 : vector<16xi32>
    %swap3A_29 = arith.constant 0 : i32
    %swap3A_30 = arith.index_cast %swap3A_29 : i32 to index
    %swap3A_31 = arith.constant 16 : index
    %swap3A_32 = tpu.vector_load %arg12[%swap3A_30, %swap3A_31] {strides = array<i32>} : memref<4x128xi32, #tpu.memory_space<vmem>>, vector<16xi32>,
    tpu.vector_store %arg12[%swap3A_30, %swap3A_31], %shift_right_arithmetic3A_28 {strides = array<i32>} : memref<4x128xi32, #tpu.memory_space<vmem>>, vector<16xi32>,
    %get3A_33 = arith.constant 0 : i32
    %get3A_34 = arith.index_cast %get3A_33 : i32 to index
    %get3A_35 = arith.constant 16 : index
    %get3A_36 = tpu.vector_load %arg11[%get3A_34, %get3A_35] {strides = array<i32>} : memref<4x128xi32, #tpu.memory_space<vmem>>, vector<16xi32>,
    %shift_right_arithmetic3A_37 = arith.constant 3 : i32
    %shift_right_arithmetic3A_38 = vector.broadcast %shift_right_arithmetic3A_37 : i32 to vector<16xi32>
    %shift_right_arithmetic3A_39 = arith.shrsi %get3A_36, %shift_right_arithmetic3A_38 : vector<16xi32>
    %swap3A_40 = arith.constant 0 : i32
    %swap3A_41 = arith.index_cast %swap3A_40 : i32 to index
    %swap3A_42 = arith.constant 16 : index
    %swap3A_43 = tpu.vector_load %arg13[%swap3A_41, %swap3A_42] {strides = array<i32>} : memref<4x128xi32, #tpu.memory_space<vmem>>, vector<16xi32>,
    tpu.vector_store %arg13[%swap3A_41, %swap3A_42], %shift_right_arithmetic3A_39 {strides = array<i32>} : memref<4x128xi32, #tpu.memory_space<vmem>>, vector<16xi32>,
    %get3A_44 = arith.constant 0 : i32
    %get3A_45 = arith.index_cast %get3A_44 : i32 to index
    %get3A_46 = arith.constant 32 : index
    %get3A_47 = tpu.vector_load %arg10[%get3A_45, %get3A_46] {strides = array<i32>} : memref<4x128xi32, #tpu.memory_space<vmem>>, vector<16xi32>,
    %shift_right_arithmetic3A_48 = arith.constant 3 : i32
    %shift_right_arithmetic3A_49 = vector.broadcast %shift_right_arithmetic3A_48 : i32 to vector<16xi32>
    %shift_right_arithmetic3A_50 = arith.shrsi %get3A_47, %shift_right_arithmetic3A_49 : vector<16xi32>
    %swap3A_51 = arith.constant 0 : i32
    %swap3A_52 = arith.index_cast %swap3A_51 : i32 to index
    %swap3A_53 = arith.constant 32 : index
    %swap3A_54 = tpu.vector_load %arg12[%swap3A_52, %swap3A_53] {strides = array<i32>} : memref<4x128xi32, #tpu.memory_space<vmem>>, vector<16xi32>,
    tpu.vector_store %arg12[%swap3A_52, %swap3A_53], %shift_right_arithmetic3A_50 {strides = array<i32>} : memref<4x128xi32, #tpu.memory_space<vmem>>, vector<16xi32>,
    %get3A_55 = arith.constant 0 : i32
    %get3A_56 = arith.index_cast %get3A_55 : i32 to index
    %get3A_57 = arith.constant 32 : index
    %get3A_58 = tpu.vector_load %arg11[%get3A_56, %get3A_57] {strides = array<i32>} : memref<4x128xi32, #tpu.memory_space<vmem>>, vector<16xi32>,
    %shift_right_arithmetic3A_59 = arith.constant 3 : i32
    %shift_right_arithmetic3A_60 = vector.broadcast %shift_right_arithmetic3A_59 : i32 to vector<16xi32>
    %shift_right_arithmetic3A_61 = arith.shrsi %get3A_58, %shift_right_arithmetic3A_60 : vector<16xi32>
    %swap3A_62 = arith.constant 0 : i32
    %swap3A_63 = arith.index_cast %swap3A_62 : i32 to index
    %swap3A_64 = arith.constant 32 : index
    %swap3A_65 = tpu.vector_load %arg13[%swap3A_63, %swap3A_64] {strides = array<i32>} : memref<4x128xi32, #tpu.memory_space<vmem>>, vector<16xi32>,
    tpu.vector_store %arg13[%swap3A_63, %swap3A_64], %shift_right_arithmetic3A_61 {strides = array<i32>} : memref<4x128xi32, #tpu.memory_space<vmem>>, vector<16xi32>,
    %get3A_66 = arith.constant 0 : i32
    %get3A_67 = arith.index_cast %get3A_66 : i32 to index
    %get3A_68 = arith.constant 48 : index
    %get3A_69 = tpu.vector_load %arg10[%get3A_67, %get3A_68] {strides = array<i32>} : memref<4x128xi32, #tpu.memory_space<vmem>>, vector<16xi32>,
    %shift_right_arithmetic3A_70 = arith.constant 3 : i32
    %shift_right_arithmetic3A_71 = vector.broadcast %shift_right_arithmetic3A_70 : i32 to vector<16xi32>
    %shift_right_arithmetic3A_72 = arith.shrsi %get3A_69, %shift_right_arithmetic3A_71 : vector<16xi32>
    %swap3A_73 = arith.constant 0 : i32
    %swap3A_74 = arith.index_cast %swap3A_73 : i32 to index
    %swap3A_75 = arith.constant 48 : index
    %swap3A_76 = tpu.vector_load %arg12[%swap3A_74, %swap3A_75] {strides = array<i32>} : memref<4x128xi32, #tpu.memory_space<vmem>>, vector<16xi32>,
    tpu.vector_store %arg12[%swap3A_74, %swap3A_75], %shift_right_arithmetic3A_72 {strides = array<i32>} : memref<4x128xi32, #tpu.memory_space<vmem>>, vector<16xi32>,
    %get3A_77 = arith.constant 0 : i32
    %get3A_78 = arith.index_cast %get3A_77 : i32 to index
    %get3A_79 = arith.constant 48 : index
    %get3A_80 = tpu.vector_load %arg11[%get3A_78, %get3A_79] {strides = array<i32>} : memref<4x128xi32, #tpu.memory_space<vmem>>, vector<16xi32>,
    %shift_right_arithmetic3A_81 = arith.constant 3 : i32
    %shift_right_arithmetic3A_82 = vector.broadcast %shift_right_arithmetic3A_81 : i32 to vector<16xi32>
    %shift_right_arithmetic3A_83 = arith.shrsi %get3A_80, %shift_right_arithmetic3A_82 : vector<16xi32>
    %swap3A_84 = arith.constant 0 : i32
    %swap3A_85 = arith.index_cast %swap3A_84 : i32 to index
    %swap3A_86 = arith.constant 48 : index
    %swap3A_87 = tpu.vector_load %arg13[%swap3A_85, %swap3A_86] {strides = array<i32>} : memref<4x128xi32, #tpu.memory_space<vmem>>, vector<16xi32>,
    tpu.vector_store %arg13[%swap3A_85, %swap3A_86], %shift_right_arithmetic3A_83 {strides = array<i32>} : memref<4x128xi32, #tpu.memory_space<vmem>>, vector<16xi32>,
    %get3A_88 = arith.constant 0 : i32
    %get3A_89 = arith.index_cast %get3A_88 : i32 to index
    %get3A_90 = arith.constant 64 : index
    %get3A_91 = tpu.vector_load %arg10[%get3A_89, %get3A_90] {strides = array<i32>} : memref<4x128xi32, #tpu.memory_space<vmem>>, vector<16xi32>,
    %shift_right_arithmetic3A_92 = arith.constant 3 : i32
    %shift_right_arithmetic3A_93 = vector.broadcast %shift_right_arithmetic3A_92 : i32 to vector<16xi32>
    %shift_right_arithmetic3A_94 = arith.shrsi %get3A_91, %shift_right_arithmetic3A_93 : vector<16xi32>
    %swap3A_95 = arith.constant 0 : i32
    %swap3A_96 = arith.index_cast %swap3A_95 : i32 to index
    %swap3A_97 = arith.constant 64 : index
    %swap3A_98 = tpu.vector_load %arg12[%swap3A_96, %swap3A_97] {strides = array<i32>} : memref<4x128xi32, #tpu.memory_space<vmem>>, vector<16xi32>,
    tpu.vector_store %arg12[%swap3A_96, %swap3A_97], %shift_right_arithmetic3A_94 {strides = array<i32>} : memref<4x128xi32, #tpu.memory_space<vmem>>, vector<16xi32>,
    %get3A_99 = arith.constant 0 : i32
    %get3A_100 = arith.index_cast %get3A_99 : i32 to index
    %get3A_101 = arith.constant 64 : index
    %get3A_102 = tpu.vector_load %arg11[%get3A_100, %get3A_101] {strides = array<i32>} : memref<4x128xi32, #tpu.memory_space<vmem>>, vector<16xi32>,
    %shift_right_arithmetic3A_103 = arith.constant 3 : i32
    %shift_right_arithmetic3A_104 = vector.broadcast %shift_right_arithmetic3A_103 : i32 to vector<16xi32>
    %shift_right_arithmetic3A_105 = arith.shrsi %get3A_102, %shift_right_arithmetic3A_104 : vector<16xi32>
    %swap3A_106 = arith.constant 0 : i32
    %swap3A_107 = arith.index_cast %swap3A_106 : i32 to index
    %swap3A_108 = arith.constant 64 : index
    %swap3A_109 = tpu.vector_load %arg13[%swap3A_107, %swap3A_108] {strides = array<i32>} : memref<4x128xi32, #tpu.memory_space<vmem>>, vector<16xi32>,
    tpu.vector_store %arg13[%swap3A_107, %swap3A_108], %shift_right_arithmetic3A_105 {strides = array<i32>} : memref<4x128xi32, #tpu.memory_space<vmem>>, vector<16xi32>,
    %get3A_110 = arith.constant 0 : i32
    %get3A_111 = arith.index_cast %get3A_110 : i32 to index
    %get3A_112 = arith.constant 80 : index
    %get3A_113 = tpu.vector_load %arg10[%get3A_111, %get3A_112] {strides = array<i32>} : memref<4x128xi32, #tpu.memory_space<vmem>>, vector<16xi32>,
    %shift_right_arithmetic3A_114 = arith.constant 3 : i32
    %shift_right_arithmetic3A_115 = vector.broadcast %shift_right_arithmetic3A_114 : i32 to vector<16xi32>
    %shift_right_arithmetic3A_116 = arith.shrsi %get3A_113, %shift_right_arithmetic3A_115 : vector<16xi32>
    %swap3A_117 = arith.constant 0 : i32
    %swap3A_118 = arith.index_cast %swap3A_117 : i32 to index
    %swap3A_119 = arith.constant 80 : index
    %swap3A_120 = tpu.vector_load %arg12[%swap3A_118, %swap3A_119] {strides = array<i32>} : memref<4x128xi32, #tpu.memory_space<vmem>>, vector<16xi32>,
    tpu.vector_store %arg12[%swap3A_118, %swap3A_119], %shift_right_arithmetic3A_116 {strides = array<i32>} : memref<4x128xi32, #tpu.memory_space<vmem>>, vector<16xi32>,
    %get3A_121 = arith.constant 0 : i32
    %get3A_122 = arith.index_cast %get3A_121 : i32 to index
    %get3A_123 = arith.constant 80 : index
    %get3A_124 = tpu.vector_load %arg11[%get3A_122, %get3A_123] {strides = array<i32>} : memref<4x128xi32, #tpu.memory_space<vmem>>, vector<16xi32>,
    %shift_right_arithmetic3A_125 = arith.constant 3 : i32
    %shift_right_arithmetic3A_126 = vector.broadcast %shift_right_arithmetic3A_125 : i32 to vector<16xi32>
    %shift_right_arithmetic3A_127 = arith.shrsi %get3A_124, %shift_right_arithmetic3A_126 : vector<16xi32>
    %swap3A_128 = arith.constant 0 : i32
    %swap3A_129 = arith.index_cast %swap3A_128 : i32 to index
    %swap3A_130 = arith.constant 80 : index
    %swap3A_131 = tpu.vector_load %arg13[%swap3A_129, %swap3A_130] {strides = array<i32>} : memref<4x128xi32, #tpu.memory_space<vmem>>, vector<16xi32>,
    tpu.vector_store %arg13[%swap3A_129, %swap3A_130], %shift_right_arithmetic3A_127 {strides = array<i32>} : memref<4x128xi32, #tpu.memory_space<vmem>>, vector<16xi32>,
    %get3A_132 = arith.constant 0 : i32
    %get3A_133 = arith.index_cast %get3A_132 : i32 to index
    %get3A_134 = arith.constant 96 : index
    %get3A_135 = tpu.vector_load %arg10[%get3A_133, %get3A_134] {strides = array<i32>} : memref<4x128xi32, #tpu.memory_space<vmem>>, vector<16xi32>,
    %shift_right_arithmetic3A_136 = arith.constant 3 : i32
    %shift_right_arithmetic3A_137 = vector.broadcast %shift_right_arithmetic3A_136 : i32 to vector<16xi32>
    %shift_right_arithmetic3A_138 = arith.shrsi %get3A_135, %shift_right_arithmetic3A_137 : vector<16xi32>
    %swap3A_139 = arith.constant 0 : i32
    %swap3A_140 = arith.index_cast %swap3A_139 : i32 to index
    %swap3A_141 = arith.constant 96 : index
    %swap3A_142 = tpu.vector_load %arg12[%swap3A_140, %swap3A_141] {strides = array<i32>} : memref<4x128xi32, #tpu.memory_space<vmem>>, vector<16xi32>,
    tpu.vector_store %arg12[%swap3A_140, %swap3A_141], %shift_right_arithmetic3A_138 {strides = array<i32>} : memref<4x128xi32, #tpu.memory_space<vmem>>, vector<16xi32>,
    %get3A_143 = arith.constant 0 : i32
    %get3A_144 = arith.index_cast %get3A_143 : i32 to index
    %get3A_145 = arith.constant 96 : index
    %get3A_146 = tpu.vector_load %arg11[%get3A_144, %get3A_145] {strides = array<i32>} : memref<4x128xi32, #tpu.memory_space<vmem>>, vector<16xi32>,
    %shift_right_arithmetic3A_147 = arith.constant 3 : i32
    %shift_right_arithmetic3A_148 = vector.broadcast %shift_right_arithmetic3A_147 : i32 to vector<16xi32>
    %shift_right_arithmetic3A_149 = arith.shrsi %get3A_146, %shift_right_arithmetic3A_148 : vector<16xi32>
    %swap3A_150 = arith.constant 0 : i32
    %swap3A_151 = arith.index_cast %swap3A_150 : i32 to index
    %swap3A_152 = arith.constant 96 : index
    %swap3A_153 = tpu.vector_load %arg13[%swap3A_151, %swap3A_152] {strides = array<i32>} : memref<4x128xi32, #tpu.memory_space<vmem>>, vector<16xi32>,
    tpu.vector_store %arg13[%swap3A_151, %swap3A_152], %shift_right_arithmetic3A_149 {strides = array<i32>} : memref<4x128xi32, #tpu.memory_space<vmem>>, vector<16xi32>,
    %get3A_154 = arith.constant 0 : i32
    %get3A_155 = arith.index_cast %get3A_154 : i32 to index
    %get3A_156 = arith.constant 112 : index
    %get3A_157 = tpu.vector_load %arg10[%get3A_155, %get3A_156] {strides = array<i32>} : memref<4x128xi32, #tpu.memory_space<vmem>>, vector<16xi32>,
    %shift_right_arithmetic3A_158 = arith.constant 3 : i32
    %shift_right_arithmetic3A_159 = vector.broadcast %shift_right_arithmetic3A_158 : i32 to vector<16xi32>
    %shift_right_arithmetic3A_160 = arith.shrsi %get3A_157, %shift_right_arithmetic3A_159 : vector<16xi32>
    %swap3A_161 = arith.constant 0 : i32
    %swap3A_162 = arith.index_cast %swap3A_161 : i32 to index
    %swap3A_163 = arith.constant 112 : index
    %swap3A_164 = tpu.vector_load %arg12[%swap3A_162, %swap3A_163] {strides = array<i32>} : memref<4x128xi32, #tpu.memory_space<vmem>>, vector<16xi32>,
    tpu.vector_store %arg12[%swap3A_162, %swap3A_163], %shift_right_arithmetic3A_160 {strides = array<i32>} : memref<4x128xi32, #tpu.memory_space<vmem>>, vector<16xi32>,
    %get3A_165 = arith.constant 0 : i32
    %get3A_166 = arith.index_cast %get3A_165 : i32 to index
    %get3A_167 = arith.constant 112 : index
    %get3A_168 = tpu.vector_load %arg11[%get3A_166, %get3A_167] {strides = array<i32>} : memref<4x128xi32, #tpu.memory_space<vmem>>, vector<16xi32>,
    %shift_right_arithmetic3A_169 = arith.constant 3 : i32
    %shift_right_arithmetic3A_170 = vector.broadcast %shift_right_arithmetic3A_169 : i32 to vector<16xi32>
    %shift_right_arithmetic3A_171 = arith.shrsi %get3A_168, %shift_right_arithmetic3A_170 : vector<16xi32>
    %swap3A_172 = arith.constant 0 : i32
    %swap3A_173 = arith.index_cast %swap3A_172 : i32 to index
    %swap3A_174 = arith.constant 112 : index
    %swap3A_175 = tpu.vector_load %arg13[%swap3A_173, %swap3A_174] {strides = array<i32>} : memref<4x128xi32, #tpu.memory_space<vmem>>, vector<16xi32>,
    tpu.vector_store %arg13[%swap3A_173, %swap3A_174], %shift_right_arithmetic3A_171 {strides = array<i32>} : memref<4x128xi32, #tpu.memory_space<vmem>>, vector<16xi32>,
    %get3A_176 = arith.constant 1 : i32
    %get3A_177 = arith.index_cast %get3A_176 : i32 to index
    %get3A_178 = arith.constant 0 : index
    %get3A_179 = tpu.vector_load %arg10[%get3A_177, %get3A_178] {strides = array<i32>} : memref<4x128xi32, #tpu.memory_space<vmem>>, vector<16xi32>,
    %shift_right_arithmetic3A_180 = arith.constant 3 : i32
    %shift_right_arithmetic3A_181 = vector.broadcast %shift_right_arithmetic3A_180 : i32 to vector<16xi32>
    %shift_right_arithmetic3A_182 = arith.shrsi %get3A_179, %shift_right_arithmetic3A_181 : vector<16xi32>
    %swap3A_183 = arith.constant 1 : i32
    %swap3A_184 = arith.index_cast %swap3A_183 : i32 to index
    %swap3A_185 = arith.constant 0 : index
    %swap3A_186 = tpu.vector_load %arg12[%swap3A_184, %swap3A_185] {strides = array<i32>} : memref<4x128xi32, #tpu.memory_space<vmem>>, vector<16xi32>,
    tpu.vector_store %arg12[%swap3A_184, %swap3A_185], %shift_right_arithmetic3A_182 {strides = array<i32>} : memref<4x128xi32, #tpu.memory_space<vmem>>, vector<16xi32>,
    %get3A_187 = arith.constant 1 : i32
    %get3A_188 = arith.index_cast %get3A_187 : i32 to index
    %get3A_189 = arith.constant 0 : index
    %get3A_190 = tpu.vector_load %arg11[%get3A_188, %get3A_189] {strides = array<i32>} : memref<4x128xi32, #tpu.memory_space<vmem>>, vector<16xi32>,
    %shift_right_arithmetic3A_191 = arith.constant 3 : i32
    %shift_right_arithmetic3A_192 = vector.broadcast %shift_right_arithmetic3A_191 : i32 to vector<16xi32>
    %shift_right_arithmetic3A_193 = arith.shrsi %get3A_190, %shift_right_arithmetic3A_192 : vector<16xi32>
    %swap3A_194 = arith.constant 1 : i32
    %swap3A_195 = arith.index_cast %swap3A_194 : i32 to index
    %swap3A_196 = arith.constant 0 : index
    %swap3A_197 = tpu.vector_load %arg13[%swap3A_195, %swap3A_196] {strides = array<i32>} : memref<4x128xi32, #tpu.memory_space<vmem>>, vector<16xi32>,
    tpu.vector_store %arg13[%swap3A_195, %swap3A_196], %shift_right_arithmetic3A_193 {strides = array<i32>} : memref<4x128xi32, #tpu.memory_space<vmem>>, vector<16xi32>,
    %get3A_198 = arith.constant 1 : i32
    %get3A_199 = arith.index_cast %get3A_198 : i32 to index
    %get3A_200 = arith.constant 16 : index
    %get3A_201 = tpu.vector_load %arg10[%get3A_199, %get3A_200] {strides = array<i32>} : memref<4x128xi32, #tpu.memory_space<vmem>>, vector<16xi32>,
    %shift_right_arithmetic3A_202 = arith.constant 3 : i32
    %shift_right_arithmetic3A_203 = vector.broadcast %shift_right_arithmetic3A_202 : i32 to vector<16xi32>
    %shift_right_arithmetic3A_204 = arith.shrsi %get3A_201, %shift_right_arithmetic3A_203 : vector<16xi32>
    %swap3A_205 = arith.constant 1 : i32
    %swap3A_206 = arith.index_cast %swap3A_205 : i32 to index
    %swap3A_207 = arith.constant 16 : index
    %swap3A_208 = tpu.vector_load %arg12[%swap3A_206, %swap3A_207] {strides = array<i32>} : memref<4x128xi32, #tpu.memory_space<vmem>>, vector<16xi32>,
    tpu.vector_store %arg12[%swap3A_206, %swap3A_207], %shift_right_arithmetic3A_204 {strides = array<i32>} : memref<4x128xi32, #tpu.memory_space<vmem>>, vector<16xi32>,
    %get3A_209 = arith.constant 1 : i32
    %get3A_210 = arith.index_cast %get3A_209 : i32 to index
    %get3A_211 = arith.constant 16 : index
    %get3A_212 = tpu.vector_load %arg11[%get3A_210, %get3A_211] {strides = array<i32>} : memref<4x128xi32, #tpu.memory_space<vmem>>, vector<16xi32>,
    %shift_right_arithmetic3A_213 = arith.constant 3 : i32
    %shift_right_arithmetic3A_214 = vector.broadcast %shift_right_arithmetic3A_213 : i32 to vector<16xi32>
    %shift_right_arithmetic3A_215 = arith.shrsi %get3A_212, %shift_right_arithmetic3A_214 : vector<16xi32>
    %swap3A_216 = arith.constant 1 : i32
    %swap3A_217 = arith.index_cast %swap3A_216 : i32 to index
    %swap3A_218 = arith.constant 16 : index
    %swap3A_219 = tpu.vector_load %arg13[%swap3A_217, %swap3A_218] {strides = array<i32>} : memref<4x128xi32, #tpu.memory_space<vmem>>, vector<16xi32>,
    tpu.vector_store %arg13[%swap3A_217, %swap3A_218], %shift_right_arithmetic3A_215 {strides = array<i32>} : memref<4x128xi32, #tpu.memory_space<vmem>>, vector<16xi32>,
    %get3A_220 = arith.constant 1 : i32
    %get3A_221 = arith.index_cast %get3A_220 : i32 to index
    %get3A_222 = arith.constant 32 : index
    %get3A_223 = tpu.vector_load %arg10[%get3A_221, %get3A_222] {strides = array<i32>} : memref<4x128xi32, #tpu.memory_space<vmem>>, vector<16xi32>,
    %shift_right_arithmetic3A_224 = arith.constant 3 : i32
    %shift_right_arithmetic3A_225 = vector.broadcast %shift_right_arithmetic3A_224 : i32 to vector<16xi32>
    %shift_right_arithmetic3A_226 = arith.shrsi %get3A_223, %shift_right_arithmetic3A_225 : vector<16xi32>
    %swap3A_227 = arith.constant 1 : i32
    %swap3A_228 = arith.index_cast %swap3A_227 : i32 to index
    %swap3A_229 = arith.constant 32 : index
    %swap3A_230 = tpu.vector_load %arg12[%swap3A_228, %swap3A_229] {strides = array<i32>} : memref<4x128xi32, #tpu.memory_space<vmem>>, vector<16xi32>,
    tpu.vector_store %arg12[%swap3A_228, %swap3A_229], %shift_right_arithmetic3A_226 {strides = array<i32>} : memref<4x128xi32, #tpu.memory_space<vmem>>, vector<16xi32>,
    %get3A_231 = arith.constant 1 : i32
    %get3A_232 = arith.index_cast %get3A_231 : i32 to index
    %get3A_233 = arith.constant 32 : index
    %get3A_234 = tpu.vector_load %arg11[%get3A_232, %get3A_233] {strides = array<i32>} : memref<4x128xi32, #tpu.memory_space<vmem>>, vector<16xi32>,
    %shift_right_arithmetic3A_235 = arith.constant 3 : i32
    %shift_right_arithmetic3A_236 = vector.broadcast %shift_right_arithmetic3A_235 : i32 to vector<16xi32>
    %shift_right_arithmetic3A_237 = arith.shrsi %get3A_234, %shift_right_arithmetic3A_236 : vector<16xi32>
    %swap3A_238 = arith.constant 1 : i32
    %swap3A_239 = arith.index_cast %swap3A_238 : i32 to index
    %swap3A_240 = arith.constant 32 : index
    %swap3A_241 = tpu.vector_load %arg13[%swap3A_239, %swap3A_240] {strides = array<i32>} : memref<4x128xi32, #tpu.memory_space<vmem>>, vector<16xi32>,
    tpu.vector_store %arg13[%swap3A_239, %swap3A_240], %shift_right_arithmetic3A_237 {strides = array<i32>} : memref<4x128xi32, #tpu.memory_space<vmem>>, vector<16xi32>,
    %get3A_242 = arith.constant 1 : i32
    %get3A_243 = arith.index_cast %get3A_242 : i32 to index
    %get3A_244 = arith.constant 48 : index
    %get3A_245 = tpu.vector_load %arg10[%get3A_243, %get3A_244] {strides = array<i32>} : memref<4x128xi32, #tpu.memory_space<vmem>>, vector<16xi32>,
    %shift_right_arithmetic3A_246 = arith.constant 3 : i32
    %shift_right_arithmetic3A_247 = vector.broadcast %shift_right_arithmetic3A_246 : i32 to vector<16xi32>
    %shift_right_arithmetic3A_248 = arith.shrsi %get3A_245, %shift_right_arithmetic3A_247 : vector<16xi32>
    %swap3A_249 = arith.constant 1 : i32
    %swap3A_250 = arith.index_cast %swap3A_249 : i32 to index
    %swap3A_251 = arith.constant 48 : index
    %swap3A_252 = tpu.vector_load %arg12[%swap3A_250, %swap3A_251] {strides = array<i32>} : memref<4x128xi32, #tpu.memory_space<vmem>>, vector<16xi32>,
    tpu.vector_store %arg12[%swap3A_250, %swap3A_251], %shift_right_arithmetic3A_248 {strides = array<i32>} : memref<4x128xi32, #tpu.memory_space<vmem>>, vector<16xi32>,
    %get3A_253 = arith.constant 1 : i32
    %get3A_254 = arith.index_cast %get3A_253 : i32 to index
    %get3A_255 = arith.constant 48 : index
    %get3A_256 = tpu.vector_load %arg11[%get3A_254, %get3A_255] {strides = array<i32>} : memref<4x128xi32, #tpu.memory_space<vmem>>, vector<16xi32>,
    %shift_right_arithmetic3A_257 = arith.constant 3 : i32
    %shift_right_arithmetic3A_258 = vector.broadcast %shift_right_arithmetic3A_257 : i32 to vector<16xi32>
    %shift_right_arithmetic3A_259 = arith.shrsi %get3A_256, %shift_right_arithmetic3A_258 : vector<16xi32>
    %swap3A_260 = arith.constant 1 : i32
    %swap3A_261 = arith.index_cast %swap3A_260 : i32 to index
    %swap3A_262 = arith.constant 48 : index
    %swap3A_263 = tpu.vector_load %arg13[%swap3A_261, %swap3A_262] {strides = array<i32>} : memref<4x128xi32, #tpu.memory_space<vmem>>, vector<16xi32>,
    tpu.vector_store %arg13[%swap3A_261, %swap3A_262], %shift_right_arithmetic3A_259 {strides = array<i32>} : memref<4x128xi32, #tpu.memory_space<vmem>>, vector<16xi32>,
    %get3A_264 = arith.constant 1 : i32
    %get3A_265 = arith.index_cast %get3A_264 : i32 to index
    %get3A_266 = arith.constant 64 : index
    %get3A_267 = tpu.vector_load %arg10[%get3A_265, %get3A_266] {strides = array<i32>} : memref<4x128xi32, #tpu.memory_space<vmem>>, vector<16xi32>,
    %shift_right_arithmetic3A_268 = arith.constant 3 : i32
    %shift_right_arithmetic3A_269 = vector.broadcast %shift_right_arithmetic3A_268 : i32 to vector<16xi32>
    %shift_right_arithmetic3A_270 = arith.shrsi %get3A_267, %shift_right_arithmetic3A_269 : vector<16xi32>
    %swap3A_271 = arith.constant 1 : i32
    %swap3A_272 = arith.index_cast %swap3A_271 : i32 to index
    %swap3A_273 = arith.constant 64 : index
    %swap3A_274 = tpu.vector_load %arg12[%swap3A_272, %swap3A_273] {strides = array<i32>} : memref<4x128xi32, #tpu.memory_space<vmem>>, vector<16xi32>,
    tpu.vector_store %arg12[%swap3A_272, %swap3A_273], %shift_right_arithmetic3A_270 {strides = array<i32>} : memref<4x128xi32, #tpu.memory_space<vmem>>, vector<16xi32>,
    %get3A_275 = arith.constant 1 : i32
    %get3A_276 = arith.index_cast %get3A_275 : i32 to index
    %get3A_277 = arith.constant 64 : index
    %get3A_278 = tpu.vector_load %arg11[%get3A_276, %get3A_277] {strides = array<i32>} : memref<4x128xi32, #tpu.memory_space<vmem>>, vector<16xi32>,
    %shift_right_arithmetic3A_279 = arith.constant 3 : i32
    %shift_right_arithmetic3A_280 = vector.broadcast %shift_right_arithmetic3A_279 : i32 to vector<16xi32>
    %shift_right_arithmetic3A_281 = arith.shrsi %get3A_278, %shift_right_arithmetic3A_280 : vector<16xi32>
    %swap3A_282 = arith.constant 1 : i32
    %swap3A_283 = arith.index_cast %swap3A_282 : i32 to index
    %swap3A_284 = arith.constant 64 : index
    %swap3A_285 = tpu.vector_load %arg13[%swap3A_283, %swap3A_284] {strides = array<i32>} : memref<4x128xi32, #tpu.memory_space<vmem>>, vector<16xi32>,
    tpu.vector_store %arg13[%swap3A_283, %swap3A_284], %shift_right_arithmetic3A_281 {strides = array<i32>} : memref<4x128xi32, #tpu.memory_space<vmem>>, vector<16xi32>,
    %get3A_286 = arith.constant 1 : i32
    %get3A_287 = arith.index_cast %get3A_286 : i32 to index
    %get3A_288 = arith.constant 80 : index
    %get3A_289 = tpu.vector_load %arg10[%get3A_287, %get3A_288] {strides = array<i32>} : memref<4x128xi32, #tpu.memory_space<vmem>>, vector<16xi32>,
    %shift_right_arithmetic3A_290 = arith.constant 3 : i32
    %shift_right_arithmetic3A_291 = vector.broadcast %shift_right_arithmetic3A_290 : i32 to vector<16xi32>
    %shift_right_arithmetic3A_292 = arith.shrsi %get3A_289, %shift_right_arithmetic3A_291 : vector<16xi32>
    %swap3A_293 = arith.constant 1 : i32
    %swap3A_294 = arith.index_cast %swap3A_293 : i32 to index
    %swap3A_295 = arith.constant 80 : index
    %swap3A_296 = tpu.vector_load %arg12[%swap3A_294, %swap3A_295] {strides = array<i32>} : memref<4x128xi32, #tpu.memory_space<vmem>>, vector<16xi32>,
    tpu.vector_store %arg12[%swap3A_294, %swap3A_295], %shift_right_arithmetic3A_292 {strides = array<i32>} : memref<4x128xi32, #tpu.memory_space<vmem>>, vector<16xi32>,
    %get3A_297 = arith.constant 1 : i32
    %get3A_298 = arith.index_cast %get3A_297 : i32 to index
    %get3A_299 = arith.constant 80 : index
    %get3A_300 = tpu.vector_load %arg11[%get3A_298, %get3A_299] {strides = array<i32>} : memref<4x128xi32, #tpu.memory_space<vmem>>, vector<16xi32>,
    %shift_right_arithmetic3A_301 = arith.constant 3 : i32
    %shift_right_arithmetic3A_302 = vector.broadcast %shift_right_arithmetic3A_301 : i32 to vector<16xi32>
    %shift_right_arithmetic3A_303 = arith.shrsi %get3A_300, %shift_right_arithmetic3A_302 : vector<16xi32>
    %swap3A_304 = arith.constant 1 : i32
    %swap3A_305 = arith.index_cast %swap3A_304 : i32 to index
    %swap3A_306 = arith.constant 80 : index
    %swap3A_307 = tpu.vector_load %arg13[%swap3A_305, %swap3A_306] {strides = array<i32>} : memref<4x128xi32, #tpu.memory_space<vmem>>, vector<16xi32>,
    tpu.vector_store %arg13[%swap3A_305, %swap3A_306], %shift_right_arithmetic3A_303 {strides = array<i32>} : memref<4x128xi32, #tpu.memory_space<vmem>>, vector<16xi32>,
    %get3A_308 = arith.constant 1 : i32
    %get3A_309 = arith.index_cast %get3A_308 : i32 to index
    %get3A_310 = arith.constant 96 : index
    %get3A_311 = tpu.vector_load %arg10[%get3A_309, %get3A_310] {strides = array<i32>} : memref<4x128xi32, #tpu.memory_space<vmem>>, vector<16xi32>,
    %shift_right_arithmetic3A_312 = arith.constant 3 : i32
    %shift_right_arithmetic3A_313 = vector.broadcast %shift_right_arithmetic3A_312 : i32 to vector<16xi32>
    %shift_right_arithmetic3A_314 = arith.shrsi %get3A_311, %shift_right_arithmetic3A_313 : vector<16xi32>
    %swap3A_315 = arith.constant 1 : i32
    %swap3A_316 = arith.index_cast %swap3A_315 : i32 to index
    %swap3A_317 = arith.constant 96 : index
    %swap3A_318 = tpu.vector_load %arg12[%swap3A_316, %swap3A_317] {strides = array<i32>} : memref<4x128xi32, #tpu.memory_space<vmem>>, vector<16xi32>,
    tpu.vector_store %arg12[%swap3A_316, %swap3A_317], %shift_right_arithmetic3A_314 {strides = array<i32>} : memref<4x128xi32, #tpu.memory_space<vmem>>, vector<16xi32>,
    %get3A_319 = arith.constant 1 : i32
    %get3A_320 = arith.index_cast %get3A_319 : i32 to index
    %get3A_321 = arith.constant 96 : index
    %get3A_322 = tpu.vector_load %arg11[%get3A_320, %get3A_321] {strides = array<i32>} : memref<4x128xi32, #tpu.memory_space<vmem>>, vector<16xi32>,
    %shift_right_arithmetic3A_323 = arith.constant 3 : i32
    %shift_right_arithmetic3A_324 = vector.broadcast %shift_right_arithmetic3A_323 : i32 to vector<16xi32>
    %shift_right_arithmetic3A_325 = arith.shrsi %get3A_322, %shift_right_arithmetic3A_324 : vector<16xi32>
    %swap3A_326 = arith.constant 1 : i32
    %swap3A_327 = arith.index_cast %swap3A_326 : i32 to index
    %swap3A_328 = arith.constant 96 : index
    %swap3A_329 = tpu.vector_load %arg13[%swap3A_327, %swap3A_328] {strides = array<i32>} : memref<4x128xi32, #tpu.memory_space<vmem>>, vector<16xi32>,
    tpu.vector_store %arg13[%swap3A_327, %swap3A_328], %shift_right_arithmetic3A_325 {strides = array<i32>} : memref<4x128xi32, #tpu.memory_space<vmem>>, vector<16xi32>,
    %get3A_330 = arith.constant 1 : i32
    %get3A_331 = arith.index_cast %get3A_330 : i32 to index
    %get3A_332 = arith.constant 112 : index
    %get3A_333 = tpu.vector_load %arg10[%get3A_331, %get3A_332] {strides = array<i32>} : memref<4x128xi32, #tpu.memory_space<vmem>>, vector<16xi32>,
    %shift_right_arithmetic3A_334 = arith.constant 3 : i32
    %shift_right_arithmetic3A_335 = vector.broadcast %shift_right_arithmetic3A_334 : i32 to vector<16xi32>
    %shift_right_arithmetic3A_336 = arith.shrsi %get3A_333, %shift_right_arithmetic3A_335 : vector<16xi32>
    %swap3A_337 = arith.constant 1 : i32
    %swap3A_338 = arith.index_cast %swap3A_337 : i32 to index
    %swap3A_339 = arith.constant 112 : index
    %swap3A_340 = tpu.vector_load %arg12[%swap3A_338, %swap3A_339] {strides = array<i32>} : memref<4x128xi32, #tpu.memory_space<vmem>>, vector<16xi32>,
    tpu.vector_store %arg12[%swap3A_338, %swap3A_339], %shift_right_arithmetic3A_336 {strides = array<i32>} : memref<4x128xi32, #tpu.memory_space<vmem>>, vector<16xi32>,
    %get3A_341 = arith.constant 1 : i32
    %get3A_342 = arith.index_cast %get3A_341 : i32 to index
    %get3A_343 = arith.constant 112 : index
    %get3A_344 = tpu.vector_load %arg11[%get3A_342, %get3A_343] {strides = array<i32>} : memref<4x128xi32, #tpu.memory_space<vmem>>, vector<16xi32>,
    %shift_right_arithmetic3A_345 = arith.constant 3 : i32
    %shift_right_arithmetic3A_346 = vector.broadcast %shift_right_arithmetic3A_345 : i32 to vector<16xi32>
    %shift_right_arithmetic3A_347 = arith.shrsi %get3A_344, %shift_right_arithmetic3A_346 : vector<16xi32>
    %swap3A_348 = arith.constant 1 : i32
    %swap3A_349 = arith.index_cast %swap3A_348 : i32 to index
    %swap3A_350 = arith.constant 112 : index
    %swap3A_351 = tpu.vector_load %arg13[%swap3A_349, %swap3A_350] {strides = array<i32>} : memref<4x128xi32, #tpu.memory_space<vmem>>, vector<16xi32>,
    tpu.vector_store %arg13[%swap3A_349, %swap3A_350], %shift_right_arithmetic3A_347 {strides = array<i32>} : memref<4x128xi32, #tpu.memory_space<vmem>>, vector<16xi32>,
    %get3A_352 = arith.constant 2 : i32
    %get3A_353 = arith.index_cast %get3A_352 : i32 to index
    %get3A_354 = arith.constant 0 : index
    %get3A_355 = tpu.vector_load %arg10[%get3A_353, %get3A_354] {strides = array<i32>} : memref<4x128xi32, #tpu.memory_space<vmem>>, vector<16xi32>,
    %shift_right_arithmetic3A_356 = arith.constant 3 : i32
    %shift_right_arithmetic3A_357 = vector.broadcast %shift_right_arithmetic3A_356 : i32 to vector<16xi32>
    %shift_right_arithmetic3A_358 = arith.shrsi %get3A_355, %shift_right_arithmetic3A_357 : vector<16xi32>
    %swap3A_359 = arith.constant 2 : i32
    %swap3A_360 = arith.index_cast %swap3A_359 : i32 to index
    %swap3A_361 = arith.constant 0 : index
    %swap3A_362 = tpu.vector_load %arg12[%swap3A_360, %swap3A_361] {strides = array<i32>} : memref<4x128xi32, #tpu.memory_space<vmem>>, vector<16xi32>,
    tpu.vector_store %arg12[%swap3A_360, %swap3A_361], %shift_right_arithmetic3A_358 {strides = array<i32>} : memref<4x128xi32, #tpu.memory_space<vmem>>, vector<16xi32>,
    %get3A_363 = arith.constant 2 : i32
    %get3A_364 = arith.index_cast %get3A_363 : i32 to index
    %get3A_365 = arith.constant 0 : index
    %get3A_366 = tpu.vector_load %arg11[%get3A_364, %get3A_365] {strides = array<i32>} : memref<4x128xi32, #tpu.memory_space<vmem>>, vector<16xi32>,
    %shift_right_arithmetic3A_367 = arith.constant 3 : i32
    %shift_right_arithmetic3A_368 = vector.broadcast %shift_right_arithmetic3A_367 : i32 to vector<16xi32>
    %shift_right_arithmetic3A_369 = arith.shrsi %get3A_366, %shift_right_arithmetic3A_368 : vector<16xi32>
    %swap3A_370 = arith.constant 2 : i32
    %swap3A_371 = arith.index_cast %swap3A_370 : i32 to index
    %swap3A_372 = arith.constant 0 : index
    %swap3A_373 = tpu.vector_load %arg13[%swap3A_371, %swap3A_372] {strides = array<i32>} : memref<4x128xi32, #tpu.memory_space<vmem>>, vector<16xi32>,
    tpu.vector_store %arg13[%swap3A_371, %swap3A_372], %shift_right_arithmetic3A_369 {strides = array<i32>} : memref<4x128xi32, #tpu.memory_space<vmem>>, vector<16xi32>,
    %get3A_374 = arith.constant 2 : i32
    %get3A_375 = arith.index_cast %get3A_374 : i32 to index
    %get3A_376 = arith.constant 16 : index
    %get3A_377 = tpu.vector_load %arg10[%get3A_375, %get3A_376] {strides = array<i32>} : memref<4x128xi32, #tpu.memory_space<vmem>>, vector<16xi32>,
    %shift_right_arithmetic3A_378 = arith.constant 3 : i32
    %shift_right_arithmetic3A_379 = vector.broadcast %shift_right_arithmetic3A_378 : i32 to vector<16xi32>
    %shift_right_arithmetic3A_380 = arith.shrsi %get3A_377, %shift_right_arithmetic3A_379 : vector<16xi32>
    %swap3A_381 = arith.constant 2 : i32
    %swap3A_382 = arith.index_cast %swap3A_381 : i32 to index
    %swap3A_383 = arith.constant 16 : index
    %swap3A_384 = tpu.vector_load %arg12[%swap3A_382, %swap3A_383] {strides = array<i32>} : memref<4x128xi32, #tpu.memory_space<vmem>>, vector<16xi32>,
    tpu.vector_store %arg12[%swap3A_382, %swap3A_383], %shift_right_arithmetic3A_380 {strides = array<i32>} : memref<4x128xi32, #tpu.memory_space<vmem>>, vector<16xi32>,
    %get3A_385 = arith.constant 2 : i32
    %get3A_386 = arith.index_cast %get3A_385 : i32 to index
    %get3A_387 = arith.constant 16 : index
    %get3A_388 = tpu.vector_load %arg11[%get3A_386, %get3A_387] {strides = array<i32>} : memref<4x128xi32, #tpu.memory_space<vmem>>, vector<16xi32>,
    %shift_right_arithmetic3A_389 = arith.constant 3 : i32
    %shift_right_arithmetic3A_390 = vector.broadcast %shift_right_arithmetic3A_389 : i32 to vector<16xi32>
    %shift_right_arithmetic3A_391 = arith.shrsi %get3A_388, %shift_right_arithmetic3A_390 : vector<16xi32>
    %swap3A_392 = arith.constant 2 : i32
    %swap3A_393 = arith.index_cast %swap3A_392 : i32 to index
    %swap3A_394 = arith.constant 16 : index
    %swap3A_395 = tpu.vector_load %arg13[%swap3A_393, %swap3A_394] {strides = array<i32>} : memref<4x128xi32, #tpu.memory_space<vmem>>, vector<16xi32>,
    tpu.vector_store %arg13[%swap3A_393, %swap3A_394], %shift_right_arithmetic3A_391 {strides = array<i32>} : memref<4x128xi32, #tpu.memory_space<vmem>>, vector<16xi32>,
    %get3A_396 = arith.constant 2 : i32
    %get3A_397 = arith.index_cast %get3A_396 : i32 to index
    %get3A_398 = arith.constant 32 : index
    %get3A_399 = tpu.vector_load %arg10[%get3A_397, %get3A_398] {strides = array<i32>} : memref<4x128xi32, #tpu.memory_space<vmem>>, vector<16xi32>,
    %shift_right_arithmetic3A_400 = arith.constant 3 : i32
    %shift_right_arithmetic3A_401 = vector.broadcast %shift_right_arithmetic3A_400 : i32 to vector<16xi32>
    %shift_right_arithmetic3A_402 = arith.shrsi %get3A_399, %shift_right_arithmetic3A_401 : vector<16xi32>
    %swap3A_403 = arith.constant 2 : i32
    %swap3A_404 = arith.index_cast %swap3A_403 : i32 to index
    %swap3A_405 = arith.constant 32 : index
    %swap3A_406 = tpu.vector_load %arg12[%swap3A_404, %swap3A_405] {strides = array<i32>} : memref<4x128xi32, #tpu.memory_space<vmem>>, vector<16xi32>,
    tpu.vector_store %arg12[%swap3A_404, %swap3A_405], %shift_right_arithmetic3A_402 {strides = array<i32>} : memref<4x128xi32, #tpu.memory_space<vmem>>, vector<16xi32>,
    %get3A_407 = arith.constant 2 : i32
    %get3A_408 = arith.index_cast %get3A_407 : i32 to index
    %get3A_409 = arith.constant 32 : index
    %get3A_410 = tpu.vector_load %arg11[%get3A_408, %get3A_409] {strides = array<i32>} : memref<4x128xi32, #tpu.memory_space<vmem>>, vector<16xi32>,
    %shift_right_arithmetic3A_411 = arith.constant 3 : i32
    %shift_right_arithmetic3A_412 = vector.broadcast %shift_right_arithmetic3A_411 : i32 to vector<16xi32>
    %shift_right_arithmetic3A_413 = arith.shrsi %get3A_410, %shift_right_arithmetic3A_412 : vector<16xi32>
    %swap3A_414 = arith.constant 2 : i32
    %swap3A_415 = arith.index_cast %swap3A_414 : i32 to index
    %swap3A_416 = arith.constant 32 : index
    %swap3A_417 = tpu.vector_load %arg13[%swap3A_415, %swap3A_416] {strides = array<i32>} : memref<4x128xi32, #tpu.memory_space<vmem>>, vector<16xi32>,
    tpu.vector_store %arg13[%swap3A_415, %swap3A_416], %shift_right_arithmetic3A_413 {strides = array<i32>} : memref<4x128xi32, #tpu.memory_space<vmem>>, vector<16xi32>,
    %get3A_418 = arith.constant 2 : i32
    %get3A_419 = arith.index_cast %get3A_418 : i32 to index
    %get3A_420 = arith.constant 48 : index
    %get3A_421 = tpu.vector_load %arg10[%get3A_419, %get3A_420] {strides = array<i32>} : memref<4x128xi32, #tpu.memory_space<vmem>>, vector<16xi32>,
    %shift_right_arithmetic3A_422 = arith.constant 3 : i32
    %shift_right_arithmetic3A_423 = vector.broadcast %shift_right_arithmetic3A_422 : i32 to vector<16xi32>
    %shift_right_arithmetic3A_424 = arith.shrsi %get3A_421, %shift_right_arithmetic3A_423 : vector<16xi32>
    %swap3A_425 = arith.constant 2 : i32
    %swap3A_426 = arith.index_cast %swap3A_425 : i32 to index
    %swap3A_427 = arith.constant 48 : index
    %swap3A_428 = tpu.vector_load %arg12[%swap3A_426, %swap3A_427] {strides = array<i32>} : memref<4x128xi32, #tpu.memory_space<vmem>>, vector<16xi32>,
    tpu.vector_store %arg12[%swap3A_426, %swap3A_427], %shift_right_arithmetic3A_424 {strides = array<i32>} : memref<4x128xi32, #tpu.memory_space<vmem>>, vector<16xi32>,
    %get3A_429 = arith.constant 2 : i32
    %get3A_430 = arith.index_cast %get3A_429 : i32 to index
    %get3A_431 = arith.constant 48 : index
    %get3A_432 = tpu.vector_load %arg11[%get3A_430, %get3A_431] {strides = array<i32>} : memref<4x128xi32, #tpu.memory_space<vmem>>, vector<16xi32>,
    %shift_right_arithmetic3A_433 = arith.constant 3 : i32
    %shift_right_arithmetic3A_434 = vector.broadcast %shift_right_arithmetic3A_433 : i32 to vector<16xi32>
    %shift_right_arithmetic3A_435 = arith.shrsi %get3A_432, %shift_right_arithmetic3A_434 : vector<16xi32>
    %swap3A_436 = arith.constant 2 : i32
    %swap3A_437 = arith.index_cast %swap3A_436 : i32 to index
    %swap3A_438 = arith.constant 48 : index
    %swap3A_439 = tpu.vector_load %arg13[%swap3A_437, %swap3A_438] {strides = array<i32>} : memref<4x128xi32, #tpu.memory_space<vmem>>, vector<16xi32>,
    tpu.vector_store %arg13[%swap3A_437, %swap3A_438], %shift_right_arithmetic3A_435 {strides = array<i32>} : memref<4x128xi32, #tpu.memory_space<vmem>>, vector<16xi32>,
    %get3A_440 = arith.constant 2 : i32
    %get3A_441 = arith.index_cast %get3A_440 : i32 to index
    %get3A_442 = arith.constant 64 : index
    %get3A_443 = tpu.vector_load %arg10[%get3A_441, %get3A_442] {strides = array<i32>} : memref<4x128xi32, #tpu.memory_space<vmem>>, vector<16xi32>,
    %shift_right_arithmetic3A_444 = arith.constant 3 : i32
    %shift_right_arithmetic3A_445 = vector.broadcast %shift_right_arithmetic3A_444 : i32 to vector<16xi32>
    %shift_right_arithmetic3A_446 = arith.shrsi %get3A_443, %shift_right_arithmetic3A_445 : vector<16xi32>
    %swap3A_447 = arith.constant 2 : i32
    %swap3A_448 = arith.index_cast %swap3A_447 : i32 to index
    %swap3A_449 = arith.constant 64 : index
    %swap3A_450 = tpu.vector_load %arg12[%swap3A_448, %swap3A_449] {strides = array<i32>} : memref<4x128xi32, #tpu.memory_space<vmem>>, vector<16xi32>,
    tpu.vector_store %arg12[%swap3A_448, %swap3A_449], %shift_right_arithmetic3A_446 {strides = array<i32>} : memref<4x128xi32, #tpu.memory_space<vmem>>, vector<16xi32>,
    %get3A_451 = arith.constant 2 : i32
    %get3A_452 = arith.index_cast %get3A_451 : i32 to index
    %get3A_453 = arith.constant 64 : index
    %get3A_454 = tpu.vector_load %arg11[%get3A_452, %get3A_453] {strides = array<i32>} : memref<4x128xi32, #tpu.memory_space<vmem>>, vector<16xi32>,
    %shift_right_arithmetic3A_455 = arith.constant 3 : i32
    %shift_right_arithmetic3A_456 = vector.broadcast %shift_right_arithmetic3A_455 : i32 to vector<16xi32>
    %shift_right_arithmetic3A_457 = arith.shrsi %get3A_454, %shift_right_arithmetic3A_456 : vector<16xi32>
    %swap3A_458 = arith.constant 2 : i32
    %swap3A_459 = arith.index_cast %swap3A_458 : i32 to index
    %swap3A_460 = arith.constant 64 : index
    %swap3A_461 = tpu.vector_load %arg13[%swap3A_459, %swap3A_460] {strides = array<i32>} : memref<4x128xi32, #tpu.memory_space<vmem>>, vector<16xi32>,
    tpu.vector_store %arg13[%swap3A_459, %swap3A_460], %shift_right_arithmetic3A_457 {strides = array<i32>} : memref<4x128xi32, #tpu.memory_space<vmem>>, vector<16xi32>,
    %get3A_462 = arith.constant 2 : i32
    %get3A_463 = arith.index_cast %get3A_462 : i32 to index
    %get3A_464 = arith.constant 80 : index
    %get3A_465 = tpu.vector_load %arg10[%get3A_463, %get3A_464] {strides = array<i32>} : memref<4x128xi32, #tpu.memory_space<vmem>>, vector<16xi32>,
    %shift_right_arithmetic3A_466 = arith.constant 3 : i32
    %shift_right_arithmetic3A_467 = vector.broadcast %shift_right_arithmetic3A_466 : i32 to vector<16xi32>
    %shift_right_arithmetic3A_468 = arith.shrsi %get3A_465, %shift_right_arithmetic3A_467 : vector<16xi32>
    %swap3A_469 = arith.constant 2 : i32
    %swap3A_470 = arith.index_cast %swap3A_469 : i32 to index
    %swap3A_471 = arith.constant 80 : index
    %swap3A_472 = tpu.vector_load %arg12[%swap3A_470, %swap3A_471] {strides = array<i32>} : memref<4x128xi32, #tpu.memory_space<vmem>>, vector<16xi32>,
    tpu.vector_store %arg12[%swap3A_470, %swap3A_471], %shift_right_arithmetic3A_468 {strides = array<i32>} : memref<4x128xi32, #tpu.memory_space<vmem>>, vector<16xi32>,
    %get3A_473 = arith.constant 2 : i32
    %get3A_474 = arith.index_cast %get3A_473 : i32 to index
    %get3A_475 = arith.constant 80 : index
    %get3A_476 = tpu.vector_load %arg11[%get3A_474, %get3A_475] {strides = array<i32>} : memref<4x128xi32, #tpu.memory_space<vmem>>, vector<16xi32>,
    %shift_right_arithmetic3A_477 = arith.constant 3 : i32
    %shift_right_arithmetic3A_478 = vector.broadcast %shift_right_arithmetic3A_477 : i32 to vector<16xi32>
    %shift_right_arithmetic3A_479 = arith.shrsi %get3A_476, %shift_right_arithmetic3A_478 : vector<16xi32>
    %swap3A_480 = arith.constant 2 : i32
    %swap3A_481 = arith.index_cast %swap3A_480 : i32 to index
    %swap3A_482 = arith.constant 80 : index
    %swap3A_483 = tpu.vector_load %arg13[%swap3A_481, %swap3A_482] {strides = array<i32>} : memref<4x128xi32, #tpu.memory_space<vmem>>, vector<16xi32>,
    tpu.vector_store %arg13[%swap3A_481, %swap3A_482], %shift_right_arithmetic3A_479 {strides = array<i32>} : memref<4x128xi32, #tpu.memory_space<vmem>>, vector<16xi32>,
    %get3A_484 = arith.constant 2 : i32
    %get3A_485 = arith.index_cast %get3A_484 : i32 to index
    %get3A_486 = arith.constant 96 : index
    %get3A_487 = tpu.vector_load %arg10[%get3A_485, %get3A_486] {strides = array<i32>} : memref<4x128xi32, #tpu.memory_space<vmem>>, vector<16xi32>,
    %shift_right_arithmetic3A_488 = arith.constant 3 : i32
    %shift_right_arithmetic3A_489 = vector.broadcast %shift_right_arithmetic3A_488 : i32 to vector<16xi32>
    %shift_right_arithmetic3A_490 = arith.shrsi %get3A_487, %shift_right_arithmetic3A_489 : vector<16xi32>
    %swap3A_491 = arith.constant 2 : i32
    %swap3A_492 = arith.index_cast %swap3A_491 : i32 to index
    %swap3A_493 = arith.constant 96 : index
    %swap3A_494 = tpu.vector_load %arg12[%swap3A_492, %swap3A_493] {strides = array<i32>} : memref<4x128xi32, #tpu.memory_space<vmem>>, vector<16xi32>,
    tpu.vector_store %arg12[%swap3A_492, %swap3A_493], %shift_right_arithmetic3A_490 {strides = array<i32>} : memref<4x128xi32, #tpu.memory_space<vmem>>, vector<16xi32>,
    %get3A_495 = arith.constant 2 : i32
    %get3A_496 = arith.index_cast %get3A_495 : i32 to index
    %get3A_497 = arith.constant 96 : index
    %get3A_498 = tpu.vector_load %arg11[%get3A_496, %get3A_497] {strides = array<i32>} : memref<4x128xi32, #tpu.memory_space<vmem>>, vector<16xi32>,
    %shift_right_arithmetic3A_499 = arith.constant 3 : i32
    %shift_right_arithmetic3A_500 = vector.broadcast %shift_right_arithmetic3A_499 : i32 to vector<16xi32>
    %shift_right_arithmetic3A_501 = arith.shrsi %get3A_498, %shift_right_arithmetic3A_500 : vector<16xi32>
    %swap3A_502 = arith.constant 2 : i32
    %swap3A_503 = arith.index_cast %swap3A_502 : i32 to index
    %swap3A_504 = arith.constant 96 : index
    %swap3A_505 = tpu.vector_load %arg13[%swap3A_503, %swap3A_504] {strides = array<i32>} : memref<4x128xi32, #tpu.memory_space<vmem>>, vector<16xi32>,
    tpu.vector_store %arg13[%swap3A_503, %swap3A_504], %shift_right_arithmetic3A_501 {strides = array<i32>} : memref<4x128xi32, #tpu.memory_space<vmem>>, vector<16xi32>,
    %get3A_506 = arith.constant 2 : i32
    %get3A_507 = arith.index_cast %get3A_506 : i32 to index
    %get3A_508 = arith.constant 112 : index
    %get3A_509 = tpu.vector_load %arg10[%get3A_507, %get3A_508] {strides = array<i32>} : memref<4x128xi32, #tpu.memory_space<vmem>>, vector<16xi32>,
    %shift_right_arithmetic3A_510 = arith.constant 3 : i32
    %shift_right_arithmetic3A_511 = vector.broadcast %shift_right_arithmetic3A_510 : i32 to vector<16xi32>
    %shift_right_arithmetic3A_512 = arith.shrsi %get3A_509, %shift_right_arithmetic3A_511 : vector<16xi32>
    %swap3A_513 = arith.constant 2 : i32
    %swap3A_514 = arith.index_cast %swap3A_513 : i32 to index
    %swap3A_515 = arith.constant 112 : index
    %swap3A_516 = tpu.vector_load %arg12[%swap3A_514, %swap3A_515] {strides = array<i32>} : memref<4x128xi32, #tpu.memory_space<vmem>>, vector<16xi32>,
    tpu.vector_store %arg12[%swap3A_514, %swap3A_515], %shift_right_arithmetic3A_512 {strides = array<i32>} : memref<4x128xi32, #tpu.memory_space<vmem>>, vector<16xi32>,
    %get3A_517 = arith.constant 2 : i32
    %get3A_518 = arith.index_cast %get3A_517 : i32 to index
    %get3A_519 = arith.constant 112 : index
    %get3A_520 = tpu.vector_load %arg11[%get3A_518, %get3A_519] {strides = array<i32>} : memref<4x128xi32, #tpu.memory_space<vmem>>, vector<16xi32>,
    %shift_right_arithmetic3A_521 = arith.constant 3 : i32
    %shift_right_arithmetic3A_522 = vector.broadcast %shift_right_arithmetic3A_521 : i32 to vector<16xi32>
    %shift_right_arithmetic3A_523 = arith.shrsi %get3A_520, %shift_right_arithmetic3A_522 : vector<16xi32>
    %swap3A_524 = arith.constant 2 : i32
    %swap3A_525 = arith.index_cast %swap3A_524 : i32 to index
    %swap3A_526 = arith.constant 112 : index
    %swap3A_527 = tpu.vector_load %arg13[%swap3A_525, %swap3A_526] {strides = array<i32>} : memref<4x128xi32, #tpu.memory_space<vmem>>, vector<16xi32>,
    tpu.vector_store %arg13[%swap3A_525, %swap3A_526], %shift_right_arithmetic3A_523 {strides = array<i32>} : memref<4x128xi32, #tpu.memory_space<vmem>>, vector<16xi32>,
    %get3A_528 = arith.constant 3 : i32
    %get3A_529 = arith.index_cast %get3A_528 : i32 to index
    %get3A_530 = arith.constant 0 : index
    %get3A_531 = tpu.vector_load %arg10[%get3A_529, %get3A_530] {strides = array<i32>} : memref<4x128xi32, #tpu.memory_space<vmem>>, vector<16xi32>,
    %shift_right_arithmetic3A_532 = arith.constant 3 : i32
    %shift_right_arithmetic3A_533 = vector.broadcast %shift_right_arithmetic3A_532 : i32 to vector<16xi32>
    %shift_right_arithmetic3A_534 = arith.shrsi %get3A_531, %shift_right_arithmetic3A_533 : vector<16xi32>
    %swap3A_535 = arith.constant 3 : i32
    %swap3A_536 = arith.index_cast %swap3A_535 : i32 to index
    %swap3A_537 = arith.constant 0 : index
    %swap3A_538 = tpu.vector_load %arg12[%swap3A_536, %swap3A_537] {strides = array<i32>} : memref<4x128xi32, #tpu.memory_space<vmem>>, vector<16xi32>,
    tpu.vector_store %arg12[%swap3A_536, %swap3A_537], %shift_right_arithmetic3A_534 {strides = array<i32>} : memref<4x128xi32, #tpu.memory_space<vmem>>, vector<16xi32>,
    %get3A_539 = arith.constant 3 : i32
    %get3A_540 = arith.index_cast %get3A_539 : i32 to index
    %get3A_541 = arith.constant 0 : index
    %get3A_542 = tpu.vector_load %arg11[%get3A_540, %get3A_541] {strides = array<i32>} : memref<4x128xi32, #tpu.memory_space<vmem>>, vector<16xi32>,
    %shift_right_arithmetic3A_543 = arith.constant 3 : i32
    %shift_right_arithmetic3A_544 = vector.broadcast %shift_right_arithmetic3A_543 : i32 to vector<16xi32>
    %shift_right_arithmetic3A_545 = arith.shrsi %get3A_542, %shift_right_arithmetic3A_544 : vector<16xi32>
    %swap3A_546 = arith.constant 3 : i32
    %swap3A_547 = arith.index_cast %swap3A_546 : i32 to index
    %swap3A_548 = arith.constant 0 : index
    %swap3A_549 = tpu.vector_load %arg13[%swap3A_547, %swap3A_548] {strides = array<i32>} : memref<4x128xi32, #tpu.memory_space<vmem>>, vector<16xi32>,
    tpu.vector_store %arg13[%swap3A_547, %swap3A_548], %shift_right_arithmetic3A_545 {strides = array<i32>} : memref<4x128xi32, #tpu.memory_space<vmem>>, vector<16xi32>,
    %get3A_550 = arith.constant 3 : i32
    %get3A_551 = arith.index_cast %get3A_550 : i32 to index
    %get3A_552 = arith.constant 16 : index
    %get3A_553 = tpu.vector_load %arg10[%get3A_551, %get3A_552] {strides = array<i32>} : memref<4x128xi32, #tpu.memory_space<vmem>>, vector<16xi32>,
    %shift_right_arithmetic3A_554 = arith.constant 3 : i32
    %shift_right_arithmetic3A_555 = vector.broadcast %shift_right_arithmetic3A_554 : i32 to vector<16xi32>
    %shift_right_arithmetic3A_556 = arith.shrsi %get3A_553, %shift_right_arithmetic3A_555 : vector<16xi32>
    %swap3A_557 = arith.constant 3 : i32
    %swap3A_558 = arith.index_cast %swap3A_557 : i32 to index
    %swap3A_559 = arith.constant 16 : index
    %swap3A_560 = tpu.vector_load %arg12[%swap3A_558, %swap3A_559] {strides = array<i32>} : memref<4x128xi32, #tpu.memory_space<vmem>>, vector<16xi32>,
    tpu.vector_store %arg12[%swap3A_558, %swap3A_559], %shift_right_arithmetic3A_556 {strides = array<i32>} : memref<4x128xi32, #tpu.memory_space<vmem>>, vector<16xi32>,
    %get3A_561 = arith.constant 3 : i32
    %get3A_562 = arith.index_cast %get3A_561 : i32 to index
    %get3A_563 = arith.constant 16 : index
    %get3A_564 = tpu.vector_load %arg11[%get3A_562, %get3A_563] {strides = array<i32>} : memref<4x128xi32, #tpu.memory_space<vmem>>, vector<16xi32>,
    %shift_right_arithmetic3A_565 = arith.constant 3 : i32
    %shift_right_arithmetic3A_566 = vector.broadcast %shift_right_arithmetic3A_565 : i32 to vector<16xi32>
    %shift_right_arithmetic3A_567 = arith.shrsi %get3A_564, %shift_right_arithmetic3A_566 : vector<16xi32>
    %swap3A_568 = arith.constant 3 : i32
    %swap3A_569 = arith.index_cast %swap3A_568 : i32 to index
    %swap3A_570 = arith.constant 16 : index
    %swap3A_571 = tpu.vector_load %arg13[%swap3A_569, %swap3A_570] {strides = array<i32>} : memref<4x128xi32, #tpu.memory_space<vmem>>, vector<16xi32>,
    tpu.vector_store %arg13[%swap3A_569, %swap3A_570], %shift_right_arithmetic3A_567 {strides = array<i32>} : memref<4x128xi32, #tpu.memory_space<vmem>>, vector<16xi32>,
    %get3A_572 = arith.constant 3 : i32
    %get3A_573 = arith.index_cast %get3A_572 : i32 to index
    %get3A_574 = arith.constant 32 : index
    %get3A_575 = tpu.vector_load %arg10[%get3A_573, %get3A_574] {strides = array<i32>} : memref<4x128xi32, #tpu.memory_space<vmem>>, vector<16xi32>,
    %shift_right_arithmetic3A_576 = arith.constant 3 : i32
    %shift_right_arithmetic3A_577 = vector.broadcast %shift_right_arithmetic3A_576 : i32 to vector<16xi32>
    %shift_right_arithmetic3A_578 = arith.shrsi %get3A_575, %shift_right_arithmetic3A_577 : vector<16xi32>
    %swap3A_579 = arith.constant 3 : i32
    %swap3A_580 = arith.index_cast %swap3A_579 : i32 to index
    %swap3A_581 = arith.constant 32 : index
    %swap3A_582 = tpu.vector_load %arg12[%swap3A_580, %swap3A_581] {strides = array<i32>} : memref<4x128xi32, #tpu.memory_space<vmem>>, vector<16xi32>,
    tpu.vector_store %arg12[%swap3A_580, %swap3A_581], %shift_right_arithmetic3A_578 {strides = array<i32>} : memref<4x128xi32, #tpu.memory_space<vmem>>, vector<16xi32>,
    %get3A_583 = arith.constant 3 : i32
    %get3A_584 = arith.index_cast %get3A_583 : i32 to index
    %get3A_585 = arith.constant 32 : index
    %get3A_586 = tpu.vector_load %arg11[%get3A_584, %get3A_585] {strides = array<i32>} : memref<4x128xi32, #tpu.memory_space<vmem>>, vector<16xi32>,
    %shift_right_arithmetic3A_587 = arith.constant 3 : i32
    %shift_right_arithmetic3A_588 = vector.broadcast %shift_right_arithmetic3A_587 : i32 to vector<16xi32>
    %shift_right_arithmetic3A_589 = arith.shrsi %get3A_586, %shift_right_arithmetic3A_588 : vector<16xi32>
    %swap3A_590 = arith.constant 3 : i32
    %swap3A_591 = arith.index_cast %swap3A_590 : i32 to index
    %swap3A_592 = arith.constant 32 : index
    %swap3A_593 = tpu.vector_load %arg13[%swap3A_591, %swap3A_592] {strides = array<i32>} : memref<4x128xi32, #tpu.memory_space<vmem>>, vector<16xi32>,
    tpu.vector_store %arg13[%swap3A_591, %swap3A_592], %shift_right_arithmetic3A_589 {strides = array<i32>} : memref<4x128xi32, #tpu.memory_space<vmem>>, vector<16xi32>,
    %get3A_594 = arith.constant 3 : i32
    %get3A_595 = arith.index_cast %get3A_594 : i32 to index
    %get3A_596 = arith.constant 48 : index
    %get3A_597 = tpu.vector_load %arg10[%get3A_595, %get3A_596] {strides = array<i32>} : memref<4x128xi32, #tpu.memory_space<vmem>>, vector<16xi32>,
    %shift_right_arithmetic3A_598 = arith.constant 3 : i32
    %shift_right_arithmetic3A_599 = vector.broadcast %shift_right_arithmetic3A_598 : i32 to vector<16xi32>
    %shift_right_arithmetic3A_600 = arith.shrsi %get3A_597, %shift_right_arithmetic3A_599 : vector<16xi32>
    %swap3A_601 = arith.constant 3 : i32
    %swap3A_602 = arith.index_cast %swap3A_601 : i32 to index
    %swap3A_603 = arith.constant 48 : index
    %swap3A_604 = tpu.vector_load %arg12[%swap3A_602, %swap3A_603] {strides = array<i32>} : memref<4x128xi32, #tpu.memory_space<vmem>>, vector<16xi32>,
    tpu.vector_store %arg12[%swap3A_602, %swap3A_603], %shift_right_arithmetic3A_600 {strides = array<i32>} : memref<4x128xi32, #tpu.memory_space<vmem>>, vector<16xi32>,
    %get3A_605 = arith.constant 3 : i32
    %get3A_606 = arith.index_cast %get3A_605 : i32 to index
    %get3A_607 = arith.constant 48 : index
    %get3A_608 = tpu.vector_load %arg11[%get3A_606, %get3A_607] {strides = array<i32>} : memref<4x128xi32, #tpu.memory_space<vmem>>, vector<16xi32>,
    %shift_right_arithmetic3A_609 = arith.constant 3 : i32
    %shift_right_arithmetic3A_610 = vector.broadcast %shift_right_arithmetic3A_609 : i32 to vector<16xi32>
    %shift_right_arithmetic3A_611 = arith.shrsi %get3A_608, %shift_right_arithmetic3A_610 : vector<16xi32>
    %swap3A_612 = arith.constant 3 : i32
    %swap3A_613 = arith.index_cast %swap3A_612 : i32 to index
    %swap3A_614 = arith.constant 48 : index
    %swap3A_615 = tpu.vector_load %arg13[%swap3A_613, %swap3A_614] {strides = array<i32>} : memref<4x128xi32, #tpu.memory_space<vmem>>, vector<16xi32>,
    tpu.vector_store %arg13[%swap3A_613, %swap3A_614], %shift_right_arithmetic3A_611 {strides = array<i32>} : memref<4x128xi32, #tpu.memory_space<vmem>>, vector<16xi32>,
    %get3A_616 = arith.constant 3 : i32
    %get3A_617 = arith.index_cast %get3A_616 : i32 to index
    %get3A_618 = arith.constant 64 : index
    %get3A_619 = tpu.vector_load %arg10[%get3A_617, %get3A_618] {strides = array<i32>} : memref<4x128xi32, #tpu.memory_space<vmem>>, vector<16xi32>,
    %shift_right_arithmetic3A_620 = arith.constant 3 : i32
    %shift_right_arithmetic3A_621 = vector.broadcast %shift_right_arithmetic3A_620 : i32 to vector<16xi32>
    %shift_right_arithmetic3A_622 = arith.shrsi %get3A_619, %shift_right_arithmetic3A_621 : vector<16xi32>
    %swap3A_623 = arith.constant 3 : i32
    %swap3A_624 = arith.index_cast %swap3A_623 : i32 to index
    %swap3A_625 = arith.constant 64 : index
    %swap3A_626 = tpu.vector_load %arg12[%swap3A_624, %swap3A_625] {strides = array<i32>} : memref<4x128xi32, #tpu.memory_space<vmem>>, vector<16xi32>,
    tpu.vector_store %arg12[%swap3A_624, %swap3A_625], %shift_right_arithmetic3A_622 {strides = array<i32>} : memref<4x128xi32, #tpu.memory_space<vmem>>, vector<16xi32>,
    %get3A_627 = arith.constant 3 : i32
    %get3A_628 = arith.index_cast %get3A_627 : i32 to index
    %get3A_629 = arith.constant 64 : index
    %get3A_630 = tpu.vector_load %arg11[%get3A_628, %get3A_629] {strides = array<i32>} : memref<4x128xi32, #tpu.memory_space<vmem>>, vector<16xi32>,
    %shift_right_arithmetic3A_631 = arith.constant 3 : i32
    %shift_right_arithmetic3A_632 = vector.broadcast %shift_right_arithmetic3A_631 : i32 to vector<16xi32>
    %shift_right_arithmetic3A_633 = arith.shrsi %get3A_630, %shift_right_arithmetic3A_632 : vector<16xi32>
    %swap3A_634 = arith.constant 3 : i32
    %swap3A_635 = arith.index_cast %swap3A_634 : i32 to index
    %swap3A_636 = arith.constant 64 : index
    %swap3A_637 = tpu.vector_load %arg13[%swap3A_635, %swap3A_636] {strides = array<i32>} : memref<4x128xi32, #tpu.memory_space<vmem>>, vector<16xi32>,
    tpu.vector_store %arg13[%swap3A_635, %swap3A_636], %shift_right_arithmetic3A_633 {strides = array<i32>} : memref<4x128xi32, #tpu.memory_space<vmem>>, vector<16xi32>,
    %get3A_638 = arith.constant 3 : i32
    %get3A_639 = arith.index_cast %get3A_638 : i32 to index
    %get3A_640 = arith.constant 80 : index
    %get3A_641 = tpu.vector_load %arg10[%get3A_639, %get3A_640] {strides = array<i32>} : memref<4x128xi32, #tpu.memory_space<vmem>>, vector<16xi32>,
    %shift_right_arithmetic3A_642 = arith.constant 3 : i32
    %shift_right_arithmetic3A_643 = vector.broadcast %shift_right_arithmetic3A_642 : i32 to vector<16xi32>
    %shift_right_arithmetic3A_644 = arith.shrsi %get3A_641, %shift_right_arithmetic3A_643 : vector<16xi32>
    %swap3A_645 = arith.constant 3 : i32
    %swap3A_646 = arith.index_cast %swap3A_645 : i32 to index
    %swap3A_647 = arith.constant 80 : index
    %swap3A_648 = tpu.vector_load %arg12[%swap3A_646, %swap3A_647] {strides = array<i32>} : memref<4x128xi32, #tpu.memory_space<vmem>>, vector<16xi32>,
    tpu.vector_store %arg12[%swap3A_646, %swap3A_647], %shift_right_arithmetic3A_644 {strides = array<i32>} : memref<4x128xi32, #tpu.memory_space<vmem>>, vector<16xi32>,
    %get3A_649 = arith.constant 3 : i32
    %get3A_650 = arith.index_cast %get3A_649 : i32 to index
    %get3A_651 = arith.constant 80 : index
    %get3A_652 = tpu.vector_load %arg11[%get3A_650, %get3A_651] {strides = array<i32>} : memref<4x128xi32, #tpu.memory_space<vmem>>, vector<16xi32>,
    %shift_right_arithmetic3A_653 = arith.constant 3 : i32
    %shift_right_arithmetic3A_654 = vector.broadcast %shift_right_arithmetic3A_653 : i32 to vector<16xi32>
    %shift_right_arithmetic3A_655 = arith.shrsi %get3A_652, %shift_right_arithmetic3A_654 : vector<16xi32>
    %swap3A_656 = arith.constant 3 : i32
    %swap3A_657 = arith.index_cast %swap3A_656 : i32 to index
    %swap3A_658 = arith.constant 80 : index
    %swap3A_659 = tpu.vector_load %arg13[%swap3A_657, %swap3A_658] {strides = array<i32>} : memref<4x128xi32, #tpu.memory_space<vmem>>, vector<16xi32>,
    tpu.vector_store %arg13[%swap3A_657, %swap3A_658], %shift_right_arithmetic3A_655 {strides = array<i32>} : memref<4x128xi32, #tpu.memory_space<vmem>>, vector<16xi32>,
    %get3A_660 = arith.constant 3 : i32
    %get3A_661 = arith.index_cast %get3A_660 : i32 to index
    %get3A_662 = arith.constant 96 : index
    %get3A_663 = tpu.vector_load %arg10[%get3A_661, %get3A_662] {strides = array<i32>} : memref<4x128xi32, #tpu.memory_space<vmem>>, vector<16xi32>,
    %shift_right_arithmetic3A_664 = arith.constant 3 : i32
    %shift_right_arithmetic3A_665 = vector.broadcast %shift_right_arithmetic3A_664 : i32 to vector<16xi32>
    %shift_right_arithmetic3A_666 = arith.shrsi %get3A_663, %shift_right_arithmetic3A_665 : vector<16xi32>
    %swap3A_667 = arith.constant 3 : i32
    %swap3A_668 = arith.index_cast %swap3A_667 : i32 to index
    %swap3A_669 = arith.constant 96 : index
    %swap3A_670 = tpu.vector_load %arg12[%swap3A_668, %swap3A_669] {strides = array<i32>} : memref<4x128xi32, #tpu.memory_space<vmem>>, vector<16xi32>,
    tpu.vector_store %arg12[%swap3A_668, %swap3A_669], %shift_right_arithmetic3A_666 {strides = array<i32>} : memref<4x128xi32, #tpu.memory_space<vmem>>, vector<16xi32>,
    %get3A_671 = arith.constant 3 : i32
    %get3A_672 = arith.index_cast %get3A_671 : i32 to index
    %get3A_673 = arith.constant 96 : index
    %get3A_674 = tpu.vector_load %arg11[%get3A_672, %get3A_673] {strides = array<i32>} : memref<4x128xi32, #tpu.memory_space<vmem>>, vector<16xi32>,
    %shift_right_arithmetic3A_675 = arith.constant 3 : i32
    %shift_right_arithmetic3A_676 = vector.broadcast %shift_right_arithmetic3A_675 : i32 to vector<16xi32>
    %shift_right_arithmetic3A_677 = arith.shrsi %get3A_674, %shift_right_arithmetic3A_676 : vector<16xi32>
    %swap3A_678 = arith.constant 3 : i32
    %swap3A_679 = arith.index_cast %swap3A_678 : i32 to index
    %swap3A_680 = arith.constant 96 : index
    %swap3A_681 = tpu.vector_load %arg13[%swap3A_679, %swap3A_680] {strides = array<i32>} : memref<4x128xi32, #tpu.memory_space<vmem>>, vector<16xi32>,
    tpu.vector_store %arg13[%swap3A_679, %swap3A_680], %shift_right_arithmetic3A_677 {strides = array<i32>} : memref<4x128xi32, #tpu.memory_space<vmem>>, vector<16xi32>,
    %get3A_682 = arith.constant 3 : i32
    %get3A_683 = arith.index_cast %get3A_682 : i32 to index
    %get3A_684 = arith.constant 112 : index
    %get3A_685 = tpu.vector_load %arg10[%get3A_683, %get3A_684] {strides = array<i32>} : memref<4x128xi32, #tpu.memory_space<vmem>>, vector<16xi32>,
    %shift_right_arithmetic3A_686 = arith.constant 3 : i32
    %shift_right_arithmetic3A_687 = vector.broadcast %shift_right_arithmetic3A_686 : i32 to vector<16xi32>
    %shift_right_arithmetic3A_688 = arith.shrsi %get3A_685, %shift_right_arithmetic3A_687 : vector<16xi32>
    %swap3A_689 = arith.constant 3 : i32
    %swap3A_690 = arith.index_cast %swap3A_689 : i32 to index
    %swap3A_691 = arith.constant 112 : index
    %swap3A_692 = tpu.vector_load %arg12[%swap3A_690, %swap3A_691] {strides = array<i32>} : memref<4x128xi32, #tpu.memory_space<vmem>>, vector<16xi32>,
    tpu.vector_store %arg12[%swap3A_690, %swap3A_691], %shift_right_arithmetic3A_688 {strides = array<i32>} : memref<4x128xi32, #tpu.memory_space<vmem>>, vector<16xi32>,
    %get3A_693 = arith.constant 3 : i32
    %get3A_694 = arith.index_cast %get3A_693 : i32 to index
    %get3A_695 = arith.constant 112 : index
    %get3A_696 = tpu.vector_load %arg11[%get3A_694, %get3A_695] {strides = array<i32>} : memref<4x128xi32, #tpu.memory_space<vmem>>, vector<16xi32>,
    %shift_right_arithmetic3A_697 = arith.constant 3 : i32
    %shift_right_arithmetic3A_698 = vector.broadcast %shift_right_arithmetic3A_697 : i32 to vector<16xi32>
    %shift_right_arithmetic3A_699 = arith.shrsi %get3A_696, %shift_right_arithmetic3A_698 : vector<16xi32>
    %swap3A_700 = arith.constant 3 : i32
    %swap3A_701 = arith.index_cast %swap3A_700 : i32 to index
    %swap3A_702 = arith.constant 112 : index
    %swap3A_703 = tpu.vector_load %arg13[%swap3A_701, %swap3A_702] {strides = array<i32>} : memref<4x128xi32, #tpu.memory_space<vmem>>, vector<16xi32>,
    tpu.vector_store %arg13[%swap3A_701, %swap3A_702], %shift_right_arithmetic3A_699 {strides = array<i32>} : memref<4x128xi32, #tpu.memory_space<vmem>>, vector<16xi32>,
    %dma_start3A = arith.constant 0 : i32
    %dma_start3A_704 = arith.constant 0 : i32
    %dma_start3A_705 = arith.constant 0 : i32
    %dma_start3A_706 = arith.constant 0 : i32
    %dma_start3A_707 = tpu.memref_slice %arg14[%dma_start3A_704, %dma_start3A_705, %dma_start3A_706] : memref<4x128x8xf32, #tpu.memory_space<vmem>> -> memref<1x128x8xf32, #tpu.memory_space<vmem>>
    %dma_start3A_708 = tpu.memref_squeeze %dma_start3A_707 : memref<1x128x8xf32, #tpu.memory_space<vmem>> -> memref<128x8xf32, #tpu.memory_space<vmem>>
    %dma_start3A_709 = arith.constant 0 : i32
    %dma_start3A_710 = tpu.memref_slice %arg12[%dma_start3A, %dma_start3A_709] : memref<4x128xi32, #tpu.memory_space<vmem>> -> memref<1x128xi32, #tpu.memory_space<vmem>>
    %dma_start3A_711 = tpu.memref_squeeze %dma_start3A_710 : memref<1x128xi32, #tpu.memory_space<vmem>> -> memref<128xi32, #tpu.memory_space<vmem>>
    %dma_start3A_712 = arith.constant 0 : i32
    %dma_start3A_713 = arith.constant 0 : i32
    %dma_start3A_714 = tpu.memref_slice %arg4[%dma_start3A_712, %dma_start3A_713] : memref<125056x8xf32, #tpu.memory_space<hbm>> -> memref<125056x8xf32, #tpu.memory_space<hbm>>
    tpu.enqueue_indirect_dma source(%dma_start3A_714 : memref<125056x8xf32, #tpu.memory_space<hbm>>) target(%dma_start3A_708 : memref<128x8xf32, #tpu.memory_space<vmem>>) offsets(%dma_start3A_711 : memref<128xi32, #tpu.memory_space<vmem>>) semaphore(%arg20 : memref<!tpu.dma_semaphore, #tpu.memory_space<semaphore_mem>>)
    %dma_start3A_715 = arith.constant 0 : i32
    %dma_start3A_716 = arith.constant 0 : i32
    %dma_start3A_717 = arith.constant 0 : i32
    %dma_start3A_718 = arith.constant 0 : i32
    %dma_start3A_719 = tpu.memref_slice %arg15[%dma_start3A_716, %dma_start3A_717, %dma_start3A_718] : memref<4x128x8xf32, #tpu.memory_space<vmem>> -> memref<1x128x8xf32, #tpu.memory_space<vmem>>
    %dma_start3A_720 = tpu.memref_squeeze %dma_start3A_719 : memref<1x128x8xf32, #tpu.memory_space<vmem>> -> memref<128x8xf32, #tpu.memory_space<vmem>>
    %dma_start3A_721 = arith.constant 0 : i32
    %dma_start3A_722 = tpu.memref_slice %arg13[%dma_start3A_715, %dma_start3A_721] : memref<4x128xi32, #tpu.memory_space<vmem>> -> memref<1x128xi32, #tpu.memory_space<vmem>>
    %dma_start3A_723 = tpu.memref_squeeze %dma_start3A_722 : memref<1x128xi32, #tpu.memory_space<vmem>> -> memref<128xi32, #tpu.memory_space<vmem>>
    %dma_start3A_724 = arith.constant 0 : i32
    %dma_start3A_725 = arith.constant 0 : i32
    %dma_start3A_726 = tpu.memref_slice %arg5[%dma_start3A_724, %dma_start3A_725] : memref<12544x8xf32, #tpu.memory_space<hbm>> -> memref<12544x8xf32, #tpu.memory_space<hbm>>
    tpu.enqueue_indirect_dma source(%dma_start3A_726 : memref<12544x8xf32, #tpu.memory_space<hbm>>) target(%dma_start3A_720 : memref<128x8xf32, #tpu.memory_space<vmem>>) offsets(%dma_start3A_723 : memref<128xi32, #tpu.memory_space<vmem>>) semaphore(%arg20 : memref<!tpu.dma_semaphore, #tpu.memory_space<semaphore_mem>>)
    %dma_start3A_727 = arith.constant 0 : i32
    %dma_start3A_728 = arith.constant 0 : i32
    %dma_start3A_729 = arith.constant 0 : i32
    %dma_start3A_730 = arith.constant 0 : i32
    %dma_start3A_731 = tpu.memref_slice %arg16[%dma_start3A_728, %dma_start3A_729, %dma_start3A_730] : memref<4x128x8xf32, #tpu.memory_space<vmem>> -> memref<1x128x8xf32, #tpu.memory_space<vmem>>
    %dma_start3A_732 = tpu.memref_squeeze %dma_start3A_731 : memref<1x128x8xf32, #tpu.memory_space<vmem>> -> memref<128x8xf32, #tpu.memory_space<vmem>>
    %dma_start3A_733 = arith.constant 0 : i32
    %dma_start3A_734 = tpu.memref_slice %arg13[%dma_start3A_727, %dma_start3A_733] : memref<4x128xi32, #tpu.memory_space<vmem>> -> memref<1x128xi32, #tpu.memory_space<vmem>>
    %dma_start3A_735 = tpu.memref_squeeze %dma_start3A_734 : memref<1x128xi32, #tpu.memory_space<vmem>> -> memref<128xi32, #tpu.memory_space<vmem>>
    %dma_start3A_736 = arith.constant 0 : i32
    %dma_start3A_737 = arith.constant 0 : i32
    %dma_start3A_738 = tpu.memref_slice %arg6[%dma_start3A_736, %dma_start3A_737] : memref<12544x8xf32, #tpu.memory_space<hbm>> -> memref<12544x8xf32, #tpu.memory_space<hbm>>
    tpu.enqueue_indirect_dma source(%dma_start3A_738 : memref<12544x8xf32, #tpu.memory_space<hbm>>) target(%dma_start3A_732 : memref<128x8xf32, #tpu.memory_space<vmem>>) offsets(%dma_start3A_735 : memref<128xi32, #tpu.memory_space<vmem>>) semaphore(%arg20 : memref<!tpu.dma_semaphore, #tpu.memory_space<semaphore_mem>>)
    %dma_start3A_739 = arith.constant 1 : i32
    %dma_start3A_740 = arith.constant 1 : i32
    %dma_start3A_741 = arith.constant 0 : i32
    %dma_start3A_742 = arith.constant 0 : i32
    %dma_start3A_743 = tpu.memref_slice %arg14[%dma_start3A_740, %dma_start3A_741, %dma_start3A_742] : memref<4x128x8xf32, #tpu.memory_space<vmem>> -> memref<1x128x8xf32, #tpu.memory_space<vmem>>
    %dma_start3A_744 = tpu.memref_squeeze %dma_start3A_743 : memref<1x128x8xf32, #tpu.memory_space<vmem>> -> memref<128x8xf32, #tpu.memory_space<vmem>>
    %dma_start3A_745 = arith.constant 0 : i32
    %dma_start3A_746 = tpu.memref_slice %arg12[%dma_start3A_739, %dma_start3A_745] : memref<4x128xi32, #tpu.memory_space<vmem>> -> memref<1x128xi32, #tpu.memory_space<vmem>>
    %dma_start3A_747 = tpu.memref_squeeze %dma_start3A_746 : memref<1x128xi32, #tpu.memory_space<vmem>> -> memref<128xi32, #tpu.memory_space<vmem>>
    %dma_start3A_748 = arith.constant 0 : i32
    %dma_start3A_749 = arith.constant 0 : i32
    %dma_start3A_750 = tpu.memref_slice %arg4[%dma_start3A_748, %dma_start3A_749] : memref<125056x8xf32, #tpu.memory_space<hbm>> -> memref<125056x8xf32, #tpu.memory_space<hbm>>
    tpu.enqueue_indirect_dma source(%dma_start3A_750 : memref<125056x8xf32, #tpu.memory_space<hbm>>) target(%dma_start3A_744 : memref<128x8xf32, #tpu.memory_space<vmem>>) offsets(%dma_start3A_747 : memref<128xi32, #tpu.memory_space<vmem>>) semaphore(%arg20 : memref<!tpu.dma_semaphore, #tpu.memory_space<semaphore_mem>>)
    %dma_start3A_751 = arith.constant 1 : i32
    %dma_start3A_752 = arith.constant 1 : i32
    %dma_start3A_753 = arith.constant 0 : i32
    %dma_start3A_754 = arith.constant 0 : i32
    %dma_start3A_755 = tpu.memref_slice %arg15[%dma_start3A_752, %dma_start3A_753, %dma_start3A_754] : memref<4x128x8xf32, #tpu.memory_space<vmem>> -> memref<1x128x8xf32, #tpu.memory_space<vmem>>
    %dma_start3A_756 = tpu.memref_squeeze %dma_start3A_755 : memref<1x128x8xf32, #tpu.memory_space<vmem>> -> memref<128x8xf32, #tpu.memory_space<vmem>>
    %dma_start3A_757 = arith.constant 0 : i32
    %dma_start3A_758 = tpu.memref_slice %arg13[%dma_start3A_751, %dma_start3A_757] : memref<4x128xi32, #tpu.memory_space<vmem>> -> memref<1x128xi32, #tpu.memory_space<vmem>>
    %dma_start3A_759 = tpu.memref_squeeze %dma_start3A_758 : memref<1x128xi32, #tpu.memory_space<vmem>> -> memref<128xi32, #tpu.memory_space<vmem>>
    %dma_start3A_760 = arith.constant 0 : i32
    %dma_start3A_761 = arith.constant 0 : i32
    %dma_start3A_762 = tpu.memref_slice %arg5[%dma_start3A_760, %dma_start3A_761] : memref<12544x8xf32, #tpu.memory_space<hbm>> -> memref<12544x8xf32, #tpu.memory_space<hbm>>
    tpu.enqueue_indirect_dma source(%dma_start3A_762 : memref<12544x8xf32, #tpu.memory_space<hbm>>) target(%dma_start3A_756 : memref<128x8xf32, #tpu.memory_space<vmem>>) offsets(%dma_start3A_759 : memref<128xi32, #tpu.memory_space<vmem>>) semaphore(%arg20 : memref<!tpu.dma_semaphore, #tpu.memory_space<semaphore_mem>>)
    %dma_start3A_763 = arith.constant 1 : i32
    %dma_start3A_764 = arith.constant 1 : i32
    %dma_start3A_765 = arith.constant 0 : i32
    %dma_start3A_766 = arith.constant 0 : i32
    %dma_start3A_767 = tpu.memref_slice %arg16[%dma_start3A_764, %dma_start3A_765, %dma_start3A_766] : memref<4x128x8xf32, #tpu.memory_space<vmem>> -> memref<1x128x8xf32, #tpu.memory_space<vmem>>
    %dma_start3A_768 = tpu.memref_squeeze %dma_start3A_767 : memref<1x128x8xf32, #tpu.memory_space<vmem>> -> memref<128x8xf32, #tpu.memory_space<vmem>>
    %dma_start3A_769 = arith.constant 0 : i32
    %dma_start3A_770 = tpu.memref_slice %arg13[%dma_start3A_763, %dma_start3A_769] : memref<4x128xi32, #tpu.memory_space<vmem>> -> memref<1x128xi32, #tpu.memory_space<vmem>>
    %dma_start3A_771 = tpu.memref_squeeze %dma_start3A_770 : memref<1x128xi32, #tpu.memory_space<vmem>> -> memref<128xi32, #tpu.memory_space<vmem>>
    %dma_start3A_772 = arith.constant 0 : i32
    %dma_start3A_773 = arith.constant 0 : i32
    %dma_start3A_774 = tpu.memref_slice %arg6[%dma_start3A_772, %dma_start3A_773] : memref<12544x8xf32, #tpu.memory_space<hbm>> -> memref<12544x8xf32, #tpu.memory_space<hbm>>
    tpu.enqueue_indirect_dma source(%dma_start3A_774 : memref<12544x8xf32, #tpu.memory_space<hbm>>) target(%dma_start3A_768 : memref<128x8xf32, #tpu.memory_space<vmem>>) offsets(%dma_start3A_771 : memref<128xi32, #tpu.memory_space<vmem>>) semaphore(%arg20 : memref<!tpu.dma_semaphore, #tpu.memory_space<semaphore_mem>>)
    %dma_start3A_775 = arith.constant 2 : i32
    %dma_start3A_776 = arith.constant 2 : i32
    %dma_start3A_777 = arith.constant 0 : i32
    %dma_start3A_778 = arith.constant 0 : i32
    %dma_start3A_779 = tpu.memref_slice %arg14[%dma_start3A_776, %dma_start3A_777, %dma_start3A_778] : memref<4x128x8xf32, #tpu.memory_space<vmem>> -> memref<1x128x8xf32, #tpu.memory_space<vmem>>
    %dma_start3A_780 = tpu.memref_squeeze %dma_start3A_779 : memref<1x128x8xf32, #tpu.memory_space<vmem>> -> memref<128x8xf32, #tpu.memory_space<vmem>>
    %dma_start3A_781 = arith.constant 0 : i32
    %dma_start3A_782 = tpu.memref_slice %arg12[%dma_start3A_775, %dma_start3A_781] : memref<4x128xi32, #tpu.memory_space<vmem>> -> memref<1x128xi32, #tpu.memory_space<vmem>>
    %dma_start3A_783 = tpu.memref_squeeze %dma_start3A_782 : memref<1x128xi32, #tpu.memory_space<vmem>> -> memref<128xi32, #tpu.memory_space<vmem>>
    %dma_start3A_784 = arith.constant 0 : i32
    %dma_start3A_785 = arith.constant 0 : i32
    %dma_start3A_786 = tpu.memref_slice %arg4[%dma_start3A_784, %dma_start3A_785] : memref<125056x8xf32, #tpu.memory_space<hbm>> -> memref<125056x8xf32, #tpu.memory_space<hbm>>
    tpu.enqueue_indirect_dma source(%dma_start3A_786 : memref<125056x8xf32, #tpu.memory_space<hbm>>) target(%dma_start3A_780 : memref<128x8xf32, #tpu.memory_space<vmem>>) offsets(%dma_start3A_783 : memref<128xi32, #tpu.memory_space<vmem>>) semaphore(%arg20 : memref<!tpu.dma_semaphore, #tpu.memory_space<semaphore_mem>>)
    %dma_start3A_787 = arith.constant 2 : i32
    %dma_start3A_788 = arith.constant 2 : i32
    %dma_start3A_789 = arith.constant 0 : i32
    %dma_start3A_790 = arith.constant 0 : i32
    %dma_start3A_791 = tpu.memref_slice %arg15[%dma_start3A_788, %dma_start3A_789, %dma_start3A_790] : memref<4x128x8xf32, #tpu.memory_space<vmem>> -> memref<1x128x8xf32, #tpu.memory_space<vmem>>
    %dma_start3A_792 = tpu.memref_squeeze %dma_start3A_791 : memref<1x128x8xf32, #tpu.memory_space<vmem>> -> memref<128x8xf32, #tpu.memory_space<vmem>>
    %dma_start3A_793 = arith.constant 0 : i32
    %dma_start3A_794 = tpu.memref_slice %arg13[%dma_start3A_787, %dma_start3A_793] : memref<4x128xi32, #tpu.memory_space<vmem>> -> memref<1x128xi32, #tpu.memory_space<vmem>>
    %dma_start3A_795 = tpu.memref_squeeze %dma_start3A_794 : memref<1x128xi32, #tpu.memory_space<vmem>> -> memref<128xi32, #tpu.memory_space<vmem>>
    %dma_start3A_796 = arith.constant 0 : i32
    %dma_start3A_797 = arith.constant 0 : i32
    %dma_start3A_798 = tpu.memref_slice %arg5[%dma_start3A_796, %dma_start3A_797] : memref<12544x8xf32, #tpu.memory_space<hbm>> -> memref<12544x8xf32, #tpu.memory_space<hbm>>
    tpu.enqueue_indirect_dma source(%dma_start3A_798 : memref<12544x8xf32, #tpu.memory_space<hbm>>) target(%dma_start3A_792 : memref<128x8xf32, #tpu.memory_space<vmem>>) offsets(%dma_start3A_795 : memref<128xi32, #tpu.memory_space<vmem>>) semaphore(%arg20 : memref<!tpu.dma_semaphore, #tpu.memory_space<semaphore_mem>>)
    %dma_start3A_799 = arith.constant 2 : i32
    %dma_start3A_800 = arith.constant 2 : i32
    %dma_start3A_801 = arith.constant 0 : i32
    %dma_start3A_802 = arith.constant 0 : i32
    %dma_start3A_803 = tpu.memref_slice %arg16[%dma_start3A_800, %dma_start3A_801, %dma_start3A_802] : memref<4x128x8xf32, #tpu.memory_space<vmem>> -> memref<1x128x8xf32, #tpu.memory_space<vmem>>
    %dma_start3A_804 = tpu.memref_squeeze %dma_start3A_803 : memref<1x128x8xf32, #tpu.memory_space<vmem>> -> memref<128x8xf32, #tpu.memory_space<vmem>>
    %dma_start3A_805 = arith.constant 0 : i32
    %dma_start3A_806 = tpu.memref_slice %arg13[%dma_start3A_799, %dma_start3A_805] : memref<4x128xi32, #tpu.memory_space<vmem>> -> memref<1x128xi32, #tpu.memory_space<vmem>>
    %dma_start3A_807 = tpu.memref_squeeze %dma_start3A_806 : memref<1x128xi32, #tpu.memory_space<vmem>> -> memref<128xi32, #tpu.memory_space<vmem>>
    %dma_start3A_808 = arith.constant 0 : i32
    %dma_start3A_809 = arith.constant 0 : i32
    %dma_start3A_810 = tpu.memref_slice %arg6[%dma_start3A_808, %dma_start3A_809] : memref<12544x8xf32, #tpu.memory_space<hbm>> -> memref<12544x8xf32, #tpu.memory_space<hbm>>
    tpu.enqueue_indirect_dma source(%dma_start3A_810 : memref<12544x8xf32, #tpu.memory_space<hbm>>) target(%dma_start3A_804 : memref<128x8xf32, #tpu.memory_space<vmem>>) offsets(%dma_start3A_807 : memref<128xi32, #tpu.memory_space<vmem>>) semaphore(%arg20 : memref<!tpu.dma_semaphore, #tpu.memory_space<semaphore_mem>>)
    %dma_start3A_811 = arith.constant 3 : i32
    %dma_start3A_812 = arith.constant 3 : i32
    %dma_start3A_813 = arith.constant 0 : i32
    %dma_start3A_814 = arith.constant 0 : i32
    %dma_start3A_815 = tpu.memref_slice %arg14[%dma_start3A_812, %dma_start3A_813, %dma_start3A_814] : memref<4x128x8xf32, #tpu.memory_space<vmem>> -> memref<1x128x8xf32, #tpu.memory_space<vmem>>
    %dma_start3A_816 = tpu.memref_squeeze %dma_start3A_815 : memref<1x128x8xf32, #tpu.memory_space<vmem>> -> memref<128x8xf32, #tpu.memory_space<vmem>>
    %dma_start3A_817 = arith.constant 0 : i32
    %dma_start3A_818 = tpu.memref_slice %arg12[%dma_start3A_811, %dma_start3A_817] : memref<4x128xi32, #tpu.memory_space<vmem>> -> memref<1x128xi32, #tpu.memory_space<vmem>>
    %dma_start3A_819 = tpu.memref_squeeze %dma_start3A_818 : memref<1x128xi32, #tpu.memory_space<vmem>> -> memref<128xi32, #tpu.memory_space<vmem>>
    %dma_start3A_820 = arith.constant 0 : i32
    %dma_start3A_821 = arith.constant 0 : i32
    %dma_start3A_822 = tpu.memref_slice %arg4[%dma_start3A_820, %dma_start3A_821] : memref<125056x8xf32, #tpu.memory_space<hbm>> -> memref<125056x8xf32, #tpu.memory_space<hbm>>
    tpu.enqueue_indirect_dma source(%dma_start3A_822 : memref<125056x8xf32, #tpu.memory_space<hbm>>) target(%dma_start3A_816 : memref<128x8xf32, #tpu.memory_space<vmem>>) offsets(%dma_start3A_819 : memref<128xi32, #tpu.memory_space<vmem>>) semaphore(%arg20 : memref<!tpu.dma_semaphore, #tpu.memory_space<semaphore_mem>>)
    %dma_start3A_823 = arith.constant 3 : i32
    %dma_start3A_824 = arith.constant 3 : i32
    %dma_start3A_825 = arith.constant 0 : i32
    %dma_start3A_826 = arith.constant 0 : i32
    %dma_start3A_827 = tpu.memref_slice %arg15[%dma_start3A_824, %dma_start3A_825, %dma_start3A_826] : memref<4x128x8xf32, #tpu.memory_space<vmem>> -> memref<1x128x8xf32, #tpu.memory_space<vmem>>
    %dma_start3A_828 = tpu.memref_squeeze %dma_start3A_827 : memref<1x128x8xf32, #tpu.memory_space<vmem>> -> memref<128x8xf32, #tpu.memory_space<vmem>>
    %dma_start3A_829 = arith.constant 0 : i32
    %dma_start3A_830 = tpu.memref_slice %arg13[%dma_start3A_823, %dma_start3A_829] : memref<4x128xi32, #tpu.memory_space<vmem>> -> memref<1x128xi32, #tpu.memory_space<vmem>>
    %dma_start3A_831 = tpu.memref_squeeze %dma_start3A_830 : memref<1x128xi32, #tpu.memory_space<vmem>> -> memref<128xi32, #tpu.memory_space<vmem>>
    %dma_start3A_832 = arith.constant 0 : i32
    %dma_start3A_833 = arith.constant 0 : i32
    %dma_start3A_834 = tpu.memref_slice %arg5[%dma_start3A_832, %dma_start3A_833] : memref<12544x8xf32, #tpu.memory_space<hbm>> -> memref<12544x8xf32, #tpu.memory_space<hbm>>
    tpu.enqueue_indirect_dma source(%dma_start3A_834 : memref<12544x8xf32, #tpu.memory_space<hbm>>) target(%dma_start3A_828 : memref<128x8xf32, #tpu.memory_space<vmem>>) offsets(%dma_start3A_831 : memref<128xi32, #tpu.memory_space<vmem>>) semaphore(%arg20 : memref<!tpu.dma_semaphore, #tpu.memory_space<semaphore_mem>>)
    %dma_start3A_835 = arith.constant 3 : i32
    %dma_start3A_836 = arith.constant 3 : i32
    %dma_start3A_837 = arith.constant 0 : i32
    %dma_start3A_838 = arith.constant 0 : i32
    %dma_start3A_839 = tpu.memref_slice %arg16[%dma_start3A_836, %dma_start3A_837, %dma_start3A_838] : memref<4x128x8xf32, #tpu.memory_space<vmem>> -> memref<1x128x8xf32, #tpu.memory_space<vmem>>
    %dma_start3A_840 = tpu.memref_squeeze %dma_start3A_839 : memref<1x128x8xf32, #tpu.memory_space<vmem>> -> memref<128x8xf32, #tpu.memory_space<vmem>>
    %dma_start3A_841 = arith.constant 0 : i32
    %dma_start3A_842 = tpu.memref_slice %arg13[%dma_start3A_835, %dma_start3A_841] : memref<4x128xi32, #tpu.memory_space<vmem>> -> memref<1x128xi32, #tpu.memory_space<vmem>>
    %dma_start3A_843 = tpu.memref_squeeze %dma_start3A_842 : memref<1x128xi32, #tpu.memory_space<vmem>> -> memref<128xi32, #tpu.memory_space<vmem>>
    %dma_start3A_844 = arith.constant 0 : i32
    %dma_start3A_845 = arith.constant 0 : i32
    %dma_start3A_846 = tpu.memref_slice %arg6[%dma_start3A_844, %dma_start3A_845] : memref<12544x8xf32, #tpu.memory_space<hbm>> -> memref<12544x8xf32, #tpu.memory_space<hbm>>
    tpu.enqueue_indirect_dma source(%dma_start3A_846 : memref<12544x8xf32, #tpu.memory_space<hbm>>) target(%dma_start3A_840 : memref<128x8xf32, #tpu.memory_space<vmem>>) offsets(%dma_start3A_843 : memref<128xi32, #tpu.memory_space<vmem>>) semaphore(%arg20 : memref<!tpu.dma_semaphore, #tpu.memory_space<semaphore_mem>>)
    %dma_wait3A = arith.constant 0 : i32
    %dma_wait3A_847 = arith.constant 0 : i32
    %dma_wait3A_848 = arith.constant 0 : i32
    %dma_wait3A_849 = arith.constant 0 : i32
    %dma_wait3A_850 = tpu.memref_slice %arg14[%dma_wait3A_847, %dma_wait3A_848, %dma_wait3A_849] : memref<4x128x8xf32, #tpu.memory_space<vmem>> -> memref<1x128x8xf32, #tpu.memory_space<vmem>>
    %dma_wait3A_851 = tpu.memref_squeeze %dma_wait3A_850 : memref<1x128x8xf32, #tpu.memory_space<vmem>> -> memref<128x8xf32, #tpu.memory_space<vmem>>
    %dma_wait3A_852 = arith.constant 0 : i32
    %dma_wait3A_853 = tpu.memref_slice %arg12[%dma_wait3A, %dma_wait3A_852] : memref<4x128xi32, #tpu.memory_space<vmem>> -> memref<1x128xi32, #tpu.memory_space<vmem>>
    %dma_wait3A_854 = tpu.memref_squeeze %dma_wait3A_853 : memref<1x128xi32, #tpu.memory_space<vmem>> -> memref<128xi32, #tpu.memory_space<vmem>>
    %dma_wait3A_855 = arith.constant 0 : i32
    %dma_wait3A_856 = arith.constant 0 : i32
    %dma_wait3A_857 = tpu.memref_slice %arg4[%dma_wait3A_855, %dma_wait3A_856] : memref<125056x8xf32, #tpu.memory_space<hbm>> -> memref<125056x8xf32, #tpu.memory_space<hbm>>
    tpu.wait_indirect_dma semaphore(%arg20 : memref<!tpu.dma_semaphore, #tpu.memory_space<semaphore_mem>>) src(%dma_wait3A_857 : memref<125056x8xf32, #tpu.memory_space<hbm>>) dst(%dma_wait3A_851 : memref<128x8xf32, #tpu.memory_space<vmem>>)
    %dma_wait3A_858 = arith.constant 0 : i32
    %dma_wait3A_859 = arith.constant 0 : i32
    %dma_wait3A_860 = arith.constant 0 : i32
    %dma_wait3A_861 = arith.constant 0 : i32
    %dma_wait3A_862 = tpu.memref_slice %arg15[%dma_wait3A_859, %dma_wait3A_860, %dma_wait3A_861] : memref<4x128x8xf32, #tpu.memory_space<vmem>> -> memref<1x128x8xf32, #tpu.memory_space<vmem>>
    %dma_wait3A_863 = tpu.memref_squeeze %dma_wait3A_862 : memref<1x128x8xf32, #tpu.memory_space<vmem>> -> memref<128x8xf32, #tpu.memory_space<vmem>>
    %dma_wait3A_864 = arith.constant 0 : i32
    %dma_wait3A_865 = tpu.memref_slice %arg13[%dma_wait3A_858, %dma_wait3A_864] : memref<4x128xi32, #tpu.memory_space<vmem>> -> memref<1x128xi32, #tpu.memory_space<vmem>>
    %dma_wait3A_866 = tpu.memref_squeeze %dma_wait3A_865 : memref<1x128xi32, #tpu.memory_space<vmem>> -> memref<128xi32, #tpu.memory_space<vmem>>
    %dma_wait3A_867 = arith.constant 0 : i32
    %dma_wait3A_868 = arith.constant 0 : i32
    %dma_wait3A_869 = tpu.memref_slice %arg5[%dma_wait3A_867, %dma_wait3A_868] : memref<12544x8xf32, #tpu.memory_space<hbm>> -> memref<12544x8xf32, #tpu.memory_space<hbm>>
    tpu.wait_indirect_dma semaphore(%arg20 : memref<!tpu.dma_semaphore, #tpu.memory_space<semaphore_mem>>) src(%dma_wait3A_869 : memref<12544x8xf32, #tpu.memory_space<hbm>>) dst(%dma_wait3A_863 : memref<128x8xf32, #tpu.memory_space<vmem>>)
    %dma_wait3A_870 = arith.constant 0 : i32
    %dma_wait3A_871 = arith.constant 0 : i32
    %dma_wait3A_872 = arith.constant 0 : i32
    %dma_wait3A_873 = arith.constant 0 : i32
    %dma_wait3A_874 = tpu.memref_slice %arg16[%dma_wait3A_871, %dma_wait3A_872, %dma_wait3A_873] : memref<4x128x8xf32, #tpu.memory_space<vmem>> -> memref<1x128x8xf32, #tpu.memory_space<vmem>>
    %dma_wait3A_875 = tpu.memref_squeeze %dma_wait3A_874 : memref<1x128x8xf32, #tpu.memory_space<vmem>> -> memref<128x8xf32, #tpu.memory_space<vmem>>
    %dma_wait3A_876 = arith.constant 0 : i32
    %dma_wait3A_877 = tpu.memref_slice %arg13[%dma_wait3A_870, %dma_wait3A_876] : memref<4x128xi32, #tpu.memory_space<vmem>> -> memref<1x128xi32, #tpu.memory_space<vmem>>
    %dma_wait3A_878 = tpu.memref_squeeze %dma_wait3A_877 : memref<1x128xi32, #tpu.memory_space<vmem>> -> memref<128xi32, #tpu.memory_space<vmem>>
    %dma_wait3A_879 = arith.constant 0 : i32
    %dma_wait3A_880 = arith.constant 0 : i32
    %dma_wait3A_881 = tpu.memref_slice %arg6[%dma_wait3A_879, %dma_wait3A_880] : memref<12544x8xf32, #tpu.memory_space<hbm>> -> memref<12544x8xf32, #tpu.memory_space<hbm>>
    tpu.wait_indirect_dma semaphore(%arg20 : memref<!tpu.dma_semaphore, #tpu.memory_space<semaphore_mem>>) src(%dma_wait3A_881 : memref<12544x8xf32, #tpu.memory_space<hbm>>) dst(%dma_wait3A_875 : memref<128x8xf32, #tpu.memory_space<vmem>>)
    %dma_wait3A_882 = arith.constant 1 : i32
    %dma_wait3A_883 = arith.constant 1 : i32
    %dma_wait3A_884 = arith.constant 0 : i32
    %dma_wait3A_885 = arith.constant 0 : i32
    %dma_wait3A_886 = tpu.memref_slice %arg14[%dma_wait3A_883, %dma_wait3A_884, %dma_wait3A_885] : memref<4x128x8xf32, #tpu.memory_space<vmem>> -> memref<1x128x8xf32, #tpu.memory_space<vmem>>
    %dma_wait3A_887 = tpu.memref_squeeze %dma_wait3A_886 : memref<1x128x8xf32, #tpu.memory_space<vmem>> -> memref<128x8xf32, #tpu.memory_space<vmem>>
    %dma_wait3A_888 = arith.constant 0 : i32
    %dma_wait3A_889 = tpu.memref_slice %arg12[%dma_wait3A_882, %dma_wait3A_888] : memref<4x128xi32, #tpu.memory_space<vmem>> -> memref<1x128xi32, #tpu.memory_space<vmem>>
    %dma_wait3A_890 = tpu.memref_squeeze %dma_wait3A_889 : memref<1x128xi32, #tpu.memory_space<vmem>> -> memref<128xi32, #tpu.memory_space<vmem>>
    %dma_wait3A_891 = arith.constant 0 : i32
    %dma_wait3A_892 = arith.constant 0 : i32
    %dma_wait3A_893 = tpu.memref_slice %arg4[%dma_wait3A_891, %dma_wait3A_892] : memref<125056x8xf32, #tpu.memory_space<hbm>> -> memref<125056x8xf32, #tpu.memory_space<hbm>>
    tpu.wait_indirect_dma semaphore(%arg20 : memref<!tpu.dma_semaphore, #tpu.memory_space<semaphore_mem>>) src(%dma_wait3A_893 : memref<125056x8xf32, #tpu.memory_space<hbm>>) dst(%dma_wait3A_887 : memref<128x8xf32, #tpu.memory_space<vmem>>)
    %dma_wait3A_894 = arith.constant 1 : i32
    %dma_wait3A_895 = arith.constant 1 : i32
    %dma_wait3A_896 = arith.constant 0 : i32
    %dma_wait3A_897 = arith.constant 0 : i32
    %dma_wait3A_898 = tpu.memref_slice %arg15[%dma_wait3A_895, %dma_wait3A_896, %dma_wait3A_897] : memref<4x128x8xf32, #tpu.memory_space<vmem>> -> memref<1x128x8xf32, #tpu.memory_space<vmem>>
    %dma_wait3A_899 = tpu.memref_squeeze %dma_wait3A_898 : memref<1x128x8xf32, #tpu.memory_space<vmem>> -> memref<128x8xf32, #tpu.memory_space<vmem>>
    %dma_wait3A_900 = arith.constant 0 : i32
    %dma_wait3A_901 = tpu.memref_slice %arg13[%dma_wait3A_894, %dma_wait3A_900] : memref<4x128xi32, #tpu.memory_space<vmem>> -> memref<1x128xi32, #tpu.memory_space<vmem>>
    %dma_wait3A_902 = tpu.memref_squeeze %dma_wait3A_901 : memref<1x128xi32, #tpu.memory_space<vmem>> -> memref<128xi32, #tpu.memory_space<vmem>>
    %dma_wait3A_903 = arith.constant 0 : i32
    %dma_wait3A_904 = arith.constant 0 : i32
    %dma_wait3A_905 = tpu.memref_slice %arg5[%dma_wait3A_903, %dma_wait3A_904] : memref<12544x8xf32, #tpu.memory_space<hbm>> -> memref<12544x8xf32, #tpu.memory_space<hbm>>
    tpu.wait_indirect_dma semaphore(%arg20 : memref<!tpu.dma_semaphore, #tpu.memory_space<semaphore_mem>>) src(%dma_wait3A_905 : memref<12544x8xf32, #tpu.memory_space<hbm>>) dst(%dma_wait3A_899 : memref<128x8xf32, #tpu.memory_space<vmem>>)
    %dma_wait3A_906 = arith.constant 1 : i32
    %dma_wait3A_907 = arith.constant 1 : i32
    %dma_wait3A_908 = arith.constant 0 : i32
    %dma_wait3A_909 = arith.constant 0 : i32
    %dma_wait3A_910 = tpu.memref_slice %arg16[%dma_wait3A_907, %dma_wait3A_908, %dma_wait3A_909] : memref<4x128x8xf32, #tpu.memory_space<vmem>> -> memref<1x128x8xf32, #tpu.memory_space<vmem>>
    %dma_wait3A_911 = tpu.memref_squeeze %dma_wait3A_910 : memref<1x128x8xf32, #tpu.memory_space<vmem>> -> memref<128x8xf32, #tpu.memory_space<vmem>>
    %dma_wait3A_912 = arith.constant 0 : i32
    %dma_wait3A_913 = tpu.memref_slice %arg13[%dma_wait3A_906, %dma_wait3A_912] : memref<4x128xi32, #tpu.memory_space<vmem>> -> memref<1x128xi32, #tpu.memory_space<vmem>>
    %dma_wait3A_914 = tpu.memref_squeeze %dma_wait3A_913 : memref<1x128xi32, #tpu.memory_space<vmem>> -> memref<128xi32, #tpu.memory_space<vmem>>
    %dma_wait3A_915 = arith.constant 0 : i32
    %dma_wait3A_916 = arith.constant 0 : i32
    %dma_wait3A_917 = tpu.memref_slice %arg6[%dma_wait3A_915, %dma_wait3A_916] : memref<12544x8xf32, #tpu.memory_space<hbm>> -> memref<12544x8xf32, #tpu.memory_space<hbm>>
    tpu.wait_indirect_dma semaphore(%arg20 : memref<!tpu.dma_semaphore, #tpu.memory_space<semaphore_mem>>) src(%dma_wait3A_917 : memref<12544x8xf32, #tpu.memory_space<hbm>>) dst(%dma_wait3A_911 : memref<128x8xf32, #tpu.memory_space<vmem>>)
    %dma_wait3A_918 = arith.constant 2 : i32
    %dma_wait3A_919 = arith.constant 2 : i32
    %dma_wait3A_920 = arith.constant 0 : i32
    %dma_wait3A_921 = arith.constant 0 : i32
    %dma_wait3A_922 = tpu.memref_slice %arg14[%dma_wait3A_919, %dma_wait3A_920, %dma_wait3A_921] : memref<4x128x8xf32, #tpu.memory_space<vmem>> -> memref<1x128x8xf32, #tpu.memory_space<vmem>>
    %dma_wait3A_923 = tpu.memref_squeeze %dma_wait3A_922 : memref<1x128x8xf32, #tpu.memory_space<vmem>> -> memref<128x8xf32, #tpu.memory_space<vmem>>
    %dma_wait3A_924 = arith.constant 0 : i32
    %dma_wait3A_925 = tpu.memref_slice %arg12[%dma_wait3A_918, %dma_wait3A_924] : memref<4x128xi32, #tpu.memory_space<vmem>> -> memref<1x128xi32, #tpu.memory_space<vmem>>
    %dma_wait3A_926 = tpu.memref_squeeze %dma_wait3A_925 : memref<1x128xi32, #tpu.memory_space<vmem>> -> memref<128xi32, #tpu.memory_space<vmem>>
    %dma_wait3A_927 = arith.constant 0 : i32
    %dma_wait3A_928 = arith.constant 0 : i32
    %dma_wait3A_929 = tpu.memref_slice %arg4[%dma_wait3A_927, %dma_wait3A_928] : memref<125056x8xf32, #tpu.memory_space<hbm>> -> memref<125056x8xf32, #tpu.memory_space<hbm>>
    tpu.wait_indirect_dma semaphore(%arg20 : memref<!tpu.dma_semaphore, #tpu.memory_space<semaphore_mem>>) src(%dma_wait3A_929 : memref<125056x8xf32, #tpu.memory_space<hbm>>) dst(%dma_wait3A_923 : memref<128x8xf32, #tpu.memory_space<vmem>>)
    %dma_wait3A_930 = arith.constant 2 : i32
    %dma_wait3A_931 = arith.constant 2 : i32
    %dma_wait3A_932 = arith.constant 0 : i32
    %dma_wait3A_933 = arith.constant 0 : i32
    %dma_wait3A_934 = tpu.memref_slice %arg15[%dma_wait3A_931, %dma_wait3A_932, %dma_wait3A_933] : memref<4x128x8xf32, #tpu.memory_space<vmem>> -> memref<1x128x8xf32, #tpu.memory_space<vmem>>
    %dma_wait3A_935 = tpu.memref_squeeze %dma_wait3A_934 : memref<1x128x8xf32, #tpu.memory_space<vmem>> -> memref<128x8xf32, #tpu.memory_space<vmem>>
    %dma_wait3A_936 = arith.constant 0 : i32
    %dma_wait3A_937 = tpu.memref_slice %arg13[%dma_wait3A_930, %dma_wait3A_936] : memref<4x128xi32, #tpu.memory_space<vmem>> -> memref<1x128xi32, #tpu.memory_space<vmem>>
    %dma_wait3A_938 = tpu.memref_squeeze %dma_wait3A_937 : memref<1x128xi32, #tpu.memory_space<vmem>> -> memref<128xi32, #tpu.memory_space<vmem>>
    %dma_wait3A_939 = arith.constant 0 : i32
    %dma_wait3A_940 = arith.constant 0 : i32
    %dma_wait3A_941 = tpu.memref_slice %arg5[%dma_wait3A_939, %dma_wait3A_940] : memref<12544x8xf32, #tpu.memory_space<hbm>> -> memref<12544x8xf32, #tpu.memory_space<hbm>>
    tpu.wait_indirect_dma semaphore(%arg20 : memref<!tpu.dma_semaphore, #tpu.memory_space<semaphore_mem>>) src(%dma_wait3A_941 : memref<12544x8xf32, #tpu.memory_space<hbm>>) dst(%dma_wait3A_935 : memref<128x8xf32, #tpu.memory_space<vmem>>)
    %dma_wait3A_942 = arith.constant 2 : i32
    %dma_wait3A_943 = arith.constant 2 : i32
    %dma_wait3A_944 = arith.constant 0 : i32
    %dma_wait3A_945 = arith.constant 0 : i32
    %dma_wait3A_946 = tpu.memref_slice %arg16[%dma_wait3A_943, %dma_wait3A_944, %dma_wait3A_945] : memref<4x128x8xf32, #tpu.memory_space<vmem>> -> memref<1x128x8xf32, #tpu.memory_space<vmem>>
    %dma_wait3A_947 = tpu.memref_squeeze %dma_wait3A_946 : memref<1x128x8xf32, #tpu.memory_space<vmem>> -> memref<128x8xf32, #tpu.memory_space<vmem>>
    %dma_wait3A_948 = arith.constant 0 : i32
    %dma_wait3A_949 = tpu.memref_slice %arg13[%dma_wait3A_942, %dma_wait3A_948] : memref<4x128xi32, #tpu.memory_space<vmem>> -> memref<1x128xi32, #tpu.memory_space<vmem>>
    %dma_wait3A_950 = tpu.memref_squeeze %dma_wait3A_949 : memref<1x128xi32, #tpu.memory_space<vmem>> -> memref<128xi32, #tpu.memory_space<vmem>>
    %dma_wait3A_951 = arith.constant 0 : i32
    %dma_wait3A_952 = arith.constant 0 : i32
    %dma_wait3A_953 = tpu.memref_slice %arg6[%dma_wait3A_951, %dma_wait3A_952] : memref<12544x8xf32, #tpu.memory_space<hbm>> -> memref<12544x8xf32, #tpu.memory_space<hbm>>
    tpu.wait_indirect_dma semaphore(%arg20 : memref<!tpu.dma_semaphore, #tpu.memory_space<semaphore_mem>>) src(%dma_wait3A_953 : memref<12544x8xf32, #tpu.memory_space<hbm>>) dst(%dma_wait3A_947 : memref<128x8xf32, #tpu.memory_space<vmem>>)
    %dma_wait3A_954 = arith.constant 3 : i32
    %dma_wait3A_955 = arith.constant 3 : i32
    %dma_wait3A_956 = arith.constant 0 : i32
    %dma_wait3A_957 = arith.constant 0 : i32
    %dma_wait3A_958 = tpu.memref_slice %arg14[%dma_wait3A_955, %dma_wait3A_956, %dma_wait3A_957] : memref<4x128x8xf32, #tpu.memory_space<vmem>> -> memref<1x128x8xf32, #tpu.memory_space<vmem>>
    %dma_wait3A_959 = tpu.memref_squeeze %dma_wait3A_958 : memref<1x128x8xf32, #tpu.memory_space<vmem>> -> memref<128x8xf32, #tpu.memory_space<vmem>>
    %dma_wait3A_960 = arith.constant 0 : i32
    %dma_wait3A_961 = tpu.memref_slice %arg12[%dma_wait3A_954, %dma_wait3A_960] : memref<4x128xi32, #tpu.memory_space<vmem>> -> memref<1x128xi32, #tpu.memory_space<vmem>>
    %dma_wait3A_962 = tpu.memref_squeeze %dma_wait3A_961 : memref<1x128xi32, #tpu.memory_space<vmem>> -> memref<128xi32, #tpu.memory_space<vmem>>
    %dma_wait3A_963 = arith.constant 0 : i32
    %dma_wait3A_964 = arith.constant 0 : i32
    %dma_wait3A_965 = tpu.memref_slice %arg4[%dma_wait3A_963, %dma_wait3A_964] : memref<125056x8xf32, #tpu.memory_space<hbm>> -> memref<125056x8xf32, #tpu.memory_space<hbm>>
    tpu.wait_indirect_dma semaphore(%arg20 : memref<!tpu.dma_semaphore, #tpu.memory_space<semaphore_mem>>) src(%dma_wait3A_965 : memref<125056x8xf32, #tpu.memory_space<hbm>>) dst(%dma_wait3A_959 : memref<128x8xf32, #tpu.memory_space<vmem>>)
    %dma_wait3A_966 = arith.constant 3 : i32
    %dma_wait3A_967 = arith.constant 3 : i32
    %dma_wait3A_968 = arith.constant 0 : i32
    %dma_wait3A_969 = arith.constant 0 : i32
    %dma_wait3A_970 = tpu.memref_slice %arg15[%dma_wait3A_967, %dma_wait3A_968, %dma_wait3A_969] : memref<4x128x8xf32, #tpu.memory_space<vmem>> -> memref<1x128x8xf32, #tpu.memory_space<vmem>>
    %dma_wait3A_971 = tpu.memref_squeeze %dma_wait3A_970 : memref<1x128x8xf32, #tpu.memory_space<vmem>> -> memref<128x8xf32, #tpu.memory_space<vmem>>
    %dma_wait3A_972 = arith.constant 0 : i32
    %dma_wait3A_973 = tpu.memref_slice %arg13[%dma_wait3A_966, %dma_wait3A_972] : memref<4x128xi32, #tpu.memory_space<vmem>> -> memref<1x128xi32, #tpu.memory_space<vmem>>
    %dma_wait3A_974 = tpu.memref_squeeze %dma_wait3A_973 : memref<1x128xi32, #tpu.memory_space<vmem>> -> memref<128xi32, #tpu.memory_space<vmem>>
    %dma_wait3A_975 = arith.constant 0 : i32
    %dma_wait3A_976 = arith.constant 0 : i32
    %dma_wait3A_977 = tpu.memref_slice %arg5[%dma_wait3A_975, %dma_wait3A_976] : memref<12544x8xf32, #tpu.memory_space<hbm>> -> memref<12544x8xf32, #tpu.memory_space<hbm>>
    tpu.wait_indirect_dma semaphore(%arg20 : memref<!tpu.dma_semaphore, #tpu.memory_space<semaphore_mem>>) src(%dma_wait3A_977 : memref<12544x8xf32, #tpu.memory_space<hbm>>) dst(%dma_wait3A_971 : memref<128x8xf32, #tpu.memory_space<vmem>>)
    %dma_wait3A_978 = arith.constant 3 : i32
    %dma_wait3A_979 = arith.constant 3 : i32
    %dma_wait3A_980 = arith.constant 0 : i32
    %dma_wait3A_981 = arith.constant 0 : i32
    %dma_wait3A_982 = tpu.memref_slice %arg16[%dma_wait3A_979, %dma_wait3A_980, %dma_wait3A_981] : memref<4x128x8xf32, #tpu.memory_space<vmem>> -> memref<1x128x8xf32, #tpu.memory_space<vmem>>
    %dma_wait3A_983 = tpu.memref_squeeze %dma_wait3A_982 : memref<1x128x8xf32, #tpu.memory_space<vmem>> -> memref<128x8xf32, #tpu.memory_space<vmem>>
    %dma_wait3A_984 = arith.constant 0 : i32
    %dma_wait3A_985 = tpu.memref_slice %arg13[%dma_wait3A_978, %dma_wait3A_984] : memref<4x128xi32, #tpu.memory_space<vmem>> -> memref<1x128xi32, #tpu.memory_space<vmem>>
    %dma_wait3A_986 = tpu.memref_squeeze %dma_wait3A_985 : memref<1x128xi32, #tpu.memory_space<vmem>> -> memref<128xi32, #tpu.memory_space<vmem>>
    %dma_wait3A_987 = arith.constant 0 : i32
    %dma_wait3A_988 = arith.constant 0 : i32
    %dma_wait3A_989 = tpu.memref_slice %arg6[%dma_wait3A_987, %dma_wait3A_988] : memref<12544x8xf32, #tpu.memory_space<hbm>> -> memref<12544x8xf32, #tpu.memory_space<hbm>>
    tpu.wait_indirect_dma semaphore(%arg20 : memref<!tpu.dma_semaphore, #tpu.memory_space<semaphore_mem>>) src(%dma_wait3A_989 : memref<12544x8xf32, #tpu.memory_space<hbm>>) dst(%dma_wait3A_983 : memref<128x8xf32, #tpu.memory_space<vmem>>)
    %iota3A = tpu.iota {dimensions = array<i32: 0>} : vector<16xi32>
    %add3A_990 = arith.constant 0 : i32
    %add3A_991 = vector.broadcast %add3A_990 : i32 to vector<16xi32>
    %add3A_992 = arith.addi %iota3A, %add3A_991 : vector<16xi32>
    %get3A_993 = arith.constant 0 : i32
    %get3A_994 = arith.index_cast %get3A_993 : i32 to index
    %get3A_995 = arith.constant 0 : index
    %get3A_996 = tpu.vector_load %arg10[%get3A_994, %get3A_995] {strides = array<i32>} : memref<4x128xi32, #tpu.memory_space<vmem>>, vector<16xi32>,
    %and3A = arith.constant 7 : i32
    %and3A_997 = vector.broadcast %and3A : i32 to vector<16xi32>
    %and3A_998 = arith.andi %get3A_996, %and3A_997 : vector<16xi32>
    %get3A_999 = arith.constant 0 : i32
    %get3A_1000 = arith.index_cast %get3A_999 : i32 to index
    %get3A_1001 = arith.constant 0 : index
    %get3A_1002 = tpu.vector_load %arg11[%get3A_1000, %get3A_1001] {strides = array<i32>} : memref<4x128xi32, #tpu.memory_space<vmem>>, vector<16xi32>,
    %and3A_1003 = arith.constant 7 : i32
    %and3A_1004 = vector.broadcast %and3A_1003 : i32 to vector<16xi32>
    %and3A_1005 = arith.andi %get3A_1002, %and3A_1004 : vector<16xi32>
    %gather3A = arith.constant 0 : i32
    %gather3A_1006 = arith.constant 0 : i32
    %gather3A_1007 = arith.constant 0 : i32
    %gather3A_1008 = tpu.memref_slice %arg14[%gather3A, %gather3A_1006, %gather3A_1007] : memref<4x128x8xf32, #tpu.memory_space<vmem>> -> memref<1x128x8xf32, #tpu.memory_space<vmem>>
    %gather3A_1009 = tpu.memref_squeeze %gather3A_1008 : memref<1x128x8xf32, #tpu.memory_space<vmem>> -> memref<128x8xf32, #tpu.memory_space<vmem>>
    %gather3A_1010 = tpu.vector_load_idx %gather3A_1009[%add3A_992, %and3A_998] : memref<128x8xf32, #tpu.memory_space<vmem>>[vector<16xi32>, vector<16xi32>], vector<16xf32>,
    %swap3A_1011 = arith.constant 0 : i32
    %swap3A_1012 = arith.index_cast %swap3A_1011 : i32 to index
    %swap3A_1013 = arith.constant 0 : index
    %swap3A_1014 = tpu.vector_load %arg17[%swap3A_1012, %swap3A_1013] {strides = array<i32>} : memref<4x128xf32, #tpu.memory_space<vmem>>, vector<16xf32>,
    tpu.vector_store %arg17[%swap3A_1012, %swap3A_1013], %gather3A_1010 {strides = array<i32>} : memref<4x128xf32, #tpu.memory_space<vmem>>, vector<16xf32>,
    %gather3A_1015 = arith.constant 0 : i32
    %gather3A_1016 = arith.constant 0 : i32
    %gather3A_1017 = arith.constant 0 : i32
    %gather3A_1018 = tpu.memref_slice %arg15[%gather3A_1015, %gather3A_1016, %gather3A_1017] : memref<4x128x8xf32, #tpu.memory_space<vmem>> -> memref<1x128x8xf32, #tpu.memory_space<vmem>>
    %gather3A_1019 = tpu.memref_squeeze %gather3A_1018 : memref<1x128x8xf32, #tpu.memory_space<vmem>> -> memref<128x8xf32, #tpu.memory_space<vmem>>
    %gather3A_1020 = tpu.vector_load_idx %gather3A_1019[%add3A_992, %and3A_1005] : memref<128x8xf32, #tpu.memory_space<vmem>>[vector<16xi32>, vector<16xi32>], vector<16xf32>,
    %swap3A_1021 = arith.constant 0 : i32
    %swap3A_1022 = arith.index_cast %swap3A_1021 : i32 to index
    %swap3A_1023 = arith.constant 0 : index
    %swap3A_1024 = tpu.vector_load %arg18[%swap3A_1022, %swap3A_1023] {strides = array<i32>} : memref<4x128xf32, #tpu.memory_space<vmem>>, vector<16xf32>,
    tpu.vector_store %arg18[%swap3A_1022, %swap3A_1023], %gather3A_1020 {strides = array<i32>} : memref<4x128xf32, #tpu.memory_space<vmem>>, vector<16xf32>,
    %gather3A_1025 = arith.constant 0 : i32
    %gather3A_1026 = arith.constant 0 : i32
    %gather3A_1027 = arith.constant 0 : i32
    %gather3A_1028 = tpu.memref_slice %arg16[%gather3A_1025, %gather3A_1026, %gather3A_1027] : memref<4x128x8xf32, #tpu.memory_space<vmem>> -> memref<1x128x8xf32, #tpu.memory_space<vmem>>
    %gather3A_1029 = tpu.memref_squeeze %gather3A_1028 : memref<1x128x8xf32, #tpu.memory_space<vmem>> -> memref<128x8xf32, #tpu.memory_space<vmem>>
    %gather3A_1030 = tpu.vector_load_idx %gather3A_1029[%add3A_992, %and3A_1005] : memref<128x8xf32, #tpu.memory_space<vmem>>[vector<16xi32>, vector<16xi32>], vector<16xf32>,
    %swap3A_1031 = arith.constant 0 : i32
    %swap3A_1032 = arith.index_cast %swap3A_1031 : i32 to index
    %swap3A_1033 = arith.constant 0 : index
    %swap3A_1034 = tpu.vector_load %arg19[%swap3A_1032, %swap3A_1033] {strides = array<i32>} : memref<4x128xf32, #tpu.memory_space<vmem>>, vector<16xf32>,
    tpu.vector_store %arg19[%swap3A_1032, %swap3A_1033], %gather3A_1030 {strides = array<i32>} : memref<4x128xf32, #tpu.memory_space<vmem>>, vector<16xf32>,
    %add3A_1035 = arith.constant 16 : i32
    %add3A_1036 = vector.broadcast %add3A_1035 : i32 to vector<16xi32>
    %add3A_1037 = arith.addi %iota3A, %add3A_1036 : vector<16xi32>
    %get3A_1038 = arith.constant 0 : i32
    %get3A_1039 = arith.index_cast %get3A_1038 : i32 to index
    %get3A_1040 = arith.constant 16 : index
    %get3A_1041 = tpu.vector_load %arg10[%get3A_1039, %get3A_1040] {strides = array<i32>} : memref<4x128xi32, #tpu.memory_space<vmem>>, vector<16xi32>,
    %and3A_1042 = arith.constant 7 : i32
    %and3A_1043 = vector.broadcast %and3A_1042 : i32 to vector<16xi32>
    %and3A_1044 = arith.andi %get3A_1041, %and3A_1043 : vector<16xi32>
    %get3A_1045 = arith.constant 0 : i32
    %get3A_1046 = arith.index_cast %get3A_1045 : i32 to index
    %get3A_1047 = arith.constant 16 : index
    %get3A_1048 = tpu.vector_load %arg11[%get3A_1046, %get3A_1047] {strides = array<i32>} : memref<4x128xi32, #tpu.memory_space<vmem>>, vector<16xi32>,
    %and3A_1049 = arith.constant 7 : i32
    %and3A_1050 = vector.broadcast %and3A_1049 : i32 to vector<16xi32>
    %and3A_1051 = arith.andi %get3A_1048, %and3A_1050 : vector<16xi32>
    %gather3A_1052 = arith.constant 0 : i32
    %gather3A_1053 = arith.constant 0 : i32
    %gather3A_1054 = arith.constant 0 : i32
    %gather3A_1055 = tpu.memref_slice %arg14[%gather3A_1052, %gather3A_1053, %gather3A_1054] : memref<4x128x8xf32, #tpu.memory_space<vmem>> -> memref<1x128x8xf32, #tpu.memory_space<vmem>>
    %gather3A_1056 = tpu.memref_squeeze %gather3A_1055 : memref<1x128x8xf32, #tpu.memory_space<vmem>> -> memref<128x8xf32, #tpu.memory_space<vmem>>
    %gather3A_1057 = tpu.vector_load_idx %gather3A_1056[%add3A_1037, %and3A_1044] : memref<128x8xf32, #tpu.memory_space<vmem>>[vector<16xi32>, vector<16xi32>], vector<16xf32>,
    %swap3A_1058 = arith.constant 0 : i32
    %swap3A_1059 = arith.index_cast %swap3A_1058 : i32 to index
    %swap3A_1060 = arith.constant 16 : index
    %swap3A_1061 = tpu.vector_load %arg17[%swap3A_1059, %swap3A_1060] {strides = array<i32>} : memref<4x128xf32, #tpu.memory_space<vmem>>, vector<16xf32>,
    tpu.vector_store %arg17[%swap3A_1059, %swap3A_1060], %gather3A_1057 {strides = array<i32>} : memref<4x128xf32, #tpu.memory_space<vmem>>, vector<16xf32>,
    %gather3A_1062 = arith.constant 0 : i32
    %gather3A_1063 = arith.constant 0 : i32
    %gather3A_1064 = arith.constant 0 : i32
    %gather3A_1065 = tpu.memref_slice %arg15[%gather3A_1062, %gather3A_1063, %gather3A_1064] : memref<4x128x8xf32, #tpu.memory_space<vmem>> -> memref<1x128x8xf32, #tpu.memory_space<vmem>>
    %gather3A_1066 = tpu.memref_squeeze %gather3A_1065 : memref<1x128x8xf32, #tpu.memory_space<vmem>> -> memref<128x8xf32, #tpu.memory_space<vmem>>
    %gather3A_1067 = tpu.vector_load_idx %gather3A_1066[%add3A_1037, %and3A_1051] : memref<128x8xf32, #tpu.memory_space<vmem>>[vector<16xi32>, vector<16xi32>], vector<16xf32>,
    %swap3A_1068 = arith.constant 0 : i32
    %swap3A_1069 = arith.index_cast %swap3A_1068 : i32 to index
    %swap3A_1070 = arith.constant 16 : index
    %swap3A_1071 = tpu.vector_load %arg18[%swap3A_1069, %swap3A_1070] {strides = array<i32>} : memref<4x128xf32, #tpu.memory_space<vmem>>, vector<16xf32>,
    tpu.vector_store %arg18[%swap3A_1069, %swap3A_1070], %gather3A_1067 {strides = array<i32>} : memref<4x128xf32, #tpu.memory_space<vmem>>, vector<16xf32>,
    %gather3A_1072 = arith.constant 0 : i32
    %gather3A_1073 = arith.constant 0 : i32
    %gather3A_1074 = arith.constant 0 : i32
    %gather3A_1075 = tpu.memref_slice %arg16[%gather3A_1072, %gather3A_1073, %gather3A_1074] : memref<4x128x8xf32, #tpu.memory_space<vmem>> -> memref<1x128x8xf32, #tpu.memory_space<vmem>>
    %gather3A_1076 = tpu.memref_squeeze %gather3A_1075 : memref<1x128x8xf32, #tpu.memory_space<vmem>> -> memref<128x8xf32, #tpu.memory_space<vmem>>
    %gather3A_1077 = tpu.vector_load_idx %gather3A_1076[%add3A_1037, %and3A_1051] : memref<128x8xf32, #tpu.memory_space<vmem>>[vector<16xi32>, vector<16xi32>], vector<16xf32>,
    %swap3A_1078 = arith.constant 0 : i32
    %swap3A_1079 = arith.index_cast %swap3A_1078 : i32 to index
    %swap3A_1080 = arith.constant 16 : index
    %swap3A_1081 = tpu.vector_load %arg19[%swap3A_1079, %swap3A_1080] {strides = array<i32>} : memref<4x128xf32, #tpu.memory_space<vmem>>, vector<16xf32>,
    tpu.vector_store %arg19[%swap3A_1079, %swap3A_1080], %gather3A_1077 {strides = array<i32>} : memref<4x128xf32, #tpu.memory_space<vmem>>, vector<16xf32>,
    %add3A_1082 = arith.constant 32 : i32
    %add3A_1083 = vector.broadcast %add3A_1082 : i32 to vector<16xi32>
    %add3A_1084 = arith.addi %iota3A, %add3A_1083 : vector<16xi32>
    %get3A_1085 = arith.constant 0 : i32
    %get3A_1086 = arith.index_cast %get3A_1085 : i32 to index
    %get3A_1087 = arith.constant 32 : index
    %get3A_1088 = tpu.vector_load %arg10[%get3A_1086, %get3A_1087] {strides = array<i32>} : memref<4x128xi32, #tpu.memory_space<vmem>>, vector<16xi32>,
    %and3A_1089 = arith.constant 7 : i32
    %and3A_1090 = vector.broadcast %and3A_1089 : i32 to vector<16xi32>
    %and3A_1091 = arith.andi %get3A_1088, %and3A_1090 : vector<16xi32>
    %get3A_1092 = arith.constant 0 : i32
    %get3A_1093 = arith.index_cast %get3A_1092 : i32 to index
    %get3A_1094 = arith.constant 32 : index
    %get3A_1095 = tpu.vector_load %arg11[%get3A_1093, %get3A_1094] {strides = array<i32>} : memref<4x128xi32, #tpu.memory_space<vmem>>, vector<16xi32>,
    %and3A_1096 = arith.constant 7 : i32
    %and3A_1097 = vector.broadcast %and3A_1096 : i32 to vector<16xi32>
    %and3A_1098 = arith.andi %get3A_1095, %and3A_1097 : vector<16xi32>
    %gather3A_1099 = arith.constant 0 : i32
    %gather3A_1100 = arith.constant 0 : i32
    %gather3A_1101 = arith.constant 0 : i32
    %gather3A_1102 = tpu.memref_slice %arg14[%gather3A_1099, %gather3A_1100, %gather3A_1101] : memref<4x128x8xf32, #tpu.memory_space<vmem>> -> memref<1x128x8xf32, #tpu.memory_space<vmem>>
    %gather3A_1103 = tpu.memref_squeeze %gather3A_1102 : memref<1x128x8xf32, #tpu.memory_space<vmem>> -> memref<128x8xf32, #tpu.memory_space<vmem>>
    %gather3A_1104 = tpu.vector_load_idx %gather3A_1103[%add3A_1084, %and3A_1091] : memref<128x8xf32, #tpu.memory_space<vmem>>[vector<16xi32>, vector<16xi32>], vector<16xf32>,
    %swap3A_1105 = arith.constant 0 : i32
    %swap3A_1106 = arith.index_cast %swap3A_1105 : i32 to index
    %swap3A_1107 = arith.constant 32 : index
    %swap3A_1108 = tpu.vector_load %arg17[%swap3A_1106, %swap3A_1107] {strides = array<i32>} : memref<4x128xf32, #tpu.memory_space<vmem>>, vector<16xf32>,
    tpu.vector_store %arg17[%swap3A_1106, %swap3A_1107], %gather3A_1104 {strides = array<i32>} : memref<4x128xf32, #tpu.memory_space<vmem>>, vector<16xf32>,
    %gather3A_1109 = arith.constant 0 : i32
    %gather3A_1110 = arith.constant 0 : i32
    %gather3A_1111 = arith.constant 0 : i32
    %gather3A_1112 = tpu.memref_slice %arg15[%gather3A_1109, %gather3A_1110, %gather3A_1111] : memref<4x128x8xf32, #tpu.memory_space<vmem>> -> memref<1x128x8xf32, #tpu.memory_space<vmem>>
    %gather3A_1113 = tpu.memref_squeeze %gather3A_1112 : memref<1x128x8xf32, #tpu.memory_space<vmem>> -> memref<128x8xf32, #tpu.memory_space<vmem>>
    %gather3A_1114 = tpu.vector_load_idx %gather3A_1113[%add3A_1084, %and3A_1098] : memref<128x8xf32, #tpu.memory_space<vmem>>[vector<16xi32>, vector<16xi32>], vector<16xf32>,
    %swap3A_1115 = arith.constant 0 : i32
    %swap3A_1116 = arith.index_cast %swap3A_1115 : i32 to index
    %swap3A_1117 = arith.constant 32 : index
    %swap3A_1118 = tpu.vector_load %arg18[%swap3A_1116, %swap3A_1117] {strides = array<i32>} : memref<4x128xf32, #tpu.memory_space<vmem>>, vector<16xf32>,
    tpu.vector_store %arg18[%swap3A_1116, %swap3A_1117], %gather3A_1114 {strides = array<i32>} : memref<4x128xf32, #tpu.memory_space<vmem>>, vector<16xf32>,
    %gather3A_1119 = arith.constant 0 : i32
    %gather3A_1120 = arith.constant 0 : i32
    %gather3A_1121 = arith.constant 0 : i32
    %gather3A_1122 = tpu.memref_slice %arg16[%gather3A_1119, %gather3A_1120, %gather3A_1121] : memref<4x128x8xf32, #tpu.memory_space<vmem>> -> memref<1x128x8xf32, #tpu.memory_space<vmem>>
    %gather3A_1123 = tpu.memref_squeeze %gather3A_1122 : memref<1x128x8xf32, #tpu.memory_space<vmem>> -> memref<128x8xf32, #tpu.memory_space<vmem>>
    %gather3A_1124 = tpu.vector_load_idx %gather3A_1123[%add3A_1084, %and3A_1098] : memref<128x8xf32, #tpu.memory_space<vmem>>[vector<16xi32>, vector<16xi32>], vector<16xf32>,
    %swap3A_1125 = arith.constant 0 : i32
    %swap3A_1126 = arith.index_cast %swap3A_1125 : i32 to index
    %swap3A_1127 = arith.constant 32 : index
    %swap3A_1128 = tpu.vector_load %arg19[%swap3A_1126, %swap3A_1127] {strides = array<i32>} : memref<4x128xf32, #tpu.memory_space<vmem>>, vector<16xf32>,
    tpu.vector_store %arg19[%swap3A_1126, %swap3A_1127], %gather3A_1124 {strides = array<i32>} : memref<4x128xf32, #tpu.memory_space<vmem>>, vector<16xf32>,
    %add3A_1129 = arith.constant 48 : i32
    %add3A_1130 = vector.broadcast %add3A_1129 : i32 to vector<16xi32>
    %add3A_1131 = arith.addi %iota3A, %add3A_1130 : vector<16xi32>
    %get3A_1132 = arith.constant 0 : i32
    %get3A_1133 = arith.index_cast %get3A_1132 : i32 to index
    %get3A_1134 = arith.constant 48 : index
    %get3A_1135 = tpu.vector_load %arg10[%get3A_1133, %get3A_1134] {strides = array<i32>} : memref<4x128xi32, #tpu.memory_space<vmem>>, vector<16xi32>,
    %and3A_1136 = arith.constant 7 : i32
    %and3A_1137 = vector.broadcast %and3A_1136 : i32 to vector<16xi32>
    %and3A_1138 = arith.andi %get3A_1135, %and3A_1137 : vector<16xi32>
    %get3A_1139 = arith.constant 0 : i32
    %get3A_1140 = arith.index_cast %get3A_1139 : i32 to index
    %get3A_1141 = arith.constant 48 : index
    %get3A_1142 = tpu.vector_load %arg11[%get3A_1140, %get3A_1141] {strides = array<i32>} : memref<4x128xi32, #tpu.memory_space<vmem>>, vector<16xi32>,
    %and3A_1143 = arith.constant 7 : i32
    %and3A_1144 = vector.broadcast %and3A_1143 : i32 to vector<16xi32>
    %and3A_1145 = arith.andi %get3A_1142, %and3A_1144 : vector<16xi32>
    %gather3A_1146 = arith.constant 0 : i32
    %gather3A_1147 = arith.constant 0 : i32
    %gather3A_1148 = arith.constant 0 : i32
    %gather3A_1149 = tpu.memref_slice %arg14[%gather3A_1146, %gather3A_1147, %gather3A_1148] : memref<4x128x8xf32, #tpu.memory_space<vmem>> -> memref<1x128x8xf32, #tpu.memory_space<vmem>>
    %gather3A_1150 = tpu.memref_squeeze %gather3A_1149 : memref<1x128x8xf32, #tpu.memory_space<vmem>> -> memref<128x8xf32, #tpu.memory_space<vmem>>
    %gather3A_1151 = tpu.vector_load_idx %gather3A_1150[%add3A_1131, %and3A_1138] : memref<128x8xf32, #tpu.memory_space<vmem>>[vector<16xi32>, vector<16xi32>], vector<16xf32>,
    %swap3A_1152 = arith.constant 0 : i32
    %swap3A_1153 = arith.index_cast %swap3A_1152 : i32 to index
    %swap3A_1154 = arith.constant 48 : index
    %swap3A_1155 = tpu.vector_load %arg17[%swap3A_1153, %swap3A_1154] {strides = array<i32>} : memref<4x128xf32, #tpu.memory_space<vmem>>, vector<16xf32>,
    tpu.vector_store %arg17[%swap3A_1153, %swap3A_1154], %gather3A_1151 {strides = array<i32>} : memref<4x128xf32, #tpu.memory_space<vmem>>, vector<16xf32>,
    %gather3A_1156 = arith.constant 0 : i32
    %gather3A_1157 = arith.constant 0 : i32
    %gather3A_1158 = arith.constant 0 : i32
    %gather3A_1159 = tpu.memref_slice %arg15[%gather3A_1156, %gather3A_1157, %gather3A_1158] : memref<4x128x8xf32, #tpu.memory_space<vmem>> -> memref<1x128x8xf32, #tpu.memory_space<vmem>>
    %gather3A_1160 = tpu.memref_squeeze %gather3A_1159 : memref<1x128x8xf32, #tpu.memory_space<vmem>> -> memref<128x8xf32, #tpu.memory_space<vmem>>
    %gather3A_1161 = tpu.vector_load_idx %gather3A_1160[%add3A_1131, %and3A_1145] : memref<128x8xf32, #tpu.memory_space<vmem>>[vector<16xi32>, vector<16xi32>], vector<16xf32>,
    %swap3A_1162 = arith.constant 0 : i32
    %swap3A_1163 = arith.index_cast %swap3A_1162 : i32 to index
    %swap3A_1164 = arith.constant 48 : index
    %swap3A_1165 = tpu.vector_load %arg18[%swap3A_1163, %swap3A_1164] {strides = array<i32>} : memref<4x128xf32, #tpu.memory_space<vmem>>, vector<16xf32>,
    tpu.vector_store %arg18[%swap3A_1163, %swap3A_1164], %gather3A_1161 {strides = array<i32>} : memref<4x128xf32, #tpu.memory_space<vmem>>, vector<16xf32>,
    %gather3A_1166 = arith.constant 0 : i32
    %gather3A_1167 = arith.constant 0 : i32
    %gather3A_1168 = arith.constant 0 : i32
    %gather3A_1169 = tpu.memref_slice %arg16[%gather3A_1166, %gather3A_1167, %gather3A_1168] : memref<4x128x8xf32, #tpu.memory_space<vmem>> -> memref<1x128x8xf32, #tpu.memory_space<vmem>>
    %gather3A_1170 = tpu.memref_squeeze %gather3A_1169 : memref<1x128x8xf32, #tpu.memory_space<vmem>> -> memref<128x8xf32, #tpu.memory_space<vmem>>
    %gather3A_1171 = tpu.vector_load_idx %gather3A_1170[%add3A_1131, %and3A_1145] : memref<128x8xf32, #tpu.memory_space<vmem>>[vector<16xi32>, vector<16xi32>], vector<16xf32>,
    %swap3A_1172 = arith.constant 0 : i32
    %swap3A_1173 = arith.index_cast %swap3A_1172 : i32 to index
    %swap3A_1174 = arith.constant 48 : index
    %swap3A_1175 = tpu.vector_load %arg19[%swap3A_1173, %swap3A_1174] {strides = array<i32>} : memref<4x128xf32, #tpu.memory_space<vmem>>, vector<16xf32>,
    tpu.vector_store %arg19[%swap3A_1173, %swap3A_1174], %gather3A_1171 {strides = array<i32>} : memref<4x128xf32, #tpu.memory_space<vmem>>, vector<16xf32>,
    %add3A_1176 = arith.constant 64 : i32
    %add3A_1177 = vector.broadcast %add3A_1176 : i32 to vector<16xi32>
    %add3A_1178 = arith.addi %iota3A, %add3A_1177 : vector<16xi32>
    %get3A_1179 = arith.constant 0 : i32
    %get3A_1180 = arith.index_cast %get3A_1179 : i32 to index
    %get3A_1181 = arith.constant 64 : index
    %get3A_1182 = tpu.vector_load %arg10[%get3A_1180, %get3A_1181] {strides = array<i32>} : memref<4x128xi32, #tpu.memory_space<vmem>>, vector<16xi32>,
    %and3A_1183 = arith.constant 7 : i32
    %and3A_1184 = vector.broadcast %and3A_1183 : i32 to vector<16xi32>
    %and3A_1185 = arith.andi %get3A_1182, %and3A_1184 : vector<16xi32>
    %get3A_1186 = arith.constant 0 : i32
    %get3A_1187 = arith.index_cast %get3A_1186 : i32 to index
    %get3A_1188 = arith.constant 64 : index
    %get3A_1189 = tpu.vector_load %arg11[%get3A_1187, %get3A_1188] {strides = array<i32>} : memref<4x128xi32, #tpu.memory_space<vmem>>, vector<16xi32>,
    %and3A_1190 = arith.constant 7 : i32
    %and3A_1191 = vector.broadcast %and3A_1190 : i32 to vector<16xi32>
    %and3A_1192 = arith.andi %get3A_1189, %and3A_1191 : vector<16xi32>
    %gather3A_1193 = arith.constant 0 : i32
    %gather3A_1194 = arith.constant 0 : i32
    %gather3A_1195 = arith.constant 0 : i32
    %gather3A_1196 = tpu.memref_slice %arg14[%gather3A_1193, %gather3A_1194, %gather3A_1195] : memref<4x128x8xf32, #tpu.memory_space<vmem>> -> memref<1x128x8xf32, #tpu.memory_space<vmem>>
    %gather3A_1197 = tpu.memref_squeeze %gather3A_1196 : memref<1x128x8xf32, #tpu.memory_space<vmem>> -> memref<128x8xf32, #tpu.memory_space<vmem>>
    %gather3A_1198 = tpu.vector_load_idx %gather3A_1197[%add3A_1178, %and3A_1185] : memref<128x8xf32, #tpu.memory_space<vmem>>[vector<16xi32>, vector<16xi32>], vector<16xf32>,
    %swap3A_1199 = arith.constant 0 : i32
    %swap3A_1200 = arith.index_cast %swap3A_1199 : i32 to index
    %swap3A_1201 = arith.constant 64 : index
    %swap3A_1202 = tpu.vector_load %arg17[%swap3A_1200, %swap3A_1201] {strides = array<i32>} : memref<4x128xf32, #tpu.memory_space<vmem>>, vector<16xf32>,
    tpu.vector_store %arg17[%swap3A_1200, %swap3A_1201], %gather3A_1198 {strides = array<i32>} : memref<4x128xf32, #tpu.memory_space<vmem>>, vector<16xf32>,
    %gather3A_1203 = arith.constant 0 : i32
    %gather3A_1204 = arith.constant 0 : i32
    %gather3A_1205 = arith.constant 0 : i32
    %gather3A_1206 = tpu.memref_slice %arg15[%gather3A_1203, %gather3A_1204, %gather3A_1205] : memref<4x128x8xf32, #tpu.memory_space<vmem>> -> memref<1x128x8xf32, #tpu.memory_space<vmem>>
    %gather3A_1207 = tpu.memref_squeeze %gather3A_1206 : memref<1x128x8xf32, #tpu.memory_space<vmem>> -> memref<128x8xf32, #tpu.memory_space<vmem>>
    %gather3A_1208 = tpu.vector_load_idx %gather3A_1207[%add3A_1178, %and3A_1192] : memref<128x8xf32, #tpu.memory_space<vmem>>[vector<16xi32>, vector<16xi32>], vector<16xf32>,
    %swap3A_1209 = arith.constant 0 : i32
    %swap3A_1210 = arith.index_cast %swap3A_1209 : i32 to index
    %swap3A_1211 = arith.constant 64 : index
    %swap3A_1212 = tpu.vector_load %arg18[%swap3A_1210, %swap3A_1211] {strides = array<i32>} : memref<4x128xf32, #tpu.memory_space<vmem>>, vector<16xf32>,
    tpu.vector_store %arg18[%swap3A_1210, %swap3A_1211], %gather3A_1208 {strides = array<i32>} : memref<4x128xf32, #tpu.memory_space<vmem>>, vector<16xf32>,
    %gather3A_1213 = arith.constant 0 : i32
    %gather3A_1214 = arith.constant 0 : i32
    %gather3A_1215 = arith.constant 0 : i32
    %gather3A_1216 = tpu.memref_slice %arg16[%gather3A_1213, %gather3A_1214, %gather3A_1215] : memref<4x128x8xf32, #tpu.memory_space<vmem>> -> memref<1x128x8xf32, #tpu.memory_space<vmem>>
    %gather3A_1217 = tpu.memref_squeeze %gather3A_1216 : memref<1x128x8xf32, #tpu.memory_space<vmem>> -> memref<128x8xf32, #tpu.memory_space<vmem>>
    %gather3A_1218 = tpu.vector_load_idx %gather3A_1217[%add3A_1178, %and3A_1192] : memref<128x8xf32, #tpu.memory_space<vmem>>[vector<16xi32>, vector<16xi32>], vector<16xf32>,
    %swap3A_1219 = arith.constant 0 : i32
    %swap3A_1220 = arith.index_cast %swap3A_1219 : i32 to index
    %swap3A_1221 = arith.constant 64 : index
    %swap3A_1222 = tpu.vector_load %arg19[%swap3A_1220, %swap3A_1221] {strides = array<i32>} : memref<4x128xf32, #tpu.memory_space<vmem>>, vector<16xf32>,
    tpu.vector_store %arg19[%swap3A_1220, %swap3A_1221], %gather3A_1218 {strides = array<i32>} : memref<4x128xf32, #tpu.memory_space<vmem>>, vector<16xf32>,
    %add3A_1223 = arith.constant 80 : i32
    %add3A_1224 = vector.broadcast %add3A_1223 : i32 to vector<16xi32>
    %add3A_1225 = arith.addi %iota3A, %add3A_1224 : vector<16xi32>
    %get3A_1226 = arith.constant 0 : i32
    %get3A_1227 = arith.index_cast %get3A_1226 : i32 to index
    %get3A_1228 = arith.constant 80 : index
    %get3A_1229 = tpu.vector_load %arg10[%get3A_1227, %get3A_1228] {strides = array<i32>} : memref<4x128xi32, #tpu.memory_space<vmem>>, vector<16xi32>,
    %and3A_1230 = arith.constant 7 : i32
    %and3A_1231 = vector.broadcast %and3A_1230 : i32 to vector<16xi32>
    %and3A_1232 = arith.andi %get3A_1229, %and3A_1231 : vector<16xi32>
    %get3A_1233 = arith.constant 0 : i32
    %get3A_1234 = arith.index_cast %get3A_1233 : i32 to index
    %get3A_1235 = arith.constant 80 : index
    %get3A_1236 = tpu.vector_load %arg11[%get3A_1234, %get3A_1235] {strides = array<i32>} : memref<4x128xi32, #tpu.memory_space<vmem>>, vector<16xi32>,
    %and3A_1237 = arith.constant 7 : i32
    %and3A_1238 = vector.broadcast %and3A_1237 : i32 to vector<16xi32>
    %and3A_1239 = arith.andi %get3A_1236, %and3A_1238 : vector<16xi32>
    %gather3A_1240 = arith.constant 0 : i32
    %gather3A_1241 = arith.constant 0 : i32
    %gather3A_1242 = arith.constant 0 : i32
    %gather3A_1243 = tpu.memref_slice %arg14[%gather3A_1240, %gather3A_1241, %gather3A_1242] : memref<4x128x8xf32, #tpu.memory_space<vmem>> -> memref<1x128x8xf32, #tpu.memory_space<vmem>>
    %gather3A_1244 = tpu.memref_squeeze %gather3A_1243 : memref<1x128x8xf32, #tpu.memory_space<vmem>> -> memref<128x8xf32, #tpu.memory_space<vmem>>
    %gather3A_1245 = tpu.vector_load_idx %gather3A_1244[%add3A_1225, %and3A_1232] : memref<128x8xf32, #tpu.memory_space<vmem>>[vector<16xi32>, vector<16xi32>], vector<16xf32>,
    %swap3A_1246 = arith.constant 0 : i32
    %swap3A_1247 = arith.index_cast %swap3A_1246 : i32 to index
    %swap3A_1248 = arith.constant 80 : index
    %swap3A_1249 = tpu.vector_load %arg17[%swap3A_1247, %swap3A_1248] {strides = array<i32>} : memref<4x128xf32, #tpu.memory_space<vmem>>, vector<16xf32>,
    tpu.vector_store %arg17[%swap3A_1247, %swap3A_1248], %gather3A_1245 {strides = array<i32>} : memref<4x128xf32, #tpu.memory_space<vmem>>, vector<16xf32>,
    %gather3A_1250 = arith.constant 0 : i32
    %gather3A_1251 = arith.constant 0 : i32
    %gather3A_1252 = arith.constant 0 : i32
    %gather3A_1253 = tpu.memref_slice %arg15[%gather3A_1250, %gather3A_1251, %gather3A_1252] : memref<4x128x8xf32, #tpu.memory_space<vmem>> -> memref<1x128x8xf32, #tpu.memory_space<vmem>>
    %gather3A_1254 = tpu.memref_squeeze %gather3A_1253 : memref<1x128x8xf32, #tpu.memory_space<vmem>> -> memref<128x8xf32, #tpu.memory_space<vmem>>
    %gather3A_1255 = tpu.vector_load_idx %gather3A_1254[%add3A_1225, %and3A_1239] : memref<128x8xf32, #tpu.memory_space<vmem>>[vector<16xi32>, vector<16xi32>], vector<16xf32>,
    %swap3A_1256 = arith.constant 0 : i32
    %swap3A_1257 = arith.index_cast %swap3A_1256 : i32 to index
    %swap3A_1258 = arith.constant 80 : index
    %swap3A_1259 = tpu.vector_load %arg18[%swap3A_1257, %swap3A_1258] {strides = array<i32>} : memref<4x128xf32, #tpu.memory_space<vmem>>, vector<16xf32>,
    tpu.vector_store %arg18[%swap3A_1257, %swap3A_1258], %gather3A_1255 {strides = array<i32>} : memref<4x128xf32, #tpu.memory_space<vmem>>, vector<16xf32>,
    %gather3A_1260 = arith.constant 0 : i32
    %gather3A_1261 = arith.constant 0 : i32
    %gather3A_1262 = arith.constant 0 : i32
    %gather3A_1263 = tpu.memref_slice %arg16[%gather3A_1260, %gather3A_1261, %gather3A_1262] : memref<4x128x8xf32, #tpu.memory_space<vmem>> -> memref<1x128x8xf32, #tpu.memory_space<vmem>>
    %gather3A_1264 = tpu.memref_squeeze %gather3A_1263 : memref<1x128x8xf32, #tpu.memory_space<vmem>> -> memref<128x8xf32, #tpu.memory_space<vmem>>
    %gather3A_1265 = tpu.vector_load_idx %gather3A_1264[%add3A_1225, %and3A_1239] : memref<128x8xf32, #tpu.memory_space<vmem>>[vector<16xi32>, vector<16xi32>], vector<16xf32>,
    %swap3A_1266 = arith.constant 0 : i32
    %swap3A_1267 = arith.index_cast %swap3A_1266 : i32 to index
    %swap3A_1268 = arith.constant 80 : index
    %swap3A_1269 = tpu.vector_load %arg19[%swap3A_1267, %swap3A_1268] {strides = array<i32>} : memref<4x128xf32, #tpu.memory_space<vmem>>, vector<16xf32>,
    tpu.vector_store %arg19[%swap3A_1267, %swap3A_1268], %gather3A_1265 {strides = array<i32>} : memref<4x128xf32, #tpu.memory_space<vmem>>, vector<16xf32>,
    %add3A_1270 = arith.constant 96 : i32
    %add3A_1271 = vector.broadcast %add3A_1270 : i32 to vector<16xi32>
    %add3A_1272 = arith.addi %iota3A, %add3A_1271 : vector<16xi32>
    %get3A_1273 = arith.constant 0 : i32
    %get3A_1274 = arith.index_cast %get3A_1273 : i32 to index
    %get3A_1275 = arith.constant 96 : index
    %get3A_1276 = tpu.vector_load %arg10[%get3A_1274, %get3A_1275] {strides = array<i32>} : memref<4x128xi32, #tpu.memory_space<vmem>>, vector<16xi32>,
    %and3A_1277 = arith.constant 7 : i32
    %and3A_1278 = vector.broadcast %and3A_1277 : i32 to vector<16xi32>
    %and3A_1279 = arith.andi %get3A_1276, %and3A_1278 : vector<16xi32>
    %get3A_1280 = arith.constant 0 : i32
    %get3A_1281 = arith.index_cast %get3A_1280 : i32 to index
    %get3A_1282 = arith.constant 96 : index
    %get3A_1283 = tpu.vector_load %arg11[%get3A_1281, %get3A_1282] {strides = array<i32>} : memref<4x128xi32, #tpu.memory_space<vmem>>, vector<16xi32>,
    %and3A_1284 = arith.constant 7 : i32
    %and3A_1285 = vector.broadcast %and3A_1284 : i32 to vector<16xi32>
    %and3A_1286 = arith.andi %get3A_1283, %and3A_1285 : vector<16xi32>
    %gather3A_1287 = arith.constant 0 : i32
    %gather3A_1288 = arith.constant 0 : i32
    %gather3A_1289 = arith.constant 0 : i32
    %gather3A_1290 = tpu.memref_slice %arg14[%gather3A_1287, %gather3A_1288, %gather3A_1289] : memref<4x128x8xf32, #tpu.memory_space<vmem>> -> memref<1x128x8xf32, #tpu.memory_space<vmem>>
    %gather3A_1291 = tpu.memref_squeeze %gather3A_1290 : memref<1x128x8xf32, #tpu.memory_space<vmem>> -> memref<128x8xf32, #tpu.memory_space<vmem>>
    %gather3A_1292 = tpu.vector_load_idx %gather3A_1291[%add3A_1272, %and3A_1279] : memref<128x8xf32, #tpu.memory_space<vmem>>[vector<16xi32>, vector<16xi32>], vector<16xf32>,
    %swap3A_1293 = arith.constant 0 : i32
    %swap3A_1294 = arith.index_cast %swap3A_1293 : i32 to index
    %swap3A_1295 = arith.constant 96 : index
    %swap3A_1296 = tpu.vector_load %arg17[%swap3A_1294, %swap3A_1295] {strides = array<i32>} : memref<4x128xf32, #tpu.memory_space<vmem>>, vector<16xf32>,
    tpu.vector_store %arg17[%swap3A_1294, %swap3A_1295], %gather3A_1292 {strides = array<i32>} : memref<4x128xf32, #tpu.memory_space<vmem>>, vector<16xf32>,
    %gather3A_1297 = arith.constant 0 : i32
    %gather3A_1298 = arith.constant 0 : i32
    %gather3A_1299 = arith.constant 0 : i32
    %gather3A_1300 = tpu.memref_slice %arg15[%gather3A_1297, %gather3A_1298, %gather3A_1299] : memref<4x128x8xf32, #tpu.memory_space<vmem>> -> memref<1x128x8xf32, #tpu.memory_space<vmem>>
    %gather3A_1301 = tpu.memref_squeeze %gather3A_1300 : memref<1x128x8xf32, #tpu.memory_space<vmem>> -> memref<128x8xf32, #tpu.memory_space<vmem>>
    %gather3A_1302 = tpu.vector_load_idx %gather3A_1301[%add3A_1272, %and3A_1286] : memref<128x8xf32, #tpu.memory_space<vmem>>[vector<16xi32>, vector<16xi32>], vector<16xf32>,
    %swap3A_1303 = arith.constant 0 : i32
    %swap3A_1304 = arith.index_cast %swap3A_1303 : i32 to index
    %swap3A_1305 = arith.constant 96 : index
    %swap3A_1306 = tpu.vector_load %arg18[%swap3A_1304, %swap3A_1305] {strides = array<i32>} : memref<4x128xf32, #tpu.memory_space<vmem>>, vector<16xf32>,
    tpu.vector_store %arg18[%swap3A_1304, %swap3A_1305], %gather3A_1302 {strides = array<i32>} : memref<4x128xf32, #tpu.memory_space<vmem>>, vector<16xf32>,
    %gather3A_1307 = arith.constant 0 : i32
    %gather3A_1308 = arith.constant 0 : i32
    %gather3A_1309 = arith.constant 0 : i32
    %gather3A_1310 = tpu.memref_slice %arg16[%gather3A_1307, %gather3A_1308, %gather3A_1309] : memref<4x128x8xf32, #tpu.memory_space<vmem>> -> memref<1x128x8xf32, #tpu.memory_space<vmem>>
    %gather3A_1311 = tpu.memref_squeeze %gather3A_1310 : memref<1x128x8xf32, #tpu.memory_space<vmem>> -> memref<128x8xf32, #tpu.memory_space<vmem>>
    %gather3A_1312 = tpu.vector_load_idx %gather3A_1311[%add3A_1272, %and3A_1286] : memref<128x8xf32, #tpu.memory_space<vmem>>[vector<16xi32>, vector<16xi32>], vector<16xf32>,
    %swap3A_1313 = arith.constant 0 : i32
    %swap3A_1314 = arith.index_cast %swap3A_1313 : i32 to index
    %swap3A_1315 = arith.constant 96 : index
    %swap3A_1316 = tpu.vector_load %arg19[%swap3A_1314, %swap3A_1315] {strides = array<i32>} : memref<4x128xf32, #tpu.memory_space<vmem>>, vector<16xf32>,
    tpu.vector_store %arg19[%swap3A_1314, %swap3A_1315], %gather3A_1312 {strides = array<i32>} : memref<4x128xf32, #tpu.memory_space<vmem>>, vector<16xf32>,
    %add3A_1317 = arith.constant 112 : i32
    %add3A_1318 = vector.broadcast %add3A_1317 : i32 to vector<16xi32>
    %add3A_1319 = arith.addi %iota3A, %add3A_1318 : vector<16xi32>
    %get3A_1320 = arith.constant 0 : i32
    %get3A_1321 = arith.index_cast %get3A_1320 : i32 to index
    %get3A_1322 = arith.constant 112 : index
    %get3A_1323 = tpu.vector_load %arg10[%get3A_1321, %get3A_1322] {strides = array<i32>} : memref<4x128xi32, #tpu.memory_space<vmem>>, vector<16xi32>,
    %and3A_1324 = arith.constant 7 : i32
    %and3A_1325 = vector.broadcast %and3A_1324 : i32 to vector<16xi32>
    %and3A_1326 = arith.andi %get3A_1323, %and3A_1325 : vector<16xi32>
    %get3A_1327 = arith.constant 0 : i32
    %get3A_1328 = arith.index_cast %get3A_1327 : i32 to index
    %get3A_1329 = arith.constant 112 : index
    %get3A_1330 = tpu.vector_load %arg11[%get3A_1328, %get3A_1329] {strides = array<i32>} : memref<4x128xi32, #tpu.memory_space<vmem>>, vector<16xi32>,
    %and3A_1331 = arith.constant 7 : i32
    %and3A_1332 = vector.broadcast %and3A_1331 : i32 to vector<16xi32>
    %and3A_1333 = arith.andi %get3A_1330, %and3A_1332 : vector<16xi32>
    %gather3A_1334 = arith.constant 0 : i32
    %gather3A_1335 = arith.constant 0 : i32
    %gather3A_1336 = arith.constant 0 : i32
    %gather3A_1337 = tpu.memref_slice %arg14[%gather3A_1334, %gather3A_1335, %gather3A_1336] : memref<4x128x8xf32, #tpu.memory_space<vmem>> -> memref<1x128x8xf32, #tpu.memory_space<vmem>>
    %gather3A_1338 = tpu.memref_squeeze %gather3A_1337 : memref<1x128x8xf32, #tpu.memory_space<vmem>> -> memref<128x8xf32, #tpu.memory_space<vmem>>
    %gather3A_1339 = tpu.vector_load_idx %gather3A_1338[%add3A_1319, %and3A_1326] : memref<128x8xf32, #tpu.memory_space<vmem>>[vector<16xi32>, vector<16xi32>], vector<16xf32>,
    %swap3A_1340 = arith.constant 0 : i32
    %swap3A_1341 = arith.index_cast %swap3A_1340 : i32 to index
    %swap3A_1342 = arith.constant 112 : index
    %swap3A_1343 = tpu.vector_load %arg17[%swap3A_1341, %swap3A_1342] {strides = array<i32>} : memref<4x128xf32, #tpu.memory_space<vmem>>, vector<16xf32>,
    tpu.vector_store %arg17[%swap3A_1341, %swap3A_1342], %gather3A_1339 {strides = array<i32>} : memref<4x128xf32, #tpu.memory_space<vmem>>, vector<16xf32>,
    %gather3A_1344 = arith.constant 0 : i32
    %gather3A_1345 = arith.constant 0 : i32
    %gather3A_1346 = arith.constant 0 : i32
    %gather3A_1347 = tpu.memref_slice %arg15[%gather3A_1344, %gather3A_1345, %gather3A_1346] : memref<4x128x8xf32, #tpu.memory_space<vmem>> -> memref<1x128x8xf32, #tpu.memory_space<vmem>>
    %gather3A_1348 = tpu.memref_squeeze %gather3A_1347 : memref<1x128x8xf32, #tpu.memory_space<vmem>> -> memref<128x8xf32, #tpu.memory_space<vmem>>
    %gather3A_1349 = tpu.vector_load_idx %gather3A_1348[%add3A_1319, %and3A_1333] : memref<128x8xf32, #tpu.memory_space<vmem>>[vector<16xi32>, vector<16xi32>], vector<16xf32>,
    %swap3A_1350 = arith.constant 0 : i32
    %swap3A_1351 = arith.index_cast %swap3A_1350 : i32 to index
    %swap3A_1352 = arith.constant 112 : index
    %swap3A_1353 = tpu.vector_load %arg18[%swap3A_1351, %swap3A_1352] {strides = array<i32>} : memref<4x128xf32, #tpu.memory_space<vmem>>, vector<16xf32>,
    tpu.vector_store %arg18[%swap3A_1351, %swap3A_1352], %gather3A_1349 {strides = array<i32>} : memref<4x128xf32, #tpu.memory_space<vmem>>, vector<16xf32>,
    %gather3A_1354 = arith.constant 0 : i32
    %gather3A_1355 = arith.constant 0 : i32
    %gather3A_1356 = arith.constant 0 : i32
    %gather3A_1357 = tpu.memref_slice %arg16[%gather3A_1354, %gather3A_1355, %gather3A_1356] : memref<4x128x8xf32, #tpu.memory_space<vmem>> -> memref<1x128x8xf32, #tpu.memory_space<vmem>>
    %gather3A_1358 = tpu.memref_squeeze %gather3A_1357 : memref<1x128x8xf32, #tpu.memory_space<vmem>> -> memref<128x8xf32, #tpu.memory_space<vmem>>
    %gather3A_1359 = tpu.vector_load_idx %gather3A_1358[%add3A_1319, %and3A_1333] : memref<128x8xf32, #tpu.memory_space<vmem>>[vector<16xi32>, vector<16xi32>], vector<16xf32>,
    %swap3A_1360 = arith.constant 0 : i32
    %swap3A_1361 = arith.index_cast %swap3A_1360 : i32 to index
    %swap3A_1362 = arith.constant 112 : index
    %swap3A_1363 = tpu.vector_load %arg19[%swap3A_1361, %swap3A_1362] {strides = array<i32>} : memref<4x128xf32, #tpu.memory_space<vmem>>, vector<16xf32>,
    tpu.vector_store %arg19[%swap3A_1361, %swap3A_1362], %gather3A_1359 {strides = array<i32>} : memref<4x128xf32, #tpu.memory_space<vmem>>, vector<16xf32>,
    %add3A_1364 = arith.constant 0 : i32
    %add3A_1365 = vector.broadcast %add3A_1364 : i32 to vector<16xi32>
    %add3A_1366 = arith.addi %iota3A, %add3A_1365 : vector<16xi32>
    %get3A_1367 = arith.constant 1 : i32
    %get3A_1368 = arith.index_cast %get3A_1367 : i32 to index
    %get3A_1369 = arith.constant 0 : index
    %get3A_1370 = tpu.vector_load %arg10[%get3A_1368, %get3A_1369] {strides = array<i32>} : memref<4x128xi32, #tpu.memory_space<vmem>>, vector<16xi32>,
    %and3A_1371 = arith.constant 7 : i32
    %and3A_1372 = vector.broadcast %and3A_1371 : i32 to vector<16xi32>
    %and3A_1373 = arith.andi %get3A_1370, %and3A_1372 : vector<16xi32>
    %get3A_1374 = arith.constant 1 : i32
    %get3A_1375 = arith.index_cast %get3A_1374 : i32 to index
    %get3A_1376 = arith.constant 0 : index
    %get3A_1377 = tpu.vector_load %arg11[%get3A_1375, %get3A_1376] {strides = array<i32>} : memref<4x128xi32, #tpu.memory_space<vmem>>, vector<16xi32>,
    %and3A_1378 = arith.constant 7 : i32
    %and3A_1379 = vector.broadcast %and3A_1378 : i32 to vector<16xi32>
    %and3A_1380 = arith.andi %get3A_1377, %and3A_1379 : vector<16xi32>
    %gather3A_1381 = arith.constant 1 : i32
    %gather3A_1382 = arith.constant 0 : i32
    %gather3A_1383 = arith.constant 0 : i32
    %gather3A_1384 = tpu.memref_slice %arg14[%gather3A_1381, %gather3A_1382, %gather3A_1383] : memref<4x128x8xf32, #tpu.memory_space<vmem>> -> memref<1x128x8xf32, #tpu.memory_space<vmem>>
    %gather3A_1385 = tpu.memref_squeeze %gather3A_1384 : memref<1x128x8xf32, #tpu.memory_space<vmem>> -> memref<128x8xf32, #tpu.memory_space<vmem>>
    %gather3A_1386 = tpu.vector_load_idx %gather3A_1385[%add3A_1366, %and3A_1373] : memref<128x8xf32, #tpu.memory_space<vmem>>[vector<16xi32>, vector<16xi32>], vector<16xf32>,
    %swap3A_1387 = arith.constant 1 : i32
    %swap3A_1388 = arith.index_cast %swap3A_1387 : i32 to index
    %swap3A_1389 = arith.constant 0 : index
    %swap3A_1390 = tpu.vector_load %arg17[%swap3A_1388, %swap3A_1389] {strides = array<i32>} : memref<4x128xf32, #tpu.memory_space<vmem>>, vector<16xf32>,
    tpu.vector_store %arg17[%swap3A_1388, %swap3A_1389], %gather3A_1386 {strides = array<i32>} : memref<4x128xf32, #tpu.memory_space<vmem>>, vector<16xf32>,
    %gather3A_1391 = arith.constant 1 : i32
    %gather3A_1392 = arith.constant 0 : i32
    %gather3A_1393 = arith.constant 0 : i32
    %gather3A_1394 = tpu.memref_slice %arg15[%gather3A_1391, %gather3A_1392, %gather3A_1393] : memref<4x128x8xf32, #tpu.memory_space<vmem>> -> memref<1x128x8xf32, #tpu.memory_space<vmem>>
    %gather3A_1395 = tpu.memref_squeeze %gather3A_1394 : memref<1x128x8xf32, #tpu.memory_space<vmem>> -> memref<128x8xf32, #tpu.memory_space<vmem>>
    %gather3A_1396 = tpu.vector_load_idx %gather3A_1395[%add3A_1366, %and3A_1380] : memref<128x8xf32, #tpu.memory_space<vmem>>[vector<16xi32>, vector<16xi32>], vector<16xf32>,
    %swap3A_1397 = arith.constant 1 : i32
    %swap3A_1398 = arith.index_cast %swap3A_1397 : i32 to index
    %swap3A_1399 = arith.constant 0 : index
    %swap3A_1400 = tpu.vector_load %arg18[%swap3A_1398, %swap3A_1399] {strides = array<i32>} : memref<4x128xf32, #tpu.memory_space<vmem>>, vector<16xf32>,
    tpu.vector_store %arg18[%swap3A_1398, %swap3A_1399], %gather3A_1396 {strides = array<i32>} : memref<4x128xf32, #tpu.memory_space<vmem>>, vector<16xf32>,
    %gather3A_1401 = arith.constant 1 : i32
    %gather3A_1402 = arith.constant 0 : i32
    %gather3A_1403 = arith.constant 0 : i32
    %gather3A_1404 = tpu.memref_slice %arg16[%gather3A_1401, %gather3A_1402, %gather3A_1403] : memref<4x128x8xf32, #tpu.memory_space<vmem>> -> memref<1x128x8xf32, #tpu.memory_space<vmem>>
    %gather3A_1405 = tpu.memref_squeeze %gather3A_1404 : memref<1x128x8xf32, #tpu.memory_space<vmem>> -> memref<128x8xf32, #tpu.memory_space<vmem>>
    %gather3A_1406 = tpu.vector_load_idx %gather3A_1405[%add3A_1366, %and3A_1380] : memref<128x8xf32, #tpu.memory_space<vmem>>[vector<16xi32>, vector<16xi32>], vector<16xf32>,
    %swap3A_1407 = arith.constant 1 : i32
    %swap3A_1408 = arith.index_cast %swap3A_1407 : i32 to index
    %swap3A_1409 = arith.constant 0 : index
    %swap3A_1410 = tpu.vector_load %arg19[%swap3A_1408, %swap3A_1409] {strides = array<i32>} : memref<4x128xf32, #tpu.memory_space<vmem>>, vector<16xf32>,
    tpu.vector_store %arg19[%swap3A_1408, %swap3A_1409], %gather3A_1406 {strides = array<i32>} : memref<4x128xf32, #tpu.memory_space<vmem>>, vector<16xf32>,
    %add3A_1411 = arith.constant 16 : i32
    %add3A_1412 = vector.broadcast %add3A_1411 : i32 to vector<16xi32>
    %add3A_1413 = arith.addi %iota3A, %add3A_1412 : vector<16xi32>
    %get3A_1414 = arith.constant 1 : i32
    %get3A_1415 = arith.index_cast %get3A_1414 : i32 to index
    %get3A_1416 = arith.constant 16 : index
    %get3A_1417 = tpu.vector_load %arg10[%get3A_1415, %get3A_1416] {strides = array<i32>} : memref<4x128xi32, #tpu.memory_space<vmem>>, vector<16xi32>,
    %and3A_1418 = arith.constant 7 : i32
    %and3A_1419 = vector.broadcast %and3A_1418 : i32 to vector<16xi32>
    %and3A_1420 = arith.andi %get3A_1417, %and3A_1419 : vector<16xi32>
    %get3A_1421 = arith.constant 1 : i32
    %get3A_1422 = arith.index_cast %get3A_1421 : i32 to index
    %get3A_1423 = arith.constant 16 : index
    %get3A_1424 = tpu.vector_load %arg11[%get3A_1422, %get3A_1423] {strides = array<i32>} : memref<4x128xi32, #tpu.memory_space<vmem>>, vector<16xi32>,
    %and3A_1425 = arith.constant 7 : i32
    %and3A_1426 = vector.broadcast %and3A_1425 : i32 to vector<16xi32>
    %and3A_1427 = arith.andi %get3A_1424, %and3A_1426 : vector<16xi32>
    %gather3A_1428 = arith.constant 1 : i32
    %gather3A_1429 = arith.constant 0 : i32
    %gather3A_1430 = arith.constant 0 : i32
    %gather3A_1431 = tpu.memref_slice %arg14[%gather3A_1428, %gather3A_1429, %gather3A_1430] : memref<4x128x8xf32, #tpu.memory_space<vmem>> -> memref<1x128x8xf32, #tpu.memory_space<vmem>>
    %gather3A_1432 = tpu.memref_squeeze %gather3A_1431 : memref<1x128x8xf32, #tpu.memory_space<vmem>> -> memref<128x8xf32, #tpu.memory_space<vmem>>
    %gather3A_1433 = tpu.vector_load_idx %gather3A_1432[%add3A_1413, %and3A_1420] : memref<128x8xf32, #tpu.memory_space<vmem>>[vector<16xi32>, vector<16xi32>], vector<16xf32>,
    %swap3A_1434 = arith.constant 1 : i32
    %swap3A_1435 = arith.index_cast %swap3A_1434 : i32 to index
    %swap3A_1436 = arith.constant 16 : index
    %swap3A_1437 = tpu.vector_load %arg17[%swap3A_1435, %swap3A_1436] {strides = array<i32>} : memref<4x128xf32, #tpu.memory_space<vmem>>, vector<16xf32>,
    tpu.vector_store %arg17[%swap3A_1435, %swap3A_1436], %gather3A_1433 {strides = array<i32>} : memref<4x128xf32, #tpu.memory_space<vmem>>, vector<16xf32>,
    %gather3A_1438 = arith.constant 1 : i32
    %gather3A_1439 = arith.constant 0 : i32
    %gather3A_1440 = arith.constant 0 : i32
    %gather3A_1441 = tpu.memref_slice %arg15[%gather3A_1438, %gather3A_1439, %gather3A_1440] : memref<4x128x8xf32, #tpu.memory_space<vmem>> -> memref<1x128x8xf32, #tpu.memory_space<vmem>>
    %gather3A_1442 = tpu.memref_squeeze %gather3A_1441 : memref<1x128x8xf32, #tpu.memory_space<vmem>> -> memref<128x8xf32, #tpu.memory_space<vmem>>
    %gather3A_1443 = tpu.vector_load_idx %gather3A_1442[%add3A_1413, %and3A_1427] : memref<128x8xf32, #tpu.memory_space<vmem>>[vector<16xi32>, vector<16xi32>], vector<16xf32>,
    %swap3A_1444 = arith.constant 1 : i32
    %swap3A_1445 = arith.index_cast %swap3A_1444 : i32 to index
    %swap3A_1446 = arith.constant 16 : index
    %swap3A_1447 = tpu.vector_load %arg18[%swap3A_1445, %swap3A_1446] {strides = array<i32>} : memref<4x128xf32, #tpu.memory_space<vmem>>, vector<16xf32>,
    tpu.vector_store %arg18[%swap3A_1445, %swap3A_1446], %gather3A_1443 {strides = array<i32>} : memref<4x128xf32, #tpu.memory_space<vmem>>, vector<16xf32>,
    %gather3A_1448 = arith.constant 1 : i32
    %gather3A_1449 = arith.constant 0 : i32
    %gather3A_1450 = arith.constant 0 : i32
    %gather3A_1451 = tpu.memref_slice %arg16[%gather3A_1448, %gather3A_1449, %gather3A_1450] : memref<4x128x8xf32, #tpu.memory_space<vmem>> -> memref<1x128x8xf32, #tpu.memory_space<vmem>>
    %gather3A_1452 = tpu.memref_squeeze %gather3A_1451 : memref<1x128x8xf32, #tpu.memory_space<vmem>> -> memref<128x8xf32, #tpu.memory_space<vmem>>
    %gather3A_1453 = tpu.vector_load_idx %gather3A_1452[%add3A_1413, %and3A_1427] : memref<128x8xf32, #tpu.memory_space<vmem>>[vector<16xi32>, vector<16xi32>], vector<16xf32>,
    %swap3A_1454 = arith.constant 1 : i32
    %swap3A_1455 = arith.index_cast %swap3A_1454 : i32 to index
    %swap3A_1456 = arith.constant 16 : index
    %swap3A_1457 = tpu.vector_load %arg19[%swap3A_1455, %swap3A_1456] {strides = array<i32>} : memref<4x128xf32, #tpu.memory_space<vmem>>, vector<16xf32>,
    tpu.vector_store %arg19[%swap3A_1455, %swap3A_1456], %gather3A_1453 {strides = array<i32>} : memref<4x128xf32, #tpu.memory_space<vmem>>, vector<16xf32>,
    %add3A_1458 = arith.constant 32 : i32
    %add3A_1459 = vector.broadcast %add3A_1458 : i32 to vector<16xi32>
    %add3A_1460 = arith.addi %iota3A, %add3A_1459 : vector<16xi32>
    %get3A_1461 = arith.constant 1 : i32
    %get3A_1462 = arith.index_cast %get3A_1461 : i32 to index
    %get3A_1463 = arith.constant 32 : index
    %get3A_1464 = tpu.vector_load %arg10[%get3A_1462, %get3A_1463] {strides = array<i32>} : memref<4x128xi32, #tpu.memory_space<vmem>>, vector<16xi32>,
    %and3A_1465 = arith.constant 7 : i32
    %and3A_1466 = vector.broadcast %and3A_1465 : i32 to vector<16xi32>
    %and3A_1467 = arith.andi %get3A_1464, %and3A_1466 : vector<16xi32>
    %get3A_1468 = arith.constant 1 : i32
    %get3A_1469 = arith.index_cast %get3A_1468 : i32 to index
    %get3A_1470 = arith.constant 32 : index
    %get3A_1471 = tpu.vector_load %arg11[%get3A_1469, %get3A_1470] {strides = array<i32>} : memref<4x128xi32, #tpu.memory_space<vmem>>, vector<16xi32>,
    %and3A_1472 = arith.constant 7 : i32
    %and3A_1473 = vector.broadcast %and3A_1472 : i32 to vector<16xi32>
    %and3A_1474 = arith.andi %get3A_1471, %and3A_1473 : vector<16xi32>
    %gather3A_1475 = arith.constant 1 : i32
    %gather3A_1476 = arith.constant 0 : i32
    %gather3A_1477 = arith.constant 0 : i32
    %gather3A_1478 = tpu.memref_slice %arg14[%gather3A_1475, %gather3A_1476, %gather3A_1477] : memref<4x128x8xf32, #tpu.memory_space<vmem>> -> memref<1x128x8xf32, #tpu.memory_space<vmem>>
    %gather3A_1479 = tpu.memref_squeeze %gather3A_1478 : memref<1x128x8xf32, #tpu.memory_space<vmem>> -> memref<128x8xf32, #tpu.memory_space<vmem>>
    %gather3A_1480 = tpu.vector_load_idx %gather3A_1479[%add3A_1460, %and3A_1467] : memref<128x8xf32, #tpu.memory_space<vmem>>[vector<16xi32>, vector<16xi32>], vector<16xf32>,
    %swap3A_1481 = arith.constant 1 : i32
    %swap3A_1482 = arith.index_cast %swap3A_1481 : i32 to index
    %swap3A_1483 = arith.constant 32 : index
    %swap3A_1484 = tpu.vector_load %arg17[%swap3A_1482, %swap3A_1483] {strides = array<i32>} : memref<4x128xf32, #tpu.memory_space<vmem>>, vector<16xf32>,
    tpu.vector_store %arg17[%swap3A_1482, %swap3A_1483], %gather3A_1480 {strides = array<i32>} : memref<4x128xf32, #tpu.memory_space<vmem>>, vector<16xf32>,
    %gather3A_1485 = arith.constant 1 : i32
    %gather3A_1486 = arith.constant 0 : i32
    %gather3A_1487 = arith.constant 0 : i32
    %gather3A_1488 = tpu.memref_slice %arg15[%gather3A_1485, %gather3A_1486, %gather3A_1487] : memref<4x128x8xf32, #tpu.memory_space<vmem>> -> memref<1x128x8xf32, #tpu.memory_space<vmem>>
    %gather3A_1489 = tpu.memref_squeeze %gather3A_1488 : memref<1x128x8xf32, #tpu.memory_space<vmem>> -> memref<128x8xf32, #tpu.memory_space<vmem>>
    %gather3A_1490 = tpu.vector_load_idx %gather3A_1489[%add3A_1460, %and3A_1474] : memref<128x8xf32, #tpu.memory_space<vmem>>[vector<16xi32>, vector<16xi32>], vector<16xf32>,
    %swap3A_1491 = arith.constant 1 : i32
    %swap3A_1492 = arith.index_cast %swap3A_1491 : i32 to index
    %swap3A_1493 = arith.constant 32 : index
    %swap3A_1494 = tpu.vector_load %arg18[%swap3A_1492, %swap3A_1493] {strides = array<i32>} : memref<4x128xf32, #tpu.memory_space<vmem>>, vector<16xf32>,
    tpu.vector_store %arg18[%swap3A_1492, %swap3A_1493], %gather3A_1490 {strides = array<i32>} : memref<4x128xf32, #tpu.memory_space<vmem>>, vector<16xf32>,
    %gather3A_1495 = arith.constant 1 : i32
    %gather3A_1496 = arith.constant 0 : i32
    %gather3A_1497 = arith.constant 0 : i32
    %gather3A_1498 = tpu.memref_slice %arg16[%gather3A_1495, %gather3A_1496, %gather3A_1497] : memref<4x128x8xf32, #tpu.memory_space<vmem>> -> memref<1x128x8xf32, #tpu.memory_space<vmem>>
    %gather3A_1499 = tpu.memref_squeeze %gather3A_1498 : memref<1x128x8xf32, #tpu.memory_space<vmem>> -> memref<128x8xf32, #tpu.memory_space<vmem>>
    %gather3A_1500 = tpu.vector_load_idx %gather3A_1499[%add3A_1460, %and3A_1474] : memref<128x8xf32, #tpu.memory_space<vmem>>[vector<16xi32>, vector<16xi32>], vector<16xf32>,
    %swap3A_1501 = arith.constant 1 : i32
    %swap3A_1502 = arith.index_cast %swap3A_1501 : i32 to index
    %swap3A_1503 = arith.constant 32 : index
    %swap3A_1504 = tpu.vector_load %arg19[%swap3A_1502, %swap3A_1503] {strides = array<i32>} : memref<4x128xf32, #tpu.memory_space<vmem>>, vector<16xf32>,
    tpu.vector_store %arg19[%swap3A_1502, %swap3A_1503], %gather3A_1500 {strides = array<i32>} : memref<4x128xf32, #tpu.memory_space<vmem>>, vector<16xf32>,
    %add3A_1505 = arith.constant 48 : i32
    %add3A_1506 = vector.broadcast %add3A_1505 : i32 to vector<16xi32>
    %add3A_1507 = arith.addi %iota3A, %add3A_1506 : vector<16xi32>
    %get3A_1508 = arith.constant 1 : i32
    %get3A_1509 = arith.index_cast %get3A_1508 : i32 to index
    %get3A_1510 = arith.constant 48 : index
    %get3A_1511 = tpu.vector_load %arg10[%get3A_1509, %get3A_1510] {strides = array<i32>} : memref<4x128xi32, #tpu.memory_space<vmem>>, vector<16xi32>,
    %and3A_1512 = arith.constant 7 : i32
    %and3A_1513 = vector.broadcast %and3A_1512 : i32 to vector<16xi32>
    %and3A_1514 = arith.andi %get3A_1511, %and3A_1513 : vector<16xi32>
    %get3A_1515 = arith.constant 1 : i32
    %get3A_1516 = arith.index_cast %get3A_1515 : i32 to index
    %get3A_1517 = arith.constant 48 : index
    %get3A_1518 = tpu.vector_load %arg11[%get3A_1516, %get3A_1517] {strides = array<i32>} : memref<4x128xi32, #tpu.memory_space<vmem>>, vector<16xi32>,
    %and3A_1519 = arith.constant 7 : i32
    %and3A_1520 = vector.broadcast %and3A_1519 : i32 to vector<16xi32>
    %and3A_1521 = arith.andi %get3A_1518, %and3A_1520 : vector<16xi32>
    %gather3A_1522 = arith.constant 1 : i32
    %gather3A_1523 = arith.constant 0 : i32
    %gather3A_1524 = arith.constant 0 : i32
    %gather3A_1525 = tpu.memref_slice %arg14[%gather3A_1522, %gather3A_1523, %gather3A_1524] : memref<4x128x8xf32, #tpu.memory_space<vmem>> -> memref<1x128x8xf32, #tpu.memory_space<vmem>>
    %gather3A_1526 = tpu.memref_squeeze %gather3A_1525 : memref<1x128x8xf32, #tpu.memory_space<vmem>> -> memref<128x8xf32, #tpu.memory_space<vmem>>
    %gather3A_1527 = tpu.vector_load_idx %gather3A_1526[%add3A_1507, %and3A_1514] : memref<128x8xf32, #tpu.memory_space<vmem>>[vector<16xi32>, vector<16xi32>], vector<16xf32>,
    %swap3A_1528 = arith.constant 1 : i32
    %swap3A_1529 = arith.index_cast %swap3A_1528 : i32 to index
    %swap3A_1530 = arith.constant 48 : index
    %swap3A_1531 = tpu.vector_load %arg17[%swap3A_1529, %swap3A_1530] {strides = array<i32>} : memref<4x128xf32, #tpu.memory_space<vmem>>, vector<16xf32>,
    tpu.vector_store %arg17[%swap3A_1529, %swap3A_1530], %gather3A_1527 {strides = array<i32>} : memref<4x128xf32, #tpu.memory_space<vmem>>, vector<16xf32>,
    %gather3A_1532 = arith.constant 1 : i32
    %gather3A_1533 = arith.constant 0 : i32
    %gather3A_1534 = arith.constant 0 : i32
    %gather3A_1535 = tpu.memref_slice %arg15[%gather3A_1532, %gather3A_1533, %gather3A_1534] : memref<4x128x8xf32, #tpu.memory_space<vmem>> -> memref<1x128x8xf32, #tpu.memory_space<vmem>>
    %gather3A_1536 = tpu.memref_squeeze %gather3A_1535 : memref<1x128x8xf32, #tpu.memory_space<vmem>> -> memref<128x8xf32, #tpu.memory_space<vmem>>
    %gather3A_1537 = tpu.vector_load_idx %gather3A_1536[%add3A_1507, %and3A_1521] : memref<128x8xf32, #tpu.memory_space<vmem>>[vector<16xi32>, vector<16xi32>], vector<16xf32>,
    %swap3A_1538 = arith.constant 1 : i32
    %swap3A_1539 = arith.index_cast %swap3A_1538 : i32 to index
    %swap3A_1540 = arith.constant 48 : index
    %swap3A_1541 = tpu.vector_load %arg18[%swap3A_1539, %swap3A_1540] {strides = array<i32>} : memref<4x128xf32, #tpu.memory_space<vmem>>, vector<16xf32>,
    tpu.vector_store %arg18[%swap3A_1539, %swap3A_1540], %gather3A_1537 {strides = array<i32>} : memref<4x128xf32, #tpu.memory_space<vmem>>, vector<16xf32>,
    %gather3A_1542 = arith.constant 1 : i32
    %gather3A_1543 = arith.constant 0 : i32
    %gather3A_1544 = arith.constant 0 : i32
    %gather3A_1545 = tpu.memref_slice %arg16[%gather3A_1542, %gather3A_1543, %gather3A_1544] : memref<4x128x8xf32, #tpu.memory_space<vmem>> -> memref<1x128x8xf32, #tpu.memory_space<vmem>>
    %gather3A_1546 = tpu.memref_squeeze %gather3A_1545 : memref<1x128x8xf32, #tpu.memory_space<vmem>> -> memref<128x8xf32, #tpu.memory_space<vmem>>
    %gather3A_1547 = tpu.vector_load_idx %gather3A_1546[%add3A_1507, %and3A_1521] : memref<128x8xf32, #tpu.memory_space<vmem>>[vector<16xi32>, vector<16xi32>], vector<16xf32>,
    %swap3A_1548 = arith.constant 1 : i32
    %swap3A_1549 = arith.index_cast %swap3A_1548 : i32 to index
    %swap3A_1550 = arith.constant 48 : index
    %swap3A_1551 = tpu.vector_load %arg19[%swap3A_1549, %swap3A_1550] {strides = array<i32>} : memref<4x128xf32, #tpu.memory_space<vmem>>, vector<16xf32>,
    tpu.vector_store %arg19[%swap3A_1549, %swap3A_1550], %gather3A_1547 {strides = array<i32>} : memref<4x128xf32, #tpu.memory_space<vmem>>, vector<16xf32>,
    %add3A_1552 = arith.constant 64 : i32
    %add3A_1553 = vector.broadcast %add3A_1552 : i32 to vector<16xi32>
    %add3A_1554 = arith.addi %iota3A, %add3A_1553 : vector<16xi32>
    %get3A_1555 = arith.constant 1 : i32
    %get3A_1556 = arith.index_cast %get3A_1555 : i32 to index
    %get3A_1557 = arith.constant 64 : index
    %get3A_1558 = tpu.vector_load %arg10[%get3A_1556, %get3A_1557] {strides = array<i32>} : memref<4x128xi32, #tpu.memory_space<vmem>>, vector<16xi32>,
    %and3A_1559 = arith.constant 7 : i32
    %and3A_1560 = vector.broadcast %and3A_1559 : i32 to vector<16xi32>
    %and3A_1561 = arith.andi %get3A_1558, %and3A_1560 : vector<16xi32>
    %get3A_1562 = arith.constant 1 : i32
    %get3A_1563 = arith.index_cast %get3A_1562 : i32 to index
    %get3A_1564 = arith.constant 64 : index
    %get3A_1565 = tpu.vector_load %arg11[%get3A_1563, %get3A_1564] {strides = array<i32>} : memref<4x128xi32, #tpu.memory_space<vmem>>, vector<16xi32>,
    %and3A_1566 = arith.constant 7 : i32
    %and3A_1567 = vector.broadcast %and3A_1566 : i32 to vector<16xi32>
    %and3A_1568 = arith.andi %get3A_1565, %and3A_1567 : vector<16xi32>
    %gather3A_1569 = arith.constant 1 : i32
    %gather3A_1570 = arith.constant 0 : i32
    %gather3A_1571 = arith.constant 0 : i32
    %gather3A_1572 = tpu.memref_slice %arg14[%gather3A_1569, %gather3A_1570, %gather3A_1571] : memref<4x128x8xf32, #tpu.memory_space<vmem>> -> memref<1x128x8xf32, #tpu.memory_space<vmem>>
    %gather3A_1573 = tpu.memref_squeeze %gather3A_1572 : memref<1x128x8xf32, #tpu.memory_space<vmem>> -> memref<128x8xf32, #tpu.memory_space<vmem>>
    %gather3A_1574 = tpu.vector_load_idx %gather3A_1573[%add3A_1554, %and3A_1561] : memref<128x8xf32, #tpu.memory_space<vmem>>[vector<16xi32>, vector<16xi32>], vector<16xf32>,
    %swap3A_1575 = arith.constant 1 : i32
    %swap3A_1576 = arith.index_cast %swap3A_1575 : i32 to index
    %swap3A_1577 = arith.constant 64 : index
    %swap3A_1578 = tpu.vector_load %arg17[%swap3A_1576, %swap3A_1577] {strides = array<i32>} : memref<4x128xf32, #tpu.memory_space<vmem>>, vector<16xf32>,
    tpu.vector_store %arg17[%swap3A_1576, %swap3A_1577], %gather3A_1574 {strides = array<i32>} : memref<4x128xf32, #tpu.memory_space<vmem>>, vector<16xf32>,
    %gather3A_1579 = arith.constant 1 : i32
    %gather3A_1580 = arith.constant 0 : i32
    %gather3A_1581 = arith.constant 0 : i32
    %gather3A_1582 = tpu.memref_slice %arg15[%gather3A_1579, %gather3A_1580, %gather3A_1581] : memref<4x128x8xf32, #tpu.memory_space<vmem>> -> memref<1x128x8xf32, #tpu.memory_space<vmem>>
    %gather3A_1583 = tpu.memref_squeeze %gather3A_1582 : memref<1x128x8xf32, #tpu.memory_space<vmem>> -> memref<128x8xf32, #tpu.memory_space<vmem>>
    %gather3A_1584 = tpu.vector_load_idx %gather3A_1583[%add3A_1554, %and3A_1568] : memref<128x8xf32, #tpu.memory_space<vmem>>[vector<16xi32>, vector<16xi32>], vector<16xf32>,
    %swap3A_1585 = arith.constant 1 : i32
    %swap3A_1586 = arith.index_cast %swap3A_1585 : i32 to index
    %swap3A_1587 = arith.constant 64 : index
    %swap3A_1588 = tpu.vector_load %arg18[%swap3A_1586, %swap3A_1587] {strides = array<i32>} : memref<4x128xf32, #tpu.memory_space<vmem>>, vector<16xf32>,
    tpu.vector_store %arg18[%swap3A_1586, %swap3A_1587], %gather3A_1584 {strides = array<i32>} : memref<4x128xf32, #tpu.memory_space<vmem>>, vector<16xf32>,
    %gather3A_1589 = arith.constant 1 : i32
    %gather3A_1590 = arith.constant 0 : i32
    %gather3A_1591 = arith.constant 0 : i32
    %gather3A_1592 = tpu.memref_slice %arg16[%gather3A_1589, %gather3A_1590, %gather3A_1591] : memref<4x128x8xf32, #tpu.memory_space<vmem>> -> memref<1x128x8xf32, #tpu.memory_space<vmem>>
    %gather3A_1593 = tpu.memref_squeeze %gather3A_1592 : memref<1x128x8xf32, #tpu.memory_space<vmem>> -> memref<128x8xf32, #tpu.memory_space<vmem>>
    %gather3A_1594 = tpu.vector_load_idx %gather3A_1593[%add3A_1554, %and3A_1568] : memref<128x8xf32, #tpu.memory_space<vmem>>[vector<16xi32>, vector<16xi32>], vector<16xf32>,
    %swap3A_1595 = arith.constant 1 : i32
    %swap3A_1596 = arith.index_cast %swap3A_1595 : i32 to index
    %swap3A_1597 = arith.constant 64 : index
    %swap3A_1598 = tpu.vector_load %arg19[%swap3A_1596, %swap3A_1597] {strides = array<i32>} : memref<4x128xf32, #tpu.memory_space<vmem>>, vector<16xf32>,
    tpu.vector_store %arg19[%swap3A_1596, %swap3A_1597], %gather3A_1594 {strides = array<i32>} : memref<4x128xf32, #tpu.memory_space<vmem>>, vector<16xf32>,
    %add3A_1599 = arith.constant 80 : i32
    %add3A_1600 = vector.broadcast %add3A_1599 : i32 to vector<16xi32>
    %add3A_1601 = arith.addi %iota3A, %add3A_1600 : vector<16xi32>
    %get3A_1602 = arith.constant 1 : i32
    %get3A_1603 = arith.index_cast %get3A_1602 : i32 to index
    %get3A_1604 = arith.constant 80 : index
    %get3A_1605 = tpu.vector_load %arg10[%get3A_1603, %get3A_1604] {strides = array<i32>} : memref<4x128xi32, #tpu.memory_space<vmem>>, vector<16xi32>,
    %and3A_1606 = arith.constant 7 : i32
    %and3A_1607 = vector.broadcast %and3A_1606 : i32 to vector<16xi32>
    %and3A_1608 = arith.andi %get3A_1605, %and3A_1607 : vector<16xi32>
    %get3A_1609 = arith.constant 1 : i32
    %get3A_1610 = arith.index_cast %get3A_1609 : i32 to index
    %get3A_1611 = arith.constant 80 : index
    %get3A_1612 = tpu.vector_load %arg11[%get3A_1610, %get3A_1611] {strides = array<i32>} : memref<4x128xi32, #tpu.memory_space<vmem>>, vector<16xi32>,
    %and3A_1613 = arith.constant 7 : i32
    %and3A_1614 = vector.broadcast %and3A_1613 : i32 to vector<16xi32>
    %and3A_1615 = arith.andi %get3A_1612, %and3A_1614 : vector<16xi32>
    %gather3A_1616 = arith.constant 1 : i32
    %gather3A_1617 = arith.constant 0 : i32
    %gather3A_1618 = arith.constant 0 : i32
    %gather3A_1619 = tpu.memref_slice %arg14[%gather3A_1616, %gather3A_1617, %gather3A_1618] : memref<4x128x8xf32, #tpu.memory_space<vmem>> -> memref<1x128x8xf32, #tpu.memory_space<vmem>>
    %gather3A_1620 = tpu.memref_squeeze %gather3A_1619 : memref<1x128x8xf32, #tpu.memory_space<vmem>> -> memref<128x8xf32, #tpu.memory_space<vmem>>
    %gather3A_1621 = tpu.vector_load_idx %gather3A_1620[%add3A_1601, %and3A_1608] : memref<128x8xf32, #tpu.memory_space<vmem>>[vector<16xi32>, vector<16xi32>], vector<16xf32>,
    %swap3A_1622 = arith.constant 1 : i32
    %swap3A_1623 = arith.index_cast %swap3A_1622 : i32 to index
    %swap3A_1624 = arith.constant 80 : index
    %swap3A_1625 = tpu.vector_load %arg17[%swap3A_1623, %swap3A_1624] {strides = array<i32>} : memref<4x128xf32, #tpu.memory_space<vmem>>, vector<16xf32>,
    tpu.vector_store %arg17[%swap3A_1623, %swap3A_1624], %gather3A_1621 {strides = array<i32>} : memref<4x128xf32, #tpu.memory_space<vmem>>, vector<16xf32>,
    %gather3A_1626 = arith.constant 1 : i32
    %gather3A_1627 = arith.constant 0 : i32
    %gather3A_1628 = arith.constant 0 : i32
    %gather3A_1629 = tpu.memref_slice %arg15[%gather3A_1626, %gather3A_1627, %gather3A_1628] : memref<4x128x8xf32, #tpu.memory_space<vmem>> -> memref<1x128x8xf32, #tpu.memory_space<vmem>>
    %gather3A_1630 = tpu.memref_squeeze %gather3A_1629 : memref<1x128x8xf32, #tpu.memory_space<vmem>> -> memref<128x8xf32, #tpu.memory_space<vmem>>
    %gather3A_1631 = tpu.vector_load_idx %gather3A_1630[%add3A_1601, %and3A_1615] : memref<128x8xf32, #tpu.memory_space<vmem>>[vector<16xi32>, vector<16xi32>], vector<16xf32>,
    %swap3A_1632 = arith.constant 1 : i32
    %swap3A_1633 = arith.index_cast %swap3A_1632 : i32 to index
    %swap3A_1634 = arith.constant 80 : index
    %swap3A_1635 = tpu.vector_load %arg18[%swap3A_1633, %swap3A_1634] {strides = array<i32>} : memref<4x128xf32, #tpu.memory_space<vmem>>, vector<16xf32>,
    tpu.vector_store %arg18[%swap3A_1633, %swap3A_1634], %gather3A_1631 {strides = array<i32>} : memref<4x128xf32, #tpu.memory_space<vmem>>, vector<16xf32>,
    %gather3A_1636 = arith.constant 1 : i32
    %gather3A_1637 = arith.constant 0 : i32
    %gather3A_1638 = arith.constant 0 : i32
    %gather3A_1639 = tpu.memref_slice %arg16[%gather3A_1636, %gather3A_1637, %gather3A_1638] : memref<4x128x8xf32, #tpu.memory_space<vmem>> -> memref<1x128x8xf32, #tpu.memory_space<vmem>>
    %gather3A_1640 = tpu.memref_squeeze %gather3A_1639 : memref<1x128x8xf32, #tpu.memory_space<vmem>> -> memref<128x8xf32, #tpu.memory_space<vmem>>
    %gather3A_1641 = tpu.vector_load_idx %gather3A_1640[%add3A_1601, %and3A_1615] : memref<128x8xf32, #tpu.memory_space<vmem>>[vector<16xi32>, vector<16xi32>], vector<16xf32>,
    %swap3A_1642 = arith.constant 1 : i32
    %swap3A_1643 = arith.index_cast %swap3A_1642 : i32 to index
    %swap3A_1644 = arith.constant 80 : index
    %swap3A_1645 = tpu.vector_load %arg19[%swap3A_1643, %swap3A_1644] {strides = array<i32>} : memref<4x128xf32, #tpu.memory_space<vmem>>, vector<16xf32>,
    tpu.vector_store %arg19[%swap3A_1643, %swap3A_1644], %gather3A_1641 {strides = array<i32>} : memref<4x128xf32, #tpu.memory_space<vmem>>, vector<16xf32>,
    %add3A_1646 = arith.constant 96 : i32
    %add3A_1647 = vector.broadcast %add3A_1646 : i32 to vector<16xi32>
    %add3A_1648 = arith.addi %iota3A, %add3A_1647 : vector<16xi32>
    %get3A_1649 = arith.constant 1 : i32
    %get3A_1650 = arith.index_cast %get3A_1649 : i32 to index
    %get3A_1651 = arith.constant 96 : index
    %get3A_1652 = tpu.vector_load %arg10[%get3A_1650, %get3A_1651] {strides = array<i32>} : memref<4x128xi32, #tpu.memory_space<vmem>>, vector<16xi32>,
    %and3A_1653 = arith.constant 7 : i32
    %and3A_1654 = vector.broadcast %and3A_1653 : i32 to vector<16xi32>
    %and3A_1655 = arith.andi %get3A_1652, %and3A_1654 : vector<16xi32>
    %get3A_1656 = arith.constant 1 : i32
    %get3A_1657 = arith.index_cast %get3A_1656 : i32 to index
    %get3A_1658 = arith.constant 96 : index
    %get3A_1659 = tpu.vector_load %arg11[%get3A_1657, %get3A_1658] {strides = array<i32>} : memref<4x128xi32, #tpu.memory_space<vmem>>, vector<16xi32>,
    %and3A_1660 = arith.constant 7 : i32
    %and3A_1661 = vector.broadcast %and3A_1660 : i32 to vector<16xi32>
    %and3A_1662 = arith.andi %get3A_1659, %and3A_1661 : vector<16xi32>
    %gather3A_1663 = arith.constant 1 : i32
    %gather3A_1664 = arith.constant 0 : i32
    %gather3A_1665 = arith.constant 0 : i32
    %gather3A_1666 = tpu.memref_slice %arg14[%gather3A_1663, %gather3A_1664, %gather3A_1665] : memref<4x128x8xf32, #tpu.memory_space<vmem>> -> memref<1x128x8xf32, #tpu.memory_space<vmem>>
    %gather3A_1667 = tpu.memref_squeeze %gather3A_1666 : memref<1x128x8xf32, #tpu.memory_space<vmem>> -> memref<128x8xf32, #tpu.memory_space<vmem>>
    %gather3A_1668 = tpu.vector_load_idx %gather3A_1667[%add3A_1648, %and3A_1655] : memref<128x8xf32, #tpu.memory_space<vmem>>[vector<16xi32>, vector<16xi32>], vector<16xf32>,
    %swap3A_1669 = arith.constant 1 : i32
    %swap3A_1670 = arith.index_cast %swap3A_1669 : i32 to index
    %swap3A_1671 = arith.constant 96 : index
    %swap3A_1672 = tpu.vector_load %arg17[%swap3A_1670, %swap3A_1671] {strides = array<i32>} : memref<4x128xf32, #tpu.memory_space<vmem>>, vector<16xf32>,
    tpu.vector_store %arg17[%swap3A_1670, %swap3A_1671], %gather3A_1668 {strides = array<i32>} : memref<4x128xf32, #tpu.memory_space<vmem>>, vector<16xf32>,
    %gather3A_1673 = arith.constant 1 : i32
    %gather3A_1674 = arith.constant 0 : i32
    %gather3A_1675 = arith.constant 0 : i32
    %gather3A_1676 = tpu.memref_slice %arg15[%gather3A_1673, %gather3A_1674, %gather3A_1675] : memref<4x128x8xf32, #tpu.memory_space<vmem>> -> memref<1x128x8xf32, #tpu.memory_space<vmem>>
    %gather3A_1677 = tpu.memref_squeeze %gather3A_1676 : memref<1x128x8xf32, #tpu.memory_space<vmem>> -> memref<128x8xf32, #tpu.memory_space<vmem>>
    %gather3A_1678 = tpu.vector_load_idx %gather3A_1677[%add3A_1648, %and3A_1662] : memref<128x8xf32, #tpu.memory_space<vmem>>[vector<16xi32>, vector<16xi32>], vector<16xf32>,
    %swap3A_1679 = arith.constant 1 : i32
    %swap3A_1680 = arith.index_cast %swap3A_1679 : i32 to index
    %swap3A_1681 = arith.constant 96 : index
    %swap3A_1682 = tpu.vector_load %arg18[%swap3A_1680, %swap3A_1681] {strides = array<i32>} : memref<4x128xf32, #tpu.memory_space<vmem>>, vector<16xf32>,
    tpu.vector_store %arg18[%swap3A_1680, %swap3A_1681], %gather3A_1678 {strides = array<i32>} : memref<4x128xf32, #tpu.memory_space<vmem>>, vector<16xf32>,
    %gather3A_1683 = arith.constant 1 : i32
    %gather3A_1684 = arith.constant 0 : i32
    %gather3A_1685 = arith.constant 0 : i32
    %gather3A_1686 = tpu.memref_slice %arg16[%gather3A_1683, %gather3A_1684, %gather3A_1685] : memref<4x128x8xf32, #tpu.memory_space<vmem>> -> memref<1x128x8xf32, #tpu.memory_space<vmem>>
    %gather3A_1687 = tpu.memref_squeeze %gather3A_1686 : memref<1x128x8xf32, #tpu.memory_space<vmem>> -> memref<128x8xf32, #tpu.memory_space<vmem>>
    %gather3A_1688 = tpu.vector_load_idx %gather3A_1687[%add3A_1648, %and3A_1662] : memref<128x8xf32, #tpu.memory_space<vmem>>[vector<16xi32>, vector<16xi32>], vector<16xf32>,
    %swap3A_1689 = arith.constant 1 : i32
    %swap3A_1690 = arith.index_cast %swap3A_1689 : i32 to index
    %swap3A_1691 = arith.constant 96 : index
    %swap3A_1692 = tpu.vector_load %arg19[%swap3A_1690, %swap3A_1691] {strides = array<i32>} : memref<4x128xf32, #tpu.memory_space<vmem>>, vector<16xf32>,
    tpu.vector_store %arg19[%swap3A_1690, %swap3A_1691], %gather3A_1688 {strides = array<i32>} : memref<4x128xf32, #tpu.memory_space<vmem>>, vector<16xf32>,
    %add3A_1693 = arith.constant 112 : i32
    %add3A_1694 = vector.broadcast %add3A_1693 : i32 to vector<16xi32>
    %add3A_1695 = arith.addi %iota3A, %add3A_1694 : vector<16xi32>
    %get3A_1696 = arith.constant 1 : i32
    %get3A_1697 = arith.index_cast %get3A_1696 : i32 to index
    %get3A_1698 = arith.constant 112 : index
    %get3A_1699 = tpu.vector_load %arg10[%get3A_1697, %get3A_1698] {strides = array<i32>} : memref<4x128xi32, #tpu.memory_space<vmem>>, vector<16xi32>,
    %and3A_1700 = arith.constant 7 : i32
    %and3A_1701 = vector.broadcast %and3A_1700 : i32 to vector<16xi32>
    %and3A_1702 = arith.andi %get3A_1699, %and3A_1701 : vector<16xi32>
    %get3A_1703 = arith.constant 1 : i32
    %get3A_1704 = arith.index_cast %get3A_1703 : i32 to index
    %get3A_1705 = arith.constant 112 : index
    %get3A_1706 = tpu.vector_load %arg11[%get3A_1704, %get3A_1705] {strides = array<i32>} : memref<4x128xi32, #tpu.memory_space<vmem>>, vector<16xi32>,
    %and3A_1707 = arith.constant 7 : i32
    %and3A_1708 = vector.broadcast %and3A_1707 : i32 to vector<16xi32>
    %and3A_1709 = arith.andi %get3A_1706, %and3A_1708 : vector<16xi32>
    %gather3A_1710 = arith.constant 1 : i32
    %gather3A_1711 = arith.constant 0 : i32
    %gather3A_1712 = arith.constant 0 : i32
    %gather3A_1713 = tpu.memref_slice %arg14[%gather3A_1710, %gather3A_1711, %gather3A_1712] : memref<4x128x8xf32, #tpu.memory_space<vmem>> -> memref<1x128x8xf32, #tpu.memory_space<vmem>>
    %gather3A_1714 = tpu.memref_squeeze %gather3A_1713 : memref<1x128x8xf32, #tpu.memory_space<vmem>> -> memref<128x8xf32, #tpu.memory_space<vmem>>
    %gather3A_1715 = tpu.vector_load_idx %gather3A_1714[%add3A_1695, %and3A_1702] : memref<128x8xf32, #tpu.memory_space<vmem>>[vector<16xi32>, vector<16xi32>], vector<16xf32>,
    %swap3A_1716 = arith.constant 1 : i32
    %swap3A_1717 = arith.index_cast %swap3A_1716 : i32 to index
    %swap3A_1718 = arith.constant 112 : index
    %swap3A_1719 = tpu.vector_load %arg17[%swap3A_1717, %swap3A_1718] {strides = array<i32>} : memref<4x128xf32, #tpu.memory_space<vmem>>, vector<16xf32>,
    tpu.vector_store %arg17[%swap3A_1717, %swap3A_1718], %gather3A_1715 {strides = array<i32>} : memref<4x128xf32, #tpu.memory_space<vmem>>, vector<16xf32>,
    %gather3A_1720 = arith.constant 1 : i32
    %gather3A_1721 = arith.constant 0 : i32
    %gather3A_1722 = arith.constant 0 : i32
    %gather3A_1723 = tpu.memref_slice %arg15[%gather3A_1720, %gather3A_1721, %gather3A_1722] : memref<4x128x8xf32, #tpu.memory_space<vmem>> -> memref<1x128x8xf32, #tpu.memory_space<vmem>>
    %gather3A_1724 = tpu.memref_squeeze %gather3A_1723 : memref<1x128x8xf32, #tpu.memory_space<vmem>> -> memref<128x8xf32, #tpu.memory_space<vmem>>
    %gather3A_1725 = tpu.vector_load_idx %gather3A_1724[%add3A_1695, %and3A_1709] : memref<128x8xf32, #tpu.memory_space<vmem>>[vector<16xi32>, vector<16xi32>], vector<16xf32>,
    %swap3A_1726 = arith.constant 1 : i32
    %swap3A_1727 = arith.index_cast %swap3A_1726 : i32 to index
    %swap3A_1728 = arith.constant 112 : index
    %swap3A_1729 = tpu.vector_load %arg18[%swap3A_1727, %swap3A_1728] {strides = array<i32>} : memref<4x128xf32, #tpu.memory_space<vmem>>, vector<16xf32>,
    tpu.vector_store %arg18[%swap3A_1727, %swap3A_1728], %gather3A_1725 {strides = array<i32>} : memref<4x128xf32, #tpu.memory_space<vmem>>, vector<16xf32>,
    %gather3A_1730 = arith.constant 1 : i32
    %gather3A_1731 = arith.constant 0 : i32
    %gather3A_1732 = arith.constant 0 : i32
    %gather3A_1733 = tpu.memref_slice %arg16[%gather3A_1730, %gather3A_1731, %gather3A_1732] : memref<4x128x8xf32, #tpu.memory_space<vmem>> -> memref<1x128x8xf32, #tpu.memory_space<vmem>>
    %gather3A_1734 = tpu.memref_squeeze %gather3A_1733 : memref<1x128x8xf32, #tpu.memory_space<vmem>> -> memref<128x8xf32, #tpu.memory_space<vmem>>
    %gather3A_1735 = tpu.vector_load_idx %gather3A_1734[%add3A_1695, %and3A_1709] : memref<128x8xf32, #tpu.memory_space<vmem>>[vector<16xi32>, vector<16xi32>], vector<16xf32>,
    %swap3A_1736 = arith.constant 1 : i32
    %swap3A_1737 = arith.index_cast %swap3A_1736 : i32 to index
    %swap3A_1738 = arith.constant 112 : index
    %swap3A_1739 = tpu.vector_load %arg19[%swap3A_1737, %swap3A_1738] {strides = array<i32>} : memref<4x128xf32, #tpu.memory_space<vmem>>, vector<16xf32>,
    tpu.vector_store %arg19[%swap3A_1737, %swap3A_1738], %gather3A_1735 {strides = array<i32>} : memref<4x128xf32, #tpu.memory_space<vmem>>, vector<16xf32>,
    %add3A_1740 = arith.constant 0 : i32
    %add3A_1741 = vector.broadcast %add3A_1740 : i32 to vector<16xi32>
    %add3A_1742 = arith.addi %iota3A, %add3A_1741 : vector<16xi32>
    %get3A_1743 = arith.constant 2 : i32
    %get3A_1744 = arith.index_cast %get3A_1743 : i32 to index
    %get3A_1745 = arith.constant 0 : index
    %get3A_1746 = tpu.vector_load %arg10[%get3A_1744, %get3A_1745] {strides = array<i32>} : memref<4x128xi32, #tpu.memory_space<vmem>>, vector<16xi32>,
    %and3A_1747 = arith.constant 7 : i32
    %and3A_1748 = vector.broadcast %and3A_1747 : i32 to vector<16xi32>
    %and3A_1749 = arith.andi %get3A_1746, %and3A_1748 : vector<16xi32>
    %get3A_1750 = arith.constant 2 : i32
    %get3A_1751 = arith.index_cast %get3A_1750 : i32 to index
    %get3A_1752 = arith.constant 0 : index
    %get3A_1753 = tpu.vector_load %arg11[%get3A_1751, %get3A_1752] {strides = array<i32>} : memref<4x128xi32, #tpu.memory_space<vmem>>, vector<16xi32>,
    %and3A_1754 = arith.constant 7 : i32
    %and3A_1755 = vector.broadcast %and3A_1754 : i32 to vector<16xi32>
    %and3A_1756 = arith.andi %get3A_1753, %and3A_1755 : vector<16xi32>
    %gather3A_1757 = arith.constant 2 : i32
    %gather3A_1758 = arith.constant 0 : i32
    %gather3A_1759 = arith.constant 0 : i32
    %gather3A_1760 = tpu.memref_slice %arg14[%gather3A_1757, %gather3A_1758, %gather3A_1759] : memref<4x128x8xf32, #tpu.memory_space<vmem>> -> memref<1x128x8xf32, #tpu.memory_space<vmem>>
    %gather3A_1761 = tpu.memref_squeeze %gather3A_1760 : memref<1x128x8xf32, #tpu.memory_space<vmem>> -> memref<128x8xf32, #tpu.memory_space<vmem>>
    %gather3A_1762 = tpu.vector_load_idx %gather3A_1761[%add3A_1742, %and3A_1749] : memref<128x8xf32, #tpu.memory_space<vmem>>[vector<16xi32>, vector<16xi32>], vector<16xf32>,
    %swap3A_1763 = arith.constant 2 : i32
    %swap3A_1764 = arith.index_cast %swap3A_1763 : i32 to index
    %swap3A_1765 = arith.constant 0 : index
    %swap3A_1766 = tpu.vector_load %arg17[%swap3A_1764, %swap3A_1765] {strides = array<i32>} : memref<4x128xf32, #tpu.memory_space<vmem>>, vector<16xf32>,
    tpu.vector_store %arg17[%swap3A_1764, %swap3A_1765], %gather3A_1762 {strides = array<i32>} : memref<4x128xf32, #tpu.memory_space<vmem>>, vector<16xf32>,
    %gather3A_1767 = arith.constant 2 : i32
    %gather3A_1768 = arith.constant 0 : i32
    %gather3A_1769 = arith.constant 0 : i32
    %gather3A_1770 = tpu.memref_slice %arg15[%gather3A_1767, %gather3A_1768, %gather3A_1769] : memref<4x128x8xf32, #tpu.memory_space<vmem>> -> memref<1x128x8xf32, #tpu.memory_space<vmem>>
    %gather3A_1771 = tpu.memref_squeeze %gather3A_1770 : memref<1x128x8xf32, #tpu.memory_space<vmem>> -> memref<128x8xf32, #tpu.memory_space<vmem>>
    %gather3A_1772 = tpu.vector_load_idx %gather3A_1771[%add3A_1742, %and3A_1756] : memref<128x8xf32, #tpu.memory_space<vmem>>[vector<16xi32>, vector<16xi32>], vector<16xf32>,
    %swap3A_1773 = arith.constant 2 : i32
    %swap3A_1774 = arith.index_cast %swap3A_1773 : i32 to index
    %swap3A_1775 = arith.constant 0 : index
    %swap3A_1776 = tpu.vector_load %arg18[%swap3A_1774, %swap3A_1775] {strides = array<i32>} : memref<4x128xf32, #tpu.memory_space<vmem>>, vector<16xf32>,
    tpu.vector_store %arg18[%swap3A_1774, %swap3A_1775], %gather3A_1772 {strides = array<i32>} : memref<4x128xf32, #tpu.memory_space<vmem>>, vector<16xf32>,
    %gather3A_1777 = arith.constant 2 : i32
    %gather3A_1778 = arith.constant 0 : i32
    %gather3A_1779 = arith.constant 0 : i32
    %gather3A_1780 = tpu.memref_slice %arg16[%gather3A_1777, %gather3A_1778, %gather3A_1779] : memref<4x128x8xf32, #tpu.memory_space<vmem>> -> memref<1x128x8xf32, #tpu.memory_space<vmem>>
    %gather3A_1781 = tpu.memref_squeeze %gather3A_1780 : memref<1x128x8xf32, #tpu.memory_space<vmem>> -> memref<128x8xf32, #tpu.memory_space<vmem>>
    %gather3A_1782 = tpu.vector_load_idx %gather3A_1781[%add3A_1742, %and3A_1756] : memref<128x8xf32, #tpu.memory_space<vmem>>[vector<16xi32>, vector<16xi32>], vector<16xf32>,
    %swap3A_1783 = arith.constant 2 : i32
    %swap3A_1784 = arith.index_cast %swap3A_1783 : i32 to index
    %swap3A_1785 = arith.constant 0 : index
    %swap3A_1786 = tpu.vector_load %arg19[%swap3A_1784, %swap3A_1785] {strides = array<i32>} : memref<4x128xf32, #tpu.memory_space<vmem>>, vector<16xf32>,
    tpu.vector_store %arg19[%swap3A_1784, %swap3A_1785], %gather3A_1782 {strides = array<i32>} : memref<4x128xf32, #tpu.memory_space<vmem>>, vector<16xf32>,
    %add3A_1787 = arith.constant 16 : i32
    %add3A_1788 = vector.broadcast %add3A_1787 : i32 to vector<16xi32>
    %add3A_1789 = arith.addi %iota3A, %add3A_1788 : vector<16xi32>
    %get3A_1790 = arith.constant 2 : i32
    %get3A_1791 = arith.index_cast %get3A_1790 : i32 to index
    %get3A_1792 = arith.constant 16 : index
    %get3A_1793 = tpu.vector_load %arg10[%get3A_1791, %get3A_1792] {strides = array<i32>} : memref<4x128xi32, #tpu.memory_space<vmem>>, vector<16xi32>,
    %and3A_1794 = arith.constant 7 : i32
    %and3A_1795 = vector.broadcast %and3A_1794 : i32 to vector<16xi32>
    %and3A_1796 = arith.andi %get3A_1793, %and3A_1795 : vector<16xi32>
    %get3A_1797 = arith.constant 2 : i32
    %get3A_1798 = arith.index_cast %get3A_1797 : i32 to index
    %get3A_1799 = arith.constant 16 : index
    %get3A_1800 = tpu.vector_load %arg11[%get3A_1798, %get3A_1799] {strides = array<i32>} : memref<4x128xi32, #tpu.memory_space<vmem>>, vector<16xi32>,
    %and3A_1801 = arith.constant 7 : i32
    %and3A_1802 = vector.broadcast %and3A_1801 : i32 to vector<16xi32>
    %and3A_1803 = arith.andi %get3A_1800, %and3A_1802 : vector<16xi32>
    %gather3A_1804 = arith.constant 2 : i32
    %gather3A_1805 = arith.constant 0 : i32
    %gather3A_1806 = arith.constant 0 : i32
    %gather3A_1807 = tpu.memref_slice %arg14[%gather3A_1804, %gather3A_1805, %gather3A_1806] : memref<4x128x8xf32, #tpu.memory_space<vmem>> -> memref<1x128x8xf32, #tpu.memory_space<vmem>>
    %gather3A_1808 = tpu.memref_squeeze %gather3A_1807 : memref<1x128x8xf32, #tpu.memory_space<vmem>> -> memref<128x8xf32, #tpu.memory_space<vmem>>
    %gather3A_1809 = tpu.vector_load_idx %gather3A_1808[%add3A_1789, %and3A_1796] : memref<128x8xf32, #tpu.memory_space<vmem>>[vector<16xi32>, vector<16xi32>], vector<16xf32>,
    %swap3A_1810 = arith.constant 2 : i32
    %swap3A_1811 = arith.index_cast %swap3A_1810 : i32 to index
    %swap3A_1812 = arith.constant 16 : index
    %swap3A_1813 = tpu.vector_load %arg17[%swap3A_1811, %swap3A_1812] {strides = array<i32>} : memref<4x128xf32, #tpu.memory_space<vmem>>, vector<16xf32>,
    tpu.vector_store %arg17[%swap3A_1811, %swap3A_1812], %gather3A_1809 {strides = array<i32>} : memref<4x128xf32, #tpu.memory_space<vmem>>, vector<16xf32>,
    %gather3A_1814 = arith.constant 2 : i32
    %gather3A_1815 = arith.constant 0 : i32
    %gather3A_1816 = arith.constant 0 : i32
    %gather3A_1817 = tpu.memref_slice %arg15[%gather3A_1814, %gather3A_1815, %gather3A_1816] : memref<4x128x8xf32, #tpu.memory_space<vmem>> -> memref<1x128x8xf32, #tpu.memory_space<vmem>>
    %gather3A_1818 = tpu.memref_squeeze %gather3A_1817 : memref<1x128x8xf32, #tpu.memory_space<vmem>> -> memref<128x8xf32, #tpu.memory_space<vmem>>
    %gather3A_1819 = tpu.vector_load_idx %gather3A_1818[%add3A_1789, %and3A_1803] : memref<128x8xf32, #tpu.memory_space<vmem>>[vector<16xi32>, vector<16xi32>], vector<16xf32>,
    %swap3A_1820 = arith.constant 2 : i32
    %swap3A_1821 = arith.index_cast %swap3A_1820 : i32 to index
    %swap3A_1822 = arith.constant 16 : index
    %swap3A_1823 = tpu.vector_load %arg18[%swap3A_1821, %swap3A_1822] {strides = array<i32>} : memref<4x128xf32, #tpu.memory_space<vmem>>, vector<16xf32>,
    tpu.vector_store %arg18[%swap3A_1821, %swap3A_1822], %gather3A_1819 {strides = array<i32>} : memref<4x128xf32, #tpu.memory_space<vmem>>, vector<16xf32>,
    %gather3A_1824 = arith.constant 2 : i32
    %gather3A_1825 = arith.constant 0 : i32
    %gather3A_1826 = arith.constant 0 : i32
    %gather3A_1827 = tpu.memref_slice %arg16[%gather3A_1824, %gather3A_1825, %gather3A_1826] : memref<4x128x8xf32, #tpu.memory_space<vmem>> -> memref<1x128x8xf32, #tpu.memory_space<vmem>>
    %gather3A_1828 = tpu.memref_squeeze %gather3A_1827 : memref<1x128x8xf32, #tpu.memory_space<vmem>> -> memref<128x8xf32, #tpu.memory_space<vmem>>
    %gather3A_1829 = tpu.vector_load_idx %gather3A_1828[%add3A_1789, %and3A_1803] : memref<128x8xf32, #tpu.memory_space<vmem>>[vector<16xi32>, vector<16xi32>], vector<16xf32>,
    %swap3A_1830 = arith.constant 2 : i32
    %swap3A_1831 = arith.index_cast %swap3A_1830 : i32 to index
    %swap3A_1832 = arith.constant 16 : index
    %swap3A_1833 = tpu.vector_load %arg19[%swap3A_1831, %swap3A_1832] {strides = array<i32>} : memref<4x128xf32, #tpu.memory_space<vmem>>, vector<16xf32>,
    tpu.vector_store %arg19[%swap3A_1831, %swap3A_1832], %gather3A_1829 {strides = array<i32>} : memref<4x128xf32, #tpu.memory_space<vmem>>, vector<16xf32>,
    %add3A_1834 = arith.constant 32 : i32
    %add3A_1835 = vector.broadcast %add3A_1834 : i32 to vector<16xi32>
    %add3A_1836 = arith.addi %iota3A, %add3A_1835 : vector<16xi32>
    %get3A_1837 = arith.constant 2 : i32
    %get3A_1838 = arith.index_cast %get3A_1837 : i32 to index
    %get3A_1839 = arith.constant 32 : index
    %get3A_1840 = tpu.vector_load %arg10[%get3A_1838, %get3A_1839] {strides = array<i32>} : memref<4x128xi32, #tpu.memory_space<vmem>>, vector<16xi32>,
    %and3A_1841 = arith.constant 7 : i32
    %and3A_1842 = vector.broadcast %and3A_1841 : i32 to vector<16xi32>
    %and3A_1843 = arith.andi %get3A_1840, %and3A_1842 : vector<16xi32>
    %get3A_1844 = arith.constant 2 : i32
    %get3A_1845 = arith.index_cast %get3A_1844 : i32 to index
    %get3A_1846 = arith.constant 32 : index
    %get3A_1847 = tpu.vector_load %arg11[%get3A_1845, %get3A_1846] {strides = array<i32>} : memref<4x128xi32, #tpu.memory_space<vmem>>, vector<16xi32>,
    %and3A_1848 = arith.constant 7 : i32
    %and3A_1849 = vector.broadcast %and3A_1848 : i32 to vector<16xi32>
    %and3A_1850 = arith.andi %get3A_1847, %and3A_1849 : vector<16xi32>
    %gather3A_1851 = arith.constant 2 : i32
    %gather3A_1852 = arith.constant 0 : i32
    %gather3A_1853 = arith.constant 0 : i32
    %gather3A_1854 = tpu.memref_slice %arg14[%gather3A_1851, %gather3A_1852, %gather3A_1853] : memref<4x128x8xf32, #tpu.memory_space<vmem>> -> memref<1x128x8xf32, #tpu.memory_space<vmem>>
    %gather3A_1855 = tpu.memref_squeeze %gather3A_1854 : memref<1x128x8xf32, #tpu.memory_space<vmem>> -> memref<128x8xf32, #tpu.memory_space<vmem>>
    %gather3A_1856 = tpu.vector_load_idx %gather3A_1855[%add3A_1836, %and3A_1843] : memref<128x8xf32, #tpu.memory_space<vmem>>[vector<16xi32>, vector<16xi32>], vector<16xf32>,
    %swap3A_1857 = arith.constant 2 : i32
    %swap3A_1858 = arith.index_cast %swap3A_1857 : i32 to index
    %swap3A_1859 = arith.constant 32 : index
    %swap3A_1860 = tpu.vector_load %arg17[%swap3A_1858, %swap3A_1859] {strides = array<i32>} : memref<4x128xf32, #tpu.memory_space<vmem>>, vector<16xf32>,
    tpu.vector_store %arg17[%swap3A_1858, %swap3A_1859], %gather3A_1856 {strides = array<i32>} : memref<4x128xf32, #tpu.memory_space<vmem>>, vector<16xf32>,
    %gather3A_1861 = arith.constant 2 : i32
    %gather3A_1862 = arith.constant 0 : i32
    %gather3A_1863 = arith.constant 0 : i32
    %gather3A_1864 = tpu.memref_slice %arg15[%gather3A_1861, %gather3A_1862, %gather3A_1863] : memref<4x128x8xf32, #tpu.memory_space<vmem>> -> memref<1x128x8xf32, #tpu.memory_space<vmem>>
    %gather3A_1865 = tpu.memref_squeeze %gather3A_1864 : memref<1x128x8xf32, #tpu.memory_space<vmem>> -> memref<128x8xf32, #tpu.memory_space<vmem>>
    %gather3A_1866 = tpu.vector_load_idx %gather3A_1865[%add3A_1836, %and3A_1850] : memref<128x8xf32, #tpu.memory_space<vmem>>[vector<16xi32>, vector<16xi32>], vector<16xf32>,
    %swap3A_1867 = arith.constant 2 : i32
    %swap3A_1868 = arith.index_cast %swap3A_1867 : i32 to index
    %swap3A_1869 = arith.constant 32 : index
    %swap3A_1870 = tpu.vector_load %arg18[%swap3A_1868, %swap3A_1869] {strides = array<i32>} : memref<4x128xf32, #tpu.memory_space<vmem>>, vector<16xf32>,
    tpu.vector_store %arg18[%swap3A_1868, %swap3A_1869], %gather3A_1866 {strides = array<i32>} : memref<4x128xf32, #tpu.memory_space<vmem>>, vector<16xf32>,
    %gather3A_1871 = arith.constant 2 : i32
    %gather3A_1872 = arith.constant 0 : i32
    %gather3A_1873 = arith.constant 0 : i32
    %gather3A_1874 = tpu.memref_slice %arg16[%gather3A_1871, %gather3A_1872, %gather3A_1873] : memref<4x128x8xf32, #tpu.memory_space<vmem>> -> memref<1x128x8xf32, #tpu.memory_space<vmem>>
    %gather3A_1875 = tpu.memref_squeeze %gather3A_1874 : memref<1x128x8xf32, #tpu.memory_space<vmem>> -> memref<128x8xf32, #tpu.memory_space<vmem>>
    %gather3A_1876 = tpu.vector_load_idx %gather3A_1875[%add3A_1836, %and3A_1850] : memref<128x8xf32, #tpu.memory_space<vmem>>[vector<16xi32>, vector<16xi32>], vector<16xf32>,
    %swap3A_1877 = arith.constant 2 : i32
    %swap3A_1878 = arith.index_cast %swap3A_1877 : i32 to index
    %swap3A_1879 = arith.constant 32 : index
    %swap3A_1880 = tpu.vector_load %arg19[%swap3A_1878, %swap3A_1879] {strides = array<i32>} : memref<4x128xf32, #tpu.memory_space<vmem>>, vector<16xf32>,
    tpu.vector_store %arg19[%swap3A_1878, %swap3A_1879], %gather3A_1876 {strides = array<i32>} : memref<4x128xf32, #tpu.memory_space<vmem>>, vector<16xf32>,
    %add3A_1881 = arith.constant 48 : i32
    %add3A_1882 = vector.broadcast %add3A_1881 : i32 to vector<16xi32>
    %add3A_1883 = arith.addi %iota3A, %add3A_1882 : vector<16xi32>
    %get3A_1884 = arith.constant 2 : i32
    %get3A_1885 = arith.index_cast %get3A_1884 : i32 to index
    %get3A_1886 = arith.constant 48 : index
    %get3A_1887 = tpu.vector_load %arg10[%get3A_1885, %get3A_1886] {strides = array<i32>} : memref<4x128xi32, #tpu.memory_space<vmem>>, vector<16xi32>,
    %and3A_1888 = arith.constant 7 : i32
    %and3A_1889 = vector.broadcast %and3A_1888 : i32 to vector<16xi32>
    %and3A_1890 = arith.andi %get3A_1887, %and3A_1889 : vector<16xi32>
    %get3A_1891 = arith.constant 2 : i32
    %get3A_1892 = arith.index_cast %get3A_1891 : i32 to index
    %get3A_1893 = arith.constant 48 : index
    %get3A_1894 = tpu.vector_load %arg11[%get3A_1892, %get3A_1893] {strides = array<i32>} : memref<4x128xi32, #tpu.memory_space<vmem>>, vector<16xi32>,
    %and3A_1895 = arith.constant 7 : i32
    %and3A_1896 = vector.broadcast %and3A_1895 : i32 to vector<16xi32>
    %and3A_1897 = arith.andi %get3A_1894, %and3A_1896 : vector<16xi32>
    %gather3A_1898 = arith.constant 2 : i32
    %gather3A_1899 = arith.constant 0 : i32
    %gather3A_1900 = arith.constant 0 : i32
    %gather3A_1901 = tpu.memref_slice %arg14[%gather3A_1898, %gather3A_1899, %gather3A_1900] : memref<4x128x8xf32, #tpu.memory_space<vmem>> -> memref<1x128x8xf32, #tpu.memory_space<vmem>>
    %gather3A_1902 = tpu.memref_squeeze %gather3A_1901 : memref<1x128x8xf32, #tpu.memory_space<vmem>> -> memref<128x8xf32, #tpu.memory_space<vmem>>
    %gather3A_1903 = tpu.vector_load_idx %gather3A_1902[%add3A_1883, %and3A_1890] : memref<128x8xf32, #tpu.memory_space<vmem>>[vector<16xi32>, vector<16xi32>], vector<16xf32>,
    %swap3A_1904 = arith.constant 2 : i32
    %swap3A_1905 = arith.index_cast %swap3A_1904 : i32 to index
    %swap3A_1906 = arith.constant 48 : index
    %swap3A_1907 = tpu.vector_load %arg17[%swap3A_1905, %swap3A_1906] {strides = array<i32>} : memref<4x128xf32, #tpu.memory_space<vmem>>, vector<16xf32>,
    tpu.vector_store %arg17[%swap3A_1905, %swap3A_1906], %gather3A_1903 {strides = array<i32>} : memref<4x128xf32, #tpu.memory_space<vmem>>, vector<16xf32>,
    %gather3A_1908 = arith.constant 2 : i32
    %gather3A_1909 = arith.constant 0 : i32
    %gather3A_1910 = arith.constant 0 : i32
    %gather3A_1911 = tpu.memref_slice %arg15[%gather3A_1908, %gather3A_1909, %gather3A_1910] : memref<4x128x8xf32, #tpu.memory_space<vmem>> -> memref<1x128x8xf32, #tpu.memory_space<vmem>>
    %gather3A_1912 = tpu.memref_squeeze %gather3A_1911 : memref<1x128x8xf32, #tpu.memory_space<vmem>> -> memref<128x8xf32, #tpu.memory_space<vmem>>
    %gather3A_1913 = tpu.vector_load_idx %gather3A_1912[%add3A_1883, %and3A_1897] : memref<128x8xf32, #tpu.memory_space<vmem>>[vector<16xi32>, vector<16xi32>], vector<16xf32>,
    %swap3A_1914 = arith.constant 2 : i32
    %swap3A_1915 = arith.index_cast %swap3A_1914 : i32 to index
    %swap3A_1916 = arith.constant 48 : index
    %swap3A_1917 = tpu.vector_load %arg18[%swap3A_1915, %swap3A_1916] {strides = array<i32>} : memref<4x128xf32, #tpu.memory_space<vmem>>, vector<16xf32>,
    tpu.vector_store %arg18[%swap3A_1915, %swap3A_1916], %gather3A_1913 {strides = array<i32>} : memref<4x128xf32, #tpu.memory_space<vmem>>, vector<16xf32>,
    %gather3A_1918 = arith.constant 2 : i32
    %gather3A_1919 = arith.constant 0 : i32
    %gather3A_1920 = arith.constant 0 : i32
    %gather3A_1921 = tpu.memref_slice %arg16[%gather3A_1918, %gather3A_1919, %gather3A_1920] : memref<4x128x8xf32, #tpu.memory_space<vmem>> -> memref<1x128x8xf32, #tpu.memory_space<vmem>>
    %gather3A_1922 = tpu.memref_squeeze %gather3A_1921 : memref<1x128x8xf32, #tpu.memory_space<vmem>> -> memref<128x8xf32, #tpu.memory_space<vmem>>
    %gather3A_1923 = tpu.vector_load_idx %gather3A_1922[%add3A_1883, %and3A_1897] : memref<128x8xf32, #tpu.memory_space<vmem>>[vector<16xi32>, vector<16xi32>], vector<16xf32>,
    %swap3A_1924 = arith.constant 2 : i32
    %swap3A_1925 = arith.index_cast %swap3A_1924 : i32 to index
    %swap3A_1926 = arith.constant 48 : index
    %swap3A_1927 = tpu.vector_load %arg19[%swap3A_1925, %swap3A_1926] {strides = array<i32>} : memref<4x128xf32, #tpu.memory_space<vmem>>, vector<16xf32>,
    tpu.vector_store %arg19[%swap3A_1925, %swap3A_1926], %gather3A_1923 {strides = array<i32>} : memref<4x128xf32, #tpu.memory_space<vmem>>, vector<16xf32>,
    %add3A_1928 = arith.constant 64 : i32
    %add3A_1929 = vector.broadcast %add3A_1928 : i32 to vector<16xi32>
    %add3A_1930 = arith.addi %iota3A, %add3A_1929 : vector<16xi32>
    %get3A_1931 = arith.constant 2 : i32
    %get3A_1932 = arith.index_cast %get3A_1931 : i32 to index
    %get3A_1933 = arith.constant 64 : index
    %get3A_1934 = tpu.vector_load %arg10[%get3A_1932, %get3A_1933] {strides = array<i32>} : memref<4x128xi32, #tpu.memory_space<vmem>>, vector<16xi32>,
    %and3A_1935 = arith.constant 7 : i32
    %and3A_1936 = vector.broadcast %and3A_1935 : i32 to vector<16xi32>
    %and3A_1937 = arith.andi %get3A_1934, %and3A_1936 : vector<16xi32>
    %get3A_1938 = arith.constant 2 : i32
    %get3A_1939 = arith.index_cast %get3A_1938 : i32 to index
    %get3A_1940 = arith.constant 64 : index
    %get3A_1941 = tpu.vector_load %arg11[%get3A_1939, %get3A_1940] {strides = array<i32>} : memref<4x128xi32, #tpu.memory_space<vmem>>, vector<16xi32>,
    %and3A_1942 = arith.constant 7 : i32
    %and3A_1943 = vector.broadcast %and3A_1942 : i32 to vector<16xi32>
    %and3A_1944 = arith.andi %get3A_1941, %and3A_1943 : vector<16xi32>
    %gather3A_1945 = arith.constant 2 : i32
    %gather3A_1946 = arith.constant 0 : i32
    %gather3A_1947 = arith.constant 0 : i32
    %gather3A_1948 = tpu.memref_slice %arg14[%gather3A_1945, %gather3A_1946, %gather3A_1947] : memref<4x128x8xf32, #tpu.memory_space<vmem>> -> memref<1x128x8xf32, #tpu.memory_space<vmem>>
    %gather3A_1949 = tpu.memref_squeeze %gather3A_1948 : memref<1x128x8xf32, #tpu.memory_space<vmem>> -> memref<128x8xf32, #tpu.memory_space<vmem>>
    %gather3A_1950 = tpu.vector_load_idx %gather3A_1949[%add3A_1930, %and3A_1937] : memref<128x8xf32, #tpu.memory_space<vmem>>[vector<16xi32>, vector<16xi32>], vector<16xf32>,
    %swap3A_1951 = arith.constant 2 : i32
    %swap3A_1952 = arith.index_cast %swap3A_1951 : i32 to index
    %swap3A_1953 = arith.constant 64 : index
    %swap3A_1954 = tpu.vector_load %arg17[%swap3A_1952, %swap3A_1953] {strides = array<i32>} : memref<4x128xf32, #tpu.memory_space<vmem>>, vector<16xf32>,
    tpu.vector_store %arg17[%swap3A_1952, %swap3A_1953], %gather3A_1950 {strides = array<i32>} : memref<4x128xf32, #tpu.memory_space<vmem>>, vector<16xf32>,
    %gather3A_1955 = arith.constant 2 : i32
    %gather3A_1956 = arith.constant 0 : i32
    %gather3A_1957 = arith.constant 0 : i32
    %gather3A_1958 = tpu.memref_slice %arg15[%gather3A_1955, %gather3A_1956, %gather3A_1957] : memref<4x128x8xf32, #tpu.memory_space<vmem>> -> memref<1x128x8xf32, #tpu.memory_space<vmem>>
    %gather3A_1959 = tpu.memref_squeeze %gather3A_1958 : memref<1x128x8xf32, #tpu.memory_space<vmem>> -> memref<128x8xf32, #tpu.memory_space<vmem>>
    %gather3A_1960 = tpu.vector_load_idx %gather3A_1959[%add3A_1930, %and3A_1944] : memref<128x8xf32, #tpu.memory_space<vmem>>[vector<16xi32>, vector<16xi32>], vector<16xf32>,
    %swap3A_1961 = arith.constant 2 : i32
    %swap3A_1962 = arith.index_cast %swap3A_1961 : i32 to index
    %swap3A_1963 = arith.constant 64 : index
    %swap3A_1964 = tpu.vector_load %arg18[%swap3A_1962, %swap3A_1963] {strides = array<i32>} : memref<4x128xf32, #tpu.memory_space<vmem>>, vector<16xf32>,
    tpu.vector_store %arg18[%swap3A_1962, %swap3A_1963], %gather3A_1960 {strides = array<i32>} : memref<4x128xf32, #tpu.memory_space<vmem>>, vector<16xf32>,
    %gather3A_1965 = arith.constant 2 : i32
    %gather3A_1966 = arith.constant 0 : i32
    %gather3A_1967 = arith.constant 0 : i32
    %gather3A_1968 = tpu.memref_slice %arg16[%gather3A_1965, %gather3A_1966, %gather3A_1967] : memref<4x128x8xf32, #tpu.memory_space<vmem>> -> memref<1x128x8xf32, #tpu.memory_space<vmem>>
    %gather3A_1969 = tpu.memref_squeeze %gather3A_1968 : memref<1x128x8xf32, #tpu.memory_space<vmem>> -> memref<128x8xf32, #tpu.memory_space<vmem>>
    %gather3A_1970 = tpu.vector_load_idx %gather3A_1969[%add3A_1930, %and3A_1944] : memref<128x8xf32, #tpu.memory_space<vmem>>[vector<16xi32>, vector<16xi32>], vector<16xf32>,
    %swap3A_1971 = arith.constant 2 : i32
    %swap3A_1972 = arith.index_cast %swap3A_1971 : i32 to index
    %swap3A_1973 = arith.constant 64 : index
    %swap3A_1974 = tpu.vector_load %arg19[%swap3A_1972, %swap3A_1973] {strides = array<i32>} : memref<4x128xf32, #tpu.memory_space<vmem>>, vector<16xf32>,
    tpu.vector_store %arg19[%swap3A_1972, %swap3A_1973], %gather3A_1970 {strides = array<i32>} : memref<4x128xf32, #tpu.memory_space<vmem>>, vector<16xf32>,
    %add3A_1975 = arith.constant 80 : i32
    %add3A_1976 = vector.broadcast %add3A_1975 : i32 to vector<16xi32>
    %add3A_1977 = arith.addi %iota3A, %add3A_1976 : vector<16xi32>
    %get3A_1978 = arith.constant 2 : i32
    %get3A_1979 = arith.index_cast %get3A_1978 : i32 to index
    %get3A_1980 = arith.constant 80 : index
    %get3A_1981 = tpu.vector_load %arg10[%get3A_1979, %get3A_1980] {strides = array<i32>} : memref<4x128xi32, #tpu.memory_space<vmem>>, vector<16xi32>,
    %and3A_1982 = arith.constant 7 : i32
    %and3A_1983 = vector.broadcast %and3A_1982 : i32 to vector<16xi32>
    %and3A_1984 = arith.andi %get3A_1981, %and3A_1983 : vector<16xi32>
    %get3A_1985 = arith.constant 2 : i32
    %get3A_1986 = arith.index_cast %get3A_1985 : i32 to index
    %get3A_1987 = arith.constant 80 : index
    %get3A_1988 = tpu.vector_load %arg11[%get3A_1986, %get3A_1987] {strides = array<i32>} : memref<4x128xi32, #tpu.memory_space<vmem>>, vector<16xi32>,
    %and3A_1989 = arith.constant 7 : i32
    %and3A_1990 = vector.broadcast %and3A_1989 : i32 to vector<16xi32>
    %and3A_1991 = arith.andi %get3A_1988, %and3A_1990 : vector<16xi32>
    %gather3A_1992 = arith.constant 2 : i32
    %gather3A_1993 = arith.constant 0 : i32
    %gather3A_1994 = arith.constant 0 : i32
    %gather3A_1995 = tpu.memref_slice %arg14[%gather3A_1992, %gather3A_1993, %gather3A_1994] : memref<4x128x8xf32, #tpu.memory_space<vmem>> -> memref<1x128x8xf32, #tpu.memory_space<vmem>>
    %gather3A_1996 = tpu.memref_squeeze %gather3A_1995 : memref<1x128x8xf32, #tpu.memory_space<vmem>> -> memref<128x8xf32, #tpu.memory_space<vmem>>
    %gather3A_1997 = tpu.vector_load_idx %gather3A_1996[%add3A_1977, %and3A_1984] : memref<128x8xf32, #tpu.memory_space<vmem>>[vector<16xi32>, vector<16xi32>], vector<16xf32>,
    %swap3A_1998 = arith.constant 2 : i32
    %swap3A_1999 = arith.index_cast %swap3A_1998 : i32 to index
    %swap3A_2000 = arith.constant 80 : index
    %swap3A_2001 = tpu.vector_load %arg17[%swap3A_1999, %swap3A_2000] {strides = array<i32>} : memref<4x128xf32, #tpu.memory_space<vmem>>, vector<16xf32>,
    tpu.vector_store %arg17[%swap3A_1999, %swap3A_2000], %gather3A_1997 {strides = array<i32>} : memref<4x128xf32, #tpu.memory_space<vmem>>, vector<16xf32>,
    %gather3A_2002 = arith.constant 2 : i32
    %gather3A_2003 = arith.constant 0 : i32
    %gather3A_2004 = arith.constant 0 : i32
    %gather3A_2005 = tpu.memref_slice %arg15[%gather3A_2002, %gather3A_2003, %gather3A_2004] : memref<4x128x8xf32, #tpu.memory_space<vmem>> -> memref<1x128x8xf32, #tpu.memory_space<vmem>>
    %gather3A_2006 = tpu.memref_squeeze %gather3A_2005 : memref<1x128x8xf32, #tpu.memory_space<vmem>> -> memref<128x8xf32, #tpu.memory_space<vmem>>
    %gather3A_2007 = tpu.vector_load_idx %gather3A_2006[%add3A_1977, %and3A_1991] : memref<128x8xf32, #tpu.memory_space<vmem>>[vector<16xi32>, vector<16xi32>], vector<16xf32>,
    %swap3A_2008 = arith.constant 2 : i32
    %swap3A_2009 = arith.index_cast %swap3A_2008 : i32 to index
    %swap3A_2010 = arith.constant 80 : index
    %swap3A_2011 = tpu.vector_load %arg18[%swap3A_2009, %swap3A_2010] {strides = array<i32>} : memref<4x128xf32, #tpu.memory_space<vmem>>, vector<16xf32>,
    tpu.vector_store %arg18[%swap3A_2009, %swap3A_2010], %gather3A_2007 {strides = array<i32>} : memref<4x128xf32, #tpu.memory_space<vmem>>, vector<16xf32>,
    %gather3A_2012 = arith.constant 2 : i32
    %gather3A_2013 = arith.constant 0 : i32
    %gather3A_2014 = arith.constant 0 : i32
    %gather3A_2015 = tpu.memref_slice %arg16[%gather3A_2012, %gather3A_2013, %gather3A_2014] : memref<4x128x8xf32, #tpu.memory_space<vmem>> -> memref<1x128x8xf32, #tpu.memory_space<vmem>>
    %gather3A_2016 = tpu.memref_squeeze %gather3A_2015 : memref<1x128x8xf32, #tpu.memory_space<vmem>> -> memref<128x8xf32, #tpu.memory_space<vmem>>
    %gather3A_2017 = tpu.vector_load_idx %gather3A_2016[%add3A_1977, %and3A_1991] : memref<128x8xf32, #tpu.memory_space<vmem>>[vector<16xi32>, vector<16xi32>], vector<16xf32>,
    %swap3A_2018 = arith.constant 2 : i32
    %swap3A_2019 = arith.index_cast %swap3A_2018 : i32 to index
    %swap3A_2020 = arith.constant 80 : index
    %swap3A_2021 = tpu.vector_load %arg19[%swap3A_2019, %swap3A_2020] {strides = array<i32>} : memref<4x128xf32, #tpu.memory_space<vmem>>, vector<16xf32>,
    tpu.vector_store %arg19[%swap3A_2019, %swap3A_2020], %gather3A_2017 {strides = array<i32>} : memref<4x128xf32, #tpu.memory_space<vmem>>, vector<16xf32>,
    %add3A_2022 = arith.constant 96 : i32
    %add3A_2023 = vector.broadcast %add3A_2022 : i32 to vector<16xi32>
    %add3A_2024 = arith.addi %iota3A, %add3A_2023 : vector<16xi32>
    %get3A_2025 = arith.constant 2 : i32
    %get3A_2026 = arith.index_cast %get3A_2025 : i32 to index
    %get3A_2027 = arith.constant 96 : index
    %get3A_2028 = tpu.vector_load %arg10[%get3A_2026, %get3A_2027] {strides = array<i32>} : memref<4x128xi32, #tpu.memory_space<vmem>>, vector<16xi32>,
    %and3A_2029 = arith.constant 7 : i32
    %and3A_2030 = vector.broadcast %and3A_2029 : i32 to vector<16xi32>
    %and3A_2031 = arith.andi %get3A_2028, %and3A_2030 : vector<16xi32>
    %get3A_2032 = arith.constant 2 : i32
    %get3A_2033 = arith.index_cast %get3A_2032 : i32 to index
    %get3A_2034 = arith.constant 96 : index
    %get3A_2035 = tpu.vector_load %arg11[%get3A_2033, %get3A_2034] {strides = array<i32>} : memref<4x128xi32, #tpu.memory_space<vmem>>, vector<16xi32>,
    %and3A_2036 = arith.constant 7 : i32
    %and3A_2037 = vector.broadcast %and3A_2036 : i32 to vector<16xi32>
    %and3A_2038 = arith.andi %get3A_2035, %and3A_2037 : vector<16xi32>
    %gather3A_2039 = arith.constant 2 : i32
    %gather3A_2040 = arith.constant 0 : i32
    %gather3A_2041 = arith.constant 0 : i32
    %gather3A_2042 = tpu.memref_slice %arg14[%gather3A_2039, %gather3A_2040, %gather3A_2041] : memref<4x128x8xf32, #tpu.memory_space<vmem>> -> memref<1x128x8xf32, #tpu.memory_space<vmem>>
    %gather3A_2043 = tpu.memref_squeeze %gather3A_2042 : memref<1x128x8xf32, #tpu.memory_space<vmem>> -> memref<128x8xf32, #tpu.memory_space<vmem>>
    %gather3A_2044 = tpu.vector_load_idx %gather3A_2043[%add3A_2024, %and3A_2031] : memref<128x8xf32, #tpu.memory_space<vmem>>[vector<16xi32>, vector<16xi32>], vector<16xf32>,
    %swap3A_2045 = arith.constant 2 : i32
    %swap3A_2046 = arith.index_cast %swap3A_2045 : i32 to index
    %swap3A_2047 = arith.constant 96 : index
    %swap3A_2048 = tpu.vector_load %arg17[%swap3A_2046, %swap3A_2047] {strides = array<i32>} : memref<4x128xf32, #tpu.memory_space<vmem>>, vector<16xf32>,
    tpu.vector_store %arg17[%swap3A_2046, %swap3A_2047], %gather3A_2044 {strides = array<i32>} : memref<4x128xf32, #tpu.memory_space<vmem>>, vector<16xf32>,
    %gather3A_2049 = arith.constant 2 : i32
    %gather3A_2050 = arith.constant 0 : i32
    %gather3A_2051 = arith.constant 0 : i32
    %gather3A_2052 = tpu.memref_slice %arg15[%gather3A_2049, %gather3A_2050, %gather3A_2051] : memref<4x128x8xf32, #tpu.memory_space<vmem>> -> memref<1x128x8xf32, #tpu.memory_space<vmem>>
    %gather3A_2053 = tpu.memref_squeeze %gather3A_2052 : memref<1x128x8xf32, #tpu.memory_space<vmem>> -> memref<128x8xf32, #tpu.memory_space<vmem>>
    %gather3A_2054 = tpu.vector_load_idx %gather3A_2053[%add3A_2024, %and3A_2038] : memref<128x8xf32, #tpu.memory_space<vmem>>[vector<16xi32>, vector<16xi32>], vector<16xf32>,
    %swap3A_2055 = arith.constant 2 : i32
    %swap3A_2056 = arith.index_cast %swap3A_2055 : i32 to index
    %swap3A_2057 = arith.constant 96 : index
    %swap3A_2058 = tpu.vector_load %arg18[%swap3A_2056, %swap3A_2057] {strides = array<i32>} : memref<4x128xf32, #tpu.memory_space<vmem>>, vector<16xf32>,
    tpu.vector_store %arg18[%swap3A_2056, %swap3A_2057], %gather3A_2054 {strides = array<i32>} : memref<4x128xf32, #tpu.memory_space<vmem>>, vector<16xf32>,
    %gather3A_2059 = arith.constant 2 : i32
    %gather3A_2060 = arith.constant 0 : i32
    %gather3A_2061 = arith.constant 0 : i32
    %gather3A_2062 = tpu.memref_slice %arg16[%gather3A_2059, %gather3A_2060, %gather3A_2061] : memref<4x128x8xf32, #tpu.memory_space<vmem>> -> memref<1x128x8xf32, #tpu.memory_space<vmem>>
    %gather3A_2063 = tpu.memref_squeeze %gather3A_2062 : memref<1x128x8xf32, #tpu.memory_space<vmem>> -> memref<128x8xf32, #tpu.memory_space<vmem>>
    %gather3A_2064 = tpu.vector_load_idx %gather3A_2063[%add3A_2024, %and3A_2038] : memref<128x8xf32, #tpu.memory_space<vmem>>[vector<16xi32>, vector<16xi32>], vector<16xf32>,
    %swap3A_2065 = arith.constant 2 : i32
    %swap3A_2066 = arith.index_cast %swap3A_2065 : i32 to index
    %swap3A_2067 = arith.constant 96 : index
    %swap3A_2068 = tpu.vector_load %arg19[%swap3A_2066, %swap3A_2067] {strides = array<i32>} : memref<4x128xf32, #tpu.memory_space<vmem>>, vector<16xf32>,
    tpu.vector_store %arg19[%swap3A_2066, %swap3A_2067], %gather3A_2064 {strides = array<i32>} : memref<4x128xf32, #tpu.memory_space<vmem>>, vector<16xf32>,
    %add3A_2069 = arith.constant 112 : i32
    %add3A_2070 = vector.broadcast %add3A_2069 : i32 to vector<16xi32>
    %add3A_2071 = arith.addi %iota3A, %add3A_2070 : vector<16xi32>
    %get3A_2072 = arith.constant 2 : i32
    %get3A_2073 = arith.index_cast %get3A_2072 : i32 to index
    %get3A_2074 = arith.constant 112 : index
    %get3A_2075 = tpu.vector_load %arg10[%get3A_2073, %get3A_2074] {strides = array<i32>} : memref<4x128xi32, #tpu.memory_space<vmem>>, vector<16xi32>,
    %and3A_2076 = arith.constant 7 : i32
    %and3A_2077 = vector.broadcast %and3A_2076 : i32 to vector<16xi32>
    %and3A_2078 = arith.andi %get3A_2075, %and3A_2077 : vector<16xi32>
    %get3A_2079 = arith.constant 2 : i32
    %get3A_2080 = arith.index_cast %get3A_2079 : i32 to index
    %get3A_2081 = arith.constant 112 : index
    %get3A_2082 = tpu.vector_load %arg11[%get3A_2080, %get3A_2081] {strides = array<i32>} : memref<4x128xi32, #tpu.memory_space<vmem>>, vector<16xi32>,
    %and3A_2083 = arith.constant 7 : i32
    %and3A_2084 = vector.broadcast %and3A_2083 : i32 to vector<16xi32>
    %and3A_2085 = arith.andi %get3A_2082, %and3A_2084 : vector<16xi32>
    %gather3A_2086 = arith.constant 2 : i32
    %gather3A_2087 = arith.constant 0 : i32
    %gather3A_2088 = arith.constant 0 : i32
    %gather3A_2089 = tpu.memref_slice %arg14[%gather3A_2086, %gather3A_2087, %gather3A_2088] : memref<4x128x8xf32, #tpu.memory_space<vmem>> -> memref<1x128x8xf32, #tpu.memory_space<vmem>>
    %gather3A_2090 = tpu.memref_squeeze %gather3A_2089 : memref<1x128x8xf32, #tpu.memory_space<vmem>> -> memref<128x8xf32, #tpu.memory_space<vmem>>
    %gather3A_2091 = tpu.vector_load_idx %gather3A_2090[%add3A_2071, %and3A_2078] : memref<128x8xf32, #tpu.memory_space<vmem>>[vector<16xi32>, vector<16xi32>], vector<16xf32>,
    %swap3A_2092 = arith.constant 2 : i32
    %swap3A_2093 = arith.index_cast %swap3A_2092 : i32 to index
    %swap3A_2094 = arith.constant 112 : index
    %swap3A_2095 = tpu.vector_load %arg17[%swap3A_2093, %swap3A_2094] {strides = array<i32>} : memref<4x128xf32, #tpu.memory_space<vmem>>, vector<16xf32>,
    tpu.vector_store %arg17[%swap3A_2093, %swap3A_2094], %gather3A_2091 {strides = array<i32>} : memref<4x128xf32, #tpu.memory_space<vmem>>, vector<16xf32>,
    %gather3A_2096 = arith.constant 2 : i32
    %gather3A_2097 = arith.constant 0 : i32
    %gather3A_2098 = arith.constant 0 : i32
    %gather3A_2099 = tpu.memref_slice %arg15[%gather3A_2096, %gather3A_2097, %gather3A_2098] : memref<4x128x8xf32, #tpu.memory_space<vmem>> -> memref<1x128x8xf32, #tpu.memory_space<vmem>>
    %gather3A_2100 = tpu.memref_squeeze %gather3A_2099 : memref<1x128x8xf32, #tpu.memory_space<vmem>> -> memref<128x8xf32, #tpu.memory_space<vmem>>
    %gather3A_2101 = tpu.vector_load_idx %gather3A_2100[%add3A_2071, %and3A_2085] : memref<128x8xf32, #tpu.memory_space<vmem>>[vector<16xi32>, vector<16xi32>], vector<16xf32>,
    %swap3A_2102 = arith.constant 2 : i32
    %swap3A_2103 = arith.index_cast %swap3A_2102 : i32 to index
    %swap3A_2104 = arith.constant 112 : index
    %swap3A_2105 = tpu.vector_load %arg18[%swap3A_2103, %swap3A_2104] {strides = array<i32>} : memref<4x128xf32, #tpu.memory_space<vmem>>, vector<16xf32>,
    tpu.vector_store %arg18[%swap3A_2103, %swap3A_2104], %gather3A_2101 {strides = array<i32>} : memref<4x128xf32, #tpu.memory_space<vmem>>, vector<16xf32>,
    %gather3A_2106 = arith.constant 2 : i32
    %gather3A_2107 = arith.constant 0 : i32
    %gather3A_2108 = arith.constant 0 : i32
    %gather3A_2109 = tpu.memref_slice %arg16[%gather3A_2106, %gather3A_2107, %gather3A_2108] : memref<4x128x8xf32, #tpu.memory_space<vmem>> -> memref<1x128x8xf32, #tpu.memory_space<vmem>>
    %gather3A_2110 = tpu.memref_squeeze %gather3A_2109 : memref<1x128x8xf32, #tpu.memory_space<vmem>> -> memref<128x8xf32, #tpu.memory_space<vmem>>
    %gather3A_2111 = tpu.vector_load_idx %gather3A_2110[%add3A_2071, %and3A_2085] : memref<128x8xf32, #tpu.memory_space<vmem>>[vector<16xi32>, vector<16xi32>], vector<16xf32>,
    %swap3A_2112 = arith.constant 2 : i32
    %swap3A_2113 = arith.index_cast %swap3A_2112 : i32 to index
    %swap3A_2114 = arith.constant 112 : index
    %swap3A_2115 = tpu.vector_load %arg19[%swap3A_2113, %swap3A_2114] {strides = array<i32>} : memref<4x128xf32, #tpu.memory_space<vmem>>, vector<16xf32>,
    tpu.vector_store %arg19[%swap3A_2113, %swap3A_2114], %gather3A_2111 {strides = array<i32>} : memref<4x128xf32, #tpu.memory_space<vmem>>, vector<16xf32>,
    %add3A_2116 = arith.constant 0 : i32
    %add3A_2117 = vector.broadcast %add3A_2116 : i32 to vector<16xi32>
    %add3A_2118 = arith.addi %iota3A, %add3A_2117 : vector<16xi32>
    %get3A_2119 = arith.constant 3 : i32
    %get3A_2120 = arith.index_cast %get3A_2119 : i32 to index
    %get3A_2121 = arith.constant 0 : index
    %get3A_2122 = tpu.vector_load %arg10[%get3A_2120, %get3A_2121] {strides = array<i32>} : memref<4x128xi32, #tpu.memory_space<vmem>>, vector<16xi32>,
    %and3A_2123 = arith.constant 7 : i32
    %and3A_2124 = vector.broadcast %and3A_2123 : i32 to vector<16xi32>
    %and3A_2125 = arith.andi %get3A_2122, %and3A_2124 : vector<16xi32>
    %get3A_2126 = arith.constant 3 : i32
    %get3A_2127 = arith.index_cast %get3A_2126 : i32 to index
    %get3A_2128 = arith.constant 0 : index
    %get3A_2129 = tpu.vector_load %arg11[%get3A_2127, %get3A_2128] {strides = array<i32>} : memref<4x128xi32, #tpu.memory_space<vmem>>, vector<16xi32>,
    %and3A_2130 = arith.constant 7 : i32
    %and3A_2131 = vector.broadcast %and3A_2130 : i32 to vector<16xi32>
    %and3A_2132 = arith.andi %get3A_2129, %and3A_2131 : vector<16xi32>
    %gather3A_2133 = arith.constant 3 : i32
    %gather3A_2134 = arith.constant 0 : i32
    %gather3A_2135 = arith.constant 0 : i32
    %gather3A_2136 = tpu.memref_slice %arg14[%gather3A_2133, %gather3A_2134, %gather3A_2135] : memref<4x128x8xf32, #tpu.memory_space<vmem>> -> memref<1x128x8xf32, #tpu.memory_space<vmem>>
    %gather3A_2137 = tpu.memref_squeeze %gather3A_2136 : memref<1x128x8xf32, #tpu.memory_space<vmem>> -> memref<128x8xf32, #tpu.memory_space<vmem>>
    %gather3A_2138 = tpu.vector_load_idx %gather3A_2137[%add3A_2118, %and3A_2125] : memref<128x8xf32, #tpu.memory_space<vmem>>[vector<16xi32>, vector<16xi32>], vector<16xf32>,
    %swap3A_2139 = arith.constant 3 : i32
    %swap3A_2140 = arith.index_cast %swap3A_2139 : i32 to index
    %swap3A_2141 = arith.constant 0 : index
    %swap3A_2142 = tpu.vector_load %arg17[%swap3A_2140, %swap3A_2141] {strides = array<i32>} : memref<4x128xf32, #tpu.memory_space<vmem>>, vector<16xf32>,
    tpu.vector_store %arg17[%swap3A_2140, %swap3A_2141], %gather3A_2138 {strides = array<i32>} : memref<4x128xf32, #tpu.memory_space<vmem>>, vector<16xf32>,
    %gather3A_2143 = arith.constant 3 : i32
    %gather3A_2144 = arith.constant 0 : i32
    %gather3A_2145 = arith.constant 0 : i32
    %gather3A_2146 = tpu.memref_slice %arg15[%gather3A_2143, %gather3A_2144, %gather3A_2145] : memref<4x128x8xf32, #tpu.memory_space<vmem>> -> memref<1x128x8xf32, #tpu.memory_space<vmem>>
    %gather3A_2147 = tpu.memref_squeeze %gather3A_2146 : memref<1x128x8xf32, #tpu.memory_space<vmem>> -> memref<128x8xf32, #tpu.memory_space<vmem>>
    %gather3A_2148 = tpu.vector_load_idx %gather3A_2147[%add3A_2118, %and3A_2132] : memref<128x8xf32, #tpu.memory_space<vmem>>[vector<16xi32>, vector<16xi32>], vector<16xf32>,
    %swap3A_2149 = arith.constant 3 : i32
    %swap3A_2150 = arith.index_cast %swap3A_2149 : i32 to index
    %swap3A_2151 = arith.constant 0 : index
    %swap3A_2152 = tpu.vector_load %arg18[%swap3A_2150, %swap3A_2151] {strides = array<i32>} : memref<4x128xf32, #tpu.memory_space<vmem>>, vector<16xf32>,
    tpu.vector_store %arg18[%swap3A_2150, %swap3A_2151], %gather3A_2148 {strides = array<i32>} : memref<4x128xf32, #tpu.memory_space<vmem>>, vector<16xf32>,
    %gather3A_2153 = arith.constant 3 : i32
    %gather3A_2154 = arith.constant 0 : i32
    %gather3A_2155 = arith.constant 0 : i32
    %gather3A_2156 = tpu.memref_slice %arg16[%gather3A_2153, %gather3A_2154, %gather3A_2155] : memref<4x128x8xf32, #tpu.memory_space<vmem>> -> memref<1x128x8xf32, #tpu.memory_space<vmem>>
    %gather3A_2157 = tpu.memref_squeeze %gather3A_2156 : memref<1x128x8xf32, #tpu.memory_space<vmem>> -> memref<128x8xf32, #tpu.memory_space<vmem>>
    %gather3A_2158 = tpu.vector_load_idx %gather3A_2157[%add3A_2118, %and3A_2132] : memref<128x8xf32, #tpu.memory_space<vmem>>[vector<16xi32>, vector<16xi32>], vector<16xf32>,
    %swap3A_2159 = arith.constant 3 : i32
    %swap3A_2160 = arith.index_cast %swap3A_2159 : i32 to index
    %swap3A_2161 = arith.constant 0 : index
    %swap3A_2162 = tpu.vector_load %arg19[%swap3A_2160, %swap3A_2161] {strides = array<i32>} : memref<4x128xf32, #tpu.memory_space<vmem>>, vector<16xf32>,
    tpu.vector_store %arg19[%swap3A_2160, %swap3A_2161], %gather3A_2158 {strides = array<i32>} : memref<4x128xf32, #tpu.memory_space<vmem>>, vector<16xf32>,
    %add3A_2163 = arith.constant 16 : i32
    %add3A_2164 = vector.broadcast %add3A_2163 : i32 to vector<16xi32>
    %add3A_2165 = arith.addi %iota3A, %add3A_2164 : vector<16xi32>
    %get3A_2166 = arith.constant 3 : i32
    %get3A_2167 = arith.index_cast %get3A_2166 : i32 to index
    %get3A_2168 = arith.constant 16 : index
    %get3A_2169 = tpu.vector_load %arg10[%get3A_2167, %get3A_2168] {strides = array<i32>} : memref<4x128xi32, #tpu.memory_space<vmem>>, vector<16xi32>,
    %and3A_2170 = arith.constant 7 : i32
    %and3A_2171 = vector.broadcast %and3A_2170 : i32 to vector<16xi32>
    %and3A_2172 = arith.andi %get3A_2169, %and3A_2171 : vector<16xi32>
    %get3A_2173 = arith.constant 3 : i32
    %get3A_2174 = arith.index_cast %get3A_2173 : i32 to index
    %get3A_2175 = arith.constant 16 : index
    %get3A_2176 = tpu.vector_load %arg11[%get3A_2174, %get3A_2175] {strides = array<i32>} : memref<4x128xi32, #tpu.memory_space<vmem>>, vector<16xi32>,
    %and3A_2177 = arith.constant 7 : i32
    %and3A_2178 = vector.broadcast %and3A_2177 : i32 to vector<16xi32>
    %and3A_2179 = arith.andi %get3A_2176, %and3A_2178 : vector<16xi32>
    %gather3A_2180 = arith.constant 3 : i32
    %gather3A_2181 = arith.constant 0 : i32
    %gather3A_2182 = arith.constant 0 : i32
    %gather3A_2183 = tpu.memref_slice %arg14[%gather3A_2180, %gather3A_2181, %gather3A_2182] : memref<4x128x8xf32, #tpu.memory_space<vmem>> -> memref<1x128x8xf32, #tpu.memory_space<vmem>>
    %gather3A_2184 = tpu.memref_squeeze %gather3A_2183 : memref<1x128x8xf32, #tpu.memory_space<vmem>> -> memref<128x8xf32, #tpu.memory_space<vmem>>
    %gather3A_2185 = tpu.vector_load_idx %gather3A_2184[%add3A_2165, %and3A_2172] : memref<128x8xf32, #tpu.memory_space<vmem>>[vector<16xi32>, vector<16xi32>], vector<16xf32>,
    %swap3A_2186 = arith.constant 3 : i32
    %swap3A_2187 = arith.index_cast %swap3A_2186 : i32 to index
    %swap3A_2188 = arith.constant 16 : index
    %swap3A_2189 = tpu.vector_load %arg17[%swap3A_2187, %swap3A_2188] {strides = array<i32>} : memref<4x128xf32, #tpu.memory_space<vmem>>, vector<16xf32>,
    tpu.vector_store %arg17[%swap3A_2187, %swap3A_2188], %gather3A_2185 {strides = array<i32>} : memref<4x128xf32, #tpu.memory_space<vmem>>, vector<16xf32>,
    %gather3A_2190 = arith.constant 3 : i32
    %gather3A_2191 = arith.constant 0 : i32
    %gather3A_2192 = arith.constant 0 : i32
    %gather3A_2193 = tpu.memref_slice %arg15[%gather3A_2190, %gather3A_2191, %gather3A_2192] : memref<4x128x8xf32, #tpu.memory_space<vmem>> -> memref<1x128x8xf32, #tpu.memory_space<vmem>>
    %gather3A_2194 = tpu.memref_squeeze %gather3A_2193 : memref<1x128x8xf32, #tpu.memory_space<vmem>> -> memref<128x8xf32, #tpu.memory_space<vmem>>
    %gather3A_2195 = tpu.vector_load_idx %gather3A_2194[%add3A_2165, %and3A_2179] : memref<128x8xf32, #tpu.memory_space<vmem>>[vector<16xi32>, vector<16xi32>], vector<16xf32>,
    %swap3A_2196 = arith.constant 3 : i32
    %swap3A_2197 = arith.index_cast %swap3A_2196 : i32 to index
    %swap3A_2198 = arith.constant 16 : index
    %swap3A_2199 = tpu.vector_load %arg18[%swap3A_2197, %swap3A_2198] {strides = array<i32>} : memref<4x128xf32, #tpu.memory_space<vmem>>, vector<16xf32>,
    tpu.vector_store %arg18[%swap3A_2197, %swap3A_2198], %gather3A_2195 {strides = array<i32>} : memref<4x128xf32, #tpu.memory_space<vmem>>, vector<16xf32>,
    %gather3A_2200 = arith.constant 3 : i32
    %gather3A_2201 = arith.constant 0 : i32
    %gather3A_2202 = arith.constant 0 : i32
    %gather3A_2203 = tpu.memref_slice %arg16[%gather3A_2200, %gather3A_2201, %gather3A_2202] : memref<4x128x8xf32, #tpu.memory_space<vmem>> -> memref<1x128x8xf32, #tpu.memory_space<vmem>>
    %gather3A_2204 = tpu.memref_squeeze %gather3A_2203 : memref<1x128x8xf32, #tpu.memory_space<vmem>> -> memref<128x8xf32, #tpu.memory_space<vmem>>
    %gather3A_2205 = tpu.vector_load_idx %gather3A_2204[%add3A_2165, %and3A_2179] : memref<128x8xf32, #tpu.memory_space<vmem>>[vector<16xi32>, vector<16xi32>], vector<16xf32>,
    %swap3A_2206 = arith.constant 3 : i32
    %swap3A_2207 = arith.index_cast %swap3A_2206 : i32 to index
    %swap3A_2208 = arith.constant 16 : index
    %swap3A_2209 = tpu.vector_load %arg19[%swap3A_2207, %swap3A_2208] {strides = array<i32>} : memref<4x128xf32, #tpu.memory_space<vmem>>, vector<16xf32>,
    tpu.vector_store %arg19[%swap3A_2207, %swap3A_2208], %gather3A_2205 {strides = array<i32>} : memref<4x128xf32, #tpu.memory_space<vmem>>, vector<16xf32>,
    %add3A_2210 = arith.constant 32 : i32
    %add3A_2211 = vector.broadcast %add3A_2210 : i32 to vector<16xi32>
    %add3A_2212 = arith.addi %iota3A, %add3A_2211 : vector<16xi32>
    %get3A_2213 = arith.constant 3 : i32
    %get3A_2214 = arith.index_cast %get3A_2213 : i32 to index
    %get3A_2215 = arith.constant 32 : index
    %get3A_2216 = tpu.vector_load %arg10[%get3A_2214, %get3A_2215] {strides = array<i32>} : memref<4x128xi32, #tpu.memory_space<vmem>>, vector<16xi32>,
    %and3A_2217 = arith.constant 7 : i32
    %and3A_2218 = vector.broadcast %and3A_2217 : i32 to vector<16xi32>
    %and3A_2219 = arith.andi %get3A_2216, %and3A_2218 : vector<16xi32>
    %get3A_2220 = arith.constant 3 : i32
    %get3A_2221 = arith.index_cast %get3A_2220 : i32 to index
    %get3A_2222 = arith.constant 32 : index
    %get3A_2223 = tpu.vector_load %arg11[%get3A_2221, %get3A_2222] {strides = array<i32>} : memref<4x128xi32, #tpu.memory_space<vmem>>, vector<16xi32>,
    %and3A_2224 = arith.constant 7 : i32
    %and3A_2225 = vector.broadcast %and3A_2224 : i32 to vector<16xi32>
    %and3A_2226 = arith.andi %get3A_2223, %and3A_2225 : vector<16xi32>
    %gather3A_2227 = arith.constant 3 : i32
    %gather3A_2228 = arith.constant 0 : i32
    %gather3A_2229 = arith.constant 0 : i32
    %gather3A_2230 = tpu.memref_slice %arg14[%gather3A_2227, %gather3A_2228, %gather3A_2229] : memref<4x128x8xf32, #tpu.memory_space<vmem>> -> memref<1x128x8xf32, #tpu.memory_space<vmem>>
    %gather3A_2231 = tpu.memref_squeeze %gather3A_2230 : memref<1x128x8xf32, #tpu.memory_space<vmem>> -> memref<128x8xf32, #tpu.memory_space<vmem>>
    %gather3A_2232 = tpu.vector_load_idx %gather3A_2231[%add3A_2212, %and3A_2219] : memref<128x8xf32, #tpu.memory_space<vmem>>[vector<16xi32>, vector<16xi32>], vector<16xf32>,
    %swap3A_2233 = arith.constant 3 : i32
    %swap3A_2234 = arith.index_cast %swap3A_2233 : i32 to index
    %swap3A_2235 = arith.constant 32 : index
    %swap3A_2236 = tpu.vector_load %arg17[%swap3A_2234, %swap3A_2235] {strides = array<i32>} : memref<4x128xf32, #tpu.memory_space<vmem>>, vector<16xf32>,
    tpu.vector_store %arg17[%swap3A_2234, %swap3A_2235], %gather3A_2232 {strides = array<i32>} : memref<4x128xf32, #tpu.memory_space<vmem>>, vector<16xf32>,
    %gather3A_2237 = arith.constant 3 : i32
    %gather3A_2238 = arith.constant 0 : i32
    %gather3A_2239 = arith.constant 0 : i32
    %gather3A_2240 = tpu.memref_slice %arg15[%gather3A_2237, %gather3A_2238, %gather3A_2239] : memref<4x128x8xf32, #tpu.memory_space<vmem>> -> memref<1x128x8xf32, #tpu.memory_space<vmem>>
    %gather3A_2241 = tpu.memref_squeeze %gather3A_2240 : memref<1x128x8xf32, #tpu.memory_space<vmem>> -> memref<128x8xf32, #tpu.memory_space<vmem>>
    %gather3A_2242 = tpu.vector_load_idx %gather3A_2241[%add3A_2212, %and3A_2226] : memref<128x8xf32, #tpu.memory_space<vmem>>[vector<16xi32>, vector<16xi32>], vector<16xf32>,
    %swap3A_2243 = arith.constant 3 : i32
    %swap3A_2244 = arith.index_cast %swap3A_2243 : i32 to index
    %swap3A_2245 = arith.constant 32 : index
    %swap3A_2246 = tpu.vector_load %arg18[%swap3A_2244, %swap3A_2245] {strides = array<i32>} : memref<4x128xf32, #tpu.memory_space<vmem>>, vector<16xf32>,
    tpu.vector_store %arg18[%swap3A_2244, %swap3A_2245], %gather3A_2242 {strides = array<i32>} : memref<4x128xf32, #tpu.memory_space<vmem>>, vector<16xf32>,
    %gather3A_2247 = arith.constant 3 : i32
    %gather3A_2248 = arith.constant 0 : i32
    %gather3A_2249 = arith.constant 0 : i32
    %gather3A_2250 = tpu.memref_slice %arg16[%gather3A_2247, %gather3A_2248, %gather3A_2249] : memref<4x128x8xf32, #tpu.memory_space<vmem>> -> memref<1x128x8xf32, #tpu.memory_space<vmem>>
    %gather3A_2251 = tpu.memref_squeeze %gather3A_2250 : memref<1x128x8xf32, #tpu.memory_space<vmem>> -> memref<128x8xf32, #tpu.memory_space<vmem>>
    %gather3A_2252 = tpu.vector_load_idx %gather3A_2251[%add3A_2212, %and3A_2226] : memref<128x8xf32, #tpu.memory_space<vmem>>[vector<16xi32>, vector<16xi32>], vector<16xf32>,
    %swap3A_2253 = arith.constant 3 : i32
    %swap3A_2254 = arith.index_cast %swap3A_2253 : i32 to index
    %swap3A_2255 = arith.constant 32 : index
    %swap3A_2256 = tpu.vector_load %arg19[%swap3A_2254, %swap3A_2255] {strides = array<i32>} : memref<4x128xf32, #tpu.memory_space<vmem>>, vector<16xf32>,
    tpu.vector_store %arg19[%swap3A_2254, %swap3A_2255], %gather3A_2252 {strides = array<i32>} : memref<4x128xf32, #tpu.memory_space<vmem>>, vector<16xf32>,
    %add3A_2257 = arith.constant 48 : i32
    %add3A_2258 = vector.broadcast %add3A_2257 : i32 to vector<16xi32>
    %add3A_2259 = arith.addi %iota3A, %add3A_2258 : vector<16xi32>
    %get3A_2260 = arith.constant 3 : i32
    %get3A_2261 = arith.index_cast %get3A_2260 : i32 to index
    %get3A_2262 = arith.constant 48 : index
    %get3A_2263 = tpu.vector_load %arg10[%get3A_2261, %get3A_2262] {strides = array<i32>} : memref<4x128xi32, #tpu.memory_space<vmem>>, vector<16xi32>,
    %and3A_2264 = arith.constant 7 : i32
    %and3A_2265 = vector.broadcast %and3A_2264 : i32 to vector<16xi32>
    %and3A_2266 = arith.andi %get3A_2263, %and3A_2265 : vector<16xi32>
    %get3A_2267 = arith.constant 3 : i32
    %get3A_2268 = arith.index_cast %get3A_2267 : i32 to index
    %get3A_2269 = arith.constant 48 : index
    %get3A_2270 = tpu.vector_load %arg11[%get3A_2268, %get3A_2269] {strides = array<i32>} : memref<4x128xi32, #tpu.memory_space<vmem>>, vector<16xi32>,
    %and3A_2271 = arith.constant 7 : i32
    %and3A_2272 = vector.broadcast %and3A_2271 : i32 to vector<16xi32>
    %and3A_2273 = arith.andi %get3A_2270, %and3A_2272 : vector<16xi32>
    %gather3A_2274 = arith.constant 3 : i32
    %gather3A_2275 = arith.constant 0 : i32
    %gather3A_2276 = arith.constant 0 : i32
    %gather3A_2277 = tpu.memref_slice %arg14[%gather3A_2274, %gather3A_2275, %gather3A_2276] : memref<4x128x8xf32, #tpu.memory_space<vmem>> -> memref<1x128x8xf32, #tpu.memory_space<vmem>>
    %gather3A_2278 = tpu.memref_squeeze %gather3A_2277 : memref<1x128x8xf32, #tpu.memory_space<vmem>> -> memref<128x8xf32, #tpu.memory_space<vmem>>
    %gather3A_2279 = tpu.vector_load_idx %gather3A_2278[%add3A_2259, %and3A_2266] : memref<128x8xf32, #tpu.memory_space<vmem>>[vector<16xi32>, vector<16xi32>], vector<16xf32>,
    %swap3A_2280 = arith.constant 3 : i32
    %swap3A_2281 = arith.index_cast %swap3A_2280 : i32 to index
    %swap3A_2282 = arith.constant 48 : index
    %swap3A_2283 = tpu.vector_load %arg17[%swap3A_2281, %swap3A_2282] {strides = array<i32>} : memref<4x128xf32, #tpu.memory_space<vmem>>, vector<16xf32>,
    tpu.vector_store %arg17[%swap3A_2281, %swap3A_2282], %gather3A_2279 {strides = array<i32>} : memref<4x128xf32, #tpu.memory_space<vmem>>, vector<16xf32>,
    %gather3A_2284 = arith.constant 3 : i32
    %gather3A_2285 = arith.constant 0 : i32
    %gather3A_2286 = arith.constant 0 : i32
    %gather3A_2287 = tpu.memref_slice %arg15[%gather3A_2284, %gather3A_2285, %gather3A_2286] : memref<4x128x8xf32, #tpu.memory_space<vmem>> -> memref<1x128x8xf32, #tpu.memory_space<vmem>>
    %gather3A_2288 = tpu.memref_squeeze %gather3A_2287 : memref<1x128x8xf32, #tpu.memory_space<vmem>> -> memref<128x8xf32, #tpu.memory_space<vmem>>
    %gather3A_2289 = tpu.vector_load_idx %gather3A_2288[%add3A_2259, %and3A_2273] : memref<128x8xf32, #tpu.memory_space<vmem>>[vector<16xi32>, vector<16xi32>], vector<16xf32>,
    %swap3A_2290 = arith.constant 3 : i32
    %swap3A_2291 = arith.index_cast %swap3A_2290 : i32 to index
    %swap3A_2292 = arith.constant 48 : index
    %swap3A_2293 = tpu.vector_load %arg18[%swap3A_2291, %swap3A_2292] {strides = array<i32>} : memref<4x128xf32, #tpu.memory_space<vmem>>, vector<16xf32>,
    tpu.vector_store %arg18[%swap3A_2291, %swap3A_2292], %gather3A_2289 {strides = array<i32>} : memref<4x128xf32, #tpu.memory_space<vmem>>, vector<16xf32>,
    %gather3A_2294 = arith.constant 3 : i32
    %gather3A_2295 = arith.constant 0 : i32
    %gather3A_2296 = arith.constant 0 : i32
    %gather3A_2297 = tpu.memref_slice %arg16[%gather3A_2294, %gather3A_2295, %gather3A_2296] : memref<4x128x8xf32, #tpu.memory_space<vmem>> -> memref<1x128x8xf32, #tpu.memory_space<vmem>>
    %gather3A_2298 = tpu.memref_squeeze %gather3A_2297 : memref<1x128x8xf32, #tpu.memory_space<vmem>> -> memref<128x8xf32, #tpu.memory_space<vmem>>
    %gather3A_2299 = tpu.vector_load_idx %gather3A_2298[%add3A_2259, %and3A_2273] : memref<128x8xf32, #tpu.memory_space<vmem>>[vector<16xi32>, vector<16xi32>], vector<16xf32>,
    %swap3A_2300 = arith.constant 3 : i32
    %swap3A_2301 = arith.index_cast %swap3A_2300 : i32 to index
    %swap3A_2302 = arith.constant 48 : index
    %swap3A_2303 = tpu.vector_load %arg19[%swap3A_2301, %swap3A_2302] {strides = array<i32>} : memref<4x128xf32, #tpu.memory_space<vmem>>, vector<16xf32>,
    tpu.vector_store %arg19[%swap3A_2301, %swap3A_2302], %gather3A_2299 {strides = array<i32>} : memref<4x128xf32, #tpu.memory_space<vmem>>, vector<16xf32>,
    %add3A_2304 = arith.constant 64 : i32
    %add3A_2305 = vector.broadcast %add3A_2304 : i32 to vector<16xi32>
    %add3A_2306 = arith.addi %iota3A, %add3A_2305 : vector<16xi32>
    %get3A_2307 = arith.constant 3 : i32
    %get3A_2308 = arith.index_cast %get3A_2307 : i32 to index
    %get3A_2309 = arith.constant 64 : index
    %get3A_2310 = tpu.vector_load %arg10[%get3A_2308, %get3A_2309] {strides = array<i32>} : memref<4x128xi32, #tpu.memory_space<vmem>>, vector<16xi32>,
    %and3A_2311 = arith.constant 7 : i32
    %and3A_2312 = vector.broadcast %and3A_2311 : i32 to vector<16xi32>
    %and3A_2313 = arith.andi %get3A_2310, %and3A_2312 : vector<16xi32>
    %get3A_2314 = arith.constant 3 : i32
    %get3A_2315 = arith.index_cast %get3A_2314 : i32 to index
    %get3A_2316 = arith.constant 64 : index
    %get3A_2317 = tpu.vector_load %arg11[%get3A_2315, %get3A_2316] {strides = array<i32>} : memref<4x128xi32, #tpu.memory_space<vmem>>, vector<16xi32>,
    %and3A_2318 = arith.constant 7 : i32
    %and3A_2319 = vector.broadcast %and3A_2318 : i32 to vector<16xi32>
    %and3A_2320 = arith.andi %get3A_2317, %and3A_2319 : vector<16xi32>
    %gather3A_2321 = arith.constant 3 : i32
    %gather3A_2322 = arith.constant 0 : i32
    %gather3A_2323 = arith.constant 0 : i32
    %gather3A_2324 = tpu.memref_slice %arg14[%gather3A_2321, %gather3A_2322, %gather3A_2323] : memref<4x128x8xf32, #tpu.memory_space<vmem>> -> memref<1x128x8xf32, #tpu.memory_space<vmem>>
    %gather3A_2325 = tpu.memref_squeeze %gather3A_2324 : memref<1x128x8xf32, #tpu.memory_space<vmem>> -> memref<128x8xf32, #tpu.memory_space<vmem>>
    %gather3A_2326 = tpu.vector_load_idx %gather3A_2325[%add3A_2306, %and3A_2313] : memref<128x8xf32, #tpu.memory_space<vmem>>[vector<16xi32>, vector<16xi32>], vector<16xf32>,
    %swap3A_2327 = arith.constant 3 : i32
    %swap3A_2328 = arith.index_cast %swap3A_2327 : i32 to index
    %swap3A_2329 = arith.constant 64 : index
    %swap3A_2330 = tpu.vector_load %arg17[%swap3A_2328, %swap3A_2329] {strides = array<i32>} : memref<4x128xf32, #tpu.memory_space<vmem>>, vector<16xf32>,
    tpu.vector_store %arg17[%swap3A_2328, %swap3A_2329], %gather3A_2326 {strides = array<i32>} : memref<4x128xf32, #tpu.memory_space<vmem>>, vector<16xf32>,
    %gather3A_2331 = arith.constant 3 : i32
    %gather3A_2332 = arith.constant 0 : i32
    %gather3A_2333 = arith.constant 0 : i32
    %gather3A_2334 = tpu.memref_slice %arg15[%gather3A_2331, %gather3A_2332, %gather3A_2333] : memref<4x128x8xf32, #tpu.memory_space<vmem>> -> memref<1x128x8xf32, #tpu.memory_space<vmem>>
    %gather3A_2335 = tpu.memref_squeeze %gather3A_2334 : memref<1x128x8xf32, #tpu.memory_space<vmem>> -> memref<128x8xf32, #tpu.memory_space<vmem>>
    %gather3A_2336 = tpu.vector_load_idx %gather3A_2335[%add3A_2306, %and3A_2320] : memref<128x8xf32, #tpu.memory_space<vmem>>[vector<16xi32>, vector<16xi32>], vector<16xf32>,
    %swap3A_2337 = arith.constant 3 : i32
    %swap3A_2338 = arith.index_cast %swap3A_2337 : i32 to index
    %swap3A_2339 = arith.constant 64 : index
    %swap3A_2340 = tpu.vector_load %arg18[%swap3A_2338, %swap3A_2339] {strides = array<i32>} : memref<4x128xf32, #tpu.memory_space<vmem>>, vector<16xf32>,
    tpu.vector_store %arg18[%swap3A_2338, %swap3A_2339], %gather3A_2336 {strides = array<i32>} : memref<4x128xf32, #tpu.memory_space<vmem>>, vector<16xf32>,
    %gather3A_2341 = arith.constant 3 : i32
    %gather3A_2342 = arith.constant 0 : i32
    %gather3A_2343 = arith.constant 0 : i32
    %gather3A_2344 = tpu.memref_slice %arg16[%gather3A_2341, %gather3A_2342, %gather3A_2343] : memref<4x128x8xf32, #tpu.memory_space<vmem>> -> memref<1x128x8xf32, #tpu.memory_space<vmem>>
    %gather3A_2345 = tpu.memref_squeeze %gather3A_2344 : memref<1x128x8xf32, #tpu.memory_space<vmem>> -> memref<128x8xf32, #tpu.memory_space<vmem>>
    %gather3A_2346 = tpu.vector_load_idx %gather3A_2345[%add3A_2306, %and3A_2320] : memref<128x8xf32, #tpu.memory_space<vmem>>[vector<16xi32>, vector<16xi32>], vector<16xf32>,
    %swap3A_2347 = arith.constant 3 : i32
    %swap3A_2348 = arith.index_cast %swap3A_2347 : i32 to index
    %swap3A_2349 = arith.constant 64 : index
    %swap3A_2350 = tpu.vector_load %arg19[%swap3A_2348, %swap3A_2349] {strides = array<i32>} : memref<4x128xf32, #tpu.memory_space<vmem>>, vector<16xf32>,
    tpu.vector_store %arg19[%swap3A_2348, %swap3A_2349], %gather3A_2346 {strides = array<i32>} : memref<4x128xf32, #tpu.memory_space<vmem>>, vector<16xf32>,
    %add3A_2351 = arith.constant 80 : i32
    %add3A_2352 = vector.broadcast %add3A_2351 : i32 to vector<16xi32>
    %add3A_2353 = arith.addi %iota3A, %add3A_2352 : vector<16xi32>
    %get3A_2354 = arith.constant 3 : i32
    %get3A_2355 = arith.index_cast %get3A_2354 : i32 to index
    %get3A_2356 = arith.constant 80 : index
    %get3A_2357 = tpu.vector_load %arg10[%get3A_2355, %get3A_2356] {strides = array<i32>} : memref<4x128xi32, #tpu.memory_space<vmem>>, vector<16xi32>,
    %and3A_2358 = arith.constant 7 : i32
    %and3A_2359 = vector.broadcast %and3A_2358 : i32 to vector<16xi32>
    %and3A_2360 = arith.andi %get3A_2357, %and3A_2359 : vector<16xi32>
    %get3A_2361 = arith.constant 3 : i32
    %get3A_2362 = arith.index_cast %get3A_2361 : i32 to index
    %get3A_2363 = arith.constant 80 : index
    %get3A_2364 = tpu.vector_load %arg11[%get3A_2362, %get3A_2363] {strides = array<i32>} : memref<4x128xi32, #tpu.memory_space<vmem>>, vector<16xi32>,
    %and3A_2365 = arith.constant 7 : i32
    %and3A_2366 = vector.broadcast %and3A_2365 : i32 to vector<16xi32>
    %and3A_2367 = arith.andi %get3A_2364, %and3A_2366 : vector<16xi32>
    %gather3A_2368 = arith.constant 3 : i32
    %gather3A_2369 = arith.constant 0 : i32
    %gather3A_2370 = arith.constant 0 : i32
    %gather3A_2371 = tpu.memref_slice %arg14[%gather3A_2368, %gather3A_2369, %gather3A_2370] : memref<4x128x8xf32, #tpu.memory_space<vmem>> -> memref<1x128x8xf32, #tpu.memory_space<vmem>>
    %gather3A_2372 = tpu.memref_squeeze %gather3A_2371 : memref<1x128x8xf32, #tpu.memory_space<vmem>> -> memref<128x8xf32, #tpu.memory_space<vmem>>
    %gather3A_2373 = tpu.vector_load_idx %gather3A_2372[%add3A_2353, %and3A_2360] : memref<128x8xf32, #tpu.memory_space<vmem>>[vector<16xi32>, vector<16xi32>], vector<16xf32>,
    %swap3A_2374 = arith.constant 3 : i32
    %swap3A_2375 = arith.index_cast %swap3A_2374 : i32 to index
    %swap3A_2376 = arith.constant 80 : index
    %swap3A_2377 = tpu.vector_load %arg17[%swap3A_2375, %swap3A_2376] {strides = array<i32>} : memref<4x128xf32, #tpu.memory_space<vmem>>, vector<16xf32>,
    tpu.vector_store %arg17[%swap3A_2375, %swap3A_2376], %gather3A_2373 {strides = array<i32>} : memref<4x128xf32, #tpu.memory_space<vmem>>, vector<16xf32>,
    %gather3A_2378 = arith.constant 3 : i32
    %gather3A_2379 = arith.constant 0 : i32
    %gather3A_2380 = arith.constant 0 : i32
    %gather3A_2381 = tpu.memref_slice %arg15[%gather3A_2378, %gather3A_2379, %gather3A_2380] : memref<4x128x8xf32, #tpu.memory_space<vmem>> -> memref<1x128x8xf32, #tpu.memory_space<vmem>>
    %gather3A_2382 = tpu.memref_squeeze %gather3A_2381 : memref<1x128x8xf32, #tpu.memory_space<vmem>> -> memref<128x8xf32, #tpu.memory_space<vmem>>
    %gather3A_2383 = tpu.vector_load_idx %gather3A_2382[%add3A_2353, %and3A_2367] : memref<128x8xf32, #tpu.memory_space<vmem>>[vector<16xi32>, vector<16xi32>], vector<16xf32>,
    %swap3A_2384 = arith.constant 3 : i32
    %swap3A_2385 = arith.index_cast %swap3A_2384 : i32 to index
    %swap3A_2386 = arith.constant 80 : index
    %swap3A_2387 = tpu.vector_load %arg18[%swap3A_2385, %swap3A_2386] {strides = array<i32>} : memref<4x128xf32, #tpu.memory_space<vmem>>, vector<16xf32>,
    tpu.vector_store %arg18[%swap3A_2385, %swap3A_2386], %gather3A_2383 {strides = array<i32>} : memref<4x128xf32, #tpu.memory_space<vmem>>, vector<16xf32>,
    %gather3A_2388 = arith.constant 3 : i32
    %gather3A_2389 = arith.constant 0 : i32
    %gather3A_2390 = arith.constant 0 : i32
    %gather3A_2391 = tpu.memref_slice %arg16[%gather3A_2388, %gather3A_2389, %gather3A_2390] : memref<4x128x8xf32, #tpu.memory_space<vmem>> -> memref<1x128x8xf32, #tpu.memory_space<vmem>>
    %gather3A_2392 = tpu.memref_squeeze %gather3A_2391 : memref<1x128x8xf32, #tpu.memory_space<vmem>> -> memref<128x8xf32, #tpu.memory_space<vmem>>
    %gather3A_2393 = tpu.vector_load_idx %gather3A_2392[%add3A_2353, %and3A_2367] : memref<128x8xf32, #tpu.memory_space<vmem>>[vector<16xi32>, vector<16xi32>], vector<16xf32>,
    %swap3A_2394 = arith.constant 3 : i32
    %swap3A_2395 = arith.index_cast %swap3A_2394 : i32 to index
    %swap3A_2396 = arith.constant 80 : index
    %swap3A_2397 = tpu.vector_load %arg19[%swap3A_2395, %swap3A_2396] {strides = array<i32>} : memref<4x128xf32, #tpu.memory_space<vmem>>, vector<16xf32>,
    tpu.vector_store %arg19[%swap3A_2395, %swap3A_2396], %gather3A_2393 {strides = array<i32>} : memref<4x128xf32, #tpu.memory_space<vmem>>, vector<16xf32>,
    %add3A_2398 = arith.constant 96 : i32
    %add3A_2399 = vector.broadcast %add3A_2398 : i32 to vector<16xi32>
    %add3A_2400 = arith.addi %iota3A, %add3A_2399 : vector<16xi32>
    %get3A_2401 = arith.constant 3 : i32
    %get3A_2402 = arith.index_cast %get3A_2401 : i32 to index
    %get3A_2403 = arith.constant 96 : index
    %get3A_2404 = tpu.vector_load %arg10[%get3A_2402, %get3A_2403] {strides = array<i32>} : memref<4x128xi32, #tpu.memory_space<vmem>>, vector<16xi32>,
    %and3A_2405 = arith.constant 7 : i32
    %and3A_2406 = vector.broadcast %and3A_2405 : i32 to vector<16xi32>
    %and3A_2407 = arith.andi %get3A_2404, %and3A_2406 : vector<16xi32>
    %get3A_2408 = arith.constant 3 : i32
    %get3A_2409 = arith.index_cast %get3A_2408 : i32 to index
    %get3A_2410 = arith.constant 96 : index
    %get3A_2411 = tpu.vector_load %arg11[%get3A_2409, %get3A_2410] {strides = array<i32>} : memref<4x128xi32, #tpu.memory_space<vmem>>, vector<16xi32>,
    %and3A_2412 = arith.constant 7 : i32
    %and3A_2413 = vector.broadcast %and3A_2412 : i32 to vector<16xi32>
    %and3A_2414 = arith.andi %get3A_2411, %and3A_2413 : vector<16xi32>
    %gather3A_2415 = arith.constant 3 : i32
    %gather3A_2416 = arith.constant 0 : i32
    %gather3A_2417 = arith.constant 0 : i32
    %gather3A_2418 = tpu.memref_slice %arg14[%gather3A_2415, %gather3A_2416, %gather3A_2417] : memref<4x128x8xf32, #tpu.memory_space<vmem>> -> memref<1x128x8xf32, #tpu.memory_space<vmem>>
    %gather3A_2419 = tpu.memref_squeeze %gather3A_2418 : memref<1x128x8xf32, #tpu.memory_space<vmem>> -> memref<128x8xf32, #tpu.memory_space<vmem>>
    %gather3A_2420 = tpu.vector_load_idx %gather3A_2419[%add3A_2400, %and3A_2407] : memref<128x8xf32, #tpu.memory_space<vmem>>[vector<16xi32>, vector<16xi32>], vector<16xf32>,
    %swap3A_2421 = arith.constant 3 : i32
    %swap3A_2422 = arith.index_cast %swap3A_2421 : i32 to index
    %swap3A_2423 = arith.constant 96 : index
    %swap3A_2424 = tpu.vector_load %arg17[%swap3A_2422, %swap3A_2423] {strides = array<i32>} : memref<4x128xf32, #tpu.memory_space<vmem>>, vector<16xf32>,
    tpu.vector_store %arg17[%swap3A_2422, %swap3A_2423], %gather3A_2420 {strides = array<i32>} : memref<4x128xf32, #tpu.memory_space<vmem>>, vector<16xf32>,
    %gather3A_2425 = arith.constant 3 : i32
    %gather3A_2426 = arith.constant 0 : i32
    %gather3A_2427 = arith.constant 0 : i32
    %gather3A_2428 = tpu.memref_slice %arg15[%gather3A_2425, %gather3A_2426, %gather3A_2427] : memref<4x128x8xf32, #tpu.memory_space<vmem>> -> memref<1x128x8xf32, #tpu.memory_space<vmem>>
    %gather3A_2429 = tpu.memref_squeeze %gather3A_2428 : memref<1x128x8xf32, #tpu.memory_space<vmem>> -> memref<128x8xf32, #tpu.memory_space<vmem>>
    %gather3A_2430 = tpu.vector_load_idx %gather3A_2429[%add3A_2400, %and3A_2414] : memref<128x8xf32, #tpu.memory_space<vmem>>[vector<16xi32>, vector<16xi32>], vector<16xf32>,
    %swap3A_2431 = arith.constant 3 : i32
    %swap3A_2432 = arith.index_cast %swap3A_2431 : i32 to index
    %swap3A_2433 = arith.constant 96 : index
    %swap3A_2434 = tpu.vector_load %arg18[%swap3A_2432, %swap3A_2433] {strides = array<i32>} : memref<4x128xf32, #tpu.memory_space<vmem>>, vector<16xf32>,
    tpu.vector_store %arg18[%swap3A_2432, %swap3A_2433], %gather3A_2430 {strides = array<i32>} : memref<4x128xf32, #tpu.memory_space<vmem>>, vector<16xf32>,
    %gather3A_2435 = arith.constant 3 : i32
    %gather3A_2436 = arith.constant 0 : i32
    %gather3A_2437 = arith.constant 0 : i32
    %gather3A_2438 = tpu.memref_slice %arg16[%gather3A_2435, %gather3A_2436, %gather3A_2437] : memref<4x128x8xf32, #tpu.memory_space<vmem>> -> memref<1x128x8xf32, #tpu.memory_space<vmem>>
    %gather3A_2439 = tpu.memref_squeeze %gather3A_2438 : memref<1x128x8xf32, #tpu.memory_space<vmem>> -> memref<128x8xf32, #tpu.memory_space<vmem>>
    %gather3A_2440 = tpu.vector_load_idx %gather3A_2439[%add3A_2400, %and3A_2414] : memref<128x8xf32, #tpu.memory_space<vmem>>[vector<16xi32>, vector<16xi32>], vector<16xf32>,
    %swap3A_2441 = arith.constant 3 : i32
    %swap3A_2442 = arith.index_cast %swap3A_2441 : i32 to index
    %swap3A_2443 = arith.constant 96 : index
    %swap3A_2444 = tpu.vector_load %arg19[%swap3A_2442, %swap3A_2443] {strides = array<i32>} : memref<4x128xf32, #tpu.memory_space<vmem>>, vector<16xf32>,
    tpu.vector_store %arg19[%swap3A_2442, %swap3A_2443], %gather3A_2440 {strides = array<i32>} : memref<4x128xf32, #tpu.memory_space<vmem>>, vector<16xf32>,
    %add3A_2445 = arith.constant 112 : i32
    %add3A_2446 = vector.broadcast %add3A_2445 : i32 to vector<16xi32>
    %add3A_2447 = arith.addi %iota3A, %add3A_2446 : vector<16xi32>
    %get3A_2448 = arith.constant 3 : i32
    %get3A_2449 = arith.index_cast %get3A_2448 : i32 to index
    %get3A_2450 = arith.constant 112 : index
    %get3A_2451 = tpu.vector_load %arg10[%get3A_2449, %get3A_2450] {strides = array<i32>} : memref<4x128xi32, #tpu.memory_space<vmem>>, vector<16xi32>,
    %and3A_2452 = arith.constant 7 : i32
    %and3A_2453 = vector.broadcast %and3A_2452 : i32 to vector<16xi32>
    %and3A_2454 = arith.andi %get3A_2451, %and3A_2453 : vector<16xi32>
    %get3A_2455 = arith.constant 3 : i32
    %get3A_2456 = arith.index_cast %get3A_2455 : i32 to index
    %get3A_2457 = arith.constant 112 : index
    %get3A_2458 = tpu.vector_load %arg11[%get3A_2456, %get3A_2457] {strides = array<i32>} : memref<4x128xi32, #tpu.memory_space<vmem>>, vector<16xi32>,
    %and3A_2459 = arith.constant 7 : i32
    %and3A_2460 = vector.broadcast %and3A_2459 : i32 to vector<16xi32>
    %and3A_2461 = arith.andi %get3A_2458, %and3A_2460 : vector<16xi32>
    %gather3A_2462 = arith.constant 3 : i32
    %gather3A_2463 = arith.constant 0 : i32
    %gather3A_2464 = arith.constant 0 : i32
    %gather3A_2465 = tpu.memref_slice %arg14[%gather3A_2462, %gather3A_2463, %gather3A_2464] : memref<4x128x8xf32, #tpu.memory_space<vmem>> -> memref<1x128x8xf32, #tpu.memory_space<vmem>>
    %gather3A_2466 = tpu.memref_squeeze %gather3A_2465 : memref<1x128x8xf32, #tpu.memory_space<vmem>> -> memref<128x8xf32, #tpu.memory_space<vmem>>
    %gather3A_2467 = tpu.vector_load_idx %gather3A_2466[%add3A_2447, %and3A_2454] : memref<128x8xf32, #tpu.memory_space<vmem>>[vector<16xi32>, vector<16xi32>], vector<16xf32>,
    %swap3A_2468 = arith.constant 3 : i32
    %swap3A_2469 = arith.index_cast %swap3A_2468 : i32 to index
    %swap3A_2470 = arith.constant 112 : index
    %swap3A_2471 = tpu.vector_load %arg17[%swap3A_2469, %swap3A_2470] {strides = array<i32>} : memref<4x128xf32, #tpu.memory_space<vmem>>, vector<16xf32>,
    tpu.vector_store %arg17[%swap3A_2469, %swap3A_2470], %gather3A_2467 {strides = array<i32>} : memref<4x128xf32, #tpu.memory_space<vmem>>, vector<16xf32>,
    %gather3A_2472 = arith.constant 3 : i32
    %gather3A_2473 = arith.constant 0 : i32
    %gather3A_2474 = arith.constant 0 : i32
    %gather3A_2475 = tpu.memref_slice %arg15[%gather3A_2472, %gather3A_2473, %gather3A_2474] : memref<4x128x8xf32, #tpu.memory_space<vmem>> -> memref<1x128x8xf32, #tpu.memory_space<vmem>>
    %gather3A_2476 = tpu.memref_squeeze %gather3A_2475 : memref<1x128x8xf32, #tpu.memory_space<vmem>> -> memref<128x8xf32, #tpu.memory_space<vmem>>
    %gather3A_2477 = tpu.vector_load_idx %gather3A_2476[%add3A_2447, %and3A_2461] : memref<128x8xf32, #tpu.memory_space<vmem>>[vector<16xi32>, vector<16xi32>], vector<16xf32>,
    %swap3A_2478 = arith.constant 3 : i32
    %swap3A_2479 = arith.index_cast %swap3A_2478 : i32 to index
    %swap3A_2480 = arith.constant 112 : index
    %swap3A_2481 = tpu.vector_load %arg18[%swap3A_2479, %swap3A_2480] {strides = array<i32>} : memref<4x128xf32, #tpu.memory_space<vmem>>, vector<16xf32>,
    tpu.vector_store %arg18[%swap3A_2479, %swap3A_2480], %gather3A_2477 {strides = array<i32>} : memref<4x128xf32, #tpu.memory_space<vmem>>, vector<16xf32>,
    %gather3A_2482 = arith.constant 3 : i32
    %gather3A_2483 = arith.constant 0 : i32
    %gather3A_2484 = arith.constant 0 : i32
    %gather3A_2485 = tpu.memref_slice %arg16[%gather3A_2482, %gather3A_2483, %gather3A_2484] : memref<4x128x8xf32, #tpu.memory_space<vmem>> -> memref<1x128x8xf32, #tpu.memory_space<vmem>>
    %gather3A_2486 = tpu.memref_squeeze %gather3A_2485 : memref<1x128x8xf32, #tpu.memory_space<vmem>> -> memref<128x8xf32, #tpu.memory_space<vmem>>
    %gather3A_2487 = tpu.vector_load_idx %gather3A_2486[%add3A_2447, %and3A_2461] : memref<128x8xf32, #tpu.memory_space<vmem>>[vector<16xi32>, vector<16xi32>], vector<16xf32>,
    %swap3A_2488 = arith.constant 3 : i32
    %swap3A_2489 = arith.index_cast %swap3A_2488 : i32 to index
    %swap3A_2490 = arith.constant 112 : index
    %swap3A_2491 = tpu.vector_load %arg19[%swap3A_2489, %swap3A_2490] {strides = array<i32>} : memref<4x128xf32, #tpu.memory_space<vmem>>, vector<16xf32>,
    tpu.vector_store %arg19[%swap3A_2489, %swap3A_2490], %gather3A_2487 {strides = array<i32>} : memref<4x128xf32, #tpu.memory_space<vmem>>, vector<16xf32>,
    "tpu.region"() ({
      %run_scoped3A = tpu.sem_alloc : memref<!tpu.dma_semaphore, #tpu.memory_space<semaphore_mem>>
      %dma_start3A_2492 = arith.constant 0 : i32
      %dma_start3A_2493 = tpu.memref_slice %arg7[%mul3A_2, %dma_start3A_2492] : memref<128x128xf32, #tpu.memory_space<hbm>> -> memref<4x128xf32, #tpu.memory_space<hbm>>
      %dma_start3A_2494 = arith.constant 0 : i32
      %dma_start3A_2495 = tpu.memref_slice %arg7[%mul3A_2, %dma_start3A_2494] : memref<128x128xf32, #tpu.memory_space<hbm>> -> memref<4x128xf32, #tpu.memory_space<hbm>>
      tpu.enqueue_dma source(%arg17 : memref<4x128xf32, #tpu.memory_space<vmem>>) target(%dma_start3A_2495 : memref<4x128xf32, #tpu.memory_space<hbm>>) target_semaphore(%run_scoped3A : memref<!tpu.dma_semaphore, #tpu.memory_space<semaphore_mem>>)
      %dma_wait3A_2496 = arith.constant 0 : i32
      %dma_wait3A_2497 = tpu.memref_slice %arg7[%mul3A_2, %dma_wait3A_2496] : memref<128x128xf32, #tpu.memory_space<hbm>> -> memref<4x128xf32, #tpu.memory_space<hbm>>
      %dma_wait3A_2498 = arith.constant 0 : i32
      %dma_wait3A_2499 = tpu.memref_slice %arg7[%mul3A_2, %dma_wait3A_2498] : memref<128x128xf32, #tpu.memory_space<hbm>> -> memref<4x128xf32, #tpu.memory_space<hbm>>
      tpu.wait_dma2 semaphore(%run_scoped3A : memref<!tpu.dma_semaphore, #tpu.memory_space<semaphore_mem>>) src(%arg17 : memref<4x128xf32, #tpu.memory_space<vmem>>) dst(%dma_wait3A_2499 : memref<4x128xf32, #tpu.memory_space<hbm>>)
      tpu.yield
    }) : () -> ()
    "tpu.region"() ({
      %run_scoped3A = tpu.sem_alloc : memref<!tpu.dma_semaphore, #tpu.memory_space<semaphore_mem>>
      %dma_start3A_2492 = arith.constant 0 : i32
      %dma_start3A_2493 = tpu.memref_slice %arg8[%mul3A_2, %dma_start3A_2492] : memref<128x128xf32, #tpu.memory_space<hbm>> -> memref<4x128xf32, #tpu.memory_space<hbm>>
      %dma_start3A_2494 = arith.constant 0 : i32
      %dma_start3A_2495 = tpu.memref_slice %arg8[%mul3A_2, %dma_start3A_2494] : memref<128x128xf32, #tpu.memory_space<hbm>> -> memref<4x128xf32, #tpu.memory_space<hbm>>
      tpu.enqueue_dma source(%arg18 : memref<4x128xf32, #tpu.memory_space<vmem>>) target(%dma_start3A_2495 : memref<4x128xf32, #tpu.memory_space<hbm>>) target_semaphore(%run_scoped3A : memref<!tpu.dma_semaphore, #tpu.memory_space<semaphore_mem>>)
      %dma_wait3A_2496 = arith.constant 0 : i32
      %dma_wait3A_2497 = tpu.memref_slice %arg8[%mul3A_2, %dma_wait3A_2496] : memref<128x128xf32, #tpu.memory_space<hbm>> -> memref<4x128xf32, #tpu.memory_space<hbm>>
      %dma_wait3A_2498 = arith.constant 0 : i32
      %dma_wait3A_2499 = tpu.memref_slice %arg8[%mul3A_2, %dma_wait3A_2498] : memref<128x128xf32, #tpu.memory_space<hbm>> -> memref<4x128xf32, #tpu.memory_space<hbm>>
      tpu.wait_dma2 semaphore(%run_scoped3A : memref<!tpu.dma_semaphore, #tpu.memory_space<semaphore_mem>>) src(%arg18 : memref<4x128xf32, #tpu.memory_space<vmem>>) dst(%dma_wait3A_2499 : memref<4x128xf32, #tpu.memory_space<hbm>>)
      tpu.yield
    }) : () -> ()
    "tpu.region"() ({
      %run_scoped3A = tpu.sem_alloc : memref<!tpu.dma_semaphore, #tpu.memory_space<semaphore_mem>>
      %dma_start3A_2492 = arith.constant 0 : i32
      %dma_start3A_2493 = tpu.memref_slice %arg9[%mul3A_2, %dma_start3A_2492] : memref<128x128xf32, #tpu.memory_space<hbm>> -> memref<4x128xf32, #tpu.memory_space<hbm>>
      %dma_start3A_2494 = arith.constant 0 : i32
      %dma_start3A_2495 = tpu.memref_slice %arg9[%mul3A_2, %dma_start3A_2494] : memref<128x128xf32, #tpu.memory_space<hbm>> -> memref<4x128xf32, #tpu.memory_space<hbm>>
      tpu.enqueue_dma source(%arg19 : memref<4x128xf32, #tpu.memory_space<vmem>>) target(%dma_start3A_2495 : memref<4x128xf32, #tpu.memory_space<hbm>>) target_semaphore(%run_scoped3A : memref<!tpu.dma_semaphore, #tpu.memory_space<semaphore_mem>>)
      %dma_wait3A_2496 = arith.constant 0 : i32
      %dma_wait3A_2497 = tpu.memref_slice %arg9[%mul3A_2, %dma_wait3A_2496] : memref<128x128xf32, #tpu.memory_space<hbm>> -> memref<4x128xf32, #tpu.memory_space<hbm>>
      %dma_wait3A_2498 = arith.constant 0 : i32
      %dma_wait3A_2499 = tpu.memref_slice %arg9[%mul3A_2, %dma_wait3A_2498] : memref<128x128xf32, #tpu.memory_space<hbm>> -> memref<4x128xf32, #tpu.memory_space<hbm>>
      tpu.wait_dma2 semaphore(%run_scoped3A : memref<!tpu.dma_semaphore, #tpu.memory_space<semaphore_mem>>) src(%arg19 : memref<4x128xf32, #tpu.memory_space<vmem>>) dst(%dma_wait3A_2499 : memref<4x128xf32, #tpu.memory_space<hbm>>)
      tpu.yield
    }) : () -> ()
    return
  }
}

module attributes {stable_mosaic.version = 14 : i64} {
  func.func @_tc_body(%arg0: memref<128x128xf32, #tpu.memory_space<vmem>>, %arg1: memref<128x128xf32, #tpu.memory_space<vmem>>, %arg2: memref<128x128xf32, #tpu.memory_space<vmem>>, %arg3: memref<128x128xf32, #tpu.memory_space<vmem>>, %arg4: memref<128x2xf32, #tpu.memory_space<vmem>>, %arg5: memref<2x128x128xf32, #tpu.memory_space<vmem>>, %arg6: memref<128x2xf32, #tpu.memory_space<vmem>>, %arg7: memref<1x2xf32, #tpu.memory_space<vmem>>, %arg8: memref<128x128xf32, #tpu.memory_space<vmem>>, %arg9: memref<2x128x128xf32, #tpu.memory_space<vmem>>, %arg10: memref<1x1xf32, #tpu.memory_space<vmem>>) attributes {dimension_semantics = [], scalar_prefetch = 0 : i64, scratch_operands = 0 : i64, tpu.core_type = #tpu.core_type<tc>} {
    %get3A = arith.constant 0 : index
    %get3A_0 = arith.constant 0 : index
    %get3A_1 = vector.load %arg0[%get3A, %get3A_0] : memref<128x128xf32, #tpu.memory_space<vmem>>, vector<128x128xf32>
    %max3A = arith.constant 0.000000e+00 : f32
    %max3A_2 = vector.broadcast %max3A : f32 to vector<128x128xf32>
    %max3A_3 = arith.maximumf %get3A_1, %max3A_2 : vector<128x128xf32>
    %min3A = arith.constant 0.000000e+00 : f32
    %min3A_4 = vector.broadcast %min3A : f32 to vector<128x128xf32>
    %min3A_5 = arith.minimumf %get3A_1, %min3A_4 : vector<128x128xf32>
    %get3A_6 = arith.constant 0 : index
    %get3A_7 = arith.constant 0 : index
    %get3A_8 = vector.load %arg4[%get3A_6, %get3A_7] : memref<128x2xf32, #tpu.memory_space<vmem>>, vector<128x1xf32>
    %max3A_9 = arith.constant 0.000000e+00 : f32
    %max3A_10 = vector.broadcast %max3A_9 : f32 to vector<128x1xf32>
    %max3A_11 = arith.maximumf %get3A_8, %max3A_10 : vector<128x1xf32>
    %min3A_12 = arith.constant 0.000000e+00 : f32
    %min3A_13 = vector.broadcast %min3A_12 : f32 to vector<128x1xf32>
    %min3A_14 = arith.minimumf %get3A_8, %min3A_13 : vector<128x1xf32>
    %get3A_15 = arith.constant 0 : index
    %get3A_16 = arith.constant 0 : index
    %get3A_17 = arith.constant 0 : index
    %get3A_18 = vector.load %arg5[%get3A_15, %get3A_16, %get3A_17] : memref<2x128x128xf32, #tpu.memory_space<vmem>>, vector<1x128x128xf32>
    %get3A_19 = vector.shape_cast %get3A_18 : vector<1x128x128xf32> to vector<128x128xf32>
    %dot_general3A = arith.constant dense<0.000000e+00> : vector<128x1xf32>
    %dot_general3A_20 = tpu.matmul %get3A_19, %max3A_11, %dot_general3A {dimension_numbers = #tpu.dot_dimension_numbers<[1], [0], [0], [1], [0, 0, 1, 1], [], []>, transpose_lhs_hint = false} : vector<128x128xf32>, vector<128x1xf32>, vector<128x1xf32> -> vector<128x1xf32>
    %get3A_21 = arith.constant 0 : index
    %get3A_22 = arith.constant 0 : index
    %get3A_23 = arith.constant 0 : index
    %get3A_24 = vector.load %arg5[%get3A_21, %get3A_22, %get3A_23] : memref<2x128x128xf32, #tpu.memory_space<vmem>>, vector<1x128x128xf32>
    %get3A_25 = vector.shape_cast %get3A_24 : vector<1x128x128xf32> to vector<128x128xf32>
    %dot_general3A_26 = arith.constant dense<0.000000e+00> : vector<128x1xf32>
    %dot_general3A_27 = tpu.matmul %get3A_25, %min3A_14, %dot_general3A_26 {dimension_numbers = #tpu.dot_dimension_numbers<[1], [0], [0], [1], [0, 0, 1, 1], [], []>, transpose_lhs_hint = false} : vector<128x128xf32>, vector<128x1xf32>, vector<128x1xf32> -> vector<128x1xf32>
    %get3A_28 = arith.constant 0 : index
    %get3A_29 = arith.constant 0 : index
    %get3A_30 = vector.load %arg6[%get3A_28, %get3A_29] : memref<128x2xf32, #tpu.memory_space<vmem>>, vector<128x1xf32>
    %max3A_31 = arith.constant 0.000000e+00 : f32
    %max3A_32 = vector.broadcast %max3A_31 : f32 to vector<128x1xf32>
    %max3A_33 = arith.maximumf %dot_general3A_20, %max3A_32 : vector<128x1xf32>
    %mul3A = arith.mulf %max3A_33, %get3A_30 : vector<128x1xf32>
    %reduce_sum3A = vector.shape_cast %mul3A : vector<128x1xf32> to vector<1x128x1xf32>
    %reduce_sum3A_34 = arith.constant dense<0.000000e+00> : vector<1xf32>
    %reduce_sum3A_35 = vector.multi_reduction <add>, %reduce_sum3A, %reduce_sum3A_34 [1, 2] : vector<1x128x1xf32> to vector<1xf32>
    %reduce_sum3A_36 = vector.shape_cast %reduce_sum3A_35 : vector<1xf32> to vector<1x1x1xf32>
    %reduce_sum3A_37 = vector.extract %reduce_sum3A_36[0, 0, 0] : f32 from vector<1x1x1xf32>
    %reshape3A = vector.broadcast %reduce_sum3A_37 : f32 to vector<1x1xf32>
    %neg3A = arith.constant 0.000000e+00 : f32
    %neg3A_38 = vector.broadcast %neg3A : f32 to vector<128x1xf32>
    %neg3A_39 = arith.subf %neg3A_38, %dot_general3A_27 : vector<128x1xf32>
    %max3A_40 = arith.constant 0.000000e+00 : f32
    %max3A_41 = vector.broadcast %max3A_40 : f32 to vector<128x1xf32>
    %max3A_42 = arith.maximumf %neg3A_39, %max3A_41 : vector<128x1xf32>
    %mul3A_43 = arith.mulf %max3A_42, %get3A_30 : vector<128x1xf32>
    %reduce_sum3A_44 = vector.shape_cast %mul3A_43 : vector<128x1xf32> to vector<1x128x1xf32>
    %reduce_sum3A_45 = arith.constant dense<0.000000e+00> : vector<1xf32>
    %reduce_sum3A_46 = vector.multi_reduction <add>, %reduce_sum3A_44, %reduce_sum3A_45 [1, 2] : vector<1x128x1xf32> to vector<1xf32>
    %reduce_sum3A_47 = vector.shape_cast %reduce_sum3A_46 : vector<1xf32> to vector<1x1x1xf32>
    %reduce_sum3A_48 = vector.extract %reduce_sum3A_47[0, 0, 0] : f32 from vector<1x1x1xf32>
    %reshape3A_49 = vector.broadcast %reduce_sum3A_48 : f32 to vector<1x1xf32>
    %mul3A_50 = vector.broadcast %reshape3A : vector<1x1xf32> to vector<128x128xf32>
    %mul3A_51 = arith.mulf %max3A_3, %mul3A_50 : vector<128x128xf32>
    %mul3A_52 = vector.broadcast %reshape3A_49 : vector<1x1xf32> to vector<128x128xf32>
    %mul3A_53 = arith.mulf %min3A_5, %mul3A_52 : vector<128x128xf32>
    %sub3A = arith.subf %mul3A_51, %mul3A_53 : vector<128x128xf32>
    %get3A_54 = arith.constant 0 : index
    %get3A_55 = arith.constant 0 : index
    %get3A_56 = vector.load %arg7[%get3A_54, %get3A_55] : memref<1x2xf32, #tpu.memory_space<vmem>>, vector<1x1xf32>
    %add3A = vector.broadcast %get3A_56 : vector<1x1xf32> to vector<128x128xf32>
    %add3A_57 = arith.addf %sub3A, %add3A : vector<128x128xf32>
    %swap3A = arith.constant 0 : index
    %swap3A_58 = arith.constant 0 : index
    %swap3A_59 = arith.constant 0 : index
    %swap3A_60 = vector.load %arg9[%swap3A, %swap3A_58, %swap3A_59] : memref<2x128x128xf32, #tpu.memory_space<vmem>>, vector<1x128x128xf32>
    %swap3A_61 = vector.shape_cast %swap3A_60 : vector<1x128x128xf32> to vector<128x128xf32>
    %swap3A_62 = vector.shape_cast %add3A_57 : vector<128x128xf32> to vector<1x128x128xf32>
    tpu.vector_store %arg9[%swap3A, %swap3A_58, %swap3A_59], %swap3A_62 {strides = array<i32>} : memref<2x128x128xf32, #tpu.memory_space<vmem>>, vector<1x128x128xf32>,
    %get3A_63 = arith.constant 0 : index
    %get3A_64 = arith.constant 1 : index
    %get3A_65 = vector.load %arg4[%get3A_63, %get3A_64] : memref<128x2xf32, #tpu.memory_space<vmem>>, vector<128x1xf32>
    %max3A_66 = arith.constant 0.000000e+00 : f32
    %max3A_67 = vector.broadcast %max3A_66 : f32 to vector<128x1xf32>
    %max3A_68 = arith.maximumf %get3A_65, %max3A_67 : vector<128x1xf32>
    %min3A_69 = arith.constant 0.000000e+00 : f32
    %min3A_70 = vector.broadcast %min3A_69 : f32 to vector<128x1xf32>
    %min3A_71 = arith.minimumf %get3A_65, %min3A_70 : vector<128x1xf32>
    %get3A_72 = arith.constant 1 : index
    %get3A_73 = arith.constant 0 : index
    %get3A_74 = arith.constant 0 : index
    %get3A_75 = vector.load %arg5[%get3A_72, %get3A_73, %get3A_74] : memref<2x128x128xf32, #tpu.memory_space<vmem>>, vector<1x128x128xf32>
    %get3A_76 = vector.shape_cast %get3A_75 : vector<1x128x128xf32> to vector<128x128xf32>
    %dot_general3A_77 = arith.constant dense<0.000000e+00> : vector<128x1xf32>
    %dot_general3A_78 = tpu.matmul %get3A_76, %max3A_68, %dot_general3A_77 {dimension_numbers = #tpu.dot_dimension_numbers<[1], [0], [0], [1], [0, 0, 1, 1], [], []>, transpose_lhs_hint = false} : vector<128x128xf32>, vector<128x1xf32>, vector<128x1xf32> -> vector<128x1xf32>
    %get3A_79 = arith.constant 1 : index
    %get3A_80 = arith.constant 0 : index
    %get3A_81 = arith.constant 0 : index
    %get3A_82 = vector.load %arg5[%get3A_79, %get3A_80, %get3A_81] : memref<2x128x128xf32, #tpu.memory_space<vmem>>, vector<1x128x128xf32>
    %get3A_83 = vector.shape_cast %get3A_82 : vector<1x128x128xf32> to vector<128x128xf32>
    %dot_general3A_84 = arith.constant dense<0.000000e+00> : vector<128x1xf32>
    %dot_general3A_85 = tpu.matmul %get3A_83, %min3A_71, %dot_general3A_84 {dimension_numbers = #tpu.dot_dimension_numbers<[1], [0], [0], [1], [0, 0, 1, 1], [], []>, transpose_lhs_hint = false} : vector<128x128xf32>, vector<128x1xf32>, vector<128x1xf32> -> vector<128x1xf32>
    %get3A_86 = arith.constant 0 : index
    %get3A_87 = arith.constant 1 : index
    %get3A_88 = vector.load %arg6[%get3A_86, %get3A_87] : memref<128x2xf32, #tpu.memory_space<vmem>>, vector<128x1xf32>
    %max3A_89 = arith.constant 0.000000e+00 : f32
    %max3A_90 = vector.broadcast %max3A_89 : f32 to vector<128x1xf32>
    %max3A_91 = arith.maximumf %dot_general3A_78, %max3A_90 : vector<128x1xf32>
    %mul3A_92 = arith.mulf %max3A_91, %get3A_88 : vector<128x1xf32>
    %reduce_sum3A_93 = vector.shape_cast %mul3A_92 : vector<128x1xf32> to vector<1x128x1xf32>
    %reduce_sum3A_94 = arith.constant dense<0.000000e+00> : vector<1xf32>
    %reduce_sum3A_95 = vector.multi_reduction <add>, %reduce_sum3A_93, %reduce_sum3A_94 [1, 2] : vector<1x128x1xf32> to vector<1xf32>
    %reduce_sum3A_96 = vector.shape_cast %reduce_sum3A_95 : vector<1xf32> to vector<1x1x1xf32>
    %reduce_sum3A_97 = vector.extract %reduce_sum3A_96[0, 0, 0] : f32 from vector<1x1x1xf32>
    %reshape3A_98 = vector.broadcast %reduce_sum3A_97 : f32 to vector<1x1xf32>
    %neg3A_99 = arith.constant 0.000000e+00 : f32
    %neg3A_100 = vector.broadcast %neg3A_99 : f32 to vector<128x1xf32>
    %neg3A_101 = arith.subf %neg3A_100, %dot_general3A_85 : vector<128x1xf32>
    %max3A_102 = arith.constant 0.000000e+00 : f32
    %max3A_103 = vector.broadcast %max3A_102 : f32 to vector<128x1xf32>
    %max3A_104 = arith.maximumf %neg3A_101, %max3A_103 : vector<128x1xf32>
    %mul3A_105 = arith.mulf %max3A_104, %get3A_88 : vector<128x1xf32>
    %reduce_sum3A_106 = vector.shape_cast %mul3A_105 : vector<128x1xf32> to vector<1x128x1xf32>
    %reduce_sum3A_107 = arith.constant dense<0.000000e+00> : vector<1xf32>
    %reduce_sum3A_108 = vector.multi_reduction <add>, %reduce_sum3A_106, %reduce_sum3A_107 [1, 2] : vector<1x128x1xf32> to vector<1xf32>
    %reduce_sum3A_109 = vector.shape_cast %reduce_sum3A_108 : vector<1xf32> to vector<1x1x1xf32>
    %reduce_sum3A_110 = vector.extract %reduce_sum3A_109[0, 0, 0] : f32 from vector<1x1x1xf32>
    %reshape3A_111 = vector.broadcast %reduce_sum3A_110 : f32 to vector<1x1xf32>
    %mul3A_112 = vector.broadcast %reshape3A_98 : vector<1x1xf32> to vector<128x128xf32>
    %mul3A_113 = arith.mulf %max3A_3, %mul3A_112 : vector<128x128xf32>
    %mul3A_114 = vector.broadcast %reshape3A_111 : vector<1x1xf32> to vector<128x128xf32>
    %mul3A_115 = arith.mulf %min3A_5, %mul3A_114 : vector<128x128xf32>
    %sub3A_116 = arith.subf %mul3A_113, %mul3A_115 : vector<128x128xf32>
    %get3A_117 = arith.constant 0 : index
    %get3A_118 = arith.constant 1 : index
    %get3A_119 = vector.load %arg7[%get3A_117, %get3A_118] : memref<1x2xf32, #tpu.memory_space<vmem>>, vector<1x1xf32>
    %add3A_120 = vector.broadcast %get3A_119 : vector<1x1xf32> to vector<128x128xf32>
    %add3A_121 = arith.addf %sub3A_116, %add3A_120 : vector<128x128xf32>
    %swap3A_122 = arith.constant 1 : index
    %swap3A_123 = arith.constant 0 : index
    %swap3A_124 = arith.constant 0 : index
    %swap3A_125 = vector.load %arg9[%swap3A_122, %swap3A_123, %swap3A_124] : memref<2x128x128xf32, #tpu.memory_space<vmem>>, vector<1x128x128xf32>
    %swap3A_126 = vector.shape_cast %swap3A_125 : vector<1x128x128xf32> to vector<128x128xf32>
    %swap3A_127 = vector.shape_cast %add3A_121 : vector<128x128xf32> to vector<1x128x128xf32>
    tpu.vector_store %arg9[%swap3A_122, %swap3A_123, %swap3A_124], %swap3A_127 {strides = array<i32>} : memref<2x128x128xf32, #tpu.memory_space<vmem>>, vector<1x128x128xf32>,
    %add3A_128 = arith.addf %add3A_57, %add3A_121 : vector<128x128xf32>
    %mul3A_129 = arith.constant 5.000000e-01 : f32
    %mul3A_130 = vector.broadcast %mul3A_129 : f32 to vector<128x128xf32>
    %mul3A_131 = arith.mulf %add3A_128, %mul3A_130 : vector<128x128xf32>
    %get3A_132 = arith.constant 0 : index
    %get3A_133 = arith.constant 0 : index
    %get3A_134 = vector.load %arg1[%get3A_132, %get3A_133] : memref<128x128xf32, #tpu.memory_space<vmem>>, vector<128x128xf32>
    %get3A_135 = arith.constant 0 : index
    %get3A_136 = arith.constant 0 : index
    %get3A_137 = vector.load %arg2[%get3A_135, %get3A_136] : memref<128x128xf32, #tpu.memory_space<vmem>>, vector<128x128xf32>
    %sub3A_138 = arith.subf %mul3A_131, %get3A_137 : vector<128x128xf32>
    %mul3A_139 = arith.mulf %get3A_134, %sub3A_138 : vector<128x128xf32>
    %logistic3A = arith.negf %mul3A_139 : vector<128x128xf32>
    %logistic3A_140 = math.exp %logistic3A : vector<128x128xf32>
    %logistic3A_141 = arith.constant 1.000000e+00 : f32
    %logistic3A_142 = vector.broadcast %logistic3A_141 : f32 to vector<128x128xf32>
    %logistic3A_143 = arith.addf %logistic3A_142, %logistic3A_140 : vector<128x128xf32>
    %logistic3A_144 = arith.divf %logistic3A_142, %logistic3A_143 : vector<128x128xf32>
    %swap3A_145 = arith.constant 0 : index
    %swap3A_146 = arith.constant 0 : index
    %swap3A_147 = vector.load %arg8[%swap3A_145, %swap3A_146] : memref<128x128xf32, #tpu.memory_space<vmem>>, vector<128x128xf32>
    tpu.vector_store %arg8[%swap3A_145, %swap3A_146], %logistic3A_144 {strides = array<i32>} : memref<128x128xf32, #tpu.memory_space<vmem>>, vector<128x128xf32>,
    %jit3A = arith.constant 1.000000e-07 : f32
    %jit3A_148 = arith.constant 0.99999988 : f32
    %max3A_149 = vector.broadcast %jit3A : f32 to vector<128x128xf32>
    %max3A_150 = arith.maximumf %max3A_149, %logistic3A_144 : vector<128x128xf32>
    %min3A_151 = vector.broadcast %jit3A_148 : f32 to vector<128x128xf32>
    %min3A_152 = arith.minimumf %min3A_151, %max3A_150 : vector<128x128xf32>
    %get3A_153 = arith.constant 0 : index
    %get3A_154 = arith.constant 0 : index
    %get3A_155 = vector.load %arg3[%get3A_153, %get3A_154] : memref<128x128xf32, #tpu.memory_space<vmem>>, vector<128x128xf32>
    %log3A = math.log %min3A_152 : vector<128x128xf32>
    %mul3A_156 = arith.mulf %get3A_155, %log3A : vector<128x128xf32>
    %sub3A_157 = arith.constant 1.000000e+00 : f32
    %sub3A_158 = vector.broadcast %sub3A_157 : f32 to vector<128x128xf32>
    %sub3A_159 = arith.subf %sub3A_158, %get3A_155 : vector<128x128xf32>
    %sub3A_160 = arith.constant 1.000000e+00 : f32
    %sub3A_161 = vector.broadcast %sub3A_160 : f32 to vector<128x128xf32>
    %sub3A_162 = arith.subf %sub3A_161, %min3A_152 : vector<128x128xf32>
    %log3A_163 = math.log %sub3A_162 : vector<128x128xf32>
    %mul3A_164 = arith.mulf %sub3A_159, %log3A_163 : vector<128x128xf32>
    %add3A_165 = arith.addf %mul3A_156, %mul3A_164 : vector<128x128xf32>
    %neg3A_166 = arith.constant 0.000000e+00 : f32
    %neg3A_167 = vector.broadcast %neg3A_166 : f32 to vector<128x128xf32>
    %neg3A_168 = arith.subf %neg3A_167, %add3A_165 : vector<128x128xf32>
    %reduce_sum3A_169 = vector.shape_cast %neg3A_168 : vector<128x128xf32> to vector<1x128x128xf32>
    %reduce_sum3A_170 = arith.constant dense<0.000000e+00> : vector<1xf32>
    %reduce_sum3A_171 = vector.multi_reduction <add>, %reduce_sum3A_169, %reduce_sum3A_170 [1, 2] : vector<1x128x128xf32> to vector<1xf32>
    %reduce_sum3A_172 = vector.shape_cast %reduce_sum3A_171 : vector<1xf32> to vector<1x1x1xf32>
    %reduce_sum3A_173 = vector.extract %reduce_sum3A_172[0, 0, 0] : f32 from vector<1x1x1xf32>
    %reshape3A_174 = vector.broadcast %reduce_sum3A_173 : f32 to vector<1x1xf32>
    %div3A = arith.constant 1.638400e+04 : f32
    %div3A_175 = vector.broadcast %div3A : f32 to vector<1x1xf32>
    %div3A_176 = arith.divf %reshape3A_174, %div3A_175 : vector<1x1xf32>
    %swap3A_177 = arith.constant 0 : index
    %swap3A_178 = arith.constant 0 : index
    %swap3A_179 = vector.load %arg10[%swap3A_177, %swap3A_178] : memref<1x1xf32, #tpu.memory_space<vmem>>, vector<1x1xf32>
    tpu.vector_store %arg10[%swap3A_177, %swap3A_178], %div3A_176 {strides = array<i32>} : memref<1x1xf32, #tpu.memory_space<vmem>>, vector<1x1xf32>,
    return
  }
}

</mosaic_0001>

<sc_bundles>
// kernel: kernel.4.cloned.1.call-start
scs
__scs_entry_jumppad:
0x0: {  	(pc) =	sbr.rel $0x88, $3  }
0x1: {  	(tag) =	ssettag $0x0;
	lr =	simm.s32 $0x1  }
0x2: {  	[smem:$0x3F93] =	sst lr;
	_ =	strace $0xD0000000  }
0x3: {  	_ = 	snop  }
0x4: {  	_ = 	snop  }
0x5: {  	_ = 	snop  }
0x6: {  	_ = 	snop  }
0x7: {  	_ = 	snop  }
__scs_overlays_trampoline_lowered:
0x8: {  	[smem:$0x3FA2] =	sst s0  }
0x9: {  	[smem:$0x3FA3] =	sst s1  }
0xa: {  	[smem:$0x3FA4] =	sst s2  }
0xb: {  	[smem:$0x3FA5] =	sst s3  }
0xc: {  	[smem:$0x3FA6] =	sst s4  }
0xd: {  	[smem:$0x3FA7] =	sst s5  }
0xe: {  	[smem:$0x3FA8] =	sst s6  }
0xf: {  	[smem:$0x3FA9] =	sst s7  }
0x10: {  	[smem:$0x3FAA] =	sst s8  }
0x11: {  	[smem:$0x3FAB] =	sst s9;
	s0 =	simm.s32 @!p0 $0x0  }
0x12: {  	s1 =	sld [smem:$0x3F91];
	s0 =	simm.s32 @p0 $0x1  }
0x13: {  	[smem:$0x3FAC] =	sst s0;
	s0 =	simm.s32 @!p1 $0x0  }
0x14: {  	s2 =	sld [smem:$0x3F90];
	s0 =	simm.s32 @p1 $0x1  }
0x15: {  	[smem:$0x3FAD] =	sst s0;
	s0 =	simm.s32 @!p2 $0x0  }
0x16: {  	s3 =	sld [smem:$0x3FDB];
	s0 =	simm.s32 @p2 $0x1  }
0x17: {  	s4 =	simm.s32 $0x1BF5;
	[smem:$0x3FAF] =	sst s0  }
0x18: {  	s0 =	sld [smem:$0x3F92];
	_ =	swait.ge [sflag:s4], $0x0  }
0x19: {  	s7 =	sld [smem:$0x3F93]  }
0x1a: {  	s8 =	sadd.s32 $0xFFFFE003, lr  }
0x1b: {  	s9 =	sadd.s32 $0xFFFFFEF7, lr;
	s5 =	simm.s32 $0xFFFFFFFF;
	p2 =	slt.u32 s8, $0xFFFFF086  }
0x1c: {  	p1 =	slt.u32 s9, $0xF7A;
	s5 =	simm.s32 @!p2 $0x0  }
0x1d: {  	s5 =	simm.s32 @p1 $0x1;
	p0 =	seq.s32 s7, s2  }
0x1e: {  	s7 =	smul.u32 @!p0 $0xF7A, s2;
	p2 =	seq.s32 @!p0 s5, $0x0  }
0x1f: {  	s9 =	smul.u32 $0xF7A, s1;
	s8 =	simm.s32 @!p0 $0x1BF5;
	p2 =	por !p2, p0  }
0x20: {  	[sflag:s8] =	ssyncset.s32 @!p0 $0xFFFFF086;
	s6 =	sadd.s32 @!p0 s3, s7;
	s7 =	simm.s32 @!p0 $0x108  }
0x21: {  	s3 =	sadd.s32 s3, s9;
	s6 =	sadd.s32 @!p0 $0x88, s6;
	s7 =	simm.s32 @p2 $0x1082  }
0x22: {  	[simem:s7], [sflag:s8] =	dma.local @!p0 [hbm:s6], $0xF7A  }
0x23: {  	s9 =	sor.u32 $0xD0000000, s2;
	s6 =	simm.s32 $0x108;
	_ =	swait.ge @!p0 [sflag:s8], $0x0  }
0x24: {  	s3 =	sadd.s32 $0x88, s3;
	s6 =	simm.s32 @!p1 $0x1082;
	[sflag:s4] =	ssyncset.s32 $0xFFFFF086  }
0x25: {  	[simem:s6], [sflag:s4] =	dma.local [hbm:s3], $0xF7A  }
0x26: {  	[smem:$0x3F93] =	sst s1;
	(tag) =	ssettag s2;
	_ =	strace s9  }
0x27: {  	s1 =	sld [smem:$0x3FA3]  }
0x28: {  	s2 =	sld [smem:$0x3FA4]  }
0x29: {  	s4 =	sld [smem:$0x3FA6]  }
0x2a: {  	p0 =	seq.s32 s5, $0x0;
	s5 =	sld [smem:$0x3FA7]  }
0x2b: {  	s6 =	sld [smem:$0x3FA8]  }
0x2c: {  	s7 =	sld [smem:$0x3FA9]  }
0x2d: {  	s3 =	simm.s32 $0x108;
	s8 =	sld [smem:$0x3FAA]  }
0x2e: {  	s3 =	simm.s32 @!p0 $0x1082;
	s9 =	sld [smem:$0x3FAB]  }
0x2f: {  	lr =	sadd.s32 s0, s3;
	s0 =	sld [smem:$0x3FA2]  }
0x30: {  	s3 =	sld [smem:$0x3FA5]  }
0x31: {  	[smem:$0x3FAE] =	sst s10  }
0x32: {  	s10 =	sld [smem:$0x3FAC];
	_ =	sdelay $0x3  }
0x33: {  	p0 =	seq.s32 s10, $0x1;
	s10 =	sld [smem:$0x3FAE];
	_ =	sdelay $0x3  }
0x34: {  	[smem:$0x3FAE] =	sst s10  }
0x35: {  	s10 =	sld [smem:$0x3FAD];
	_ =	sdelay $0x3  }
0x36: {  	p1 =	seq.s32 s10, $0x1;
	s10 =	sld [smem:$0x3FAE];
	_ =	sdelay $0x3  }
0x37: {  	[smem:$0x3FAE] =	sst s10  }
0x38: {  	s10 =	sld [smem:$0x3FAF]  }
0x39: {  	_ = 	snop;
	(pc) =	sbr.ind lr, $3  }
0x3a: {  	_ = 	snop  }
0x3b: {  	_ = 	snop  }
0x3c: {  	p2 =	seq.s32 s10, $0x1;
	s10 =	sld [smem:$0x3FAE]  }
0x3d: {  	_ =	shalt  }
0x3e: {  	_ =	shalt  }
0x3f: {  	_ =	shalt  }
0x40: {  	_ =	shalt  }
0x41: {  	_ =	shalt  }
0x42: {  	_ =	shalt  }
0x43: {  	_ =	shalt  }
0x44: {  	_ =	shalt  }
0x45: {  	_ =	shalt  }
0x46: {  	_ =	shalt  }
0x47: {  	_ =	shalt  }
0x48: {  	_ =	shalt  }
0x49: {  	_ =	shalt  }
0x4a: {  	_ =	shalt  }
0x4b: {  	_ =	shalt  }
0x4c: {  	_ =	shalt  }
0x4d: {  	_ =	shalt  }
0x4e: {  	_ =	shalt  }
0x4f: {  	_ =	shalt  }
0x50: {  	_ =	shalt  }
0x51: {  	_ =	shalt  }
0x52: {  	_ =	shalt  }
0x53: {  	_ =	shalt  }
0x54: {  	_ =	shalt  }
0x55: {  	_ =	shalt  }
0x56: {  	_ =	shalt  }
0x57: {  	_ =	shalt  }
0x58: {  	_ =	shalt  }
0x59: {  	_ =	shalt  }
0x5a: {  	_ =	shalt  }
0x5b: {  	_ =	shalt  }
0x5c: {  	_ =	shalt  }
0x5d: {  	_ =	shalt  }
0x5e: {  	_ =	shalt  }
0x5f: {  	_ =	shalt  }
0x60: {  	_ =	shalt  }
0x61: {  	_ =	shalt  }
0x62: {  	_ =	shalt  }
0x63: {  	_ =	shalt  }
0x64: {  	_ =	shalt  }
0x65: {  	_ =	shalt  }
0x66: {  	_ =	shalt  }
0x67: {  	_ =	shalt  }
0x68: {  	_ =	shalt  }
0x69: {  	_ =	shalt  }
0x6a: {  	_ =	shalt  }
0x6b: {  	_ =	shalt  }
0x6c: {  	_ =	shalt  }
0x6d: {  	_ =	shalt  }
0x6e: {  	_ =	shalt  }
0x6f: {  	_ =	shalt  }
0x70: {  	_ =	shalt  }
0x71: {  	_ =	shalt  }
0x72: {  	_ =	shalt  }
0x73: {  	_ =	shalt  }
0x74: {  	_ =	shalt  }
0x75: {  	_ =	shalt  }
0x76: {  	_ =	shalt  }
0x77: {  	_ =	shalt  }
0x78: {  	_ =	shalt  }
0x79: {  	_ =	shalt  }
0x7a: {  	_ =	shalt  }
0x7b: {  	_ =	shalt  }
0x7c: {  	_ =	shalt  }
0x7d: {  	_ =	shalt  }
0x7e: {  	_ =	shalt  }
0x7f: {  	_ =	shalt  }
0x80: {  	_ =	shalt  }
0x81: {  	_ =	shalt  }
0x82: {  	_ =	shalt  }
0x83: {  	_ =	shalt  }
0x84: {  	_ =	shalt  }
0x85: {  	_ =	shalt  }
0x86: {  	_ =	shalt  }
0x87: {  	_ =	shalt  }
.Lfunc_end0:
.L_simem_size_0:
called_computation_lowered:
.L_overlay_start_0:
0x88: {  	s2 =	sld [smem:$0x3FD9]  }
0x89: {  	s3 =	sld [smem:$0x3FFE];
	_ =	sdelay $0x1  }
0x8a: {  	s1 =	srdreg.scid  }
0x8b: {  	s0 =	sand.u32 $0x1, s1  }
0x8c: {  	s14 =	sshll.u32 s0, $0xA;
	s2 =	sadd.s32 s3, s2  }
0x8d: {  	s2 =	sadd.s32 s2, s14  }
0x8e: {  	[smem:$0x3FBA] =	sst s2  }
0x8f: {  	_ = 	snop  }
0x90: {  	s2 =	sld [smem:$0x3FD0];
	_ =	sdelay $0x1  }
0x91: {  	s15 =	sld [smem:$0x3FC9]  }
0x92: {  	s5 =	simm.s32 $0xA;
	s6 =	simm.s32 $0x10;
	s4 =	sld [smem:$0x3FC8]  }
0x93: {  	[smem:s6], [sflag:s5] =	dma.local [hbm:s2], $0x1  }
0x94: {  	_ =	swait.eq [sflag:s5], $0x1  }
0x95: {  	[sflag:s5] =	ssyncset.done $0x0  }
0x96: {  	s16 =	sld [smem:$0x10];
	[sflag:s5] =	ssyncadd.s32 $0xFFFFFFFF  }
0x97: {  	s17 =	sld [smem:$0x11];
	(tm) =	ssettm $0x1  }
0x98: {  	s18 =	sld [smem:$0x3FFB];
	_ =	sdelay $0x3  }
0x99: {  	_ =	strace s18  }
0x9a: {  	s6 =	sld [smem:$0x3FFC];
	_ =	sdelay $0x3  }
0x9b: {  	_ =	strace s6  }
0x9c: {  	s6 =	sld [smem:$0x3FFD];
	_ =	sdelay $0x3  }
0x9d: {  	_ =	strace s6  }
0x9e: {  	_ =	strace $0x8FFFFFFF  }
0x9f: {  	s19 =	sld [smem:$0x3FDB];
	_ =	sdelay $0x1  }
0xa0: {  	s7 =	simm.s32 $_scs_section_size  }
0xa1: {  	s8 =	simm.s32 $_size__tile_overlayer_lowered;
	s9 =	simm.s32 $_tile_overlayer_lowered  }
0xa2: {  	s22 =	simm.s32 $0x1BFF;
	s21 =	sshll.u32 s9, $0x1;
	s6 =	sadd.s32 s7, s19  }
0xa3: {  	s10 =	simm.s32 $0x0;
	s20 =	sshll.u32 s8, $0x1;
	s8 =	sadd.s32 s21, s6  }
0xa4: {  	[timem:s10], [sflag:s22] =	dma.local [hbm:s8], s20  }
0xa5: {  	_ =	swait.ge [sflag:s22], s20  }
0xa6: {  	s7 =	ssub.s32 $0x0, s20;
	[sflag:s22] =	ssyncset.done $0x0  }
0xa7: {  	[sflag:s22] =	ssyncadd.s32 s7;
	_ =	sdelay $0x1  }
0xa8: {  	s23 =	simm.s32 $0x1B8B  }
0xa9: {  	_ =	swait.ge [sflag:s23], $0x1  }
0xaa: {  	[sflag:s23] =	ssyncset.done $0x0  }
0xab: {  	s25 =	simm.s32 $0x1B8E;
	s24 =	sld [smem:$0x3FFE];
	[sflag:s23] =	ssyncadd.s32 $0xFFFFFFFF  }
0xac: {  	s26 =	simm.s32 $execute0_lowered;
	[smem:$0x3FD2] =	sst s25  }
0xad: {  	s8 =	sshll.u32 s26, $0x1;
	_ =	strace $0x80000046;
	[dreg:$0x1] =	wrdreg $0xFFFFFFFF  }
0xae: {  	s28 =	simm.s32 $_size_execute0_lowered;
	s6 =	sadd.s32 s6, s8;
	[dreg:$0x0] =	wrdreg $0x0  }
0xaf: {  	s8 =	sshll.u32 s28, $0x1;
	[dreg:$0x2] =	wrdreg s6  }
0xb0: {  	[dreg:$0x3] =	wrdreg s8  }
0xb1: {  	[dreg:$0x4] =	wrdreg $0xC0  }
0xb2: {  	_ =	task [dreg:s10], $0x5FFFF  }
0xb3: {  	[dreg:$0x1] =	wrdreg $0xFFFFFFFF  }
0xb4: {  	[dreg:$0x0] =	wrdreg $0x60  }
0xb5: {  	[dreg:$0x2] =	wrdreg s15  }
0xb6: {  	[dreg:$0x3] =	wrdreg s4  }
0xb7: {  	[dreg:$0x4] =	wrdreg s24  }
0xb8: {  	[dreg:$0x5] =	wrdreg s16  }
0xb9: {  	[dreg:$0x6] =	wrdreg s17  }
0xba: {  	[dreg:$0x7] =	wrdreg $0x9  }
0xbb: {  	_ =	task.clear_ibuf [dreg:s10], $0x8FFFF;
	_ =	strace $0x90000046  }
0xbc: {  	s29 =	simm.s32 $0x9;
	_ =	strace $0x80000048  }
0xbd: {  	_ =	swait.ge [sflag:s29], $0x1  }
0xbe: {  	[sflag:s29] =	ssyncadd.s32 $0xFFFFFFFF  }
0xbf: {  	_ =	strace $0x90000048  }
0xc0: {  	_ =	sfence  }
0xc1: {  	s30 =	sld [smem:$0x0];
	_ =	sdelay $0x2  }
0xc2: {  	s31 =	sshll.u32 s1, $0xD;
	s1 =	sshrl.u32 s1, $0x2  }
0xc3: {  	s3 =	sand.u32 $0x4000, s31;
	s1 =	sadd.s32 s1, s30  }
0xc4: {  	s0 =	sor.u32 s3, s0;
	s1 =	sshll.u32 s1, $0x11  }
0xc5: {  	s0 =	sor.u32 s1, s0  }
0xc6: {  	s0 =	sadd.s32 $0x8F2B, s0  }
0xc7: {  	[sflag:s0] =	ssyncadd.remote.s32 $0x1  }
0xc8: {  	_ =	sfence.sel $0xFFFF  }
0xc9: {  	[dreg:$0x0] =	wrdreg $0xFFFFFFFF;
	(pc) =	sbr.abs _section_cstart, $3  }
0xca: {  	[dreg:$0x1] =	wrdreg $0xFFFFFFFF  }
0xcb: {  	_ =	task.clear_ibuf [dreg:s10], $0x2FFFF;
	_ =	strace $0x9FFFFFFF  }
0xcc: {  	(tm) =	ssettm $0x7FFFFFFF  }
0xcd: {  	_ =	shalt  }
tec
execute0_lowered:
.L_overlay_start_1:
0x0: {  	(tag) =	ssettag $0x1  }
0x1: {  	s0 =	rddreg [dreg:$0x0]  }
0x2: {  	s5 =	rddreg [dreg:$0x1]  }
0x3: {  	s6 =	rddreg [dreg:$0x2]  }
0x4: {  	s7 =	rddreg [dreg:$0x3]  }
0x5: {  	s8 =	rddreg [dreg:$0x4];
	s2 =	srdreg.scid  }
0x6: {  	s1 =	stileid.u32;
	s25 =	simm.s32 $0x200;
	s26 =	simm.s32 $0x400  }
0x7: {  	s11 =	simm.s32 $0x1800;
	s12 =	simm.s32 $0x2800;
	s14 =	simm.s32 $0xC00  }
0x8: {  	s15 =	simm.s32 $0x680;
	s16 =	simm.s32 $0x1C00;
	s28 =	simm.s32 $0x3400  }
0x9: {  	s29 =	simm.s32 $0x1;
	s30 =	simm.s32 $0x3800;
	s31 =	simm.s32 $0x3A00  }
0xa: {  	s9 =	sand.u32 $0x1, s2;
	s2 =	simm.s32 $0x0;
	s3 =	sshll.u32 s1, $0x7  }
0xb: {  	s4 =	sshll.u32 s9, $0x6;
	[smem:$0x7FF] =	sst s2;
	s20 =	ssub.s32 $0x2, s9  }
0xc: {  	s9 =	simm.s32 $0x800;
	s10 =	sor.u32 s4, s3;
	_ =	strace $0x80000047  }
0xd: {  	s3 =	sadd.s32 $0x2200, s6;
	s4 =	sadd.s32 $0x23E00, s6;
	[dreg:$0xb] =	wrdreg s25  }
0xe: {  	s22 =	sshrl.u32 s20, $0x1;
	[dreg:$0xc] =	wrdreg s26;
	s25 =	simm.s32 $0x780  }
0xf: {  	s26 =	simm.s32 $0x2400;
	s0 =	sadd.s32 s0, s10;
	s17 =	sadd.s32 s5, s10  }
0x10: {  	s18 =	sadd.s32 s10, s6;
	s19 =	sadd.s32 s7, s10;
	s21 =	sadd.s32 s8, s10  }
0x11: {  	s5 =	sadd.s32 $0x20C00, s6;
	s24 =	ssub.s32 s20, s22;
	[dreg:$0x6] =	wrdreg s0  }
0x12: {  	v0 =	vlaneseq.u32;
	s7 =	simm.s32 $0x2;
	s8 =	simm.s32 $0x80;
	[dreg:$0x7] =	wrdreg s17  }
0x13: {  	v0 =	vmul.u32 $0x8, v0;
	s10 =	simm.s32 $0x600;
	s20 =	simm.s32 $0x700;
	[dreg:$0x8] =	wrdreg s19  }
0x14: {  	s22 =	simm.s32 $0x3000;
	[dreg:$0x9] =	wrdreg s21;
	s23 =	sadd.s32 $0x27000, s18  }
0x15: {  	v1 =	vor.u32 $0x80, v0;
	s6 =	smax.u32 s24, $0x1;
	s17 =	simm.s32 $0x2C00;
	s18 =	simm.s32 $0x500  }
0x16: {  	v2 =	vor.u32 $0x100, v0;
	v3 =	vor.u32 $0x180, v0;
	v4 =	vor.u32 $0x200, v0;
	s19 =	simm.s32 $0x1000;
	s21 =	simm.s32 $0x2000;
	s24 =	simm.s32 $0x1400  }
0x17: {  	v5 =	vor.u32 $0x280, v0;
	v6 =	vor.u32 $0x300, v0;
	v7 =	vor.u32 $0x380, v0;
	s0 =	simm.s32 $0x3C00;
	[dreg:$0xa] =	wrdreg s23;
	s23 =	simm.s32 $0x580  }
.LBB2_1:
0x18: {  	s1 =	rddreg [dreg:$0x6]  }
0x19: {  	[tilespmem:s2], [sflag:$0x2] =	stream.linear.gather [hbm4b:s1+s2], $0x200, $0x38;
	[tilespmem:$0x3E00] =	vst v63  }
0x1a: {  	_ =	swait.ge [sflag:s7], $0x200  }
0x1b: {  	s1 =	rddreg [dreg:$0x7];
	[sflag:s7] =	ssyncset.done $0x0  }
0x1c: {  	s13 =	rddreg [dreg:$0xb];
	[sflag:s7] =	ssyncadd.s32 $0xFFFFFE00  }
0x1d: {  	[tilespmem:s13], [sflag:$0x2] =	stream.linear.gather [hbm4b:s1+s2], $0x200, $0x38;
	[tilespmem:$0x3E00] =	vst v63  }
0x1e: {  	_ =	swait.ge [sflag:s7], $0x200  }
0x1f: {  	[sflag:s7] =	ssyncset.done $0x0  }
0x20: {  	[sflag:s7] =	ssyncadd.s32 $0xFFFFFE00  }
0x21: {  	v8 =	vld [tilespmem:$0x0]  }
0x22: {  	v9 =	vld [tilespmem:$0x200]  }
0x23: {  	v10 =	vld [tilespmem:$0x10]  }
0x24: {  	v11 =	vld [tilespmem:$0x210]  }
0x25: {  	v12 =	vld [tilespmem:$0x20]  }
0x26: {  	v13 =	vld [tilespmem:$0x220];
	v8 =	vshra.s32 v8, $0x3  }
0x27: {  	v60 =	vld [tilespmem:$0x30];
	[tilespmem:$0x400] =	vst v8;
	v8 =	vshra.s32 v9, $0x3  }
0x28: {  	v61 =	vld [tilespmem:$0x230];
	[tilespmem:$0x600] =	vst v8;
	v8 =	vshra.s32 v10, $0x3  }
0x29: {  	v62 =	vld [tilespmem:$0x40];
	[tilespmem:$0x410] =	vst v8;
	v8 =	vshra.s32 v11, $0x3  }
0x2a: {  	v63 =	vld [tilespmem:$0x240];
	[tilespmem:$0x610] =	vst v8;
	v8 =	vshra.s32 v12, $0x3  }
0x2b: {  	v16 =	vld [tilespmem:$0x50];
	[tilespmem:$0x420] =	vst v8;
	v8 =	vshra.s32 v13, $0x3  }
0x2c: {  	v17 =	vld [tilespmem:$0x250];
	[tilespmem:$0x620] =	vst v8;
	v8 =	vshra.s32 v60, $0x3  }
0x2d: {  	v18 =	vld [tilespmem:$0x60];
	[tilespmem:$0x430] =	vst v8;
	v8 =	vshra.s32 v61, $0x3  }
0x2e: {  	v19 =	vld [tilespmem:$0x260];
	[tilespmem:$0x630] =	vst v8;
	v8 =	vshra.s32 v62, $0x3  }
0x2f: {  	v20 =	vld [tilespmem:$0x70];
	[tilespmem:$0x440] =	vst v8;
	v8 =	vshra.s32 v63, $0x3  }
0x30: {  	v21 =	vld [tilespmem:$0x270];
	[tilespmem:$0x640] =	vst v8;
	v8 =	vshra.s32 v16, $0x3  }
0x31: {  	v22 =	vld [tilespmem:$0x80];
	[tilespmem:$0x450] =	vst v8;
	v8 =	vshra.s32 v17, $0x3  }
0x32: {  	v23 =	vld [tilespmem:$0x280];
	[tilespmem:$0x650] =	vst v8;
	v8 =	vshra.s32 v18, $0x3  }
0x33: {  	v24 =	vld [tilespmem:$0x90];
	[tilespmem:$0x460] =	vst v8;
	v8 =	vshra.s32 v19, $0x3  }
0x34: {  	v25 =	vld [tilespmem:$0x290];
	[tilespmem:$0x660] =	vst v8;
	v8 =	vshra.s32 v20, $0x3  }
0x35: {  	v26 =	vld [tilespmem:$0xA0];
	[tilespmem:$0x470] =	vst v8;
	v8 =	vshra.s32 v21, $0x3  }
0x36: {  	v27 =	vld [tilespmem:$0x2A0];
	[tilespmem:$0x670] =	vst v8;
	v8 =	vshra.s32 v22, $0x3  }
0x37: {  	v28 =	vld [tilespmem:$0xB0];
	[tilespmem:$0x480] =	vst v8;
	v8 =	vshra.s32 v23, $0x3  }
0x38: {  	v29 =	vld [tilespmem:$0x2B0];
	[tilespmem:$0x680] =	vst v8;
	v8 =	vshra.s32 v24, $0x3  }
0x39: {  	v30 =	vld [tilespmem:$0xC0];
	[tilespmem:$0x490] =	vst v8;
	v8 =	vshra.s32 v25, $0x3  }
0x3a: {  	v31 =	vld [tilespmem:$0x2C0];
	[tilespmem:$0x690] =	vst v8;
	v8 =	vshra.s32 v26, $0x3  }
0x3b: {  	v32 =	vld [tilespmem:$0xD0];
	[tilespmem:$0x4A0] =	vst v8;
	v8 =	vshra.s32 v27, $0x3  }
0x3c: {  	v33 =	vld [tilespmem:$0x2D0];
	[tilespmem:$0x6A0] =	vst v8;
	v8 =	vshra.s32 v28, $0x3  }
0x3d: {  	v34 =	vld [tilespmem:$0xE0];
	[tilespmem:$0x4B0] =	vst v8;
	v8 =	vshra.s32 v29, $0x3  }
0x3e: {  	v35 =	vld [tilespmem:$0x2E0];
	[tilespmem:$0x6B0] =	vst v8;
	v8 =	vshra.s32 v30, $0x3  }
0x3f: {  	v36 =	vld [tilespmem:$0xF0];
	[tilespmem:$0x4C0] =	vst v8;
	v8 =	vshra.s32 v31, $0x3  }
0x40: {  	v37 =	vld [tilespmem:$0x2F0];
	[tilespmem:$0x6C0] =	vst v8;
	v8 =	vshra.s32 v32, $0x3  }
0x41: {  	v38 =	vld [tilespmem:$0x100];
	[tilespmem:$0x4D0] =	vst v8;
	v8 =	vshra.s32 v33, $0x3  }
0x42: {  	v39 =	vld [tilespmem:$0x300];
	[tilespmem:$0x6D0] =	vst v8;
	v8 =	vshra.s32 v34, $0x3  }
0x43: {  	v40 =	vld [tilespmem:$0x110];
	[tilespmem:$0x4E0] =	vst v8;
	v8 =	vshra.s32 v35, $0x3  }
0x44: {  	v41 =	vld [tilespmem:$0x310];
	[tilespmem:$0x6E0] =	vst v8;
	v8 =	vshra.s32 v36, $0x3  }
0x45: {  	v42 =	vld [tilespmem:$0x120];
	[tilespmem:$0x4F0] =	vst v8;
	v8 =	vshra.s32 v37, $0x3  }
0x46: {  	v43 =	vld [tilespmem:$0x320];
	[tilespmem:$0x6F0] =	vst v8;
	v8 =	vshra.s32 v38, $0x3  }
0x47: {  	v44 =	vld [tilespmem:$0x130];
	[tilespmem:$0x500] =	vst v8;
	v8 =	vshra.s32 v39, $0x3  }
0x48: {  	v45 =	vld [tilespmem:$0x330];
	[tilespmem:$0x700] =	vst v8;
	v8 =	vshra.s32 v40, $0x3  }
0x49: {  	v46 =	vld [tilespmem:$0x140];
	[tilespmem:$0x510] =	vst v8;
	v8 =	vshra.s32 v41, $0x3  }
0x4a: {  	v47 =	vld [tilespmem:$0x340];
	[tilespmem:$0x710] =	vst v8;
	v8 =	vshra.s32 v42, $0x3  }
0x4b: {  	v48 =	vld [tilespmem:$0x150];
	[tilespmem:$0x520] =	vst v8;
	v8 =	vshra.s32 v43, $0x3  }
0x4c: {  	v49 =	vld [tilespmem:$0x350];
	[tilespmem:$0x720] =	vst v8;
	v8 =	vshra.s32 v44, $0x3  }
0x4d: {  	v50 =	vld [tilespmem:$0x160];
	[tilespmem:$0x530] =	vst v8;
	v8 =	vshra.s32 v45, $0x3  }
0x4e: {  	v51 =	vld [tilespmem:$0x360];
	[tilespmem:$0x730] =	vst v8;
	v8 =	vshra.s32 v46, $0x3  }
0x4f: {  	v52 =	vld [tilespmem:$0x170];
	[tilespmem:$0x540] =	vst v8;
	v8 =	vshra.s32 v47, $0x3  }
0x50: {  	v53 =	vld [tilespmem:$0x370];
	[tilespmem:$0x740] =	vst v8;
	v8 =	vshra.s32 v48, $0x3  }
0x51: {  	v54 =	vld [tilespmem:$0x180];
	[tilespmem:$0x550] =	vst v8;
	v8 =	vshra.s32 v49, $0x3  }
0x52: {  	v55 =	vld [tilespmem:$0x380];
	[tilespmem:$0x750] =	vst v8;
	v8 =	vshra.s32 v50, $0x3  }
0x53: {  	v56 =	vld [tilespmem:$0x190];
	[tilespmem:$0x560] =	vst v8;
	v8 =	vshra.s32 v51, $0x3  }
0x54: {  	v57 =	vld [tilespmem:$0x390];
	[tilespmem:$0x760] =	vst v8;
	v8 =	vshra.s32 v52, $0x3  }
0x55: {  	v58 =	vld [tilespmem:$0x1A0];
	[tilespmem:$0x570] =	vst v8;
	v8 =	vshra.s32 v53, $0x3  }
0x56: {  	v59 =	vld [tilespmem:$0x3A0];
	[tilespmem:$0x770] =	vst v8;
	v8 =	vshra.s32 v54, $0x3  }
0x57: {  	v60 =	vld [tilespmem:$0x1B0];
	[tilespmem:$0x580] =	vst v8;
	v8 =	vshra.s32 v55, $0x3  }
0x58: {  	v61 =	vld [tilespmem:$0x3B0];
	[tilespmem:$0x780] =	vst v8;
	v8 =	vshra.s32 v56, $0x3  }
0x59: {  	v62 =	vld [tilespmem:$0x1C0];
	[tilespmem:$0x590] =	vst v8;
	v8 =	vshra.s32 v57, $0x3  }
0x5a: {  	v63 =	vld [tilespmem:$0x3C0];
	[tilespmem:$0x790] =	vst v8;
	v8 =	vshra.s32 v58, $0x3  }
0x5b: {  	v16 =	vld [tilespmem:$0x1D0];
	[tilespmem:$0x5A0] =	vst v8;
	v8 =	vshra.s32 v59, $0x3  }
0x5c: {  	v17 =	vld [tilespmem:$0x3D0];
	[tilespmem:$0x7A0] =	vst v8;
	v8 =	vshra.s32 v60, $0x3  }
0x5d: {  	v18 =	vld [tilespmem:$0x1E0];
	[tilespmem:$0x5B0] =	vst v8;
	v8 =	vshra.s32 v61, $0x3  }
0x5e: {  	v19 =	vld [tilespmem:$0x3E0];
	[tilespmem:$0x7B0] =	vst v8;
	v8 =	vshra.s32 v62, $0x3  }
0x5f: {  	v20 =	vld [tilespmem:$0x1F0];
	[tilespmem:$0x5C0] =	vst v8;
	v8 =	vshra.s32 v63, $0x3  }
0x60: {  	v21 =	vld [tilespmem:$0x3F0];
	[tilespmem:$0x7C0] =	vst v8;
	v8 =	vshra.s32 v16, $0x3  }
0x61: {  	[tilespmem:$0x5D0] =	vst v8;
	v8 =	vshra.s32 v17, $0x3  }
0x62: {  	[tilespmem:$0x7D0] =	vst v8;
	v8 =	vshra.s32 v18, $0x3  }
0x63: {  	[tilespmem:$0x5E0] =	vst v8;
	v8 =	vshra.s32 v19, $0x3  }
0x64: {  	[tilespmem:$0x7E0] =	vst v8;
	v8 =	vshra.s32 v20, $0x3  }
0x65: {  	[tilespmem:$0x5F0] =	vst v8;
	v8 =	vshra.s32 v21, $0x3  }
0x66: {  	s13 =	rddreg [dreg:$0xc];
	[tilespmem:$0x7F0] =	vst v8  }
0x67: {  	[tilespmem:s9], [sflag:$0x1] =	stream.indirect.gather [hbm4b:s3+s8], $0x8, s13, s8, $0xb8;
	[tilespmem:$0x3E00] =	vst v63  }
0x68: {  	_ = 	snop  }
0x69: {  	[tilespmem:s11], [sflag:$0x1] =	stream.indirect.gather [hbm4b:s4+s8], $0x8, s10, s8, $0xb8;
	[tilespmem:$0x3E00] =	vst v63  }
0x6a: {  	_ = 	snop  }
0x6b: {  	[tilespmem:s12], [sflag:$0x1] =	stream.indirect.gather [hbm4b:s5+s8], $0x8, s10, s8, $0xb8;
	[tilespmem:$0x3E00] =	vst v63  }
0x6c: {  	s13 =	simm.s32 $0x480  }
0x6d: {  	[tilespmem:s14], [sflag:$0x1] =	stream.indirect.gather [hbm4b:s3+s8], $0x8, s13, s8, $0xb8;
	[tilespmem:$0x3E00] =	vst v63  }
0x6e: {  	_ = 	snop  }
0x6f: {  	[tilespmem:s16], [sflag:$0x1] =	stream.indirect.gather [hbm4b:s4+s8], $0x8, s15, s8, $0xb8;
	[tilespmem:$0x3E00] =	vst v63  }
0x70: {  	_ = 	snop  }
0x71: {  	[tilespmem:s17], [sflag:$0x1] =	stream.indirect.gather [hbm4b:s5+s8], $0x8, s15, s8, $0xb8;
	[tilespmem:$0x3E00] =	vst v63  }
0x72: {  	_ = 	snop  }
0x73: {  	[tilespmem:s19], [sflag:$0x1] =	stream.indirect.gather [hbm4b:s3+s8], $0x8, s18, s8, $0xb8;
	[tilespmem:$0x3E00] =	vst v63  }
0x74: {  	_ = 	snop  }
0x75: {  	[tilespmem:s21], [sflag:$0x1] =	stream.indirect.gather [hbm4b:s4+s8], $0x8, s20, s8, $0xb8;
	[tilespmem:$0x3E00] =	vst v63  }
0x76: {  	_ = 	snop  }
0x77: {  	[tilespmem:s22], [sflag:$0x1] =	stream.indirect.gather [hbm4b:s5+s8], $0x8, s20, s8, $0xb8;
	[tilespmem:$0x3E00] =	vst v63  }
0x78: {  	_ = 	snop  }
0x79: {  	[tilespmem:s24], [sflag:$0x1] =	stream.indirect.gather [hbm4b:s3+s8], $0x8, s23, s8, $0xb8;
	[tilespmem:$0x3E00] =	vst v63  }
0x7a: {  	_ = 	snop  }
0x7b: {  	[tilespmem:s26], [sflag:$0x1] =	stream.indirect.gather [hbm4b:s4+s8], $0x8, s25, s8, $0xb8;
	[tilespmem:$0x3E00] =	vst v63  }
0x7c: {  	_ = 	snop  }
0x7d: {  	[tilespmem:s28], [sflag:$0x1] =	stream.indirect.gather [hbm4b:s5+s8], $0x8, s25, s8, $0xb8;
	[tilespmem:$0x3E00] =	vst v63  }
0x7e: {  	_ =	swait.ge [sflag:s29], $0x400  }
0x7f: {  	[sflag:s29] =	ssyncset.done $0x0  }
0x80: {  	[sflag:s29] =	ssyncadd.s32 $0xFFFFFC00  }
0x81: {  	_ =	swait.ge [sflag:s29], $0x400  }
0x82: {  	[sflag:s29] =	ssyncset.done $0x0  }
0x83: {  	[sflag:s29] =	ssyncadd.s32 $0xFFFFFC00  }
0x84: {  	_ =	swait.ge [sflag:s29], $0x400  }
0x85: {  	[sflag:s29] =	ssyncset.done $0x0  }
0x86: {  	[sflag:s29] =	ssyncadd.s32 $0xFFFFFC00  }
0x87: {  	_ =	swait.ge [sflag:s29], $0x400  }
0x88: {  	[sflag:s29] =	ssyncset.done $0x0  }
0x89: {  	[sflag:s29] =	ssyncadd.s32 $0xFFFFFC00  }
0x8a: {  	_ =	swait.ge [sflag:s29], $0x400  }
0x8b: {  	[sflag:s29] =	ssyncset.done $0x0  }
0x8c: {  	[sflag:s29] =	ssyncadd.s32 $0xFFFFFC00  }
0x8d: {  	_ =	swait.ge [sflag:s29], $0x400  }
0x8e: {  	[sflag:s29] =	ssyncset.done $0x0  }
0x8f: {  	[sflag:s29] =	ssyncadd.s32 $0xFFFFFC00  }
0x90: {  	_ =	swait.ge [sflag:s29], $0x400  }
0x91: {  	[sflag:s29] =	ssyncset.done $0x0  }
0x92: {  	[sflag:s29] =	ssyncadd.s32 $0xFFFFFC00  }
0x93: {  	_ =	swait.ge [sflag:s29], $0x400  }
0x94: {  	[sflag:s29] =	ssyncset.done $0x0  }
0x95: {  	[sflag:s29] =	ssyncadd.s32 $0xFFFFFC00  }
0x96: {  	_ =	swait.ge [sflag:s29], $0x400  }
0x97: {  	[sflag:s29] =	ssyncset.done $0x0  }
0x98: {  	[sflag:s29] =	ssyncadd.s32 $0xFFFFFC00  }
0x99: {  	_ =	swait.ge [sflag:s29], $0x400  }
0x9a: {  	[sflag:s29] =	ssyncset.done $0x0  }
0x9b: {  	[sflag:s29] =	ssyncadd.s32 $0xFFFFFC00  }
0x9c: {  	_ =	swait.ge [sflag:s29], $0x400  }
0x9d: {  	[sflag:s29] =	ssyncset.done $0x0  }
0x9e: {  	[sflag:s29] =	ssyncadd.s32 $0xFFFFFC00  }
0x9f: {  	_ =	swait.ge [sflag:s29], $0x400  }
0xa0: {  	[sflag:s29] =	ssyncset.done $0x0  }
0xa1: {  	[sflag:s29] =	ssyncadd.s32 $0xFFFFFC00  }
0xa2: {  	v8 =	vld [tilespmem:$0x0];
	_ =	sdelay $0x4  }
0xa3: {  	v8 =	vand.u32 $0x7, v8  }
0xa4: {  	v22 =	vld [tilespmem:$0x200];
	v8 =	vor.u32 v0, v8;
	_ =	sdelay $0x4  }
0xa5: {  	v9 =	vand.u32 $0x7, v22;
	v8 =	vld.idx.msk [tilespmem:v8+s9+$0x0], $0xffff  }
0xa6: {  	v9 =	vor.u32 v0, v9;
	_ =	sdelay $0x3  }
0xa7: {  	[tilespmem:$0x3800] =	vst v8  }
0xa8: {  	v8 =	vld.idx.msk [tilespmem:v9+s11+$0x0], $0xffff  }
0xa9: {  	v23 =	vld [tilespmem:$0x10];
	_ =	sdelay $0x3  }
0xaa: {  	[tilespmem:$0x3A00] =	vst v8  }
0xab: {  	v24 =	vand.u32 $0x7, v23;
	v8 =	vld.idx.msk [tilespmem:v9+s12+$0x0], $0xffff  }
0xac: {  	v25 =	vld [tilespmem:$0x210];
	v9 =	vor.u32 v1, v24;
	_ =	sdelay $0x3  }
0xad: {  	[tilespmem:$0x3C00] =	vst v8  }
0xae: {  	v8 =	vand.u32 $0x7, v25;
	v9 =	vld.idx.msk [tilespmem:v9+s9+$0x0], $0xffff  }
0xaf: {  	v8 =	vor.u32 v1, v8;
	_ =	sdelay $0x3  }
0xb0: {  	[tilespmem:$0x3810] =	vst v9  }
0xb1: {  	v9 =	vld.idx.msk [tilespmem:v8+s11+$0x0], $0xffff  }
0xb2: {  	v26 =	vld [tilespmem:$0x20];
	_ =	sdelay $0x3  }
0xb3: {  	[tilespmem:$0x3A10] =	vst v9  }
0xb4: {  	v27 =	vand.u32 $0x7, v26;
	v8 =	vld.idx.msk [tilespmem:v8+s12+$0x0], $0xffff  }
0xb5: {  	v28 =	vld [tilespmem:$0x220];
	v9 =	vor.u32 v2, v27;
	_ =	sdelay $0x3  }
0xb6: {  	[tilespmem:$0x3C10] =	vst v8  }
0xb7: {  	v8 =	vand.u32 $0x7, v28;
	v9 =	vld.idx.msk [tilespmem:v9+s9+$0x0], $0xffff  }
0xb8: {  	v8 =	vor.u32 v2, v8;
	_ =	sdelay $0x3  }
0xb9: {  	[tilespmem:$0x3820] =	vst v9  }
0xba: {  	v9 =	vld.idx.msk [tilespmem:v8+s11+$0x0], $0xffff  }
0xbb: {  	v29 =	vld [tilespmem:$0x30];
	_ =	sdelay $0x3  }
0xbc: {  	[tilespmem:$0x3A20] =	vst v9  }
0xbd: {  	v30 =	vand.u32 $0x7, v29;
	v8 =	vld.idx.msk [tilespmem:v8+s12+$0x0], $0xffff  }
0xbe: {  	v31 =	vld [tilespmem:$0x230];
	v9 =	vor.u32 v3, v30;
	_ =	sdelay $0x3  }
0xbf: {  	[tilespmem:$0x3C20] =	vst v8  }
0xc0: {  	v8 =	vand.u32 $0x7, v31;
	v9 =	vld.idx.msk [tilespmem:v9+s9+$0x0], $0xffff  }
0xc1: {  	v8 =	vor.u32 v3, v8;
	_ =	sdelay $0x3  }
0xc2: {  	[tilespmem:$0x3830] =	vst v9  }
0xc3: {  	v9 =	vld.idx.msk [tilespmem:v8+s11+$0x0], $0xffff  }
0xc4: {  	v32 =	vld [tilespmem:$0x40];
	_ =	sdelay $0x3  }
0xc5: {  	[tilespmem:$0x3A30] =	vst v9  }
0xc6: {  	v33 =	vand.u32 $0x7, v32;
	v8 =	vld.idx.msk [tilespmem:v8+s12+$0x0], $0xffff  }
0xc7: {  	v34 =	vld [tilespmem:$0x240];
	v9 =	vor.u32 v4, v33;
	_ =	sdelay $0x3  }
0xc8: {  	[tilespmem:$0x3C30] =	vst v8  }
0xc9: {  	v8 =	vand.u32 $0x7, v34;
	v9 =	vld.idx.msk [tilespmem:v9+s9+$0x0], $0xffff  }
0xca: {  	v8 =	vor.u32 v4, v8;
	_ =	sdelay $0x3  }
0xcb: {  	[tilespmem:$0x3840] =	vst v9  }
0xcc: {  	v9 =	vld.idx.msk [tilespmem:v8+s11+$0x0], $0xffff  }
0xcd: {  	v35 =	vld [tilespmem:$0x50];
	_ =	sdelay $0x3  }
0xce: {  	[tilespmem:$0x3A40] =	vst v9  }
0xcf: {  	v36 =	vand.u32 $0x7, v35;
	v8 =	vld.idx.msk [tilespmem:v8+s12+$0x0], $0xffff  }
0xd0: {  	v37 =	vld [tilespmem:$0x250];
	v9 =	vor.u32 v5, v36;
	_ =	sdelay $0x3  }
0xd1: {  	[tilespmem:$0x3C40] =	vst v8  }
0xd2: {  	v8 =	vand.u32 $0x7, v37;
	v9 =	vld.idx.msk [tilespmem:v9+s9+$0x0], $0xffff  }
0xd3: {  	v8 =	vor.u32 v5, v8;
	_ =	sdelay $0x3  }
0xd4: {  	[tilespmem:$0x3850] =	vst v9  }
0xd5: {  	v9 =	vld.idx.msk [tilespmem:v8+s11+$0x0], $0xffff  }
0xd6: {  	v38 =	vld [tilespmem:$0x60];
	_ =	sdelay $0x3  }
0xd7: {  	[tilespmem:$0x3A50] =	vst v9  }
0xd8: {  	v39 =	vand.u32 $0x7, v38;
	v8 =	vld.idx.msk [tilespmem:v8+s12+$0x0], $0xffff  }
0xd9: {  	v40 =	vld [tilespmem:$0x260];
	v9 =	vor.u32 v6, v39;
	_ =	sdelay $0x3  }
0xda: {  	[tilespmem:$0x3C50] =	vst v8  }
0xdb: {  	v8 =	vand.u32 $0x7, v40;
	v9 =	vld.idx.msk [tilespmem:v9+s9+$0x0], $0xffff  }
0xdc: {  	v8 =	vor.u32 v6, v8;
	_ =	sdelay $0x3  }
0xdd: {  	[tilespmem:$0x3860] =	vst v9  }
0xde: {  	v9 =	vld.idx.msk [tilespmem:v8+s11+$0x0], $0xffff  }
0xdf: {  	v41 =	vld [tilespmem:$0x70];
	_ =	sdelay $0x3  }
0xe0: {  	[tilespmem:$0x3A60] =	vst v9  }
0xe1: {  	v42 =	vand.u32 $0x7, v41;
	v8 =	vld.idx.msk [tilespmem:v8+s12+$0x0], $0xffff  }
0xe2: {  	v43 =	vld [tilespmem:$0x270];
	v9 =	vor.u32 v7, v42;
	_ =	sdelay $0x3  }
0xe3: {  	[tilespmem:$0x3C60] =	vst v8  }
0xe4: {  	v8 =	vand.u32 $0x7, v43;
	v9 =	vld.idx.msk [tilespmem:v9+s9+$0x0], $0xffff  }
0xe5: {  	v8 =	vor.u32 v7, v8;
	_ =	sdelay $0x3  }
0xe6: {  	[tilespmem:$0x3870] =	vst v9  }
0xe7: {  	v9 =	vld.idx.msk [tilespmem:v8+s11+$0x0], $0xffff  }
0xe8: {  	v44 =	vld [tilespmem:$0x80];
	_ =	sdelay $0x3  }
0xe9: {  	[tilespmem:$0x3A70] =	vst v9  }
0xea: {  	v45 =	vand.u32 $0x7, v44;
	v8 =	vld.idx.msk [tilespmem:v8+s12+$0x0], $0xffff  }
0xeb: {  	v46 =	vld [tilespmem:$0x280];
	v9 =	vor.u32 v0, v45;
	_ =	sdelay $0x3  }
0xec: {  	[tilespmem:$0x3C70] =	vst v8  }
0xed: {  	v8 =	vand.u32 $0x7, v46;
	v9 =	vld.idx.msk [tilespmem:v9+s14+$0x0], $0xffff  }
0xee: {  	v8 =	vor.u32 v0, v8;
	_ =	sdelay $0x3  }
0xef: {  	[tilespmem:$0x3880] =	vst v9  }
0xf0: {  	v9 =	vld.idx.msk [tilespmem:v8+s16+$0x0], $0xffff  }
0xf1: {  	v47 =	vld [tilespmem:$0x90];
	_ =	sdelay $0x3  }
0xf2: {  	[tilespmem:$0x3A80] =	vst v9  }
0xf3: {  	v48 =	vand.u32 $0x7, v47;
	v8 =	vld.idx.msk [tilespmem:v8+s17+$0x0], $0xffff  }
0xf4: {  	v49 =	vld [tilespmem:$0x290];
	v9 =	vor.u32 v1, v48;
	_ =	sdelay $0x3  }
0xf5: {  	[tilespmem:$0x3C80] =	vst v8  }
0xf6: {  	v8 =	vand.u32 $0x7, v49;
	v9 =	vld.idx.msk [tilespmem:v9+s14+$0x0], $0xffff  }
0xf7: {  	v8 =	vor.u32 v1, v8;
	_ =	sdelay $0x3  }
0xf8: {  	[tilespmem:$0x3890] =	vst v9  }
0xf9: {  	v9 =	vld.idx.msk [tilespmem:v8+s16+$0x0], $0xffff  }
0xfa: {  	v50 =	vld [tilespmem:$0xA0];
	_ =	sdelay $0x3  }
0xfb: {  	[tilespmem:$0x3A90] =	vst v9  }
0xfc: {  	v51 =	vand.u32 $0x7, v50;
	v8 =	vld.idx.msk [tilespmem:v8+s17+$0x0], $0xffff  }
0xfd: {  	v52 =	vld [tilespmem:$0x2A0];
	v9 =	vor.u32 v2, v51;
	_ =	sdelay $0x3  }
0xfe: {  	[tilespmem:$0x3C90] =	vst v8  }
0xff: {  	v8 =	vand.u32 $0x7, v52;
	v9 =	vld.idx.msk [tilespmem:v9+s14+$0x0], $0xffff  }
0x100: {  	v8 =	vor.u32 v2, v8;
	_ =	sdelay $0x3  }
0x101: {  	[tilespmem:$0x38A0] =	vst v9  }
0x102: {  	v9 =	vld.idx.msk [tilespmem:v8+s16+$0x0], $0xffff  }
0x103: {  	v53 =	vld [tilespmem:$0xB0];
	_ =	sdelay $0x3  }
0x104: {  	[tilespmem:$0x3AA0] =	vst v9  }
0x105: {  	v54 =	vand.u32 $0x7, v53;
	v8 =	vld.idx.msk [tilespmem:v8+s17+$0x0], $0xffff  }
0x106: {  	v55 =	vld [tilespmem:$0x2B0];
	v9 =	vor.u32 v3, v54;
	_ =	sdelay $0x3  }
0x107: {  	[tilespmem:$0x3CA0] =	vst v8  }
0x108: {  	v8 =	vand.u32 $0x7, v55;
	v9 =	vld.idx.msk [tilespmem:v9+s14+$0x0], $0xffff  }
0x109: {  	v8 =	vor.u32 v3, v8;
	_ =	sdelay $0x3  }
0x10a: {  	[tilespmem:$0x38B0] =	vst v9  }
0x10b: {  	v9 =	vld.idx.msk [tilespmem:v8+s16+$0x0], $0xffff  }
0x10c: {  	v56 =	vld [tilespmem:$0xC0];
	_ =	sdelay $0x3  }
0x10d: {  	[tilespmem:$0x3AB0] =	vst v9  }
0x10e: {  	v57 =	vand.u32 $0x7, v56;
	v8 =	vld.idx.msk [tilespmem:v8+s17+$0x0], $0xffff  }
0x10f: {  	v58 =	vld [tilespmem:$0x2C0];
	v9 =	vor.u32 v4, v57;
	_ =	sdelay $0x3  }
0x110: {  	[tilespmem:$0x3CB0] =	vst v8  }
0x111: {  	v8 =	vand.u32 $0x7, v58;
	v9 =	vld.idx.msk [tilespmem:v9+s14+$0x0], $0xffff  }
0x112: {  	v8 =	vor.u32 v4, v8;
	_ =	sdelay $0x3  }
0x113: {  	[tilespmem:$0x38C0] =	vst v9  }
0x114: {  	v9 =	vld.idx.msk [tilespmem:v8+s16+$0x0], $0xffff  }
0x115: {  	v59 =	vld [tilespmem:$0xD0];
	_ =	sdelay $0x3  }
0x116: {  	[tilespmem:$0x3AC0] =	vst v9  }
0x117: {  	v60 =	vand.u32 $0x7, v59;
	v8 =	vld.idx.msk [tilespmem:v8+s17+$0x0], $0xffff  }
0x118: {  	v61 =	vld [tilespmem:$0x2D0];
	v9 =	vor.u32 v5, v60;
	_ =	sdelay $0x3  }
0x119: {  	[tilespmem:$0x3CC0] =	vst v8  }
0x11a: {  	v8 =	vand.u32 $0x7, v61;
	v9 =	vld.idx.msk [tilespmem:v9+s14+$0x0], $0xffff  }
0x11b: {  	v8 =	vor.u32 v5, v8;
	_ =	sdelay $0x3  }
0x11c: {  	[tilespmem:$0x38D0] =	vst v9  }
0x11d: {  	v9 =	vld.idx.msk [tilespmem:v8+s16+$0x0], $0xffff  }
0x11e: {  	v62 =	vld [tilespmem:$0xE0];
	_ =	sdelay $0x3  }
0x11f: {  	[tilespmem:$0x3AD0] =	vst v9  }
0x120: {  	v63 =	vand.u32 $0x7, v62;
	v8 =	vld.idx.msk [tilespmem:v8+s17+$0x0], $0xffff  }
0x121: {  	v12 =	vld [tilespmem:$0x2E0];
	v9 =	vor.u32 v6, v63;
	_ =	sdelay $0x3  }
0x122: {  	[tilespmem:$0x3CD0] =	vst v8  }
0x123: {  	v8 =	vand.u32 $0x7, v12;
	v9 =	vld.idx.msk [tilespmem:v9+s14+$0x0], $0xffff  }
0x124: {  	v8 =	vor.u32 v6, v8;
	_ =	sdelay $0x3  }
0x125: {  	[tilespmem:$0x38E0] =	vst v9  }
0x126: {  	v9 =	vld.idx.msk [tilespmem:v8+s16+$0x0], $0xffff  }
0x127: {  	v13 =	vld [tilespmem:$0xF0];
	_ =	sdelay $0x3  }
0x128: {  	[tilespmem:$0x3AE0] =	vst v9  }
0x129: {  	v14 =	vand.u32 $0x7, v13;
	v8 =	vld.idx.msk [tilespmem:v8+s17+$0x0], $0xffff  }
0x12a: {  	v15 =	vld [tilespmem:$0x2F0];
	v9 =	vor.u32 v7, v14;
	_ =	sdelay $0x3  }
0x12b: {  	[tilespmem:$0x3CE0] =	vst v8  }
0x12c: {  	v8 =	vand.u32 $0x7, v15;
	v9 =	vld.idx.msk [tilespmem:v9+s14+$0x0], $0xffff  }
0x12d: {  	v8 =	vor.u32 v7, v8;
	_ =	sdelay $0x3  }
0x12e: {  	[tilespmem:$0x38F0] =	vst v9  }
0x12f: {  	v9 =	vld.idx.msk [tilespmem:v8+s16+$0x0], $0xffff  }
0x130: {  	v16 =	vld [tilespmem:$0x100];
	_ =	sdelay $0x3  }
0x131: {  	[tilespmem:$0x3AF0] =	vst v9  }
0x132: {  	v17 =	vand.u32 $0x7, v16;
	v8 =	vld.idx.msk [tilespmem:v8+s17+$0x0], $0xffff  }
0x133: {  	v18 =	vld [tilespmem:$0x300];
	v9 =	vor.u32 v0, v17;
	_ =	sdelay $0x3  }
0x134: {  	[tilespmem:$0x3CF0] =	vst v8  }
0x135: {  	v8 =	vand.u32 $0x7, v18;
	v9 =	vld.idx.msk [tilespmem:v9+s19+$0x0], $0xffff  }
0x136: {  	v8 =	vor.u32 v0, v8;
	_ =	sdelay $0x3  }
0x137: {  	[tilespmem:$0x3900] =	vst v9  }
0x138: {  	v9 =	vld.idx.msk [tilespmem:v8+s21+$0x0], $0xffff  }
0x139: {  	v19 =	vld [tilespmem:$0x110];
	_ =	sdelay $0x3  }
0x13a: {  	[tilespmem:$0x3B00] =	vst v9  }
0x13b: {  	v20 =	vand.u32 $0x7, v19;
	v8 =	vld.idx.msk [tilespmem:v8+s22+$0x0], $0xffff  }
0x13c: {  	v21 =	vld [tilespmem:$0x310];
	v9 =	vor.u32 v1, v20;
	_ =	sdelay $0x3  }
0x13d: {  	[tilespmem:$0x3D00] =	vst v8  }
0x13e: {  	v8 =	vand.u32 $0x7, v21;
	v9 =	vld.idx.msk [tilespmem:v9+s19+$0x0], $0xffff  }
0x13f: {  	v8 =	vor.u32 v1, v8;
	_ =	sdelay $0x3  }
0x140: {  	[tilespmem:$0x3910] =	vst v9  }
0x141: {  	v9 =	vld.idx.msk [tilespmem:v8+s21+$0x0], $0xffff  }
0x142: {  	v22 =	vld [tilespmem:$0x120];
	_ =	sdelay $0x3  }
0x143: {  	[tilespmem:$0x3B10] =	vst v9  }
0x144: {  	v23 =	vand.u32 $0x7, v22;
	v8 =	vld.idx.msk [tilespmem:v8+s22+$0x0], $0xffff  }
0x145: {  	v24 =	vld [tilespmem:$0x320];
	v9 =	vor.u32 v2, v23;
	_ =	sdelay $0x3  }
0x146: {  	[tilespmem:$0x3D10] =	vst v8  }
0x147: {  	v8 =	vand.u32 $0x7, v24;
	v9 =	vld.idx.msk [tilespmem:v9+s19+$0x0], $0xffff  }
0x148: {  	v8 =	vor.u32 v2, v8;
	_ =	sdelay $0x3  }
0x149: {  	[tilespmem:$0x3920] =	vst v9  }
0x14a: {  	v9 =	vld.idx.msk [tilespmem:v8+s21+$0x0], $0xffff  }
0x14b: {  	v25 =	vld [tilespmem:$0x130];
	_ =	sdelay $0x3  }
0x14c: {  	[tilespmem:$0x3B20] =	vst v9  }
0x14d: {  	v26 =	vand.u32 $0x7, v25;
	v8 =	vld.idx.msk [tilespmem:v8+s22+$0x0], $0xffff  }
0x14e: {  	v27 =	vld [tilespmem:$0x330];
	v9 =	vor.u32 v3, v26;
	_ =	sdelay $0x3  }
0x14f: {  	[tilespmem:$0x3D20] =	vst v8  }
0x150: {  	v8 =	vand.u32 $0x7, v27;
	v9 =	vld.idx.msk [tilespmem:v9+s19+$0x0], $0xffff  }
0x151: {  	v8 =	vor.u32 v3, v8;
	_ =	sdelay $0x3  }
0x152: {  	[tilespmem:$0x3930] =	vst v9  }
0x153: {  	v9 =	vld.idx.msk [tilespmem:v8+s21+$0x0], $0xffff  }
0x154: {  	v28 =	vld [tilespmem:$0x140];
	_ =	sdelay $0x3  }
0x155: {  	[tilespmem:$0x3B30] =	vst v9  }
0x156: {  	v29 =	vand.u32 $0x7, v28;
	v8 =	vld.idx.msk [tilespmem:v8+s22+$0x0], $0xffff  }
0x157: {  	v30 =	vld [tilespmem:$0x340];
	v9 =	vor.u32 v4, v29;
	_ =	sdelay $0x3  }
0x158: {  	[tilespmem:$0x3D30] =	vst v8  }
0x159: {  	v8 =	vand.u32 $0x7, v30;
	v9 =	vld.idx.msk [tilespmem:v9+s19+$0x0], $0xffff  }
0x15a: {  	v8 =	vor.u32 v4, v8;
	_ =	sdelay $0x3  }
0x15b: {  	[tilespmem:$0x3940] =	vst v9  }
0x15c: {  	v9 =	vld.idx.msk [tilespmem:v8+s21+$0x0], $0xffff  }
0x15d: {  	v31 =	vld [tilespmem:$0x150];
	_ =	sdelay $0x3  }
0x15e: {  	[tilespmem:$0x3B40] =	vst v9  }
0x15f: {  	v32 =	vand.u32 $0x7, v31;
	v8 =	vld.idx.msk [tilespmem:v8+s22+$0x0], $0xffff  }
0x160: {  	v33 =	vld [tilespmem:$0x350];
	v9 =	vor.u32 v5, v32;
	_ =	sdelay $0x3  }
0x161: {  	[tilespmem:$0x3D40] =	vst v8  }
0x162: {  	v8 =	vand.u32 $0x7, v33;
	v9 =	vld.idx.msk [tilespmem:v9+s19+$0x0], $0xffff  }
0x163: {  	v8 =	vor.u32 v5, v8;
	_ =	sdelay $0x3  }
0x164: {  	[tilespmem:$0x3950] =	vst v9  }
0x165: {  	v9 =	vld.idx.msk [tilespmem:v8+s21+$0x0], $0xffff  }
0x166: {  	v34 =	vld [tilespmem:$0x160];
	_ =	sdelay $0x3  }
0x167: {  	[tilespmem:$0x3B50] =	vst v9  }
0x168: {  	v35 =	vand.u32 $0x7, v34;
	v8 =	vld.idx.msk [tilespmem:v8+s22+$0x0], $0xffff  }
0x169: {  	v36 =	vld [tilespmem:$0x360];
	v9 =	vor.u32 v6, v35;
	_ =	sdelay $0x3  }
0x16a: {  	[tilespmem:$0x3D50] =	vst v8  }
0x16b: {  	v8 =	vand.u32 $0x7, v36;
	v9 =	vld.idx.msk [tilespmem:v9+s19+$0x0], $0xffff  }
0x16c: {  	v8 =	vor.u32 v6, v8;
	_ =	sdelay $0x3  }
0x16d: {  	[tilespmem:$0x3960] =	vst v9  }
0x16e: {  	v9 =	vld.idx.msk [tilespmem:v8+s21+$0x0], $0xffff  }
0x16f: {  	v37 =	vld [tilespmem:$0x170];
	_ =	sdelay $0x3  }
0x170: {  	[tilespmem:$0x3B60] =	vst v9  }
0x171: {  	v38 =	vand.u32 $0x7, v37;
	v8 =	vld.idx.msk [tilespmem:v8+s22+$0x0], $0xffff  }
0x172: {  	v39 =	vld [tilespmem:$0x370];
	v9 =	vor.u32 v7, v38;
	_ =	sdelay $0x3  }
0x173: {  	[tilespmem:$0x3D60] =	vst v8  }
0x174: {  	v8 =	vand.u32 $0x7, v39;
	v9 =	vld.idx.msk [tilespmem:v9+s19+$0x0], $0xffff  }
0x175: {  	v8 =	vor.u32 v7, v8;
	_ =	sdelay $0x3  }
0x176: {  	[tilespmem:$0x3970] =	vst v9  }
0x177: {  	v9 =	vld.idx.msk [tilespmem:v8+s21+$0x0], $0xffff  }
0x178: {  	v40 =	vld [tilespmem:$0x180];
	_ =	sdelay $0x3  }
0x179: {  	[tilespmem:$0x3B70] =	vst v9  }
0x17a: {  	v41 =	vand.u32 $0x7, v40;
	v8 =	vld.idx.msk [tilespmem:v8+s22+$0x0], $0xffff  }
0x17b: {  	v42 =	vld [tilespmem:$0x380];
	v9 =	vor.u32 v0, v41;
	_ =	sdelay $0x3  }
0x17c: {  	[tilespmem:$0x3D70] =	vst v8  }
0x17d: {  	v8 =	vand.u32 $0x7, v42;
	v9 =	vld.idx.msk [tilespmem:v9+s24+$0x0], $0xffff  }
0x17e: {  	v8 =	vor.u32 v0, v8;
	_ =	sdelay $0x3  }
0x17f: {  	[tilespmem:$0x3980] =	vst v9  }
0x180: {  	v9 =	vld.idx.msk [tilespmem:v8+s26+$0x0], $0xffff  }
0x181: {  	v43 =	vld [tilespmem:$0x190];
	_ =	sdelay $0x3  }
0x182: {  	[tilespmem:$0x3B80] =	vst v9  }
0x183: {  	v44 =	vand.u32 $0x7, v43;
	v8 =	vld.idx.msk [tilespmem:v8+s28+$0x0], $0xffff  }
0x184: {  	v45 =	vld [tilespmem:$0x390];
	v9 =	vor.u32 v1, v44;
	_ =	sdelay $0x3  }
0x185: {  	[tilespmem:$0x3D80] =	vst v8  }
0x186: {  	v8 =	vand.u32 $0x7, v45;
	v9 =	vld.idx.msk [tilespmem:v9+s24+$0x0], $0xffff  }
0x187: {  	v8 =	vor.u32 v1, v8;
	_ =	sdelay $0x3  }
0x188: {  	[tilespmem:$0x3990] =	vst v9  }
0x189: {  	v9 =	vld.idx.msk [tilespmem:v8+s26+$0x0], $0xffff  }
0x18a: {  	v46 =	vld [tilespmem:$0x1A0];
	_ =	sdelay $0x3  }
0x18b: {  	[tilespmem:$0x3B90] =	vst v9  }
0x18c: {  	v47 =	vand.u32 $0x7, v46;
	v8 =	vld.idx.msk [tilespmem:v8+s28+$0x0], $0xffff  }
0x18d: {  	v48 =	vld [tilespmem:$0x3A0];
	v9 =	vor.u32 v2, v47;
	_ =	sdelay $0x3  }
0x18e: {  	[tilespmem:$0x3D90] =	vst v8  }
0x18f: {  	v8 =	vand.u32 $0x7, v48;
	v9 =	vld.idx.msk [tilespmem:v9+s24+$0x0], $0xffff  }
0x190: {  	v8 =	vor.u32 v2, v8;
	_ =	sdelay $0x3  }
0x191: {  	[tilespmem:$0x39A0] =	vst v9  }
0x192: {  	v9 =	vld.idx.msk [tilespmem:v8+s26+$0x0], $0xffff  }
0x193: {  	v49 =	vld [tilespmem:$0x1B0];
	_ =	sdelay $0x3  }
0x194: {  	[tilespmem:$0x3BA0] =	vst v9  }
0x195: {  	v50 =	vand.u32 $0x7, v49;
	v8 =	vld.idx.msk [tilespmem:v8+s28+$0x0], $0xffff  }
0x196: {  	v51 =	vld [tilespmem:$0x3B0];
	v9 =	vor.u32 v3, v50;
	_ =	sdelay $0x3  }
0x197: {  	[tilespmem:$0x3DA0] =	vst v8  }
0x198: {  	v8 =	vand.u32 $0x7, v51;
	v9 =	vld.idx.msk [tilespmem:v9+s24+$0x0], $0xffff  }
0x199: {  	v8 =	vor.u32 v3, v8;
	_ =	sdelay $0x3  }
0x19a: {  	[tilespmem:$0x39B0] =	vst v9  }
0x19b: {  	v9 =	vld.idx.msk [tilespmem:v8+s26+$0x0], $0xffff  }
0x19c: {  	v52 =	vld [tilespmem:$0x1C0];
	_ =	sdelay $0x3  }
0x19d: {  	[tilespmem:$0x3BB0] =	vst v9  }
0x19e: {  	v53 =	vand.u32 $0x7, v52;
	v8 =	vld.idx.msk [tilespmem:v8+s28+$0x0], $0xffff  }
0x19f: {  	v54 =	vld [tilespmem:$0x3C0];
	v9 =	vor.u32 v4, v53;
	_ =	sdelay $0x3  }
0x1a0: {  	[tilespmem:$0x3DB0] =	vst v8  }
0x1a1: {  	v8 =	vand.u32 $0x7, v54;
	v9 =	vld.idx.msk [tilespmem:v9+s24+$0x0], $0xffff  }
0x1a2: {  	v8 =	vor.u32 v4, v8;
	_ =	sdelay $0x3  }
0x1a3: {  	[tilespmem:$0x39C0] =	vst v9  }
0x1a4: {  	v9 =	vld.idx.msk [tilespmem:v8+s26+$0x0], $0xffff  }
0x1a5: {  	v55 =	vld [tilespmem:$0x1D0];
	_ =	sdelay $0x3  }
0x1a6: {  	[tilespmem:$0x3BC0] =	vst v9  }
0x1a7: {  	v56 =	vand.u32 $0x7, v55;
	v8 =	vld.idx.msk [tilespmem:v8+s28+$0x0], $0xffff  }
0x1a8: {  	v57 =	vld [tilespmem:$0x3D0];
	v9 =	vor.u32 v5, v56;
	_ =	sdelay $0x3  }
0x1a9: {  	[tilespmem:$0x3DC0] =	vst v8  }
0x1aa: {  	v8 =	vand.u32 $0x7, v57;
	v9 =	vld.idx.msk [tilespmem:v9+s24+$0x0], $0xffff  }
0x1ab: {  	v8 =	vor.u32 v5, v8;
	_ =	sdelay $0x3  }
0x1ac: {  	[tilespmem:$0x39D0] =	vst v9  }
0x1ad: {  	v9 =	vld.idx.msk [tilespmem:v8+s26+$0x0], $0xffff  }
0x1ae: {  	v58 =	vld [tilespmem:$0x1E0];
	_ =	sdelay $0x3  }
0x1af: {  	[tilespmem:$0x3BD0] =	vst v9  }
0x1b0: {  	v59 =	vand.u32 $0x7, v58;
	v8 =	vld.idx.msk [tilespmem:v8+s28+$0x0], $0xffff  }
0x1b1: {  	v60 =	vld [tilespmem:$0x3E0];
	v9 =	vor.u32 v6, v59;
	_ =	sdelay $0x3  }
0x1b2: {  	[tilespmem:$0x3DD0] =	vst v8  }
0x1b3: {  	v8 =	vand.u32 $0x7, v60;
	v9 =	vld.idx.msk [tilespmem:v9+s24+$0x0], $0xffff  }
0x1b4: {  	v8 =	vor.u32 v6, v8;
	_ =	sdelay $0x3  }
0x1b5: {  	[tilespmem:$0x39E0] =	vst v9  }
0x1b6: {  	v9 =	vld.idx.msk [tilespmem:v8+s26+$0x0], $0xffff  }
0x1b7: {  	v61 =	vld [tilespmem:$0x1F0];
	_ =	sdelay $0x3  }
0x1b8: {  	[tilespmem:$0x3BE0] =	vst v9  }
0x1b9: {  	v62 =	vand.u32 $0x7, v61;
	v8 =	vld.idx.msk [tilespmem:v8+s28+$0x0], $0xffff  }
0x1ba: {  	v63 =	vld [tilespmem:$0x3F0];
	v9 =	vor.u32 v7, v62;
	_ =	sdelay $0x3  }
0x1bb: {  	[tilespmem:$0x3DE0] =	vst v8  }
0x1bc: {  	v8 =	vand.u32 $0x7, v63;
	v9 =	vld.idx.msk [tilespmem:v9+s24+$0x0], $0xffff  }
0x1bd: {  	v8 =	vor.u32 v7, v8;
	_ =	sdelay $0x3  }
0x1be: {  	[tilespmem:$0x39F0] =	vst v9  }
0x1bf: {  	v9 =	vld.idx.msk [tilespmem:v8+s26+$0x0], $0xffff;
	_ =	sdelay $0x4  }
0x1c0: {  	[tilespmem:$0x3BF0] =	vst v9  }
0x1c1: {  	v8 =	vld.idx.msk [tilespmem:v8+s28+$0x0], $0xffff;
	_ =	sdelay $0x4  }
0x1c2: {  	s13 =	rddreg [dreg:$0x8];
	[tilespmem:$0x3DF0] =	vst v8  }
0x1c3: {  	[hbm4b:s13+s2] =	stream.linear.scatter [tilespmem:s30], [sflag:$0x2], $0x200, $0x38;
	[tilespmem:$0x3E00] =	vst v63  }
0x1c4: {  	_ =	swait.ge [sflag:s7], $0x200  }
0x1c5: {  	[sflag:s7] =	ssyncset.done $0x0  }
0x1c6: {  	s13 =	rddreg [dreg:$0x9];
	[sflag:s7] =	ssyncadd.s32 $0xFFFFFE00  }
0x1c7: {  	[hbm4b:s13+s2] =	stream.linear.scatter [tilespmem:s31], [sflag:$0x2], $0x200, $0x38;
	[tilespmem:$0x3E00] =	vst v63  }
0x1c8: {  	_ =	swait.ge [sflag:s7], $0x200  }
0x1c9: {  	p0 =	sne.s32 s6, $0x1;
	[sflag:s7] =	ssyncset.done $0x0  }
.Ltmp0:
0x1ca: {  	s13 =	rddreg [dreg:$0xa];
	[sflag:s7] =	ssyncadd.s32 $0xFFFFFE00;
	(pc) =	sbr.rel @p0 .LBB2_1-.Ltmp0, $4  }
0x1cb: {  	[hbm4b:s13+s2] =	stream.linear.scatter [tilespmem:s0], [sflag:$0x2], $0x200, $0x38;
	[tilespmem:$0x3E00] =	vst v63  }
0x1cc: {  	_ =	swait.ge [sflag:s7], $0x200  }
0x1cd: {  	[sflag:s7] =	ssyncset.done $0x0  }
0x1ce: {  	s6 =	sadd.s32 $0xFFFFFFFF, s6;
	[sflag:s7] =	ssyncadd.s32 $0xFFFFFE00  }
0x1cf: {  	_ =	sfence.sel $0x180000  }
0x1d0: {  	[bflag:$0x0] =	sbarrier.arrive $0xFFFF  }
0x1d1: {  	_ =	strace $0x90000047  }
0x1d2: {  	s0 =	stileid.u32;
	[bflag:$0x2] =	sbarrier.arrive $0xFFFF  }
0x1d3: {  	p0 =	sne.s32 s0, $0x0;
	s0 =	rddreg [dreg:$0x5]  }
0x1d4: {  	s0 =	sadd.s32 @!p0 $0x100000, s0  }
0x1d5: {  	[sflag:s0] =	ssyncadd.tile.s32 @!p0 $0x1;
	_ =	shalt  }
.Lfunc_end2:
_tile_overlayer_lowered:
.L_overlay_start_2:
0x1d6: {  	(tag) =	ssettag $0x2  }
0x1d7: {  	s0 =	rddreg [dreg:$0x0];
	s2 =	stileid.u32  }
0x1d8: {  	s1 =	rddreg [dreg:$0x1];
	p0 =	sne.s32 s2, $0x0  }
0x1d9: {  	s3 =	rddreg [dreg:$0x2];
	[bflag:$0x3] =	sbarrier.arrive $0xFFFF;
	s2 =	simm.s32 @!p0 $0x1C02  }
0x1da: {  	[timem:s3], [sflag:s2] =	dma.local @!p0 [hbm:s0], s1  }
0x1db: {  	s0 =	simm.s32 @!p0 $0x2  }
0x1dc: {  	_ =	swait.ge @!p0 [sflag:s0], s1  }
0x1dd: {  	s1 =	ssub.s32 @!p0 $0x0, s1;
	[sflag:s0] =	ssyncset.done @!p0 $0x0  }
0x1de: {  	[sflag:s0] =	ssyncadd.s32 @!p0 s1  }
0x1df: {  	[bflag:$0x3] =	sbarrier.arrive $0xFFFF  }
0x1e0: {  	_ =	shalt  }

</sc_bundles>
